<compile_context>
chip_gen: v7x
topology: tpu7x:2x2x1
jax: 0.10.2.dev20260603
libtpu: 0.0.44.dev20260713+nightly
codegen_flags: <defaults>
</compile_context>

<pallas_src>
import functools
import jax
import jax.numpy as jnp
from jax.experimental import pallas as pl
from jax.experimental.pallas import tpu as pltpu

N = 10000
K_HOPS = 2


def _mlp_head_kernel(h_ref, wl1_ref, bl1_ref, wl2_ref, bl2_ref, wl3_ref, bl3_ref, out_ref):
    lrelu = lambda v: jnp.where(v > 0, v, 0.1 * v)
    h = h_ref[...]
    h = lrelu(jnp.dot(h, wl1_ref[...], preferred_element_type=jnp.float32) + bl1_ref[...])
    h = lrelu(jnp.dot(h, wl2_ref[...], preferred_element_type=jnp.float32) + bl2_ref[...])
    out_ref[...] = jnp.dot(h, wl3_ref[...], preferred_element_type=jnp.float32) + bl3_ref[...]


def _mlp_head(h, Wl1, bl1, Wl2, bl2, Wl3, bl3):
    rows = h.shape[0]
    return pl.pallas_call(
        _mlp_head_kernel,
        out_shape=jax.ShapeDtypeStruct((rows, Wl3.shape[1]), jnp.float32),
    )(h, Wl1, bl1.reshape(1, -1), Wl2, bl2.reshape(1, -1), Wl3, bl3.reshape(1, -1))


def kernel(x, edge_index, W1, b1, W2, b2, Wg, a_src, a_dst, bg, Wl1, bl1, Wl2, bl2, Wl3, bl3):
    n = x.shape[0]
    lrelu = lambda v: jax.nn.leaky_relu(v, negative_slope=0.1)
    src, dst = edge_index[0], edge_index[1]

    deg = 1.0 + jax.ops.segment_sum(jnp.ones(src.shape[0], jnp.float32), dst, num_segments=n)
    dinv = deg ** -0.5

    def prop(g):
        return g + jax.ops.segment_sum(g[src], dst, num_segments=n)

    def sgconv(h, W, b):
        t = dinv[:, None] * (h @ W)
        t = (dinv**2)[:, None] * prop(t)
        return dinv[:, None] * prop(t) + b

    h = lrelu(sgconv(x, W1, b1))
    h = lrelu(sgconv(h, W2, b2))

    hg = h @ Wg
    es = hg @ a_src
    ed = hg @ a_dst
    c = jax.nn.leaky_relu(es + ed, negative_slope=0.2)
    e = jax.nn.leaky_relu(es[src] + ed[dst], negative_slope=0.2)
    w = jnp.exp(e - c[dst])
    den = 1.0 + jax.ops.segment_sum(w, dst, num_segments=n)
    num = hg + jax.ops.segment_sum(w[:, None] * hg[src], dst, num_segments=n)
    h = lrelu(num / den[:, None] + bg)

    h = h.reshape(n // 10, -1)
    return _mlp_head(h, Wl1, bl1, Wl2, bl2, Wl3, bl3)

# --- scband reference (transcript-rebuilt; emitter-appended) ---
"""Pipeline reference for scband-gcn-network-87986700026138 (READ-ONLY COPY).

The authoritative reference and input builder live on the scoring server;
editing this copy changes nothing except your own understanding.
"""

import jax, jax.numpy as jnp
import numpy as np

N = 10000
E = 320000
IN_CH, HID1, HID2, HID3 = 128, 64, 64, 64
L1_HID, L2_HID, FINAL = 256, 128, 10
K_HOPS = 2


def _glorot(key, shape):
    fan_in = shape[0]
    return jax.random.normal(key, shape, jnp.float32) * (1.0 / np.sqrt(fan_in))


def setup_inputs(seed: int = 0) -> dict:
    key = jax.random.key(seed)
    ks = jax.random.split(key, 16)
    x = jax.random.normal(ks[0], (N, IN_CH), jnp.float32)
    edge_index = jax.random.randint(ks[1], (2, E), 0, N, dtype=jnp.int32)
    return {
        'x': x,
        'edge_index': edge_index,
        'W1': _glorot(ks[2], (IN_CH, HID1)), 'b1': jnp.zeros((HID1,), jnp.float32),
        'W2': _glorot(ks[3], (HID1, HID2)), 'b2': jnp.zeros((HID2,), jnp.float32),
        'Wg': _glorot(ks[4], (HID2, HID3)),
        'a_src': jax.random.normal(ks[5], (HID3,), jnp.float32) * (1.0 / np.sqrt(HID3)),
        'a_dst': jax.random.normal(ks[6], (HID3,), jnp.float32) * (1.0 / np.sqrt(HID3)),
        'bg': jnp.zeros((HID3,), jnp.float32),
        'Wl1': _glorot(ks[7], (10 * HID3, L1_HID)), 'bl1': jnp.zeros((L1_HID,), jnp.float32),
        'Wl2': _glorot(ks[8], (L1_HID, L2_HID)), 'bl2': jnp.zeros((L2_HID,), jnp.float32),
        'Wl3': _glorot(ks[9], (L2_HID, FINAL)), 'bl3': jnp.zeros((FINAL,), jnp.float32),
    }


def _add_self_loops(edge_index, n):
    loop = jnp.arange(n, dtype=edge_index.dtype)
    return jnp.concatenate([edge_index, jnp.stack([loop, loop])], axis=1)


def _sgconv(x, edge_index, W, b, k_hops, n):
    # SGConv: x' = S^K x Theta, S = D^-1/2 (A + I) D^-1/2
    ei = _add_self_loops(edge_index, n)
    src, dst = ei[0], ei[1]
    deg = jax.ops.segment_sum(jnp.ones(src.shape[0], x.dtype), dst, num_segments=n)
    dinv = jnp.where(deg > 0, deg ** -0.5, 0.0)
    norm = dinv[src] * dinv[dst]
    h = x
    for _ in range(k_hops):
        h = jax.ops.segment_sum(norm[:, None] * h[src], dst, num_segments=n)
    return h @ W + b


def _gatconv(x, edge_index, W, a_src, a_dst, b, n):
    # GATConv (1 head): alpha_ij = softmax_i(leaky_relu(a_src . Wx_j + a_dst . Wx_i))
    ei = _add_self_loops(edge_index, n)
    src, dst = ei[0], ei[1]
    h = x @ W
    e = jax.nn.leaky_relu((h @ a_src)[src] + (h @ a_dst)[dst], negative_slope=0.2)
    e_max = jax.ops.segment_max(e, dst, num_segments=n)
    e_exp = jnp.exp(e - e_max[dst])
    denom = jax.ops.segment_sum(e_exp, dst, num_segments=n)
    alpha = e_exp / denom[dst]
    out = jax.ops.segment_sum(alpha[:, None] * h[src], dst, num_segments=n)
    return out + b


def reference(x, edge_index, W1, b1, W2, b2, Wg, a_src, a_dst, bg, Wl1, bl1, Wl2, bl2, Wl3, bl3):
    n = x.shape[0]
    lrelu = lambda v: jax.nn.leaky_relu(v, negative_slope=0.1)
    h = _sgconv(x, edge_index, W1, b1, K_HOPS, n)
    h = lrelu(h)
    # dropout is identity in eval mode
    h = lrelu(_sgconv(h, edge_index, W2, b2, K_HOPS, n))
    h = lrelu(_gatconv(h, edge_index, Wg, a_src, a_dst, bg, n))
    h = h.reshape(n // 10, -1)
    h = lrelu(h @ Wl1 + bl1)
    h = lrelu(h @ Wl2 + bl2)
    return h @ Wl3 + bl3

if __name__ == "__main__":
    import jax
    _d = setup_inputs()
    print(jax.jit(kernel)(*tuple(_d.values())))

</pallas_src>

<mosaic_0001>
module attributes {stable_mosaic.version = 14 : i64} {
  func.func @_mlp_head_kernel(%arg0: memref<1000x640xf32, #tpu.memory_space<vmem>>, %arg1: memref<640x256xf32, #tpu.memory_space<vmem>>, %arg2: memref<1x256xf32, #tpu.memory_space<vmem>>, %arg3: memref<256x128xf32, #tpu.memory_space<vmem>>, %arg4: memref<1x128xf32, #tpu.memory_space<vmem>>, %arg5: memref<128x10xf32, #tpu.memory_space<vmem>>, %arg6: memref<1x10xf32, #tpu.memory_space<vmem>>, %arg7: memref<1000x10xf32, #tpu.memory_space<vmem>>) attributes {dimension_semantics = [], scalar_prefetch = 0 : i64, scratch_operands = 0 : i64, tpu.core_type = #tpu.core_type<tc>} {
    %get3A = arith.constant 0 : index
    %get3A_0 = arith.constant 0 : index
    %get3A_1 = vector.load %arg0[%get3A, %get3A_0] : memref<1000x640xf32, #tpu.memory_space<vmem>>, vector<1000x640xf32>
    %get3A_2 = arith.constant 0 : index
    %get3A_3 = arith.constant 0 : index
    %get3A_4 = vector.load %arg1[%get3A_2, %get3A_3] : memref<640x256xf32, #tpu.memory_space<vmem>>, vector<640x256xf32>
    %dot_general3A = arith.constant dense<0.000000e+00> : vector<1000x256xf32>
    %dot_general3A_5 = tpu.matmul %get3A_1, %get3A_4, %dot_general3A {dimension_numbers = #tpu.dot_dimension_numbers<[1], [0], [0], [1], [0, 0, 1, 1], [], []>, transpose_lhs_hint = false} : vector<1000x640xf32>, vector<640x256xf32>, vector<1000x256xf32> -> vector<1000x256xf32>
    %get3A_6 = arith.constant 0 : index
    %get3A_7 = arith.constant 0 : index
    %get3A_8 = vector.load %arg2[%get3A_6, %get3A_7] : memref<1x256xf32, #tpu.memory_space<vmem>>, vector<1x256xf32>
    %add3A = vector.broadcast %get3A_8 : vector<1x256xf32> to vector<1000x256xf32>
    %add3A_9 = arith.addf %dot_general3A_5, %add3A : vector<1000x256xf32>
    %gt3A = arith.constant 0.000000e+00 : f32
    %gt3A_10 = vector.broadcast %gt3A : f32 to vector<1000x256xf32>
    %gt3A_11 = arith.cmpf ogt, %add3A_9, %gt3A_10 : vector<1000x256xf32>
    %mul3A = arith.constant 1.000000e-01 : f32
    %mul3A_12 = vector.broadcast %mul3A : f32 to vector<1000x256xf32>
    %mul3A_13 = arith.mulf %mul3A_12, %add3A_9 : vector<1000x256xf32>
    %select_n3A = arith.select %gt3A_11, %add3A_9, %mul3A_13 : vector<1000x256xi1>, vector<1000x256xf32>
    %get3A_14 = arith.constant 0 : index
    %get3A_15 = arith.constant 0 : index
    %get3A_16 = vector.load %arg3[%get3A_14, %get3A_15] : memref<256x128xf32, #tpu.memory_space<vmem>>, vector<256x128xf32>
    %dot_general3A_17 = arith.constant dense<0.000000e+00> : vector<1000x128xf32>
    %dot_general3A_18 = tpu.matmul %select_n3A, %get3A_16, %dot_general3A_17 {dimension_numbers = #tpu.dot_dimension_numbers<[1], [0], [0], [1], [0, 0, 1, 1], [], []>, transpose_lhs_hint = false} : vector<1000x256xf32>, vector<256x128xf32>, vector<1000x128xf32> -> vector<1000x128xf32>
    %get3A_19 = arith.constant 0 : index
    %get3A_20 = arith.constant 0 : index
    %get3A_21 = vector.load %arg4[%get3A_19, %get3A_20] : memref<1x128xf32, #tpu.memory_space<vmem>>, vector<1x128xf32>
    %add3A_22 = vector.broadcast %get3A_21 : vector<1x128xf32> to vector<1000x128xf32>
    %add3A_23 = arith.addf %dot_general3A_18, %add3A_22 : vector<1000x128xf32>
    %gt3A_24 = arith.constant 0.000000e+00 : f32
    %gt3A_25 = vector.broadcast %gt3A_24 : f32 to vector<1000x128xf32>
    %gt3A_26 = arith.cmpf ogt, %add3A_23, %gt3A_25 : vector<1000x128xf32>
    %mul3A_27 = arith.constant 1.000000e-01 : f32
    %mul3A_28 = vector.broadcast %mul3A_27 : f32 to vector<1000x128xf32>
    %mul3A_29 = arith.mulf %mul3A_28, %add3A_23 : vector<1000x128xf32>
    %select_n3A_30 = arith.select %gt3A_26, %add3A_23, %mul3A_29 : vector<1000x128xi1>, vector<1000x128xf32>
    %get3A_31 = arith.constant 0 : index
    %get3A_32 = arith.constant 0 : index
    %get3A_33 = vector.load %arg5[%get3A_31, %get3A_32] : memref<128x10xf32, #tpu.memory_space<vmem>>, vector<128x10xf32>
    %dot_general3A_34 = arith.constant dense<0.000000e+00> : vector<1000x10xf32>
    %dot_general3A_35 = tpu.matmul %select_n3A_30, %get3A_33, %dot_general3A_34 {dimension_numbers = #tpu.dot_dimension_numbers<[1], [0], [0], [1], [0, 0, 1, 1], [], []>, transpose_lhs_hint = false} : vector<1000x128xf32>, vector<128x10xf32>, vector<1000x10xf32> -> vector<1000x10xf32>
    %get3A_36 = arith.constant 0 : index
    %get3A_37 = arith.constant 0 : index
    %get3A_38 = vector.load %arg6[%get3A_36, %get3A_37] : memref<1x10xf32, #tpu.memory_space<vmem>>, vector<1x10xf32>
    %add3A_39 = vector.broadcast %get3A_38 : vector<1x10xf32> to vector<1000x10xf32>
    %add3A_40 = arith.addf %dot_general3A_35, %add3A_39 : vector<1000x10xf32>
    %swap3A = arith.constant 0 : index
    %swap3A_41 = arith.constant 0 : index
    %swap3A_42 = vector.load %arg7[%swap3A, %swap3A_41] : memref<1000x10xf32, #tpu.memory_space<vmem>>, vector<1000x10xf32>
    tpu.vector_store %arg7[%swap3A, %swap3A_41], %add3A_40 {strides = array<i32>} : memref<1000x10xf32, #tpu.memory_space<vmem>>, vector<1000x10xf32>,
    return
  }
}

</mosaic_0001>

<sc_bundles>
// kernel: scatter_offload_async_start.1
scs
__scs_entry_jumppad:
0x0: {  	(pc) =	sbr.rel $0x88, $3  }
0x1: {  	(tag) =	ssettag $0x0;
	lr =	simm.s32 $0x1  }
0x2: {  	[smem:$0x3F91] =	sst lr;
	_ =	strace $0xD0000000  }
0x3: {  	_ = 	snop  }
0x4: {  	_ = 	snop  }
0x5: {  	_ = 	snop  }
0x6: {  	_ = 	snop  }
0x7: {  	_ = 	snop  }
__scs_overlays_trampoline_lowered:
0x8: {  	[smem:$0x3FA0] =	sst s0  }
0x9: {  	[smem:$0x3FA1] =	sst s1  }
0xa: {  	[smem:$0x3FA2] =	sst s2  }
0xb: {  	[smem:$0x3FA3] =	sst s3  }
0xc: {  	[smem:$0x3FA4] =	sst s4  }
0xd: {  	[smem:$0x3FA5] =	sst s5  }
0xe: {  	[smem:$0x3FA6] =	sst s6  }
0xf: {  	[smem:$0x3FA7] =	sst s7  }
0x10: {  	[smem:$0x3FA8] =	sst s8  }
0x11: {  	[smem:$0x3FA9] =	sst s9;
	s0 =	simm.s32 @!p0 $0x0  }
0x12: {  	s1 =	sld [smem:$0x3F8F];
	s0 =	simm.s32 @p0 $0x1  }
0x13: {  	[smem:$0x3FAA] =	sst s0;
	s0 =	simm.s32 @!p1 $0x0  }
0x14: {  	s2 =	sld [smem:$0x3F8E];
	s0 =	simm.s32 @p1 $0x1  }
0x15: {  	[smem:$0x3FAB] =	sst s0;
	s0 =	simm.s32 @!p2 $0x0  }
0x16: {  	s3 =	sld [smem:$0x3FDB];
	s0 =	simm.s32 @p2 $0x1  }
0x17: {  	s4 =	simm.s32 $0x1BF5;
	[smem:$0x3FAD] =	sst s0  }
0x18: {  	s0 =	sld [smem:$0x3F90];
	_ =	swait.ge [sflag:s4], $0x0  }
0x19: {  	s7 =	sld [smem:$0x3F91]  }
0x1a: {  	s8 =	sadd.s32 $0xFFFFE003, lr  }
0x1b: {  	s9 =	sadd.s32 $0xFFFFFEF7, lr;
	s5 =	simm.s32 $0xFFFFFFFF;
	p2 =	slt.u32 s8, $0xFFFFF086  }
0x1c: {  	p1 =	slt.u32 s9, $0xF7A;
	s5 =	simm.s32 @!p2 $0x0  }
0x1d: {  	s5 =	simm.s32 @p1 $0x1;
	p0 =	seq.s32 s7, s2  }
0x1e: {  	s7 =	smul.u32 @!p0 $0xF7A, s2;
	p2 =	seq.s32 @!p0 s5, $0x0  }
0x1f: {  	s9 =	smul.u32 $0xF7A, s1;
	s8 =	simm.s32 @!p0 $0x1BF5;
	p2 =	por !p2, p0  }
0x20: {  	[sflag:s8] =	ssyncset.s32 @!p0 $0xFFFFF086;
	s6 =	sadd.s32 @!p0 s3, s7;
	s7 =	simm.s32 @!p0 $0x108  }
0x21: {  	s3 =	sadd.s32 s3, s9;
	s6 =	sadd.s32 @!p0 $0x88, s6;
	s7 =	simm.s32 @p2 $0x1082  }
0x22: {  	[simem:s7], [sflag:s8] =	dma.local @!p0 [hbm:s6], $0xF7A  }
0x23: {  	s9 =	sor.u32 $0xD0000000, s2;
	s6 =	simm.s32 $0x108;
	_ =	swait.ge @!p0 [sflag:s8], $0x0  }
0x24: {  	s3 =	sadd.s32 $0x88, s3;
	s6 =	simm.s32 @!p1 $0x1082;
	[sflag:s4] =	ssyncset.s32 $0xFFFFF086  }
0x25: {  	[simem:s6], [sflag:s4] =	dma.local [hbm:s3], $0xF7A  }
0x26: {  	[smem:$0x3F91] =	sst s1;
	(tag) =	ssettag s2;
	_ =	strace s9  }
0x27: {  	s1 =	sld [smem:$0x3FA1]  }
0x28: {  	s2 =	sld [smem:$0x3FA2]  }
0x29: {  	s4 =	sld [smem:$0x3FA4]  }
0x2a: {  	p0 =	seq.s32 s5, $0x0;
	s5 =	sld [smem:$0x3FA5]  }
0x2b: {  	s6 =	sld [smem:$0x3FA6]  }
0x2c: {  	s7 =	sld [smem:$0x3FA7]  }
0x2d: {  	s3 =	simm.s32 $0x108;
	s8 =	sld [smem:$0x3FA8]  }
0x2e: {  	s3 =	simm.s32 @!p0 $0x1082;
	s9 =	sld [smem:$0x3FA9]  }
0x2f: {  	lr =	sadd.s32 s0, s3;
	s0 =	sld [smem:$0x3FA0]  }
0x30: {  	s3 =	sld [smem:$0x3FA3]  }
0x31: {  	[smem:$0x3FAC] =	sst s10  }
0x32: {  	s10 =	sld [smem:$0x3FAA];
	_ =	sdelay $0x3  }
0x33: {  	p0 =	seq.s32 s10, $0x1;
	s10 =	sld [smem:$0x3FAC];
	_ =	sdelay $0x3  }
0x34: {  	[smem:$0x3FAC] =	sst s10  }
0x35: {  	s10 =	sld [smem:$0x3FAB];
	_ =	sdelay $0x3  }
0x36: {  	p1 =	seq.s32 s10, $0x1;
	s10 =	sld [smem:$0x3FAC];
	_ =	sdelay $0x3  }
0x37: {  	[smem:$0x3FAC] =	sst s10  }
0x38: {  	s10 =	sld [smem:$0x3FAD]  }
0x39: {  	_ = 	snop;
	(pc) =	sbr.ind lr, $3  }
0x3a: {  	_ = 	snop  }
0x3b: {  	_ = 	snop  }
0x3c: {  	p2 =	seq.s32 s10, $0x1;
	s10 =	sld [smem:$0x3FAC]  }
0x3d: {  	_ =	shalt  }
0x3e: {  	_ =	shalt  }
0x3f: {  	_ =	shalt  }
0x40: {  	_ =	shalt  }
0x41: {  	_ =	shalt  }
0x42: {  	_ =	shalt  }
0x43: {  	_ =	shalt  }
0x44: {  	_ =	shalt  }
0x45: {  	_ =	shalt  }
0x46: {  	_ =	shalt  }
0x47: {  	_ =	shalt  }
0x48: {  	_ =	shalt  }
0x49: {  	_ =	shalt  }
0x4a: {  	_ =	shalt  }
0x4b: {  	_ =	shalt  }
0x4c: {  	_ =	shalt  }
0x4d: {  	_ =	shalt  }
0x4e: {  	_ =	shalt  }
0x4f: {  	_ =	shalt  }
0x50: {  	_ =	shalt  }
0x51: {  	_ =	shalt  }
0x52: {  	_ =	shalt  }
0x53: {  	_ =	shalt  }
0x54: {  	_ =	shalt  }
0x55: {  	_ =	shalt  }
0x56: {  	_ =	shalt  }
0x57: {  	_ =	shalt  }
0x58: {  	_ =	shalt  }
0x59: {  	_ =	shalt  }
0x5a: {  	_ =	shalt  }
0x5b: {  	_ =	shalt  }
0x5c: {  	_ =	shalt  }
0x5d: {  	_ =	shalt  }
0x5e: {  	_ =	shalt  }
0x5f: {  	_ =	shalt  }
0x60: {  	_ =	shalt  }
0x61: {  	_ =	shalt  }
0x62: {  	_ =	shalt  }
0x63: {  	_ =	shalt  }
0x64: {  	_ =	shalt  }
0x65: {  	_ =	shalt  }
0x66: {  	_ =	shalt  }
0x67: {  	_ =	shalt  }
0x68: {  	_ =	shalt  }
0x69: {  	_ =	shalt  }
0x6a: {  	_ =	shalt  }
0x6b: {  	_ =	shalt  }
0x6c: {  	_ =	shalt  }
0x6d: {  	_ =	shalt  }
0x6e: {  	_ =	shalt  }
0x6f: {  	_ =	shalt  }
0x70: {  	_ =	shalt  }
0x71: {  	_ =	shalt  }
0x72: {  	_ =	shalt  }
0x73: {  	_ =	shalt  }
0x74: {  	_ =	shalt  }
0x75: {  	_ =	shalt  }
0x76: {  	_ =	shalt  }
0x77: {  	_ =	shalt  }
0x78: {  	_ =	shalt  }
0x79: {  	_ =	shalt  }
0x7a: {  	_ =	shalt  }
0x7b: {  	_ =	shalt  }
0x7c: {  	_ =	shalt  }
0x7d: {  	_ =	shalt  }
0x7e: {  	_ =	shalt  }
0x7f: {  	_ =	shalt  }
0x80: {  	_ =	shalt  }
0x81: {  	_ =	shalt  }
0x82: {  	_ =	shalt  }
0x83: {  	_ =	shalt  }
0x84: {  	_ =	shalt  }
0x85: {  	_ =	shalt  }
0x86: {  	_ =	shalt  }
0x87: {  	_ =	shalt  }
.Lfunc_end0:
.L_simem_size_0:
called_computation.1_lowered:
.L_overlay_start_0:
0x88: {  	s2 =	sld [smem:$0x3FD9]  }
0x89: {  	s3 =	sld [smem:$0x3FFE];
	_ =	sdelay $0x1  }
0x8a: {  	s1 =	srdreg.scid  }
0x8b: {  	s0 =	sand.u32 $0x1, s1  }
0x8c: {  	s15 =	sshll.u32 s0, $0xA;
	s2 =	sadd.s32 s3, s2  }
0x8d: {  	s2 =	sadd.s32 s2, s15  }
0x8e: {  	[smem:$0x3FB8] =	sst s2  }
0x8f: {  	_ = 	snop  }
0x90: {  	(tm) =	ssettm $0x1  }
0x91: {  	s16 =	sld [smem:$0x3FFB];
	_ =	sdelay $0x3  }
0x92: {  	_ =	strace s16  }
0x93: {  	s2 =	sld [smem:$0x3FFC];
	_ =	sdelay $0x3  }
0x94: {  	_ =	strace s2  }
0x95: {  	s2 =	sld [smem:$0x3FFD];
	_ =	sdelay $0x3  }
0x96: {  	_ =	strace s2  }
0x97: {  	_ =	strace $0x8FFFFFFF  }
0x98: {  	s17 =	sld [smem:$0x3FDB];
	_ =	sdelay $0x1  }
0x99: {  	s18 =	simm.s32 $_scs_section_size  }
0x9a: {  	s4 =	simm.s32 $_size__tile_overlayer_lowered;
	s5 =	simm.s32 $_tile_overlayer_lowered  }
0x9b: {  	s21 =	simm.s32 $0x1BFF;
	s20 =	sshll.u32 s5, $0x1;
	s2 =	sadd.s32 s18, s17  }
0x9c: {  	s6 =	simm.s32 $0x0;
	s19 =	sshll.u32 s4, $0x1;
	s4 =	sadd.s32 s20, s2  }
0x9d: {  	[timem:s6], [sflag:s21] =	dma.local [hbm:s4], s19  }
0x9e: {  	_ =	swait.ge [sflag:s21], s19  }
0x9f: {  	s3 =	ssub.s32 $0x0, s19;
	[sflag:s21] =	ssyncset.done $0x0  }
0xa0: {  	[sflag:s21] =	ssyncadd.s32 s3;
	_ =	sdelay $0x1  }
0xa1: {  	s22 =	simm.s32 $0x1B8B  }
0xa2: {  	_ =	swait.ge [sflag:s22], $0x1  }
0xa3: {  	[sflag:s22] =	ssyncset.done $0x0  }
0xa4: {  	s23 =	sld [smem:$0x3FFE];
	[sflag:s22] =	ssyncadd.s32 $0xFFFFFFFF  }
0xa5: {  	s25 =	simm.s32 $0x1B8E;
	s24 =	sld [smem:$0x0]  }
0xa6: {  	s26 =	simm.s32 $execute0_lowered;
	[smem:$0x3FD2] =	sst s25  }
0xa7: {  	s5 =	sshll.u32 s26, $0x1;
	_ =	strace $0x8000004C;
	[dreg:$0x1] =	wrdreg $0xFFFFFFFF  }
0xa8: {  	s28 =	simm.s32 $_size_execute0_lowered;
	s2 =	sadd.s32 s2, s5;
	[dreg:$0x0] =	wrdreg $0x0  }
0xa9: {  	s5 =	sshll.u32 s28, $0x1;
	[dreg:$0x2] =	wrdreg s2  }
0xaa: {  	[dreg:$0x3] =	wrdreg s5  }
0xab: {  	[dreg:$0x4] =	wrdreg $0xC0  }
0xac: {  	_ =	task [dreg:s6], $0x5FFFF  }
0xad: {  	[dreg:$0x1] =	wrdreg $0xFFFFFFFF  }
0xae: {  	[dreg:$0x0] =	wrdreg $0x60  }
0xaf: {  	[dreg:$0x2] =	wrdreg s23  }
0xb0: {  	[dreg:$0x3] =	wrdreg s1  }
0xb1: {  	[dreg:$0x4] =	wrdreg s24  }
0xb2: {  	[dreg:$0x5] =	wrdreg $0x9  }
0xb3: {  	_ =	task.clear_ibuf [dreg:s6], $0x6FFFF;
	_ =	strace $0x9000004C  }
0xb4: {  	s29 =	simm.s32 $0x9;
	_ =	strace $0x8000004E  }
0xb5: {  	_ =	swait.ge [sflag:s29], $0x1  }
0xb6: {  	[sflag:s29] =	ssyncadd.s32 $0xFFFFFFFF  }
0xb7: {  	_ =	strace $0x9000004E  }
0xb8: {  	_ =	sfence  }
0xb9: {  	s30 =	sld [smem:$0x0];
	_ =	sdelay $0x2  }
0xba: {  	s31 =	sshll.u32 s1, $0xD;
	s1 =	sshrl.u32 s1, $0x2  }
0xbb: {  	s3 =	sand.u32 $0x4000, s31;
	s1 =	sadd.s32 s1, s30  }
0xbc: {  	s0 =	sor.u32 s3, s0;
	s1 =	sshll.u32 s1, $0x11  }
0xbd: {  	s0 =	sor.u32 s1, s0  }
0xbe: {  	s0 =	sadd.s32 $0x8F2B, s0  }
0xbf: {  	[sflag:s0] =	ssyncadd.remote.s32 $0x1  }
0xc0: {  	_ =	sfence.sel $0xFFFF  }
0xc1: {  	[dreg:$0x0] =	wrdreg $0xFFFFFFFF;
	(pc) =	sbr.abs _section_cstart, $3  }
0xc2: {  	[dreg:$0x1] =	wrdreg $0xFFFFFFFF  }
0xc3: {  	_ =	task.clear_ibuf [dreg:s6], $0x2FFFF;
	_ =	strace $0x9FFFFFFF  }
0xc4: {  	(tm) =	ssettm $0x7FFFFFFF  }
0xc5: {  	_ =	shalt  }
tec
execute0_lowered:
.L_overlay_start_1:
0x0: {  	(tag) =	ssettag $0x1  }
0x1: {  	s2 =	rddreg [dreg:$0x0]  }
0x2: {  	s4 =	rddreg [dreg:$0x1];
	_ =	strace $0x8000004D;
	s0 =	simm.s32 $0x1  }
0x3: {  	s3 =	simm.s32 $0x88;
	v0 =	vimm.s32 $0x0;
	[sflag:s0] =	ssyncpa.u1 $0x0  }
0x4: {  	[tilespmem:s3+$0x30] =	vst v0  }
0x5: {  	s1 =	sadd.s32 $0x47000, s2;
	s0 =	sadd.s32 $0x33400, s2;
	s6 =	sadd.s32 $0x6E200, s2;
	[tilespmem:s3+$0x20] =	vst v0  }
0x6: {  	s2 =	sadd.s32 $0x3D200, s2;
	s7 =	sand.u32 $0x1, s4;
	s4 =	simm.s32 $0x40;
	[tilespmem:s3+$0x10] =	vst v0  }
.LBB2_1:
0x7: {  	s4 =	sadd.s32 $0x40, s4  }
0x8: {  	[tilespmem:s3+$0x0] =	vst v0;
	s3 =	sadd.s32 $0x40, s3;
	p0 =	slt.u32 s4, $0x5040  }
.Ltmp0:
0x9: {  	(pc) =	sbr.rel @p0 .LBB2_1-.Ltmp0, $4  }
0xa: {  	_ = 	snop  }
0xb: {  	[tilespmem:s3+$0x30] =	vst v0  }
0xc: {  	[tilespmem:s3+$0x20] =	vst v0  }
0xd: {  	[tilespmem:s3+$0x10] =	vst v0  }
0xe: {  	s8 =	stileid.u32  }
0xf: {  	s4 =	smul.u32 $0x1F, s8  }
0x10: {  	s5 =	smin.u32 s8, $0x4  }
0x11: {  	s4 =	sadd.s32 s5, s4  }
0x12: {  	p0 =	slt.u32 s8, $0x4;
	s12 =	smul.u32 $0x140, s4;
	s4 =	simm.s32 $0x2800  }
0x13: {  	s4 =	simm.s32 @!p0 $0x26C0  }
0x14: {  	s25 =	simm.s32 $0x2;
	s4 =	sadd.s32 s4, s12  }
0x15: {  	s28 =	simm.s32 $0x9;
	s9 =	simm.s32 $0xA;
	s14 =	smin.u32 s4, $0x27100  }
0x16: {  	s30 =	simm.s32 $0xB;
	[dreg:$0x4] =	wrdreg s7;
	s4 =	ssub.s32 s14, s12  }
0x17: {  	s31 =	smul.u32 $0x4E20, s7;
	s13 =	simm.s32 $0x1;
	p0 =	sgt.s32 s4, $0x0  }
0x18: {  	s19 =	simm.s32 $0x0;
	s20 =	simm.s32 $0xA808;
	s4 =	simm.s32 @!p0 $0x0  }
0x19: {  	s21 =	simm.s32 $0xFFFFFFFF;
	p1 =	por $0x0, $0x0;
	s26 =	smulhi.u32 $0x66666667, s4  }
0x1a: {  	[tilespmem:s3+$0x0] =	vst v0;
	s23 =	simm.s32 $0x0;
	[sflag:s25] =	ssyncpa.u1 $0x0;
	s18 =	sshll.u32 s8, $0x7  }
0x1b: {  	s0 =	sadd.s32 s31, s0;
	[dreg:$0xa] =	wrdreg s18;
	s3 =	sshrl.u32 s26, $0x7  }
0x1c: {  	v0 =	vimm.s32 $0xFFFFFFFF;
	s17 =	sadd.s32 s31, s2;
	[dreg:$0x9] =	wrdreg s0;
	s29 =	smul.u32 $0x140, s3  }
0x1d: {  	s25 =	simm.s32 $0x0;
	[tilespmem:$0xA108] =	vst v0;
	[sflag:s28] =	ssyncpa.u1 $0x0;
	[dreg:$0x8] =	wrdreg s17  }
.Ltmp1:
0x1e: {  	p0 =	sne.s32 s4, s29;
	s4 =	simm.s32 $0x1;
	(pc) =	sbr.rel .LBB2_3-.Ltmp1, $4  }
0x1f: {  	[sflag:s9] =	ssyncpa.u1 $0x0;
	[dreg:$0x5] =	wrdreg s12;
	s4 =	simm.s32 @!p0 $0x0  }
0x20: {  	[sflag:s30] =	ssyncpa.u1 $0x0;
	[dreg:$0x6] =	wrdreg s14;
	s15 =	sadd.s32 s4, s3  }
0x21: {  	s24 =	smov.u32 s12;
	s22 =	sadd.s32 $0x1, s15;
	[dreg:$0x7] =	wrdreg s15  }
0x22: {  	v0 =	vlaneseq.u32;
	s26 =	simm.s32 $0x0;
	p0 =	por $0x1, $0x1;
	[dreg:$0xb] =	wrdreg s22  }
.LBB2_22:
0x23: {  	s0 =	sshrl.u32 s3, $0x2  }
.LBB2_24:
0x24: {  	s3 =	simm.s32 $0xC  }
0x25: {  	_ =	swait.ge [sflag:s3], s0  }
0x26: {  	s31 =	ssub.s32 $0x0, s0;
	v1 =	vmov s4;
	vm0 =	veq.s32 v0, $0x0;
	[sflag:s3] =	ssyncset.done $0x0  }
0x27: {  	vm15 =	veq.s32 v0, $0x2;
	v1 =	vsel vm0, s2, v1;
	[sflag:s3] =	ssyncadd.s32 s31  }
0x28: {  	v1 =	vsel vm15, s26, v1;
	[sflag:s3] =	ssyncpa.u1 $0x1  }
0x29: {  	[tilespmem:$0xA108] =	vst v1  }
.LBB2_25:
0x2a: {  	s0 =	sadd.s32 $0x140, s24  }
0x2b: {  	s2 =	smov.u32 s12;
	p2 =	slt.s32 s0, s14  }
0x2c: {  	s2 =	smov.u32 @p2 s0;
	p2 =	sne.s32 s25, s22  }
.Ltmp2:
0x2d: {  	_ = 	snop;
	(pc) =	sbr.rel @!p2 .LBB2_26-.Ltmp2, $4  }
0x2e: {  	_ = 	snop  }
0x2f: {  	s26 =	smov.u32 s23;
	s31 =	sadd.s32 $0x1, s25;
	p0 =	por !p0, !p0  }
0x30: {  	s23 =	smov.u32 s24;
	s20 =	sadd.s32 $0x140, s20;
	s21 =	sadd.s32 $0x1, s21  }
0x31: {  	p1 =	por !p1, !p1;
	s25 =	smov.u32 s31;
	s24 =	smov.u32 s2  }
.LBB2_3:
0x32: {  	p2 =	sge.u32 s25, s15  }
0x33: {  	s0 =	smulhi.u32 @!p2 $0xAAAAAAAB, s25  }
0x34: {  	s2 =	smov.u32 s24;
	p3 =	sgt.s32 @!p2 s24, $0x26FC0  }
0x35: {  	s3 =	sshra.s32 @!p2 s24, $0x1F;
	p3 =	por !p3, p2;
	s0 =	sshrl.u32 @!p2 s0, $0x1  }
0x36: {  	s3 =	sand.u32 @!p2 s3, s24;
	s2 =	simm.s32 @p3 $0x26FC0;
	s0 =	smul.u32 @!p2 $0x3, s0  }
0x37: {  	s2 =	ssub.s32 @!p2 s2, s3  }
0x38: {  	s2 =	sadd.s32 @!p2 $0xFFFD9040, s2;
	s0 =	ssub.s32 @!p2 s25, s0  }
0x39: {  	s3 =	sshll.u32 @!p2 s2, $0x2;
	p3 =	sgt.s32 @!p2 s2, $0x13F;
	s0 =	smul.u32 @!p2 $0x500, s0  }
0x3a: {  	s4 =	sand.u32 @!p2 $0x7, s24;
	s2 =	ssub.s32 @!p2 $0x500, s3;
	p3 =	por !p3, p2  }
0x3b: {  	s3 =	sshrl.u32 @!p2 s24, $0x3;
	s2 =	sshrl.u32 @!p2 s2, $0x2;
	s0 =	sshrl.u32 @!p2 s0, $0x2  }
0x3c: {  	s3 =	sadd.s32 @!p2 s3, s17;
	s2 =	simm.s32 @!p3 $0x0;
	s0 =	sadd.s32 @!p2 $0xA948, s0  }
0x3d: {  	[tilespmem:s0], [sflag:$0xA] =	stream.linear.gather @!p2 [hbm4b:s3+s4], s2, $0x38;
	[tilespmem:$0x1EF88] =	vst v63  }
0x3e: {  	s0 =	sadd.s32 $0xFFFFFFFF, s25  }
0x3f: {  	p2 =	sge.u32 s0, s15  }
.Ltmp3:
0x40: {  	_ = 	snop;
	(pc) =	sbr.rel @p2 .LBB2_7-.Ltmp3, $1  }
0x41: {  	_ =	sdelay $0x3  }
0x42: {  	p2 =	sgt.s32 s23, $0x26FC0;
	s2 =	smov.u32 s23;
	s3 =	sshra.s32 s23, $0x1F  }
0x43: {  	s2 =	simm.s32 @!p2 $0x26FC0;
	s3 =	sand.u32 s3, s23  }
0x44: {  	s17 =	smulhi.u32 $0xAAAAAAAB, s21;
	s2 =	ssub.s32 s2, s3  }
0x45: {  	s0 =	sand.u32 $0x1, s0;
	s2 =	sadd.s32 $0xFFFD9040, s2  }
0x46: {  	s5 =	simm.s32 $0xA;
	s3 =	sshrl.u32 s17, $0x1;
	s4 =	sshll.u32 s2, $0x2  }
0x47: {  	s7 =	sshrl.u32 s23, $0x3;
	s3 =	smul.u32 $0xFFFFF100, s3;
	s4 =	ssub.s32 $0x500, s4  }
0x48: {  	s18 =	smul.u32 $0x500, s0;
	p2 =	sgt.s32 s2, $0x13F;
	s2 =	sshrl.u32 s4, $0x2  }
0x49: {  	s9 =	sand.u32 $0x7, s23;
	s3 =	sshra.s32 s3, $0x2;
	s2 =	simm.s32 @p2 $0x0  }
0x4a: {  	s0 =	sadd.s32 s3, s20;
	s4 =	sshrl.u32 s18, $0x2;
	_ =	swait.ge [sflag:s5], s2  }
0x4b: {  	s22 =	ssub.s32 $0x0, s2;
	[sflag:s5] =	ssyncset.done $0x0;
	s8 =	rddreg [dreg:$0x9]  }
0x4c: {  	s4 =	sadd.s32 $0xAD08, s4;
	[sflag:s5] =	ssyncadd.s32 s22;
	s3 =	sadd.s32 s7, s8  }
0x4d: {  	[tilespmem:s4], [sflag:$0xB] =	stream.linear.gather [hbm4b:s3+s9], s2, $0x38;
	[tilespmem:$0x1EF88] =	vst v63  }
0x4e: {  	v1 =	vld.msk [tilespmem:s0+$0x0], $0xffff;
	_ =	sdelay $0x4  }
0x4f: {  	v1 =	vshll.u32 v1, $0x4  }
0x50: {  	(v2sf) =	vpush v1, $0x0  }
0x51: {  	(v2sf) =	vpush v1, $0x1  }
0x52: {  	(v2sf) =	vpush v1, $0x2;
	_ =	sdelay $0x3  }
0x53: {  	(v2sf) =	vpush v1, $0x3;
	_ =	sdelay $0x1  }
0x54: {  	(v2sf) =	vpush v1, $0x4  }
0x55: {  	s2 =	simm.s32 $0x1;
	(v2sf) =	vpush v1, $0x5  }
0x56: {  	s2 =	simm.s32 @!p0 $0x0  }
0x57: {  	s2 =	smul.u32 $0x28000, s2;
	(v2sf) =	vpush v1, $0x6;
	_ =	sdelay $0x1  }
0x58: {  	s2 =	sshrl.u32 s2, $0x2  }
0x59: {  	s28 =	sadd.s32 $0xB708, s2  }
0x5a: {  	s12 =	sadd.s32 $0xFFFFF880, s28;
	s17 =	sadd.s32 $0xFFFFF900, s28;
	s10 =	spop (v2sf);
	(v2sf) =	vpush v1, $0x7  }
0x5b: {  	s18 =	sadd.s32 $0xFFFFF980, s28;
	s11 =	sand.u32 $0x1FFFFFF0, s10;
	s14 =	spop (v2sf)  }
0x5c: {  	(v2sf) =	vpush v1, $0x8;
	s2 =	sadd.s32 s6, s11;
	s15 =	sand.u32 $0x1FFFFFF0, s14;
	s16 =	spop (v2sf)  }
0x5d: {  	[tilespmem:s12], [sflag:$0x9] =	stream.linear.gather [hbm4b:s2+s19], $0x40, $0x38;
	[tilespmem:$0x1EF88] =	vst v63  }
0x5e: {  	s5 =	sadd.s32 $0xFFFFFA00, s28;
	s2 =	sadd.s32 s6, s15;
	s3 =	sand.u32 $0x1FFFFFF0, s16  }
0x5f: {  	(v2sf) =	vpush v1, $0x9;
	[tilespmem:s17], [sflag:$0x9] =	stream.linear.gather [hbm4b:s2+s19], $0x40, $0x38;
	[tilespmem:$0x1EF88] =	vst v63  }
0x60: {  	s7 =	sadd.s32 $0xFFFFFA80, s28;
	s22 =	spop (v2sf);
	s3 =	sadd.s32 s6, s3  }
0x61: {  	(v2sf) =	vpush v1, $0xA;
	[tilespmem:s18], [sflag:$0x9] =	stream.linear.gather [hbm4b:s3+s19], $0x40, $0x38;
	[tilespmem:$0x1EF88] =	vst v63  }
0x62: {  	s11 =	sadd.s32 $0xFFFFFB00, s28;
	s4 =	spop (v2sf);
	(v2sf) =	vpush v1, $0xB;
	s3 =	sand.u32 $0x1FFFFFF0, s22  }
0x63: {  	s8 =	spop (v2sf);
	s2 =	sadd.s32 s6, s3;
	s3 =	sand.u32 $0x1FFFFFF0, s4  }
0x64: {  	(v2sf) =	vpush v1, $0xC;
	[tilespmem:s5], [sflag:$0x9] =	stream.linear.gather [hbm4b:s2+s19], $0x40, $0x38;
	[tilespmem:$0x1EF88] =	vst v63  }
0x65: {  	s9 =	sand.u32 $0x1FFFFFF0, s8;
	s10 =	spop (v2sf);
	s3 =	sadd.s32 s6, s3  }
0x66: {  	(v2sf) =	vpush v1, $0xD;
	[tilespmem:s7], [sflag:$0x9] =	stream.linear.gather [hbm4b:s3+s19], $0x40, $0x38;
	[tilespmem:$0x1EF88] =	vst v63  }
0x67: {  	s12 =	sadd.s32 $0xFFFFFB80, s28;
	s2 =	sadd.s32 s6, s9;
	s3 =	sand.u32 $0x1FFFFFF0, s10  }
0x68: {  	[tilespmem:s11], [sflag:$0x9] =	stream.linear.gather [hbm4b:s2+s19], $0x40, $0x38;
	[tilespmem:$0x1EF88] =	vst v63  }
0x69: {  	s17 =	sadd.s32 $0xFFFFFC00, s28;
	s3 =	sadd.s32 s6, s3;
	s14 =	spop (v2sf)  }
0x6a: {  	[tilespmem:s12], [sflag:$0x9] =	stream.linear.gather [hbm4b:s3+s19], $0x40, $0x38;
	(v2sf) =	vpush v1, $0xE;
	[tilespmem:$0x1EF88] =	vst v63  }
0x6b: {  	s18 =	sadd.s32 $0xFFFFFC80, s28;
	s15 =	sand.u32 $0x1FFFFFF0, s14;
	s16 =	spop (v2sf)  }
0x6c: {  	s5 =	sadd.s32 $0xFFFFFD00, s28;
	(v2sf) =	vpush v1, $0xF;
	s2 =	sadd.s32 s6, s15;
	s3 =	sand.u32 $0x1FFFFFF0, s16  }
0x6d: {  	[tilespmem:s17], [sflag:$0x9] =	stream.linear.gather [hbm4b:s2+s19], $0x40, $0x38;
	[tilespmem:$0x1EF88] =	vst v63  }
0x6e: {  	s7 =	sadd.s32 $0xFFFFFD80, s28;
	s22 =	spop (v2sf);
	s3 =	sadd.s32 s6, s3  }
0x6f: {  	[tilespmem:s18], [sflag:$0x9] =	stream.linear.gather [hbm4b:s3+s19], $0x40, $0x38;
	[tilespmem:$0x1EF88] =	vst v63  }
0x70: {  	s11 =	sadd.s32 $0xFFFFFE00, s28;
	s4 =	spop (v2sf);
	s3 =	sand.u32 $0x1FFFFFF0, s22  }
0x71: {  	s8 =	spop (v2sf);
	s2 =	sadd.s32 s6, s3;
	s3 =	sand.u32 $0x1FFFFFF0, s4  }
0x72: {  	[tilespmem:s5], [sflag:$0x9] =	stream.linear.gather [hbm4b:s2+s19], $0x40, $0x38;
	[tilespmem:$0x1EF88] =	vst v63  }
0x73: {  	s9 =	sand.u32 $0x1FFFFFF0, s8;
	s10 =	spop (v2sf);
	s3 =	sadd.s32 s6, s3  }
0x74: {  	[tilespmem:s7], [sflag:$0x9] =	stream.linear.gather [hbm4b:s3+s19], $0x40, $0x38;
	[tilespmem:$0x1EF88] =	vst v63  }
0x75: {  	s14 =	spop (v2sf);
	s2 =	sadd.s32 s6, s9;
	s3 =	sand.u32 $0x1FFFFFF0, s10  }
0x76: {  	[tilespmem:s11], [sflag:$0x9] =	stream.linear.gather [hbm4b:s2+s19], $0x40, $0x38;
	[tilespmem:$0x1EF88] =	vst v63  }
0x77: {  	s12 =	sadd.s32 $0xFFFFFE80, s28;
	s15 =	sand.u32 $0x1FFFFFF0, s14;
	s3 =	sadd.s32 s6, s3  }
0x78: {  	[tilespmem:s12], [sflag:$0x9] =	stream.linear.gather [hbm4b:s3+s19], $0x40, $0x38;
	[tilespmem:$0x1EF88] =	vst v63  }
0x79: {  	s17 =	sadd.s32 $0xFFFFFF00, s28;
	s2 =	sadd.s32 s6, s15;
	s16 =	spop (v2sf)  }
0x7a: {  	[tilespmem:s17], [sflag:$0x9] =	stream.linear.gather [hbm4b:s2+s19], $0x40, $0x38;
	[tilespmem:$0x1EF88] =	vst v63  }
0x7b: {  	s29 =	simm.s32 $0x0;
	s3 =	sand.u32 $0x1FFFFFF0, s16;
	s18 =	spop (v2sf)  }
0x7c: {  	s22 =	sadd.s32 $0xFFFFFF80, s28;
	s3 =	sadd.s32 s6, s3;
	s2 =	sand.u32 $0x1FFFFFF0, s18  }
0x7d: {  	[tilespmem:s22], [sflag:$0x9] =	stream.linear.gather [hbm4b:s3+s19], $0x40, $0x38;
	[tilespmem:$0x1EF88] =	vst v63  }
0x7e: {  	s31 =	sadd.s32 $0x10, s0;
	s30 =	sadd.s32 $0x800, s28;
	s2 =	sadd.s32 s6, s2  }
.LBB2_5:
0x7f: {  	[tilespmem:s28], [sflag:$0x9] =	stream.linear.gather [hbm4b:s2+s19], $0x40, $0x38;
	[tilespmem:$0x1EF88] =	vst v63  }
0x80: {  	s29 =	sadd.s32 $0x10, s29;
	s28 =	smov.u32 s30  }
0x81: {  	p2 =	slt.u32 s29, $0x130;
	v1 =	vld.msk [tilespmem:s31+$0x0], $0xffff;
	_ =	sdelay $0x4  }
0x82: {  	v1 =	vshll.u32 v1, $0x4  }
0x83: {  	(v2sf) =	vpush v1, $0x0  }
0x84: {  	(v2sf) =	vpush v1, $0x1  }
0x85: {  	(v2sf) =	vpush v1, $0x2;
	_ =	sdelay $0x1  }
0x86: {  	(v2sf) =	vpush v1, $0x3;
	_ =	sdelay $0x1  }
0x87: {  	(v2sf) =	vpush v1, $0x4;
	_ =	sdelay $0x1  }
0x88: {  	(v2sf) =	vpush v1, $0x5;
	_ =	sdelay $0x1  }
0x89: {  	(v2sf) =	vpush v1, $0x6  }
0x8a: {  	s4 =	sadd.s32 $0xFFFFFE80, s30;
	s0 =	sadd.s32 $0xFFFFFF00, s30  }
0x8b: {  	s3 =	sadd.s32 $0xFFFFFD00, s30;
	s2 =	sadd.s32 $0xFFFFFD80, s30;
	s5 =	sadd.s32 $0xFFFFFE00, s30;
	(v2sf) =	vpush v1, $0x7  }
0x8c: {  	s10 =	sadd.s32 $0xFFFFFB80, s30;
	s9 =	sadd.s32 $0xFFFFFC00, s30;
	s16 =	sadd.s32 $0xFFFFFC80, s30  }
0x8d: {  	s11 =	sadd.s32 $0xFFFFFA00, s30;
	s12 =	sadd.s32 $0xFFFFFA80, s30;
	s15 =	sadd.s32 $0xFFFFFB00, s30;
	(v2sf) =	vpush v1, $0x8  }
0x8e: {  	s18 =	sadd.s32 $0xFFFFF900, s30;
	s7 =	sadd.s32 $0xFFFFF980, s30;
	s22 =	spop (v2sf)  }
0x8f: {  	s8 =	sadd.s32 $0xFFFFF880, s30;
	s22 =	sand.u32 $0x1FFFFFF0, s22;
	s14 =	spop (v2sf);
	(v2sf) =	vpush v1, $0x9  }
0x90: {  	s22 =	sadd.s32 s6, s22;
	s14 =	sand.u32 $0x1FFFFFF0, s14;
	s17 =	spop (v2sf)  }
0x91: {  	[tilespmem:s8], [sflag:$0x9] =	stream.linear.gather [hbm4b:s22+s19], $0x40, $0x38;
	(v2sf) =	vpush v1, $0xA;
	[tilespmem:$0x1EF88] =	vst v63  }
0x92: {  	s8 =	sadd.s32 s6, s14;
	s14 =	sand.u32 $0x1FFFFFF0, s17;
	s17 =	spop (v2sf)  }
0x93: {  	[tilespmem:s18], [sflag:$0x9] =	stream.linear.gather [hbm4b:s8+s19], $0x40, $0x38;
	(v2sf) =	vpush v1, $0xB;
	[tilespmem:$0x1EF88] =	vst v63  }
0x94: {  	s8 =	sadd.s32 s6, s14;
	s14 =	sand.u32 $0x1FFFFFF0, s17;
	s17 =	spop (v2sf)  }
0x95: {  	[tilespmem:s7], [sflag:$0x9] =	stream.linear.gather [hbm4b:s8+s19], $0x40, $0x38;
	(v2sf) =	vpush v1, $0xC;
	[tilespmem:$0x1EF88] =	vst v63  }
0x96: {  	s7 =	sadd.s32 s6, s14;
	s8 =	sand.u32 $0x1FFFFFF0, s17;
	s14 =	spop (v2sf)  }
0x97: {  	[tilespmem:s11], [sflag:$0x9] =	stream.linear.gather [hbm4b:s7+s19], $0x40, $0x38;
	(v2sf) =	vpush v1, $0xD;
	[tilespmem:$0x1EF88] =	vst v63  }
0x98: {  	s7 =	sadd.s32 s6, s8;
	s8 =	sand.u32 $0x1FFFFFF0, s14;
	s11 =	spop (v2sf)  }
0x99: {  	[tilespmem:s12], [sflag:$0x9] =	stream.linear.gather [hbm4b:s7+s19], $0x40, $0x38;
	(v2sf) =	vpush v1, $0xE;
	[tilespmem:$0x1EF88] =	vst v63  }
0x9a: {  	s7 =	sadd.s32 s6, s8;
	s8 =	sand.u32 $0x1FFFFFF0, s11;
	s11 =	spop (v2sf)  }
0x9b: {  	[tilespmem:s15], [sflag:$0x9] =	stream.linear.gather [hbm4b:s7+s19], $0x40, $0x38;
	(v2sf) =	vpush v1, $0xF;
	[tilespmem:$0x1EF88] =	vst v63  }
0x9c: {  	s7 =	sadd.s32 s6, s8;
	s8 =	sand.u32 $0x1FFFFFF0, s11;
	s11 =	spop (v2sf)  }
0x9d: {  	[tilespmem:s10], [sflag:$0x9] =	stream.linear.gather [hbm4b:s7+s19], $0x40, $0x38;
	[tilespmem:$0x1EF88] =	vst v63  }
0x9e: {  	s7 =	sadd.s32 s6, s8;
	s8 =	sand.u32 $0x1FFFFFF0, s11;
	s10 =	spop (v2sf)  }
0x9f: {  	[tilespmem:s9], [sflag:$0x9] =	stream.linear.gather [hbm4b:s7+s19], $0x40, $0x38;
	[tilespmem:$0x1EF88] =	vst v63  }
0xa0: {  	s7 =	sadd.s32 s6, s8;
	s8 =	sand.u32 $0x1FFFFFF0, s10;
	s9 =	spop (v2sf)  }
0xa1: {  	[tilespmem:s16], [sflag:$0x9] =	stream.linear.gather [hbm4b:s7+s19], $0x40, $0x38;
	[tilespmem:$0x1EF88] =	vst v63  }
0xa2: {  	s7 =	sadd.s32 s6, s8;
	s8 =	sand.u32 $0x1FFFFFF0, s9;
	s9 =	spop (v2sf)  }
0xa3: {  	[tilespmem:s3], [sflag:$0x9] =	stream.linear.gather [hbm4b:s7+s19], $0x40, $0x38;
	[tilespmem:$0x1EF88] =	vst v63  }
0xa4: {  	s3 =	sadd.s32 s6, s8;
	s7 =	sand.u32 $0x1FFFFFF0, s9;
	s8 =	spop (v2sf)  }
0xa5: {  	[tilespmem:s2], [sflag:$0x9] =	stream.linear.gather [hbm4b:s3+s19], $0x40, $0x38;
	[tilespmem:$0x1EF88] =	vst v63  }
0xa6: {  	s2 =	sadd.s32 s6, s7;
	s3 =	sand.u32 $0x1FFFFFF0, s8;
	s7 =	spop (v2sf)  }
0xa7: {  	[tilespmem:s5], [sflag:$0x9] =	stream.linear.gather [hbm4b:s2+s19], $0x40, $0x38;
	[tilespmem:$0x1EF88] =	vst v63  }
0xa8: {  	s2 =	sadd.s32 s6, s3;
	s3 =	sand.u32 $0x1FFFFFF0, s7;
	s5 =	spop (v2sf)  }
0xa9: {  	[tilespmem:s4], [sflag:$0x9] =	stream.linear.gather [hbm4b:s2+s19], $0x40, $0x38;
	[tilespmem:$0x1EF88] =	vst v63  }
0xaa: {  	s2 =	sadd.s32 s6, s3  }
.Ltmp4:
0xab: {  	s3 =	sand.u32 $0x1FFFFFF0, s5;
	s4 =	spop (v2sf);
	(pc) =	sbr.rel @p2 .LBB2_5-.Ltmp4, $4  }
0xac: {  	[tilespmem:s0], [sflag:$0x9] =	stream.linear.gather [hbm4b:s2+s19], $0x40, $0x38;
	[tilespmem:$0x1EF88] =	vst v63  }
0xad: {  	s0 =	sadd.s32 s6, s3;
	s2 =	sadd.s32 $0xFFFFFF80, s30;
	s3 =	sand.u32 $0x1FFFFFF0, s4  }
0xae: {  	[tilespmem:s2], [sflag:$0x9] =	stream.linear.gather [hbm4b:s0+s19], $0x40, $0x38;
	[tilespmem:$0x1EF88] =	vst v63  }
0xaf: {  	s31 =	sadd.s32 $0x10, s31;
	s30 =	sadd.s32 $0x800, s30;
	s2 =	sadd.s32 s6, s3  }
0xb0: {  	[tilespmem:s28], [sflag:$0x9] =	stream.linear.gather [hbm4b:s2+s19], $0x40, $0x38;
	[tilespmem:$0x1EF88] =	vst v63  }
0xb1: {  	s12 =	rddreg [dreg:$0x5]  }
0xb2: {  	s14 =	rddreg [dreg:$0x6]  }
0xb3: {  	s15 =	rddreg [dreg:$0x7]  }
0xb4: {  	s17 =	rddreg [dreg:$0x8]  }
0xb5: {  	s18 =	rddreg [dreg:$0xa]  }
0xb6: {  	s22 =	rddreg [dreg:$0xb]  }
.LBB2_7:
0xb7: {  	p2 =	slt.u32 s25, $0x2  }
.Ltmp5:
0xb8: {  	_ = 	snop;
	(pc) =	sbr.rel @p2 .LBB2_25-.Ltmp5, $1  }
0xb9: {  	_ =	sdelay $0x3  }
0xba: {  	p2 =	sgt.s32 s26, $0x26FC0;
	s0 =	smov.u32 s26;
	s2 =	sshra.s32 s26, $0x1F  }
0xbb: {  	s0 =	simm.s32 @!p2 $0x26FC0;
	s2 =	sand.u32 s2, s26  }
0xbc: {  	s0 =	ssub.s32 s0, s2  }
0xbd: {  	s0 =	sadd.s32 $0xFFFD9040, s0  }
0xbe: {  	s3 =	simm.s32 $0x9;
	s29 =	sshll.u32 s0, $0x2  }
0xbf: {  	_ =	swait.ge [sflag:s3], $0x5000;
	s2 =	ssub.s32 $0x500, s29  }
0xc0: {  	[sflag:s3] =	ssyncset.done $0x0;
	p2 =	sgt.s32 s0, $0x13F;
	s0 =	sshrl.u32 s2, $0x2  }
0xc1: {  	s30 =	simm.s32 $0xB;
	[sflag:s3] =	ssyncadd.s32 $0xFFFFB000;
	s0 =	simm.s32 @p2 $0x0  }
0xc2: {  	_ =	swait.ge [sflag:s30], s0  }
0xc3: {  	s0 =	ssub.s32 $0x0, s0;
	[sflag:s30] =	ssyncset.done $0x0  }
0xc4: {  	[sflag:s30] =	ssyncadd.s32 s0  }
0xc5: {  	v1 =	vld [tilespmem:$0xA108];
	_ =	sdelay $0x4  }
0xc6: {  	(v2sf) =	vpush v1, $0x0  }
0xc7: {  	(v2sf) =	vpush v1, $0x1  }
0xc8: {  	(v2sf) =	vpush v1, $0x2;
	_ =	sdelay $0x3  }
0xc9: {  	s0 =	sadd.s32 $0x140, s26  }
0xca: {  	s4 =	ssub.s32 $0x4E200, s26;
	p2 =	slt.s32 s14, s0  }
0xcb: {  	s0 =	smov.u32 @p2 s14;
	p2 =	sgt.s32 s4, $0x0  }
0xcc: {  	s0 =	ssub.s32 s0, s26;
	s4 =	simm.s32 @!p2 $0x0  }
0xcd: {  	p2 =	slt.s32 s4, s0  }
0xce: {  	s0 =	smov.u32 @p2 s4  }
0xcf: {  	s2 =	simm.s32 $0x1;
	p2 =	slt.s32 s0, $0x1  }
.Ltmp6:
0xd0: {  	s2 =	simm.s32 @!p1 $0x0;
	(pc) =	sbr.rel @p2 .LBB2_12-.Ltmp6, $4  }
0xd1: {  	s7 =	smul.u32 $0x500, s2  }
0xd2: {  	s3 =	spop (v2sf)  }
0xd3: {  	s31 =	sshrl.u32 s7, $0x2;
	s5 =	spop (v2sf)  }
0xd4: {  	s28 =	sadd.s32 $0xAD08, s31;
	s26 =	spop (v2sf)  }
0xd5: {  	s4 =	smin.u32 s0, $0x10  }
0xd6: {  	v1 =	vmov s4  }
0xd7: {  	p3 =	sgt.s32 s0, $0x10;
	vm1 =	vgt.u32 v1, v0  }
.Ltmp7:
0xd8: {  	_ = 	snop;
	(pc) =	sbr.rel @!p3 .LBB2_11-.Ltmp7, $2  }
0xd9: {  	_ =	sdelay $0x2  }
0xda: {  	s9 =	simm.s32 $0x10;
	s10 =	sadd.s32 $0xFFFFFFF0, s0;
	s4 =	smov.u32 s28;
	vm0 =	vmmov vm1  }
.LBB2_10:
0xdb: {  	s7 =	smin.u32 s10, $0x10;
	s9 =	sadd.s32 $0x10, s9;
	v1 =	vld.msk [tilespmem:s4+$0x0 ss:$0x1], vm1  }
0xdc: {  	v2 =	vmov s7;
	p3 =	slt.s32 s9, s0  }
0xdd: {  	vm1 =	vgt.u32 v2, v0  }
.Ltmp8:
0xde: {  	(pc) =	sbr.rel @p3 .LBB2_10-.Ltmp8, $3  }
0xdf: {  	_ =	sdelay $0x1  }
0xe0: {  	v1 =	vshll.u32 v1, $0x4  }
0xe1: {  	s10 =	sadd.s32 $0xFFFFFFF0, s10;
	[tilespmem:s4+$0x0] =	vst.msk vm0, v1;
	s4 =	sadd.s32 $0x10, s4;
	vm0 =	vmmov vm1  }
.LBB2_11:
0xe2: {  	_ =	sdelay $0x4  }
0xe3: {  	v1 =	vld.msk [tilespmem:s4+$0x0 ss:$0x1], vm1;
	_ =	sdelay $0x4  }
0xe4: {  	v1 =	vshll.u32 v1, $0x4  }
0xe5: {  	[tilespmem:s4+$0x0] =	vst.msk vm0, v1  }
.LBB2_12:
0xe6: {  	s4 =	sand.u32 $0x1, s25  }
0xe7: {  	s4 =	smul.u32 $0x140, s4  }
0xe8: {  	p3 =	sne.s32 s5, $0xFFFFFFFF  }
0xe9: {  	v1 =	vld.msk @!p3 [tilespmem:s4+$0xAD08], $0x1;
	_ =	sdelay $0x4  }
0xea: {  	(v2sf) =	vpush @!p3 v1, $0x0;
	_ =	sdelay $0xc  }
.Ltmp9:
0xeb: {  	_ = 	snop;
	(pc) =	sbr.rel @p2 .LBB2_23-.Ltmp9, $4  }
0xec: {  	_ = 	snop  }
0xed: {  	s29 =	spop @!p3 (v2sf)  }
0xee: {  	s31 =	simm.s32 $0xC;
	s26 =	simm.s32 @!p3 $0x0;
	s4 =	smov.u32 s29  }
0xef: {  	[sflag:s31] =	ssyncpa.u1 $0x0;
	s29 =	smov.u32 @p3 s3;
	s4 =	smov.u32 @p3 s5  }
0xf0: {  	v1 =	vld.msk [tilespmem:s28+$0x0], $0x1;
	_ =	sdelay $0x4  }
0xf1: {  	(v2sf) =	vpush v1, $0x0;
	_ =	sdelay $0xe  }
0xf2: {  	s2 =	smul.u32 $0x28000, s2;
	s5 =	spop (v2sf)  }
0xf3: {  	s31 =	ssub.s32 $0x0, s0;
	p2 =	seq.s32 s29, s5  }
0xf4: {  	s3 =	smov.u32 s29;
	s2 =	sshrl.u32 s2, $0x2;
	p3 =	sgt.s32 @!p2 s29, $0x0  }
0xf5: {  	s30 =	sadd.s32 $0xAFA8, s2;
	s2 =	sadd.s32 $0x1, s31;
	p3 =	por !p3, p2  }
0xf6: {  	s3 =	simm.s32 @p3 $0x0;
	p3 =	seq.s32 s2, $0x0  }
.Ltmp10:
0xf7: {  	_ = 	snop;
	(pc) =	sbr.rel @p3 .LBB2_15-.Ltmp10, $4  }
0xf8: {  	_ = 	snop  }
0xf9: {  	s0 =	simm.s32 $0x0;
	s9 =	simm.s32 @!p2 $0x1;
	s3 =	smin.u32 @!p2 s3, $0x270F8  }
0xfa: {  	s10 =	simm.s32 @!p2 $0x50C8;
	s9 =	smov.u32 @p2 s0;
	s7 =	sand.u32 @!p2 $0x3FFF8, s3  }
0xfb: {  	s16 =	sand.u32 @!p2 $0x7, s3;
	s3 =	sadd.s32 $0x1, s28;
	s11 =	sadd.s32 @!p2 s1, s7  }
.LBB2_14:
0xfc: {  	s7 =	smov.u32 s9  }
0xfd: {  	[tilespmem:s10], [sflag:$0x2] =	stream.linear.gather @!p2 [hbm4b:s11+s16], $0x40, $0x38;
	[tilespmem:$0x1EF88] =	vst v63  }
0xfe: {  	s2 =	sadd.s32 $0x1, s2;
	s8 =	smov.u32 s5;
	v1 =	vld.msk [tilespmem:s3+$0x0], $0x1  }
0xff: {  	p3 =	seq.s32 s2, $0x0;
	_ =	sdelay $0x3  }
0x100: {  	(v2sf) =	vpush v1, $0x0;
	_ =	sdelay $0xe  }
0x101: {  	s5 =	spop (v2sf)  }
0x102: {  	p2 =	seq.s32 s8, s5  }
0x103: {  	p4 =	sgt.s32 @!p2 s8, $0x0;
	s10 =	sshll.u32 @!p2 s9, $0x8;
	s9 =	sadd.s32 @!p2 $0x1, s9  }
.Ltmp11:
0x104: {  	p4 =	por !p4, p2;
	s10 =	sshra.s32 @!p2 s10, $0x2;
	(pc) =	sbr.rel @!p3 .LBB2_14-.Ltmp11, $4  }
0x105: {  	s9 =	smov.u32 @p2 s7;
	s8 =	simm.s32 @p4 $0x0;
	s10 =	sadd.s32 @!p2 $0x50C8, s10  }
0x106: {  	s7 =	smin.u32 @!p2 s8, $0x270F8  }
0x107: {  	s8 =	sand.u32 @!p2 $0x3FFF8, s7;
	s16 =	sand.u32 @!p2 $0x7, s7  }
0x108: {  	s3 =	sadd.s32 $0x1, s3;
	s11 =	sadd.s32 @!p2 s1, s8  }
.LBB2_15:
0x109: {  	[tilespmem:s10], [sflag:$0x2] =	stream.linear.gather @!p2 [hbm4b:s11+s16], $0x40, $0x38;
	[tilespmem:$0x1EF88] =	vst v63  }
.Ltmp12:
0x10a: {  	s2 =	sshll.u32 s9, $0x6;
	(pc) =	sbr.rel .LBB2_16-.Ltmp12, $4  }
0x10b: {  	s3 =	simm.s32 $0x2;
	s2 =	sand.u32 $0x3FFFFFC0, s2  }
0x10c: {  	_ =	swait.ge [sflag:s3], s2  }
0x10d: {  	s2 =	ssub.s32 $0x0, s2;
	[sflag:s3] =	ssyncset.done $0x0  }
0x10e: {  	[sflag:s3] =	ssyncadd.s32 s2;
	s3 =	simm.s32 $0x0  }
.LBB2_17:
0x10f: {  	v1 =	vld [tilespmem:s30+$0xFFFFFFE0];
	_ =	sdelay $0x4  }
0x110: {  	[tilespmem:s5+$0x88] =	vst.add.f32.msk $0xffff, v1  }
0x111: {  	v1 =	vld [tilespmem:s30+$0xFFFFFFF0];
	_ =	sdelay $0x4  }
0x112: {  	[tilespmem:s5+$0x98] =	vst.add.f32.msk $0xffff, v1  }
0x113: {  	v1 =	vld [tilespmem:s30+$0x0];
	_ =	sdelay $0x4  }
0x114: {  	[tilespmem:s5+$0xA8] =	vst.add.f32.msk $0xffff, v1  }
0x115: {  	v1 =	vld [tilespmem:s30+$0x10];
	_ =	sdelay $0x4  }
0x116: {  	[tilespmem:s5+$0xB8] =	vst.add.f32.msk $0xffff, v1  }
.LBB2_21:
0x117: {  	s31 =	sadd.s32 $0x1, s31  }
0x118: {  	p2 =	seq.s32 s31, $0x0  }
.Ltmp13:
0x119: {  	_ = 	snop;
	(pc) =	sbr.rel @p2 .LBB2_22-.Ltmp13, $2  }
0x11a: {  	_ =	sdelay $0x2  }
0x11b: {  	s30 =	sadd.s32 $0x80, s30;
	s28 =	sadd.s32 $0x1, s28;
	s29 =	smov.u32 s2  }
.LBB2_16:
0x11c: {  	v1 =	vld.msk [tilespmem:s28+$0x0], $0x1;
	_ =	sdelay $0x4  }
0x11d: {  	(v2sf) =	vpush v1, $0x0;
	_ =	sdelay $0xe  }
0x11e: {  	s2 =	spop (v2sf)  }
0x11f: {  	p2 =	sne.s32 s29, s2  }
.Ltmp14:
0x120: {  	_ = 	snop;
	(pc) =	sbr.rel @!p2 .LBB2_17-.Ltmp14, $3  }
0x121: {  	_ =	sdelay $0x1  }
0x122: {  	s5 =	sshll.u32 s26, $0x8  }
0x123: {  	s5 =	sshra.s32 s5, $0x2  }
0x124: {  	p2 =	seq.s32 s29, s4  }
.Ltmp15:
0x125: {  	_ = 	snop;
	(pc) =	sbr.rel @!p2 .LBB2_19-.Ltmp15, $1  }
0x126: {  	_ =	sdelay $0x3  }
.Ltmp16:
0x127: {  	s5 =	sadd.s32 $0x88, s5;
	(pc) =	sbr.rel .LBB2_20-.Ltmp16, $4  }
0x128: {  	[spmem:s18] =	stream.linear.scatter [tilespmem:s5], [sflag:$0x1], $0x40, $0x38;
	[tilespmem:$0x1EF88] =	vst v63  }
0x129: {  	_ =	swait.ge [sflag:s13], $0x40  }
0x12a: {  	[sflag:s13] =	ssyncset.done $0x0  }
0x12b: {  	[sflag:s13] =	ssyncadd.s32 $0xFFFFFFC0  }
.LBB2_19:
0x12c: {  	s7 =	sshll.u32 s0, $0x8  }
0x12d: {  	s7 =	sshra.s32 s7, $0x2  }
0x12e: {  	v1 =	vld [tilespmem:s7+$0x50C8];
	_ =	sdelay $0x4  }
0x12f: {  	[tilespmem:s5+$0x88] =	vst.add.f32.msk $0xffff, v1  }
0x130: {  	v1 =	vld [tilespmem:s7+$0x50D8];
	_ =	sdelay $0x4  }
0x131: {  	[tilespmem:s5+$0x98] =	vst.add.f32.msk $0xffff, v1  }
0x132: {  	v1 =	vld [tilespmem:s7+$0x50E8];
	_ =	sdelay $0x4  }
0x133: {  	[tilespmem:s5+$0xA8] =	vst.add.f32.msk $0xffff, v1  }
0x134: {  	v1 =	vld [tilespmem:s7+$0x50F8];
	_ =	sdelay $0x2  }
0x135: {  	p2 =	sgt.u32 s29, $0x270F8  }
0x136: {  	s7 =	sand.u32 @!p2 $0x3FFF8, s29  }
0x137: {  	s8 =	sadd.s32 $0x88, s5;
	[tilespmem:s5+$0xB8] =	vst.add.f32.msk $0xffff, v1;
	s5 =	sadd.s32 @!p2 s1, s7;
	s7 =	sand.u32 @!p2 $0x7, s29  }
0x138: {  	[hbm4b:s5+s7] =	stream.linear.scatter @!p2 [tilespmem:s8], [sflag:$0xC], $0x40, $0x38;
	[tilespmem:$0x1EF88] =	vst v63  }
0x139: {  	s5 =	simm.s32 $0x0  }
0x13a: {  	s5 =	simm.s32 @!p2 $0x100  }
0x13b: {  	s3 =	sadd.s32 s5, s3  }
.LBB2_20:
0x13c: {  	s5 =	sadd.s32 $0x1, s26  }
0x13d: {  	s7 =	smulhi.u32 $0xCCCCCCCD, s5;
	_ =	sdelay $0x1  }
0x13e: {  	v1 =	vld [tilespmem:s30+$0xFFFFFFE0];
	s7 =	sshrl.u32 s7, $0x8  }
0x13f: {  	s7 =	smul.u32 $0x140, s7;
	_ =	sdelay $0x1  }
0x140: {  	s26 =	ssub.s32 s5, s7  }
0x141: {  	s5 =	sshll.u32 s26, $0x6  }
0x142: {  	[tilespmem:s5+$0x88] =	vst v1  }
0x143: {  	v1 =	vld [tilespmem:s30+$0xFFFFFFF0];
	_ =	sdelay $0x4  }
0x144: {  	[tilespmem:s5+$0x98] =	vst v1  }
0x145: {  	v1 =	vld [tilespmem:s30+$0x0];
	_ =	sdelay $0x4  }
0x146: {  	[tilespmem:s5+$0xA8] =	vst v1  }
0x147: {  	v1 =	vld [tilespmem:s30+$0x10]  }
.Ltmp17:
0x148: {  	_ = 	snop;
	(pc) =	sbr.rel .LBB2_21-.Ltmp17, $2  }
0x149: {  	_ =	sdelay $0x2  }
0x14a: {  	s0 =	sadd.s32 $0x1, s0;
	[tilespmem:s5+$0xB8] =	vst v1  }
.LBB2_23:
.Ltmp18:
0x14b: {  	(pc) =	sbr.rel .LBB2_24-.Ltmp18, $4  }
0x14c: {  	_ = 	snop  }
0x14d: {  	s0 =	simm.s32 $0x2  }
0x14e: {  	_ =	swait.ge [sflag:s0], $0x0  }
0x14f: {  	s2 =	smov.u32 s29;
	[sflag:s0] =	ssyncset.done $0x0;
	s0 =	simm.s32 $0x0  }
.LBB2_26:
0x150: {  	_ =	sfence.sel $0x180000  }
0x151: {  	s0 =	simm.s32 $0x9;
	[bflag:$0x0] =	sbarrier.arrive $0xFFFF  }
0x152: {  	s24 =	simm.s32 $0xA;
	[sflag:s0] =	ssyncpa.u1 $0x1  }
0x153: {  	s25 =	simm.s32 $0xB;
	[sflag:s24] =	ssyncpa.u1 $0x1  }
0x154: {  	s26 =	simm.s32 $0x2;
	[sflag:s25] =	ssyncpa.u1 $0x1  }
0x155: {  	[sflag:s26] =	ssyncpa.u1 $0x1  }
0x156: {  	v0 =	vld [tilespmem:$0xA108];
	_ =	sdelay $0x4  }
0x157: {  	(v2sf) =	vpush v0, $0x0  }
0x158: {  	(v2sf) =	vpush v0, $0x1;
	_ =	sdelay $0x1  }
0x159: {  	(v2sf) =	vpush v0, $0x2;
	_ =	sdelay $0xb  }
0x15a: {  	s0 =	spop (v2sf)  }
0x15b: {  	s2 =	spop (v2sf)  }
0x15c: {  	s3 =	smov.u32 s0;
	p0 =	sne.s32 s0, s2  }
0x15d: {  	s4 =	spop (v2sf);
	s3 =	simm.s32 @!p0 $0xFFFFFFFF  }
0x15e: {  	v2 =	vimm.s32 $0x1;
	v3 =	vlaneseq.u32;
	p0 =	seq.s32 s4, $0xFFFFFFFF;
	v1 =	vmov s3  }
0x15f: {  	s14 =	stileid.u32;
	v0 =	vperm.xlane v0, v2;
	p1 =	sne.s32 @!p0 s0, s2;
	v1 =	vperm.xlane v1, v3  }
0x160: {  	vm0 =	vcmask $0x3F04;
	s6 =	simm.s32 $0xA108;
	s0 =	simm.s32 @!p0 $0x1;
	p1 =	por !p1, p0  }
0x161: {  	s3 =	sshll.u32 s14, $0x1;
	s2 =	sshll.u32 @!p0 s4, $0x8;
	s0 =	simm.s32 @p1 $0x0;
	v0 =	vsel vm0, v1, v0  }
0x162: {  	s5 =	sor.u32 $0x800, s3;
	s2 =	sshra.s32 @!p0 s2, $0x2;
	s0 =	sor.u32 @!p0 s0, s3;
	[tilespmem:$0xA108] =	vst v0  }
0x163: {  	[spmem:s5] =	stream.linear.scatter [tilespmem:s6], [sflag:$0x1], $0x2, $0x38;
	[tilespmem:$0x1EF88] =	vst v63  }
0x164: {  	s2 =	sadd.s32 @!p0 $0x88, s2;
	s0 =	sshll.u32 @!p0 s0, $0x6  }
0x165: {  	[spmem:s0] =	stream.linear.scatter @!p0 [tilespmem:s2], [sflag:$0x1], $0x40, $0x38;
	[tilespmem:$0x1EF88] =	vst v63  }
0x166: {  	s0 =	simm.s32 @!p0 $0x42  }
0x167: {  	s28 =	simm.s32 $0x1;
	s0 =	simm.s32 @p0 $0x2  }
0x168: {  	_ =	swait.ge [sflag:s28], s0  }
0x169: {  	s0 =	ssub.s32 $0x0, s0;
	[sflag:s28] =	ssyncset.done $0x0  }
0x16a: {  	p0 =	sne.s32 s14, $0x0;
	[sflag:s28] =	ssyncadd.s32 s0  }
.Ltmp19:
0x16b: {  	_ =	sfence.stream.spmem;
	(pc) =	sbr.rel @p0 .LBB2_43-.Ltmp19, $4  }
0x16c: {  	s29 =	simm.s32 $0x3;
	[bflag:$0x0] =	sbarrier.arrive $0xFFFF  }
0x16d: {  	s30 =	simm.s32 $0x4;
	[sflag:s29] =	ssyncpa.u1 $0x1  }
0x16e: {  	s31 =	simm.s32 $0x3C;
	[sflag:s30] =	ssyncpa.u1 $0x1  }
0x16f: {  	s13 =	rddreg [dreg:$0x4];
	[sflag:s31] =	ssyncpa.u1 $0x1  }
0x170: {  	_ =	sfence.stream.spmem;
	s0 =	simm.s32 $0x5  }
0x171: {  	s2 =	simm.s32 $0x800;
	s3 =	simm.s32 $0xA118;
	[sflag:s0] =	ssyncpa.u1 $0x0  }
0x172: {  	[tilespmem:s3], [sflag:$0x5] =	stream.linear.gather [spmem:s2], $0x20, $0x38;
	[tilespmem:$0x1EF88] =	vst v63  }
0x173: {  	s26 =	simm.s32 $0x0;
	s28 =	simm.s32 $0xA138  }
0x174: {  	[tilespmem:s28], [sflag:$0x5] =	stream.linear.gather [spmem:s26], $0x800, $0x38;
	[tilespmem:$0x1EF88] =	vst v63  }
0x175: {  	_ =	swait.ge [sflag:s0], $0x820  }
0x176: {  	[sflag:s0] =	ssyncset.done $0x0  }
0x177: {  	s29 =	simm.s32 $0x0;
	[sflag:s0] =	ssyncadd.s32 $0xFFFFF7E0  }
0x178: {  	v0 =	vld.msk [tilespmem:s29+$0xA118], $0x1;
	_ =	sdelay $0x1  }
0x179: {  	s30 =	simm.s32 $0x1  }
0x17a: {  	v1 =	vld.msk [tilespmem:s30+$0xA118], $0x1;
	_ =	sdelay $0x1  }
0x17b: {  	(v2sf) =	vpush v0, $0x0;
	_ =	sdelay $0x2  }
0x17c: {  	(v2sf) =	vpush v1, $0x0;
	_ =	sdelay $0x2  }
0x17d: {  	s31 =	simm.s32 $0x2  }
0x17e: {  	v0 =	vld.msk [tilespmem:s31+$0xA118], $0x1;
	_ =	sdelay $0x2  }
0x17f: {  	s2 =	simm.s32 $0xFFFFFFFF;
	s3 =	simm.s32 $0xFFFFFFFF;
	s0 =	simm.s32 $0xC  }
.LBB2_28:
0x180: {  	s4 =	smov.u32 s3;
	s5 =	smov.u32 s2  }
0x181: {  	s2 =	sshra.s32 s0, $0x2;
	p1 =	sne.s32 s0, $0x7C;
	s0 =	sadd.s32 $0x4, s0;
	(v2sf) =	vpush v0, $0x0  }
0x182: {  	v0 =	vld.msk [tilespmem:s2+$0xA118], $0x1  }
.Ltmp20:
0x183: {  	(pc) =	sbr.rel @p1 .LBB2_28-.Ltmp20, $4  }
0x184: {  	s3 =	spop (v2sf)  }
0x185: {  	p2 =	sne.s32 s5, $0xFFFFFFFF;
	s2 =	smov.u32 s3  }
0x186: {  	p3 =	seq.s32 s3, $0xFFFFFFFF;
	s2 =	smov.u32 @p2 s5  }
0x187: {  	s3 =	smov.u32 @p3 s4;
	s2 =	smov.u32 @p3 s5  }
0x188: {  	(v2sf) =	vpush v0, $0x0;
	_ =	sdelay $0x8  }
0x189: {  	s0 =	spop (v2sf)  }
0x18a: {  	p1 =	sne.s32 s2, $0xFFFFFFFF;
	s4 =	smov.u32 s0  }
0x18b: {  	s6 =	simm.s32 $0x0;
	p2 =	seq.s32 s0, $0xFFFFFFFF;
	s4 =	smov.u32 @p1 s2  }
0x18c: {  	s9 =	simm.s32 $0xA0C8;
	s4 =	smov.u32 @p2 s2;
	s2 =	spop (v2sf)  }
0x18d: {  	s0 =	smov.u32 @p2 s3;
	p1 =	sne.s32 s4, $0xFFFFFFFF;
	s5 =	smov.u32 s2  }
.Ltmp21:
0x18e: {  	p2 =	seq.s32 s2, $0xFFFFFFFF;
	s5 =	smov.u32 @p1 s4;
	(pc) =	sbr.rel .LBB2_30-.Ltmp21, $4  }
0x18f: {  	s10 =	simm.s32 $0x0;
	s5 =	smov.u32 @p2 s4;
	s7 =	spop (v2sf)  }
0x190: {  	s2 =	smov.u32 @p2 s0;
	p1 =	sne.s32 s5, $0xFFFFFFFF;
	s8 =	smov.u32 s7  }
0x191: {  	s0 =	simm.s32 $0x6;
	p2 =	seq.s32 s7, $0xFFFFFFFF;
	s8 =	smov.u32 @p1 s5  }
0x192: {  	[sflag:s0] =	ssyncpa.u1 $0x0;
	s7 =	smov.u32 @p2 s2;
	s8 =	smov.u32 @p2 s5  }
.LBB2_36:
0x193: {  	p1 =	sgt.u32 s2, $0x270F8  }
0x194: {  	p2 =	seq.s32 @!p1 s2, s8  }
0x195: {  	p1 =	por p1, p2  }
0x196: {  	p2 =	sne.s32 @!p1 s2, s7  }
0x197: {  	p1 =	por p1, !p2  }
0x198: {  	s2 =	sshll.u32 @p1 s10, $0x8  }
0x199: {  	s3 =	sand.u32 @!p1 $0x3FFF8, s2  }
0x19a: {  	s2 =	sand.u32 @!p1 $0x7, s2;
	s3 =	sadd.s32 @!p1 s1, s3  }
0x19b: {  	[tilespmem:s9], [sflag:$0x6] =	stream.linear.gather @!p1 [hbm4b:s3+s2], $0x40, $0x38;
	[tilespmem:$0x1EF88] =	vst v63  }
0x19c: {  	_ =	swait.ge @!p1 [sflag:s0], $0x40  }
0x19d: {  	[sflag:s0] =	ssyncset.done @!p1 $0x0  }
0x19e: {  	[sflag:s0] =	ssyncadd.s32 @!p1 $0xFFFFFFC0  }
0x19f: {  	v1 =	vld @!p1 [tilespmem:$0xA0C8];
	_ =	sdelay $0x2  }
0x1a0: {  	s2 =	sshll.u32 @!p1 s10, $0x8  }
0x1a1: {  	s3 =	sshrl.u32 @!p1 s2, $0x2  }
0x1a2: {  	[tilespmem:s3+$0xA138] =	vst.add.f32.msk @!p1 $0xffff, v1  }
0x1a3: {  	v1 =	vld @!p1 [tilespmem:$0xA0D8];
	_ =	sdelay $0x4  }
0x1a4: {  	[tilespmem:s3+$0xA148] =	vst.add.f32.msk @!p1 $0xffff, v1  }
0x1a5: {  	v1 =	vld @!p1 [tilespmem:$0xA0E8];
	_ =	sdelay $0x4  }
0x1a6: {  	[tilespmem:s3+$0xA158] =	vst.add.f32.msk @!p1 $0xffff, v1  }
0x1a7: {  	v1 =	vld @!p1 [tilespmem:$0xA0F8];
	_ =	sdelay $0x4  }
0x1a8: {  	[tilespmem:s3+$0xA168] =	vst.add.f32.msk @!p1 $0xffff, v1  }
0x1a9: {  	s2 =	sshrl.u32 s2, $0x2;
	[tilespmem:s6+$0xA118] =	vst.msk $0x1, v0  }
0x1aa: {  	v0 =	vld [tilespmem:s2+$0xA138];
	_ =	sdelay $0x2  }
0x1ab: {  	s31 =	sshll.u32 s6, $0x8  }
0x1ac: {  	s3 =	sshra.s32 s31, $0x2  }
0x1ad: {  	[tilespmem:s3+$0xA138] =	vst v0  }
0x1ae: {  	v0 =	vld [tilespmem:s2+$0xA148];
	_ =	sdelay $0x4  }
0x1af: {  	[tilespmem:s3+$0xA148] =	vst v0  }
0x1b0: {  	v0 =	vld [tilespmem:s2+$0xA158];
	_ =	sdelay $0x4  }
0x1b1: {  	[tilespmem:s3+$0xA158] =	vst v0  }
0x1b2: {  	v0 =	vld [tilespmem:s2+$0xA168];
	_ =	sdelay $0x4  }
0x1b3: {  	s6 =	sadd.s32 $0x1, s6;
	[tilespmem:s3+$0xA168] =	vst v0  }
.LBB2_37:
0x1b4: {  	s10 =	sadd.s32 $0x1, s10  }
0x1b5: {  	p1 =	sne.s32 s10, $0x20  }
.Ltmp22:
0x1b6: {  	_ = 	snop;
	(pc) =	sbr.rel @!p1 .LBB2_38-.Ltmp22, $1  }
0x1b7: {  	_ =	sdelay $0x3  }
.LBB2_30:
0x1b8: {  	v0 =	vld.msk [tilespmem:s10+$0xA118], $0x1;
	_ =	sdelay $0x4  }
0x1b9: {  	(v2sf) =	vpush v0, $0x0;
	_ =	sdelay $0xe  }
0x1ba: {  	s2 =	spop (v2sf)  }
0x1bb: {  	p1 =	seq.s32 s2, $0xFFFFFFFF  }
.Ltmp23:
0x1bc: {  	_ = 	snop;
	(pc) =	sbr.rel @p1 .LBB2_37-.Ltmp23, $1  }
0x1bd: {  	_ =	sdelay $0x3  }
0x1be: {  	p1 =	slt.s32 s6, $0x1  }
.Ltmp24:
0x1bf: {  	_ = 	snop;
	(pc) =	sbr.rel @p1 .LBB2_36-.Ltmp24, $1  }
0x1c0: {  	_ =	sdelay $0x3  }
0x1c1: {  	s3 =	simm.s32 $0xA118;
	p1 =	por $0x0, $0x0  }
0x1c2: {  	v1 =	vld.msk @!p1 [tilespmem:s3+$0x0], $0x1;
	_ =	sdelay $0x4  }
0x1c3: {  	(v2sf) =	vpush @!p1 v1, $0x0;
	_ =	sdelay $0xd  }
0x1c4: {  	p3 =	sne.s32 s6, $0x1  }
.Ltmp25:
0x1c5: {  	s4 =	spop @!p1 (v2sf);
	(pc) =	sbr.rel @!p3 .LBB2_34-.Ltmp25, $4  }
0x1c6: {  	p2 =	seq.s32 @!p1 s2, s4  }
0x1c7: {  	s4 =	simm.s32 $0x0;
	p2 =	por !p2, p1  }
0x1c8: {  	s11 =	simm.s32 $0xFFFFFFFF;
	s4 =	simm.s32 @p2 $0xFFFFFFFF  }
0x1c9: {  	s5 =	simm.s32 $0x1;
	s4 =	smov.u32 @p1 s11  }
.LBB2_33:
0x1ca: {  	s11 =	smov.u32 s4;
	p1 =	sne.s32 s4, $0xFFFFFFFF  }
0x1cb: {  	s3 =	sadd.s32 $0x1, s3;
	s4 =	smov.u32 s5;
	s5 =	sadd.s32 $0x1, s5  }
0x1cc: {  	p2 =	sne.s32 s6, s5;
	v1 =	vld.msk @!p1 [tilespmem:s3+$0x0], $0x1;
	_ =	sdelay $0x4  }
0x1cd: {  	(v2sf) =	vpush @!p1 v1, $0x0;
	_ =	sdelay $0xe  }
.Ltmp26:
0x1ce: {  	s12 =	spop @!p1 (v2sf);
	(pc) =	sbr.rel @p2 .LBB2_33-.Ltmp26, $4  }
0x1cf: {  	p3 =	seq.s32 @!p1 s2, s12  }
0x1d0: {  	p3 =	por !p3, p1  }
0x1d1: {  	s4 =	simm.s32 @p3 $0xFFFFFFFF  }
0x1d2: {  	s4 =	smov.u32 @p1 s11  }
.LBB2_34:
0x1d3: {  	p1 =	seq.s32 s4, $0xFFFFFFFF  }
.Ltmp27:
0x1d4: {  	_ = 	snop;
	(pc) =	sbr.rel @p1 .LBB2_36-.Ltmp27, $1  }
0x1d5: {  	_ =	sdelay $0x3  }
0x1d6: {  	s2 =	sshll.u32 s10, $0x6  }
0x1d7: {  	s2 =	sand.u32 $0x3FFFFFC0, s2  }
0x1d8: {  	v0 =	vld [tilespmem:s2+$0xA138];
	_ =	sdelay $0x2  }
0x1d9: {  	s3 =	sshll.u32 s4, $0x8  }
0x1da: {  	s3 =	sshra.s32 s3, $0x2  }
0x1db: {  	[tilespmem:s3+$0xA138] =	vst.add.f32.msk $0xffff, v0  }
0x1dc: {  	v0 =	vld [tilespmem:s2+$0xA148];
	_ =	sdelay $0x4  }
0x1dd: {  	[tilespmem:s3+$0xA148] =	vst.add.f32.msk $0xffff, v0  }
0x1de: {  	v0 =	vld [tilespmem:s2+$0xA158];
	_ =	sdelay $0x4  }
0x1df: {  	[tilespmem:s3+$0xA158] =	vst.add.f32.msk $0xffff, v0  }
0x1e0: {  	v0 =	vld [tilespmem:s2+$0xA168]  }
.Ltmp28:
0x1e1: {  	_ = 	snop;
	(pc) =	sbr.rel .LBB2_37-.Ltmp28, $2  }
0x1e2: {  	_ =	sdelay $0x2  }
0x1e3: {  	[tilespmem:s3+$0xA168] =	vst.add.f32.msk $0xffff, v0  }
.LBB2_38:
0x1e4: {  	s0 =	simm.s32 $0x6;
	p1 =	seq.s32 s6, $0x0  }
0x1e5: {  	[sflag:s0] =	ssyncpa.u1 $0x1;
	v0 =	vimm.s32 @p1 $0xFFFFFFFF  }
0x1e6: {  	s0 =	sadd.s32 $0xFFFFFFFF, s6;
	[tilespmem:$0xA938] =	vst @p1 v0  }
0x1e7: {  	v0 =	vld.msk @!p1 [tilespmem:s0+$0xA118], $0x1;
	_ =	sdelay $0x1  }
0x1e8: {  	v1 =	vld.msk @!p1 [tilespmem:$0xA118], $0x1;
	_ =	sdelay $0x2  }
0x1e9: {  	p2 =	seq.s32 @!p1 s0, $0x0;
	v0 =	vbroadcast @!p1 v0, $0x0  }
0x1ea: {  	vm0 =	vmmov @!p1 $0x1;
	p2 =	por !p2, p1  }
0x1eb: {  	v1 =	vnsel @!p1 vm0, $0xFFFFFFFF, v1;
	vm0 =	vcmask @!p1 $0x308;
	v0 =	vpsel !p2, $0xFFFFFFFF, v0  }
0x1ec: {  	p2 =	sne.s32 @!p1 s8, s7;
	v0 =	vsel @!p1 vm0, v1, v0  }
0x1ed: {  	s2 =	simm.s32 @!p1 $0xA138;
	s3 =	simm.s32 @!p1 $0x0;
	p3 =	por !p2, p1;
	[tilespmem:$0xA938] =	vst @!p1 v0  }
0x1ee: {  	[spmem:s3] =	stream.linear.scatter @!p1 [tilespmem:s2], [sflag:$0x1], $0x40, $0x38;
	[tilespmem:$0x1EF88] =	vst v63  }
0x1ef: {  	s2 =	sshll.u32 @!p3 s0, $0x8  }
0x1f0: {  	s2 =	sshra.s32 @!p3 s2, $0x2  }
0x1f1: {  	s3 =	simm.s32 @!p3 $0x40;
	s2 =	sadd.s32 @!p3 $0xA138, s2  }
0x1f2: {  	[spmem:s3] =	stream.linear.scatter @!p3 [tilespmem:s2], [sflag:$0x1], $0x40, $0x38;
	[tilespmem:$0x1EF88] =	vst v63  }
0x1f3: {  	s2 =	simm.s32 @!p3 $0x1  }
0x1f4: {  	_ =	swait.ge @!p3 [sflag:s2], $0x80  }
0x1f5: {  	p1 =	por p2, p1;
	[sflag:s2] =	ssyncset.done @!p3 $0x0  }
0x1f6: {  	[sflag:s2] =	ssyncadd.s32 @!p3 $0xFFFFFF80;
	s2 =	simm.s32 @!p1 $0x1  }
0x1f7: {  	_ =	swait.ge @!p1 [sflag:s2], $0x40  }
0x1f8: {  	s29 =	simm.s32 $0xA938;
	[sflag:s2] =	ssyncset.done @!p1 $0x0  }
0x1f9: {  	s30 =	simm.s32 $0x800;
	s31 =	simm.s32 $0x1;
	[sflag:s2] =	ssyncadd.s32 @!p1 $0xFFFFFFC0  }
0x1fa: {  	[spmem:s30] =	stream.linear.scatter [tilespmem:s29], [sflag:$0x1], $0x10, $0x38;
	[tilespmem:$0x1EF88] =	vst v63  }
0x1fb: {  	_ =	swait.ge [sflag:s31], $0x10  }
0x1fc: {  	[sflag:s31] =	ssyncset.done $0x0  }
0x1fd: {  	p1 =	seq.s32 s13, $0x0;
	s9 =	rddreg [dreg:$0x1];
	[sflag:s31] =	ssyncadd.s32 $0xFFFFFFF0  }
0x1fe: {  	s3 =	sshll.u32 @p1 s9, $0xE;
	s8 =	rddreg [dreg:$0x2]  }
0x1ff: {  	s2 =	sadd.s32 @p1 $0x15C3C, s3;
	s3 =	sshll.u32 @p1 s8, $0x11  }
0x200: {  	_ =	sfence.stream.spmem;
	s2 =	sor.u32 @p1 s3, s2  }
0x201: {  	[sflag:s2] =	ssyncadd.remote.s32 @p1 $0x1;
	s2 =	simm.s32 @p1 $0x4  }
0x202: {  	s4 =	simm.s32 @!p1 $0x3C;
	s3 =	sand.u32 $0xFFFFFFFE, s9;
	_ =	swait.ge @p1 [sflag:s2], $0x12  }
0x203: {  	s5 =	simm.s32 @!p1 $0x0;
	s3 =	sadd.s32 @!p1 $0x4, s3;
	[sflag:s2] =	ssyncset.done @p1 $0x0  }
0x204: {  	s7 =	simm.s32 @!p1 $0x80;
	[sflag:s2] =	ssyncadd.s32 @p1 $0xFFFFFFEE;
	s2 =	sshll.u32 @!p1 s3, $0x1A  }
0x205: {  	s3 =	sshll.u32 @!p1 s3, $0xD;
	s2 =	sor.u32 @!p1 s2, s8;
	_ =	swait.eq @!p1 [sflag:s4], $0x1  }
0x206: {  	s3 =	sor.u32 @!p1 $0x1C04, s3;
	s4 =	simm.s32 @!p1 $0x1C03;
	s2 =	sor.u32 @!p1 $0x80004000, s2  }
0x207: {  	[spmem:s7], [sflag:s3] =	dma.general @!p1 [spmem:s5], [sflag:s4], length:$0x10, [dreg:$0x0], stride_count:$0x0, ici_dest:s2, dma_misc:DstOpCode:WRITE  }
0x208: {  	p2 =	slt.s32 s0, $0x2;
	s5 =	simm.s32 @!p1 $0x100;
	s7 =	simm.s32 @!p1 $0x102  }
0x209: {  	[spmem:s7], [sflag:s3] =	dma.general @!p1 [spmem:s5], [sflag:s4], length:$0x2, [dreg:$0x0], stride_count:$0x0, ici_dest:s2, dma_misc:DstOpCode:WRITE  }
.Ltmp29:
0x20a: {  	s2 =	simm.s32 @!p1 $0x3;
	(pc) =	sbr.rel @p2 .LBB2_42-.Ltmp29, $4  }
0x20b: {  	s3 =	sshll.u32 @!p1 s9, $0xE;
	_ =	swait.ge @!p1 [sflag:s2], $0x12  }
0x20c: {  	s4 =	sshll.u32 @!p1 s8, $0x11;
	s3 =	sadd.s32 @!p1 $0x11C3C, s3;
	[sflag:s2] =	ssyncset.done @!p1 $0x0  }
0x20d: {  	[sflag:s2] =	ssyncadd.s32 @!p1 $0xFFFFFFEE;
	s2 =	sor.u32 @!p1 s4, s3  }
0x20e: {  	s0 =	simm.s32 $0x0;
	[sflag:s2] =	ssyncadd.remote.s32 @!p1 $0xFFFFFFFF  }
0x20f: {  	s0 =	simm.s32 $0xA119  }
0x210: {  	v0 =	vld.msk [tilespmem:s0+$0x0], $0x1;
	_ =	sdelay $0x4  }
0x211: {  	(v2sf) =	vpush v0, $0x0;
	_ =	sdelay $0xc  }
0x212: {  	s2 =	sadd.s32 $0xFFFFFFFE, s6  }
0x213: {  	s2 =	sadd.s32 $0xFFFFFFFF, s2  }
0x214: {  	p2 =	sne.s32 s2, $0x0;
	s3 =	spop (v2sf)  }
.Ltmp30:
0x215: {  	p1 =	sgt.u32 s3, $0x270F8;
	(pc) =	sbr.rel @!p2 .LBB2_41-.Ltmp30, $4  }
0x216: {  	s5 =	simm.s32 $0x0;
	s4 =	sand.u32 @!p1 $0x3FFF8, s3  }
0x217: {  	s0 =	simm.s32 $0xA178;
	s3 =	sand.u32 @!p1 $0x7, s3;
	s4 =	sadd.s32 @!p1 s1, s4  }
0x218: {  	[hbm4b:s4+s3] =	stream.linear.scatter @!p1 [tilespmem:s0], [sflag:$0x5], $0x40, $0x38;
	[tilespmem:$0x1EF88] =	vst v63  }
0x219: {  	s5 =	simm.s32 @!p1 $0x100;
	s3 =	simm.s32 $0x0;
	s4 =	simm.s32 $0xA11A  }
.LBB2_40:
0x21a: {  	v0 =	vld.msk [tilespmem:s4+$0x0], $0x1;
	s2 =	sadd.s32 $0xFFFFFFFF, s2;
	s3 =	sadd.s32 s3, s5  }
0x21b: {  	p1 =	sne.s32 s2, $0x0;
	_ =	sdelay $0x3  }
0x21c: {  	(v2sf) =	vpush v0, $0x0;
	_ =	sdelay $0xe  }
.Ltmp31:
0x21d: {  	s6 =	spop (v2sf);
	(pc) =	sbr.rel @p1 .LBB2_40-.Ltmp31, $4  }
0x21e: {  	s5 =	simm.s32 $0x0;
	p2 =	sgt.u32 s6, $0x270F8  }
0x21f: {  	s0 =	sadd.s32 $0x40, s0;
	s5 =	simm.s32 @!p2 $0x100;
	s7 =	sand.u32 @!p2 $0x3FFF8, s6  }
0x220: {  	s4 =	sadd.s32 $0x1, s4;
	s6 =	sand.u32 @!p2 $0x7, s6;
	s7 =	sadd.s32 @!p2 s1, s7  }
0x221: {  	[hbm4b:s7+s6] =	stream.linear.scatter @!p2 [tilespmem:s0], [sflag:$0x5], $0x40, $0x38;
	[tilespmem:$0x1EF88] =	vst v63  }
.LBB2_41:
0x222: {  	s0 =	sadd.s32 s3, s5  }
0x223: {  	s0 =	sshrl.u32 s0, $0x2  }
.LBB2_42:
0x224: {  	s2 =	simm.s32 $0x5  }
0x225: {  	_ =	swait.ge [sflag:s2], s0  }
0x226: {  	s31 =	ssub.s32 $0x0, s0;
	[sflag:s2] =	ssyncset.done $0x0  }
0x227: {  	[sflag:s2] =	ssyncadd.s32 s31  }
0x228: {  	[sflag:s2] =	ssyncpa.u1 $0x1  }
.LBB2_43:
0x229: {  	s0 =	sor.u32 s13, s14  }
0x22a: {  	p1 =	sne.s32 s0, $0x0  }
.Ltmp32:
0x22b: {  	_ = 	snop;
	(pc) =	sbr.rel @p1 .LBB2_58-.Ltmp32, $3  }
0x22c: {  	_ =	sdelay $0x1  }
0x22d: {  	[bflag:$0x0] =	sbarrier.arrive $0xFFFF  }
0x22e: {  	_ =	sfence  }
0x22f: {  	s2 =	simm.s32 $0x7  }
0x230: {  	s0 =	simm.s32 $0x800;
	s3 =	simm.s32 $0xA118;
	[sflag:s2] =	ssyncpa.u1 $0x0  }
0x231: {  	[tilespmem:s3], [sflag:$0x7] =	stream.linear.gather [spmem:s0], $0x20, $0x38;
	[tilespmem:$0x1EF88] =	vst v63  }
0x232: {  	s30 =	simm.s32 $0xA138;
	s0 =	simm.s32 $0x0  }
0x233: {  	[tilespmem:s30], [sflag:$0x7] =	stream.linear.gather [spmem:s0], $0x800, $0x38;
	[tilespmem:$0x1EF88] =	vst v63  }
.Ltmp33:
0x234: {  	_ = 	snop;
	(pc) =	sbr.rel .LBB2_45-.Ltmp33, $4  }
0x235: {  	_ =	swait.ge [sflag:s2], $0x820  }
0x236: {  	[sflag:s2] =	ssyncset.done $0x0  }
0x237: {  	s31 =	simm.s32 $0x8;
	[sflag:s2] =	ssyncadd.s32 $0xFFFFF7E0  }
0x238: {  	s2 =	simm.s32 $0x0;
	[sflag:s31] =	ssyncpa.u1 $0x0  }
.LBB2_51:
0x239: {  	p1 =	slt.u32 s3, $0x270F9  }
0x23a: {  	s4 =	sand.u32 @p1 $0x3FFF8, s3  }
0x23b: {  	s3 =	sand.u32 @p1 $0x7, s3;
	s5 =	simm.s32 @p1 $0xA0C8;
	s4 =	sadd.s32 @p1 s1, s4  }
0x23c: {  	[tilespmem:s5], [sflag:$0x8] =	stream.linear.gather @p1 [hbm4b:s4+s3], $0x40, $0x38;
	[tilespmem:$0x1EF88] =	vst v63  }
0x23d: {  	s3 =	simm.s32 @p1 $0x8  }
0x23e: {  	_ =	swait.ge @p1 [sflag:s3], $0x40  }
0x23f: {  	[sflag:s3] =	ssyncset.done @p1 $0x0  }
0x240: {  	[sflag:s3] =	ssyncadd.s32 @p1 $0xFFFFFFC0  }
0x241: {  	v1 =	vld @p1 [tilespmem:$0xA0C8];
	_ =	sdelay $0x2  }
0x242: {  	s3 =	sshll.u32 @p1 s2, $0x8  }
0x243: {  	s4 =	sshrl.u32 @p1 s3, $0x2  }
0x244: {  	[tilespmem:s4+$0xA138] =	vst.add.f32.msk @p1 $0xffff, v1  }
0x245: {  	v1 =	vld @p1 [tilespmem:$0xA0D8];
	_ =	sdelay $0x4  }
0x246: {  	[tilespmem:s4+$0xA148] =	vst.add.f32.msk @p1 $0xffff, v1  }
0x247: {  	v1 =	vld @p1 [tilespmem:$0xA0E8];
	_ =	sdelay $0x4  }
0x248: {  	[tilespmem:s4+$0xA158] =	vst.add.f32.msk @p1 $0xffff, v1  }
0x249: {  	v1 =	vld @p1 [tilespmem:$0xA0F8];
	_ =	sdelay $0x3  }
0x24a: {  	s5 =	sshll.u32 @!p1 s2, $0x8  }
0x24b: {  	s5 =	smov.u32 @p1 s3;
	[tilespmem:s4+$0xA168] =	vst.add.f32.msk @p1 $0xffff, v1  }
0x24c: {  	s3 =	sshrl.u32 s5, $0x2;
	[tilespmem:s0+$0xA118] =	vst.msk $0x1, v0  }
0x24d: {  	v0 =	vld [tilespmem:s3+$0xA138];
	_ =	sdelay $0x2  }
0x24e: {  	s31 =	sshll.u32 s0, $0x8  }
0x24f: {  	s4 =	sshra.s32 s31, $0x2  }
0x250: {  	[tilespmem:s4+$0xA138] =	vst v0  }
0x251: {  	v0 =	vld [tilespmem:s3+$0xA148];
	_ =	sdelay $0x4  }
0x252: {  	[tilespmem:s4+$0xA148] =	vst v0  }
0x253: {  	v0 =	vld [tilespmem:s3+$0xA158];
	_ =	sdelay $0x4  }
0x254: {  	[tilespmem:s4+$0xA158] =	vst v0  }
0x255: {  	v0 =	vld [tilespmem:s3+$0xA168];
	_ =	sdelay $0x4  }
0x256: {  	s0 =	sadd.s32 $0x1, s0;
	[tilespmem:s4+$0xA168] =	vst v0  }
.LBB2_52:
0x257: {  	s2 =	sadd.s32 $0x1, s2  }
0x258: {  	p1 =	sne.s32 s2, $0x20  }
.Ltmp34:
0x259: {  	_ = 	snop;
	(pc) =	sbr.rel @!p1 .LBB2_53-.Ltmp34, $1  }
0x25a: {  	_ =	sdelay $0x3  }
.LBB2_45:
0x25b: {  	v0 =	vld.msk [tilespmem:s2+$0xA118], $0x1;
	_ =	sdelay $0x4  }
0x25c: {  	(v2sf) =	vpush v0, $0x0;
	_ =	sdelay $0xe  }
0x25d: {  	s3 =	spop (v2sf)  }
0x25e: {  	p1 =	seq.s32 s3, $0xFFFFFFFF  }
.Ltmp35:
0x25f: {  	_ = 	snop;
	(pc) =	sbr.rel @p1 .LBB2_52-.Ltmp35, $1  }
0x260: {  	_ =	sdelay $0x3  }
0x261: {  	p1 =	slt.s32 s0, $0x1  }
.Ltmp36:
0x262: {  	_ = 	snop;
	(pc) =	sbr.rel @p1 .LBB2_51-.Ltmp36, $1  }
0x263: {  	_ =	sdelay $0x3  }
0x264: {  	s4 =	simm.s32 $0xA118;
	p1 =	por $0x0, $0x0  }
0x265: {  	v1 =	vld.msk @!p1 [tilespmem:s4+$0x0], $0x1;
	_ =	sdelay $0x4  }
0x266: {  	(v2sf) =	vpush @!p1 v1, $0x0;
	_ =	sdelay $0xd  }
0x267: {  	p3 =	sne.s32 s0, $0x1  }
.Ltmp37:
0x268: {  	s5 =	spop @!p1 (v2sf);
	(pc) =	sbr.rel @!p3 .LBB2_49-.Ltmp37, $4  }
0x269: {  	p2 =	seq.s32 @!p1 s3, s5  }
0x26a: {  	s5 =	simm.s32 $0x0;
	p2 =	por !p2, p1  }
0x26b: {  	s7 =	simm.s32 $0xFFFFFFFF;
	s5 =	simm.s32 @p2 $0xFFFFFFFF  }
0x26c: {  	s6 =	simm.s32 $0x1;
	s5 =	smov.u32 @p1 s7  }
.LBB2_48:
0x26d: {  	s7 =	smov.u32 s5;
	p1 =	sne.s32 s5, $0xFFFFFFFF  }
0x26e: {  	s4 =	sadd.s32 $0x1, s4;
	s5 =	smov.u32 s6;
	s6 =	sadd.s32 $0x1, s6  }
0x26f: {  	p2 =	sne.s32 s0, s6;
	v1 =	vld.msk @!p1 [tilespmem:s4+$0x0], $0x1;
	_ =	sdelay $0x4  }
0x270: {  	(v2sf) =	vpush @!p1 v1, $0x0;
	_ =	sdelay $0xe  }
.Ltmp38:
0x271: {  	s8 =	spop @!p1 (v2sf);
	(pc) =	sbr.rel @p2 .LBB2_48-.Ltmp38, $4  }
0x272: {  	p3 =	seq.s32 @!p1 s3, s8  }
0x273: {  	p3 =	por !p3, p1  }
0x274: {  	s5 =	simm.s32 @p3 $0xFFFFFFFF  }
0x275: {  	s5 =	smov.u32 @p1 s7  }
.LBB2_49:
0x276: {  	p1 =	seq.s32 s5, $0xFFFFFFFF  }
.Ltmp39:
0x277: {  	_ = 	snop;
	(pc) =	sbr.rel @p1 .LBB2_51-.Ltmp39, $1  }
0x278: {  	_ =	sdelay $0x3  }
0x279: {  	s3 =	sshll.u32 s2, $0x6  }
0x27a: {  	s3 =	sand.u32 $0x3FFFFFC0, s3  }
0x27b: {  	v0 =	vld [tilespmem:s3+$0xA138];
	_ =	sdelay $0x2  }
0x27c: {  	s4 =	sshll.u32 s5, $0x8  }
0x27d: {  	s4 =	sshra.s32 s4, $0x2  }
0x27e: {  	[tilespmem:s4+$0xA138] =	vst.add.f32.msk $0xffff, v0  }
0x27f: {  	v0 =	vld [tilespmem:s3+$0xA148];
	_ =	sdelay $0x4  }
0x280: {  	[tilespmem:s4+$0xA148] =	vst.add.f32.msk $0xffff, v0  }
0x281: {  	v0 =	vld [tilespmem:s3+$0xA158];
	_ =	sdelay $0x4  }
0x282: {  	[tilespmem:s4+$0xA158] =	vst.add.f32.msk $0xffff, v0  }
0x283: {  	v0 =	vld [tilespmem:s3+$0xA168]  }
.Ltmp40:
0x284: {  	_ = 	snop;
	(pc) =	sbr.rel .LBB2_52-.Ltmp40, $2  }
0x285: {  	_ =	sdelay $0x2  }
0x286: {  	[tilespmem:s4+$0xA168] =	vst.add.f32.msk $0xffff, v0  }
.LBB2_53:
0x287: {  	p1 =	slt.s32 s0, $0x1  }
.Ltmp41:
0x288: {  	_ = 	snop;
	(pc) =	sbr.rel @p1 .LBB2_57-.Ltmp41, $3  }
0x289: {  	_ =	sdelay $0x1  }
0x28a: {  	s2 =	simm.s32 $0x8  }
0x28b: {  	[sflag:s2] =	ssyncpa.u1 $0x1;
	s2 =	simm.s32 $0x0  }
0x28c: {  	s3 =	simm.s32 $0xA118  }
0x28d: {  	v0 =	vld.msk [tilespmem:s3+$0x0], $0x1;
	_ =	sdelay $0x4  }
0x28e: {  	(v2sf) =	vpush v0, $0x0;
	_ =	sdelay $0xe  }
0x28f: {  	s0 =	sadd.s32 $0xFFFFFFFF, s0;
	s4 =	spop (v2sf)  }
0x290: {  	p2 =	sne.s32 s0, $0x0;
	p1 =	sgt.u32 s4, $0x270F8  }
.Ltmp42:
0x291: {  	s5 =	sand.u32 @!p1 $0x3FFF8, s4;
	(pc) =	sbr.rel @!p2 .LBB2_56-.Ltmp42, $4  }
0x292: {  	s3 =	simm.s32 $0xA138;
	s4 =	sand.u32 @!p1 $0x7, s4;
	s5 =	sadd.s32 @!p1 s1, s5  }
0x293: {  	[hbm4b:s5+s4] =	stream.linear.scatter @!p1 [tilespmem:s3], [sflag:$0x7], $0x40, $0x38;
	[tilespmem:$0x1EF88] =	vst v63  }
0x294: {  	s5 =	simm.s32 $0x0  }
0x295: {  	s4 =	simm.s32 $0xA119;
	s5 =	simm.s32 @!p1 $0x100  }
.LBB2_55:
0x296: {  	v0 =	vld.msk [tilespmem:s4+$0x0], $0x1;
	s0 =	sadd.s32 $0xFFFFFFFF, s0;
	s2 =	sadd.s32 s2, s5  }
0x297: {  	p1 =	sne.s32 s0, $0x0;
	_ =	sdelay $0x3  }
0x298: {  	(v2sf) =	vpush v0, $0x0;
	_ =	sdelay $0xe  }
.Ltmp43:
0x299: {  	s6 =	spop (v2sf);
	(pc) =	sbr.rel @p1 .LBB2_55-.Ltmp43, $4  }
0x29a: {  	s5 =	simm.s32 $0x0;
	p2 =	sgt.u32 s6, $0x270F8  }
0x29b: {  	s3 =	sadd.s32 $0x40, s3;
	s5 =	simm.s32 @!p2 $0x100;
	s7 =	sand.u32 @!p2 $0x3FFF8, s6  }
0x29c: {  	s4 =	sadd.s32 $0x1, s4;
	s6 =	sand.u32 @!p2 $0x7, s6;
	s7 =	sadd.s32 @!p2 s1, s7  }
0x29d: {  	[hbm4b:s7+s6] =	stream.linear.scatter @!p2 [tilespmem:s3], [sflag:$0x7], $0x40, $0x38;
	[tilespmem:$0x1EF88] =	vst v63  }
.LBB2_56:
0x29e: {  	s0 =	sadd.s32 s2, s5  }
0x29f: {  	s2 =	sshrl.u32 s0, $0x2  }
.LBB2_57:
0x2a0: {  	s0 =	simm.s32 $0x7  }
0x2a1: {  	_ =	swait.ge [sflag:s0], s2  }
0x2a2: {  	s1 =	ssub.s32 $0x0, s2;
	[sflag:s0] =	ssyncset.done $0x0  }
0x2a3: {  	[sflag:s0] =	ssyncadd.s32 s1  }
0x2a4: {  	[sflag:s0] =	ssyncpa.u1 $0x1  }
.LBB2_58:
0x2a5: {  	_ =	sfence;
	s0 =	simm.s32 $0x1  }
0x2a6: {  	[sflag:s0] =	ssyncpa.u1 $0x1  }
0x2a7: {  	_ =	strace $0x9000004D  }
0x2a8: {  	[bflag:$0x2] =	sbarrier.arrive $0xFFFF  }
0x2a9: {  	s0 =	rddreg [dreg:$0x3]  }
0x2aa: {  	s0 =	sadd.s32 @!p0 $0x100000, s0  }
0x2ab: {  	[sflag:s0] =	ssyncadd.tile.s32 @!p0 $0x1;
	_ =	shalt  }
.Lfunc_end2:
_tile_overlayer_lowered:
.L_overlay_start_2:
0x2ac: {  	(tag) =	ssettag $0x2  }
0x2ad: {  	s0 =	rddreg [dreg:$0x0];
	s2 =	stileid.u32  }
0x2ae: {  	s1 =	rddreg [dreg:$0x1];
	p0 =	sne.s32 s2, $0x0  }
0x2af: {  	s3 =	rddreg [dreg:$0x2];
	[bflag:$0x3] =	sbarrier.arrive $0xFFFF;
	s2 =	simm.s32 @!p0 $0x1C01  }
0x2b0: {  	[timem:s3], [sflag:s2] =	dma.local @!p0 [hbm:s0], s1  }
0x2b1: {  	s0 =	simm.s32 @!p0 $0x1  }
0x2b2: {  	_ =	swait.ge @!p0 [sflag:s0], s1  }
0x2b3: {  	s1 =	ssub.s32 @!p0 $0x0, s1;
	[sflag:s0] =	ssyncset.done @!p0 $0x0  }
0x2b4: {  	[sflag:s0] =	ssyncadd.s32 @!p0 s1  }
0x2b5: {  	[bflag:$0x3] =	sbarrier.arrive $0xFFFF  }
0x2b6: {  	_ =	shalt  }

// kernel: scatter_offload_async_start.2
scs
__scs_entry_jumppad:
0x0: {  	(pc) =	sbr.rel $0x88, $3  }
0x1: {  	(tag) =	ssettag $0x0;
	lr =	simm.s32 $0x1  }
0x2: {  	[smem:$0x3F91] =	sst lr;
	_ =	strace $0xD0000000  }
0x3: {  	_ = 	snop  }
0x4: {  	_ = 	snop  }
0x5: {  	_ = 	snop  }
0x6: {  	_ = 	snop  }
0x7: {  	_ = 	snop  }
__scs_overlays_trampoline_lowered:
0x8: {  	[smem:$0x3FA0] =	sst s0  }
0x9: {  	[smem:$0x3FA1] =	sst s1  }
0xa: {  	[smem:$0x3FA2] =	sst s2  }
0xb: {  	[smem:$0x3FA3] =	sst s3  }
0xc: {  	[smem:$0x3FA4] =	sst s4  }
0xd: {  	[smem:$0x3FA5] =	sst s5  }
0xe: {  	[smem:$0x3FA6] =	sst s6  }
0xf: {  	[smem:$0x3FA7] =	sst s7  }
0x10: {  	[smem:$0x3FA8] =	sst s8  }
0x11: {  	[smem:$0x3FA9] =	sst s9;
	s0 =	simm.s32 @!p0 $0x0  }
0x12: {  	s1 =	sld [smem:$0x3F8F];
	s0 =	simm.s32 @p0 $0x1  }
0x13: {  	[smem:$0x3FAA] =	sst s0;
	s0 =	simm.s32 @!p1 $0x0  }
0x14: {  	s2 =	sld [smem:$0x3F8E];
	s0 =	simm.s32 @p1 $0x1  }
0x15: {  	[smem:$0x3FAB] =	sst s0;
	s0 =	simm.s32 @!p2 $0x0  }
0x16: {  	s3 =	sld [smem:$0x3FDB];
	s0 =	simm.s32 @p2 $0x1  }
0x17: {  	s4 =	simm.s32 $0x1BF5;
	[smem:$0x3FAD] =	sst s0  }
0x18: {  	s0 =	sld [smem:$0x3F90];
	_ =	swait.ge [sflag:s4], $0x0  }
0x19: {  	s7 =	sld [smem:$0x3F91]  }
0x1a: {  	s8 =	sadd.s32 $0xFFFFE003, lr  }
0x1b: {  	s9 =	sadd.s32 $0xFFFFFEF7, lr;
	s5 =	simm.s32 $0xFFFFFFFF;
	p2 =	slt.u32 s8, $0xFFFFF086  }
0x1c: {  	p1 =	slt.u32 s9, $0xF7A;
	s5 =	simm.s32 @!p2 $0x0  }
0x1d: {  	s5 =	simm.s32 @p1 $0x1;
	p0 =	seq.s32 s7, s2  }
0x1e: {  	s7 =	smul.u32 @!p0 $0xF7A, s2;
	p2 =	seq.s32 @!p0 s5, $0x0  }
0x1f: {  	s9 =	smul.u32 $0xF7A, s1;
	s8 =	simm.s32 @!p0 $0x1BF5;
	p2 =	por !p2, p0  }
0x20: {  	[sflag:s8] =	ssyncset.s32 @!p0 $0xFFFFF086;
	s6 =	sadd.s32 @!p0 s3, s7;
	s7 =	simm.s32 @!p0 $0x108  }
0x21: {  	s3 =	sadd.s32 s3, s9;
	s6 =	sadd.s32 @!p0 $0x88, s6;
	s7 =	simm.s32 @p2 $0x1082  }
0x22: {  	[simem:s7], [sflag:s8] =	dma.local @!p0 [hbm:s6], $0xF7A  }
0x23: {  	s9 =	sor.u32 $0xD0000000, s2;
	s6 =	simm.s32 $0x108;
	_ =	swait.ge @!p0 [sflag:s8], $0x0  }
0x24: {  	s3 =	sadd.s32 $0x88, s3;
	s6 =	simm.s32 @!p1 $0x1082;
	[sflag:s4] =	ssyncset.s32 $0xFFFFF086  }
0x25: {  	[simem:s6], [sflag:s4] =	dma.local [hbm:s3], $0xF7A  }
0x26: {  	[smem:$0x3F91] =	sst s1;
	(tag) =	ssettag s2;
	_ =	strace s9  }
0x27: {  	s1 =	sld [smem:$0x3FA1]  }
0x28: {  	s2 =	sld [smem:$0x3FA2]  }
0x29: {  	s4 =	sld [smem:$0x3FA4]  }
0x2a: {  	p0 =	seq.s32 s5, $0x0;
	s5 =	sld [smem:$0x3FA5]  }
0x2b: {  	s6 =	sld [smem:$0x3FA6]  }
0x2c: {  	s7 =	sld [smem:$0x3FA7]  }
0x2d: {  	s3 =	simm.s32 $0x108;
	s8 =	sld [smem:$0x3FA8]  }
0x2e: {  	s3 =	simm.s32 @!p0 $0x1082;
	s9 =	sld [smem:$0x3FA9]  }
0x2f: {  	lr =	sadd.s32 s0, s3;
	s0 =	sld [smem:$0x3FA0]  }
0x30: {  	s3 =	sld [smem:$0x3FA3]  }
0x31: {  	[smem:$0x3FAC] =	sst s10  }
0x32: {  	s10 =	sld [smem:$0x3FAA];
	_ =	sdelay $0x3  }
0x33: {  	p0 =	seq.s32 s10, $0x1;
	s10 =	sld [smem:$0x3FAC];
	_ =	sdelay $0x3  }
0x34: {  	[smem:$0x3FAC] =	sst s10  }
0x35: {  	s10 =	sld [smem:$0x3FAB];
	_ =	sdelay $0x3  }
0x36: {  	p1 =	seq.s32 s10, $0x1;
	s10 =	sld [smem:$0x3FAC];
	_ =	sdelay $0x3  }
0x37: {  	[smem:$0x3FAC] =	sst s10  }
0x38: {  	s10 =	sld [smem:$0x3FAD]  }
0x39: {  	_ = 	snop;
	(pc) =	sbr.ind lr, $3  }
0x3a: {  	_ = 	snop  }
0x3b: {  	_ = 	snop  }
0x3c: {  	p2 =	seq.s32 s10, $0x1;
	s10 =	sld [smem:$0x3FAC]  }
0x3d: {  	_ =	shalt  }
0x3e: {  	_ =	shalt  }
0x3f: {  	_ =	shalt  }
0x40: {  	_ =	shalt  }
0x41: {  	_ =	shalt  }
0x42: {  	_ =	shalt  }
0x43: {  	_ =	shalt  }
0x44: {  	_ =	shalt  }
0x45: {  	_ =	shalt  }
0x46: {  	_ =	shalt  }
0x47: {  	_ =	shalt  }
0x48: {  	_ =	shalt  }
0x49: {  	_ =	shalt  }
0x4a: {  	_ =	shalt  }
0x4b: {  	_ =	shalt  }
0x4c: {  	_ =	shalt  }
0x4d: {  	_ =	shalt  }
0x4e: {  	_ =	shalt  }
0x4f: {  	_ =	shalt  }
0x50: {  	_ =	shalt  }
0x51: {  	_ =	shalt  }
0x52: {  	_ =	shalt  }
0x53: {  	_ =	shalt  }
0x54: {  	_ =	shalt  }
0x55: {  	_ =	shalt  }
0x56: {  	_ =	shalt  }
0x57: {  	_ =	shalt  }
0x58: {  	_ =	shalt  }
0x59: {  	_ =	shalt  }
0x5a: {  	_ =	shalt  }
0x5b: {  	_ =	shalt  }
0x5c: {  	_ =	shalt  }
0x5d: {  	_ =	shalt  }
0x5e: {  	_ =	shalt  }
0x5f: {  	_ =	shalt  }
0x60: {  	_ =	shalt  }
0x61: {  	_ =	shalt  }
0x62: {  	_ =	shalt  }
0x63: {  	_ =	shalt  }
0x64: {  	_ =	shalt  }
0x65: {  	_ =	shalt  }
0x66: {  	_ =	shalt  }
0x67: {  	_ =	shalt  }
0x68: {  	_ =	shalt  }
0x69: {  	_ =	shalt  }
0x6a: {  	_ =	shalt  }
0x6b: {  	_ =	shalt  }
0x6c: {  	_ =	shalt  }
0x6d: {  	_ =	shalt  }
0x6e: {  	_ =	shalt  }
0x6f: {  	_ =	shalt  }
0x70: {  	_ =	shalt  }
0x71: {  	_ =	shalt  }
0x72: {  	_ =	shalt  }
0x73: {  	_ =	shalt  }
0x74: {  	_ =	shalt  }
0x75: {  	_ =	shalt  }
0x76: {  	_ =	shalt  }
0x77: {  	_ =	shalt  }
0x78: {  	_ =	shalt  }
0x79: {  	_ =	shalt  }
0x7a: {  	_ =	shalt  }
0x7b: {  	_ =	shalt  }
0x7c: {  	_ =	shalt  }
0x7d: {  	_ =	shalt  }
0x7e: {  	_ =	shalt  }
0x7f: {  	_ =	shalt  }
0x80: {  	_ =	shalt  }
0x81: {  	_ =	shalt  }
0x82: {  	_ =	shalt  }
0x83: {  	_ =	shalt  }
0x84: {  	_ =	shalt  }
0x85: {  	_ =	shalt  }
0x86: {  	_ =	shalt  }
0x87: {  	_ =	shalt  }
.Lfunc_end0:
.L_simem_size_0:
called_computation.2_lowered:
.L_overlay_start_0:
0x88: {  	s2 =	sld [smem:$0x3FD9]  }
0x89: {  	s3 =	sld [smem:$0x3FFE];
	_ =	sdelay $0x1  }
0x8a: {  	s1 =	srdreg.scid  }
0x8b: {  	s0 =	sand.u32 $0x1, s1  }
0x8c: {  	s15 =	sshll.u32 s0, $0xA;
	s2 =	sadd.s32 s3, s2  }
0x8d: {  	s2 =	sadd.s32 s2, s15  }
0x8e: {  	[smem:$0x3FB8] =	sst s2  }
0x8f: {  	_ = 	snop  }
0x90: {  	(tm) =	ssettm $0x1  }
0x91: {  	s16 =	sld [smem:$0x3FFB];
	_ =	sdelay $0x3  }
0x92: {  	_ =	strace s16  }
0x93: {  	s2 =	sld [smem:$0x3FFC];
	_ =	sdelay $0x3  }
0x94: {  	_ =	strace s2  }
0x95: {  	s2 =	sld [smem:$0x3FFD];
	_ =	sdelay $0x3  }
0x96: {  	_ =	strace s2  }
0x97: {  	_ =	strace $0x8FFFFFFF  }
0x98: {  	s17 =	sld [smem:$0x3FDB];
	_ =	sdelay $0x1  }
0x99: {  	s18 =	simm.s32 $_scs_section_size  }
0x9a: {  	s4 =	simm.s32 $_size__tile_overlayer_lowered;
	s5 =	simm.s32 $_tile_overlayer_lowered  }
0x9b: {  	s21 =	simm.s32 $0x1BFF;
	s20 =	sshll.u32 s5, $0x1;
	s2 =	sadd.s32 s18, s17  }
0x9c: {  	s6 =	simm.s32 $0x0;
	s19 =	sshll.u32 s4, $0x1;
	s4 =	sadd.s32 s20, s2  }
0x9d: {  	[timem:s6], [sflag:s21] =	dma.local [hbm:s4], s19  }
0x9e: {  	_ =	swait.ge [sflag:s21], s19  }
0x9f: {  	s3 =	ssub.s32 $0x0, s19;
	[sflag:s21] =	ssyncset.done $0x0  }
0xa0: {  	[sflag:s21] =	ssyncadd.s32 s3;
	_ =	sdelay $0x1  }
0xa1: {  	s22 =	simm.s32 $0x1B8B  }
0xa2: {  	_ =	swait.ge [sflag:s22], $0x1  }
0xa3: {  	[sflag:s22] =	ssyncset.done $0x0  }
0xa4: {  	s23 =	sld [smem:$0x3FFE];
	[sflag:s22] =	ssyncadd.s32 $0xFFFFFFFF  }
0xa5: {  	s25 =	simm.s32 $0x1B8E;
	s24 =	sld [smem:$0x0]  }
0xa6: {  	s26 =	simm.s32 $execute0_lowered;
	[smem:$0x3FD2] =	sst s25  }
0xa7: {  	s5 =	sshll.u32 s26, $0x1;
	_ =	strace $0x8000004F;
	[dreg:$0x1] =	wrdreg $0xFFFFFFFF  }
0xa8: {  	s28 =	simm.s32 $_size_execute0_lowered;
	s2 =	sadd.s32 s2, s5;
	[dreg:$0x0] =	wrdreg $0x0  }
0xa9: {  	s5 =	sshll.u32 s28, $0x1;
	[dreg:$0x2] =	wrdreg s2  }
0xaa: {  	[dreg:$0x3] =	wrdreg s5  }
0xab: {  	[dreg:$0x4] =	wrdreg $0xC0  }
0xac: {  	_ =	task [dreg:s6], $0x5FFFF  }
0xad: {  	[dreg:$0x1] =	wrdreg $0xFFFFFFFF  }
0xae: {  	[dreg:$0x0] =	wrdreg $0x60  }
0xaf: {  	[dreg:$0x2] =	wrdreg s23  }
0xb0: {  	[dreg:$0x3] =	wrdreg s1  }
0xb1: {  	[dreg:$0x4] =	wrdreg s24  }
0xb2: {  	[dreg:$0x5] =	wrdreg $0x9  }
0xb3: {  	_ =	task.clear_ibuf [dreg:s6], $0x6FFFF;
	_ =	strace $0x9000004F  }
0xb4: {  	s29 =	simm.s32 $0x9;
	_ =	strace $0x80000051  }
0xb5: {  	_ =	swait.ge [sflag:s29], $0x1  }
0xb6: {  	[sflag:s29] =	ssyncadd.s32 $0xFFFFFFFF  }
0xb7: {  	_ =	strace $0x90000051  }
0xb8: {  	_ =	sfence  }
0xb9: {  	s30 =	sld [smem:$0x0];
	_ =	sdelay $0x2  }
0xba: {  	s31 =	sshll.u32 s1, $0xD;
	s1 =	sshrl.u32 s1, $0x2  }
0xbb: {  	s3 =	sand.u32 $0x4000, s31;
	s1 =	sadd.s32 s1, s30  }
0xbc: {  	s0 =	sor.u32 s3, s0;
	s1 =	sshll.u32 s1, $0x11  }
0xbd: {  	s0 =	sor.u32 s1, s0  }
0xbe: {  	s0 =	sadd.s32 $0x8F2B, s0  }
0xbf: {  	[sflag:s0] =	ssyncadd.remote.s32 $0x1  }
0xc0: {  	_ =	sfence.sel $0xFFFF  }
0xc1: {  	[dreg:$0x0] =	wrdreg $0xFFFFFFFF;
	(pc) =	sbr.abs _section_cstart, $3  }
0xc2: {  	[dreg:$0x1] =	wrdreg $0xFFFFFFFF  }
0xc3: {  	_ =	task.clear_ibuf [dreg:s6], $0x2FFFF;
	_ =	strace $0x9FFFFFFF  }
0xc4: {  	(tm) =	ssettm $0x7FFFFFFF  }
0xc5: {  	_ =	shalt  }
tec
execute0_lowered:
.L_overlay_start_1:
0x0: {  	(tag) =	ssettag $0x1  }
0x1: {  	s2 =	rddreg [dreg:$0x0]  }
0x2: {  	s4 =	rddreg [dreg:$0x1];
	_ =	strace $0x80000050;
	s0 =	simm.s32 $0x1  }
0x3: {  	s3 =	simm.s32 $0x88;
	v0 =	vimm.s32 $0x0;
	[sflag:s0] =	ssyncpa.u1 $0x0  }
0x4: {  	[tilespmem:s3+$0x30] =	vst v0  }
0x5: {  	s1 =	sadd.s32 $0x47000, s2;
	s0 =	sadd.s32 $0x33400, s2;
	s6 =	sadd.s32 $0x6E200, s2;
	[tilespmem:s3+$0x20] =	vst v0  }
0x6: {  	s2 =	sadd.s32 $0x3D200, s2;
	s7 =	sand.u32 $0x1, s4;
	s4 =	simm.s32 $0x40;
	[tilespmem:s3+$0x10] =	vst v0  }
.LBB2_1:
0x7: {  	s4 =	sadd.s32 $0x40, s4  }
0x8: {  	[tilespmem:s3+$0x0] =	vst v0;
	s3 =	sadd.s32 $0x40, s3;
	p0 =	slt.u32 s4, $0x5040  }
.Ltmp0:
0x9: {  	(pc) =	sbr.rel @p0 .LBB2_1-.Ltmp0, $4  }
0xa: {  	_ = 	snop  }
0xb: {  	[tilespmem:s3+$0x30] =	vst v0  }
0xc: {  	[tilespmem:s3+$0x20] =	vst v0  }
0xd: {  	[tilespmem:s3+$0x10] =	vst v0  }
0xe: {  	s8 =	stileid.u32  }
0xf: {  	s4 =	smul.u32 $0x1F, s8  }
0x10: {  	s5 =	smin.u32 s8, $0x4  }
0x11: {  	s4 =	sadd.s32 s5, s4  }
0x12: {  	p0 =	slt.u32 s8, $0x4;
	s12 =	smul.u32 $0x140, s4;
	s4 =	simm.s32 $0x2800  }
0x13: {  	s4 =	simm.s32 @!p0 $0x26C0  }
0x14: {  	s25 =	simm.s32 $0x2;
	s4 =	sadd.s32 s4, s12  }
0x15: {  	s28 =	simm.s32 $0x9;
	s9 =	simm.s32 $0xA;
	s14 =	smin.u32 s4, $0x27100  }
0x16: {  	s30 =	simm.s32 $0xB;
	[dreg:$0x4] =	wrdreg s7;
	s4 =	ssub.s32 s14, s12  }
0x17: {  	s31 =	smul.u32 $0x4E20, s7;
	s13 =	simm.s32 $0x1;
	p0 =	sgt.s32 s4, $0x0  }
0x18: {  	s19 =	simm.s32 $0x0;
	s20 =	simm.s32 $0xA808;
	s4 =	simm.s32 @!p0 $0x0  }
0x19: {  	s21 =	simm.s32 $0xFFFFFFFF;
	p1 =	por $0x0, $0x0;
	s26 =	smulhi.u32 $0x66666667, s4  }
0x1a: {  	[tilespmem:s3+$0x0] =	vst v0;
	s23 =	simm.s32 $0x0;
	[sflag:s25] =	ssyncpa.u1 $0x0;
	s18 =	sshll.u32 s8, $0x7  }
0x1b: {  	s0 =	sadd.s32 s31, s0;
	[dreg:$0xa] =	wrdreg s18;
	s3 =	sshrl.u32 s26, $0x7  }
0x1c: {  	v0 =	vimm.s32 $0xFFFFFFFF;
	s17 =	sadd.s32 s31, s2;
	[dreg:$0x9] =	wrdreg s0;
	s29 =	smul.u32 $0x140, s3  }
0x1d: {  	s25 =	simm.s32 $0x0;
	[tilespmem:$0xA108] =	vst v0;
	[sflag:s28] =	ssyncpa.u1 $0x0;
	[dreg:$0x8] =	wrdreg s17  }
.Ltmp1:
0x1e: {  	p0 =	sne.s32 s4, s29;
	s4 =	simm.s32 $0x1;
	(pc) =	sbr.rel .LBB2_3-.Ltmp1, $4  }
0x1f: {  	[sflag:s9] =	ssyncpa.u1 $0x0;
	[dreg:$0x5] =	wrdreg s12;
	s4 =	simm.s32 @!p0 $0x0  }
0x20: {  	[sflag:s30] =	ssyncpa.u1 $0x0;
	[dreg:$0x6] =	wrdreg s14;
	s15 =	sadd.s32 s4, s3  }
0x21: {  	s24 =	smov.u32 s12;
	s22 =	sadd.s32 $0x1, s15;
	[dreg:$0x7] =	wrdreg s15  }
0x22: {  	v0 =	vlaneseq.u32;
	s26 =	simm.s32 $0x0;
	p0 =	por $0x1, $0x1;
	[dreg:$0xb] =	wrdreg s22  }
.LBB2_22:
0x23: {  	s0 =	sshrl.u32 s3, $0x2  }
.LBB2_24:
0x24: {  	s3 =	simm.s32 $0xC  }
0x25: {  	_ =	swait.ge [sflag:s3], s0  }
0x26: {  	s31 =	ssub.s32 $0x0, s0;
	v1 =	vmov s4;
	vm0 =	veq.s32 v0, $0x0;
	[sflag:s3] =	ssyncset.done $0x0  }
0x27: {  	vm15 =	veq.s32 v0, $0x2;
	v1 =	vsel vm0, s2, v1;
	[sflag:s3] =	ssyncadd.s32 s31  }
0x28: {  	v1 =	vsel vm15, s26, v1;
	[sflag:s3] =	ssyncpa.u1 $0x1  }
0x29: {  	[tilespmem:$0xA108] =	vst v1  }
.LBB2_25:
0x2a: {  	s0 =	sadd.s32 $0x140, s24  }
0x2b: {  	s2 =	smov.u32 s12;
	p2 =	slt.s32 s0, s14  }
0x2c: {  	s2 =	smov.u32 @p2 s0;
	p2 =	sne.s32 s25, s22  }
.Ltmp2:
0x2d: {  	_ = 	snop;
	(pc) =	sbr.rel @!p2 .LBB2_26-.Ltmp2, $4  }
0x2e: {  	_ = 	snop  }
0x2f: {  	s26 =	smov.u32 s23;
	s31 =	sadd.s32 $0x1, s25;
	p0 =	por !p0, !p0  }
0x30: {  	s23 =	smov.u32 s24;
	s20 =	sadd.s32 $0x140, s20;
	s21 =	sadd.s32 $0x1, s21  }
0x31: {  	p1 =	por !p1, !p1;
	s25 =	smov.u32 s31;
	s24 =	smov.u32 s2  }
.LBB2_3:
0x32: {  	p2 =	sge.u32 s25, s15  }
0x33: {  	s0 =	smulhi.u32 @!p2 $0xAAAAAAAB, s25  }
0x34: {  	s2 =	smov.u32 s24;
	p3 =	sgt.s32 @!p2 s24, $0x26FC0  }
0x35: {  	s3 =	sshra.s32 @!p2 s24, $0x1F;
	p3 =	por !p3, p2;
	s0 =	sshrl.u32 @!p2 s0, $0x1  }
0x36: {  	s3 =	sand.u32 @!p2 s3, s24;
	s2 =	simm.s32 @p3 $0x26FC0;
	s0 =	smul.u32 @!p2 $0x3, s0  }
0x37: {  	s2 =	ssub.s32 @!p2 s2, s3  }
0x38: {  	s2 =	sadd.s32 @!p2 $0xFFFD9040, s2;
	s0 =	ssub.s32 @!p2 s25, s0  }
0x39: {  	s3 =	sshll.u32 @!p2 s2, $0x2;
	p3 =	sgt.s32 @!p2 s2, $0x13F;
	s0 =	smul.u32 @!p2 $0x500, s0  }
0x3a: {  	s4 =	sand.u32 @!p2 $0x7, s24;
	s2 =	ssub.s32 @!p2 $0x500, s3;
	p3 =	por !p3, p2  }
0x3b: {  	s3 =	sshrl.u32 @!p2 s24, $0x3;
	s2 =	sshrl.u32 @!p2 s2, $0x2;
	s0 =	sshrl.u32 @!p2 s0, $0x2  }
0x3c: {  	s3 =	sadd.s32 @!p2 s3, s17;
	s2 =	simm.s32 @!p3 $0x0;
	s0 =	sadd.s32 @!p2 $0xA948, s0  }
0x3d: {  	[tilespmem:s0], [sflag:$0xA] =	stream.linear.gather @!p2 [hbm4b:s3+s4], s2, $0x38;
	[tilespmem:$0x1EF88] =	vst v63  }
0x3e: {  	s0 =	sadd.s32 $0xFFFFFFFF, s25  }
0x3f: {  	p2 =	sge.u32 s0, s15  }
.Ltmp3:
0x40: {  	_ = 	snop;
	(pc) =	sbr.rel @p2 .LBB2_7-.Ltmp3, $1  }
0x41: {  	_ =	sdelay $0x3  }
0x42: {  	p2 =	sgt.s32 s23, $0x26FC0;
	s2 =	smov.u32 s23;
	s3 =	sshra.s32 s23, $0x1F  }
0x43: {  	s2 =	simm.s32 @!p2 $0x26FC0;
	s3 =	sand.u32 s3, s23  }
0x44: {  	s17 =	smulhi.u32 $0xAAAAAAAB, s21;
	s2 =	ssub.s32 s2, s3  }
0x45: {  	s0 =	sand.u32 $0x1, s0;
	s2 =	sadd.s32 $0xFFFD9040, s2  }
0x46: {  	s5 =	simm.s32 $0xA;
	s3 =	sshrl.u32 s17, $0x1;
	s4 =	sshll.u32 s2, $0x2  }
0x47: {  	s7 =	sshrl.u32 s23, $0x3;
	s3 =	smul.u32 $0xFFFFF100, s3;
	s4 =	ssub.s32 $0x500, s4  }
0x48: {  	s18 =	smul.u32 $0x500, s0;
	p2 =	sgt.s32 s2, $0x13F;
	s2 =	sshrl.u32 s4, $0x2  }
0x49: {  	s9 =	sand.u32 $0x7, s23;
	s3 =	sshra.s32 s3, $0x2;
	s2 =	simm.s32 @p2 $0x0  }
0x4a: {  	s0 =	sadd.s32 s3, s20;
	s4 =	sshrl.u32 s18, $0x2;
	_ =	swait.ge [sflag:s5], s2  }
0x4b: {  	s22 =	ssub.s32 $0x0, s2;
	[sflag:s5] =	ssyncset.done $0x0;
	s8 =	rddreg [dreg:$0x9]  }
0x4c: {  	s4 =	sadd.s32 $0xAD08, s4;
	[sflag:s5] =	ssyncadd.s32 s22;
	s3 =	sadd.s32 s7, s8  }
0x4d: {  	[tilespmem:s4], [sflag:$0xB] =	stream.linear.gather [hbm4b:s3+s9], s2, $0x38;
	[tilespmem:$0x1EF88] =	vst v63  }
0x4e: {  	v1 =	vld.msk [tilespmem:s0+$0x0], $0xffff;
	_ =	sdelay $0x4  }
0x4f: {  	v1 =	vshll.u32 v1, $0x4  }
0x50: {  	(v2sf) =	vpush v1, $0x0  }
0x51: {  	(v2sf) =	vpush v1, $0x1  }
0x52: {  	(v2sf) =	vpush v1, $0x2;
	_ =	sdelay $0x3  }
0x53: {  	(v2sf) =	vpush v1, $0x3;
	_ =	sdelay $0x1  }
0x54: {  	(v2sf) =	vpush v1, $0x4  }
0x55: {  	s2 =	simm.s32 $0x1;
	(v2sf) =	vpush v1, $0x5  }
0x56: {  	s2 =	simm.s32 @!p0 $0x0  }
0x57: {  	s2 =	smul.u32 $0x28000, s2;
	(v2sf) =	vpush v1, $0x6;
	_ =	sdelay $0x1  }
0x58: {  	s2 =	sshrl.u32 s2, $0x2  }
0x59: {  	s28 =	sadd.s32 $0xB708, s2  }
0x5a: {  	s12 =	sadd.s32 $0xFFFFF880, s28;
	s17 =	sadd.s32 $0xFFFFF900, s28;
	s10 =	spop (v2sf);
	(v2sf) =	vpush v1, $0x7  }
0x5b: {  	s18 =	sadd.s32 $0xFFFFF980, s28;
	s11 =	sand.u32 $0x1FFFFFF0, s10;
	s14 =	spop (v2sf)  }
0x5c: {  	(v2sf) =	vpush v1, $0x8;
	s2 =	sadd.s32 s6, s11;
	s15 =	sand.u32 $0x1FFFFFF0, s14;
	s16 =	spop (v2sf)  }
0x5d: {  	[tilespmem:s12], [sflag:$0x9] =	stream.linear.gather [hbm4b:s2+s19], $0x40, $0x38;
	[tilespmem:$0x1EF88] =	vst v63  }
0x5e: {  	s5 =	sadd.s32 $0xFFFFFA00, s28;
	s2 =	sadd.s32 s6, s15;
	s3 =	sand.u32 $0x1FFFFFF0, s16  }
0x5f: {  	(v2sf) =	vpush v1, $0x9;
	[tilespmem:s17], [sflag:$0x9] =	stream.linear.gather [hbm4b:s2+s19], $0x40, $0x38;
	[tilespmem:$0x1EF88] =	vst v63  }
0x60: {  	s7 =	sadd.s32 $0xFFFFFA80, s28;
	s22 =	spop (v2sf);
	s3 =	sadd.s32 s6, s3  }
0x61: {  	(v2sf) =	vpush v1, $0xA;
	[tilespmem:s18], [sflag:$0x9] =	stream.linear.gather [hbm4b:s3+s19], $0x40, $0x38;
	[tilespmem:$0x1EF88] =	vst v63  }
0x62: {  	s11 =	sadd.s32 $0xFFFFFB00, s28;
	s4 =	spop (v2sf);
	(v2sf) =	vpush v1, $0xB;
	s3 =	sand.u32 $0x1FFFFFF0, s22  }
0x63: {  	s8 =	spop (v2sf);
	s2 =	sadd.s32 s6, s3;
	s3 =	sand.u32 $0x1FFFFFF0, s4  }
0x64: {  	(v2sf) =	vpush v1, $0xC;
	[tilespmem:s5], [sflag:$0x9] =	stream.linear.gather [hbm4b:s2+s19], $0x40, $0x38;
	[tilespmem:$0x1EF88] =	vst v63  }
0x65: {  	s9 =	sand.u32 $0x1FFFFFF0, s8;
	s10 =	spop (v2sf);
	s3 =	sadd.s32 s6, s3  }
0x66: {  	(v2sf) =	vpush v1, $0xD;
	[tilespmem:s7], [sflag:$0x9] =	stream.linear.gather [hbm4b:s3+s19], $0x40, $0x38;
	[tilespmem:$0x1EF88] =	vst v63  }
0x67: {  	s12 =	sadd.s32 $0xFFFFFB80, s28;
	s2 =	sadd.s32 s6, s9;
	s3 =	sand.u32 $0x1FFFFFF0, s10  }
0x68: {  	[tilespmem:s11], [sflag:$0x9] =	stream.linear.gather [hbm4b:s2+s19], $0x40, $0x38;
	[tilespmem:$0x1EF88] =	vst v63  }
0x69: {  	s17 =	sadd.s32 $0xFFFFFC00, s28;
	s3 =	sadd.s32 s6, s3;
	s14 =	spop (v2sf)  }
0x6a: {  	[tilespmem:s12], [sflag:$0x9] =	stream.linear.gather [hbm4b:s3+s19], $0x40, $0x38;
	(v2sf) =	vpush v1, $0xE;
	[tilespmem:$0x1EF88] =	vst v63  }
0x6b: {  	s18 =	sadd.s32 $0xFFFFFC80, s28;
	s15 =	sand.u32 $0x1FFFFFF0, s14;
	s16 =	spop (v2sf)  }
0x6c: {  	s5 =	sadd.s32 $0xFFFFFD00, s28;
	(v2sf) =	vpush v1, $0xF;
	s2 =	sadd.s32 s6, s15;
	s3 =	sand.u32 $0x1FFFFFF0, s16  }
0x6d: {  	[tilespmem:s17], [sflag:$0x9] =	stream.linear.gather [hbm4b:s2+s19], $0x40, $0x38;
	[tilespmem:$0x1EF88] =	vst v63  }
0x6e: {  	s7 =	sadd.s32 $0xFFFFFD80, s28;
	s22 =	spop (v2sf);
	s3 =	sadd.s32 s6, s3  }
0x6f: {  	[tilespmem:s18], [sflag:$0x9] =	stream.linear.gather [hbm4b:s3+s19], $0x40, $0x38;
	[tilespmem:$0x1EF88] =	vst v63  }
0x70: {  	s11 =	sadd.s32 $0xFFFFFE00, s28;
	s4 =	spop (v2sf);
	s3 =	sand.u32 $0x1FFFFFF0, s22  }
0x71: {  	s8 =	spop (v2sf);
	s2 =	sadd.s32 s6, s3;
	s3 =	sand.u32 $0x1FFFFFF0, s4  }
0x72: {  	[tilespmem:s5], [sflag:$0x9] =	stream.linear.gather [hbm4b:s2+s19], $0x40, $0x38;
	[tilespmem:$0x1EF88] =	vst v63  }
0x73: {  	s9 =	sand.u32 $0x1FFFFFF0, s8;
	s10 =	spop (v2sf);
	s3 =	sadd.s32 s6, s3  }
0x74: {  	[tilespmem:s7], [sflag:$0x9] =	stream.linear.gather [hbm4b:s3+s19], $0x40, $0x38;
	[tilespmem:$0x1EF88] =	vst v63  }
0x75: {  	s14 =	spop (v2sf);
	s2 =	sadd.s32 s6, s9;
	s3 =	sand.u32 $0x1FFFFFF0, s10  }
0x76: {  	[tilespmem:s11], [sflag:$0x9] =	stream.linear.gather [hbm4b:s2+s19], $0x40, $0x38;
	[tilespmem:$0x1EF88] =	vst v63  }
0x77: {  	s12 =	sadd.s32 $0xFFFFFE80, s28;
	s15 =	sand.u32 $0x1FFFFFF0, s14;
	s3 =	sadd.s32 s6, s3  }
0x78: {  	[tilespmem:s12], [sflag:$0x9] =	stream.linear.gather [hbm4b:s3+s19], $0x40, $0x38;
	[tilespmem:$0x1EF88] =	vst v63  }
0x79: {  	s17 =	sadd.s32 $0xFFFFFF00, s28;
	s2 =	sadd.s32 s6, s15;
	s16 =	spop (v2sf)  }
0x7a: {  	[tilespmem:s17], [sflag:$0x9] =	stream.linear.gather [hbm4b:s2+s19], $0x40, $0x38;
	[tilespmem:$0x1EF88] =	vst v63  }
0x7b: {  	s29 =	simm.s32 $0x0;
	s3 =	sand.u32 $0x1FFFFFF0, s16;
	s18 =	spop (v2sf)  }
0x7c: {  	s22 =	sadd.s32 $0xFFFFFF80, s28;
	s3 =	sadd.s32 s6, s3;
	s2 =	sand.u32 $0x1FFFFFF0, s18  }
0x7d: {  	[tilespmem:s22], [sflag:$0x9] =	stream.linear.gather [hbm4b:s3+s19], $0x40, $0x38;
	[tilespmem:$0x1EF88] =	vst v63  }
0x7e: {  	s31 =	sadd.s32 $0x10, s0;
	s30 =	sadd.s32 $0x800, s28;
	s2 =	sadd.s32 s6, s2  }
.LBB2_5:
0x7f: {  	[tilespmem:s28], [sflag:$0x9] =	stream.linear.gather [hbm4b:s2+s19], $0x40, $0x38;
	[tilespmem:$0x1EF88] =	vst v63  }
0x80: {  	s29 =	sadd.s32 $0x10, s29;
	s28 =	smov.u32 s30  }
0x81: {  	p2 =	slt.u32 s29, $0x130;
	v1 =	vld.msk [tilespmem:s31+$0x0], $0xffff;
	_ =	sdelay $0x4  }
0x82: {  	v1 =	vshll.u32 v1, $0x4  }
0x83: {  	(v2sf) =	vpush v1, $0x0  }
0x84: {  	(v2sf) =	vpush v1, $0x1  }
0x85: {  	(v2sf) =	vpush v1, $0x2;
	_ =	sdelay $0x1  }
0x86: {  	(v2sf) =	vpush v1, $0x3;
	_ =	sdelay $0x1  }
0x87: {  	(v2sf) =	vpush v1, $0x4;
	_ =	sdelay $0x1  }
0x88: {  	(v2sf) =	vpush v1, $0x5;
	_ =	sdelay $0x1  }
0x89: {  	(v2sf) =	vpush v1, $0x6  }
0x8a: {  	s4 =	sadd.s32 $0xFFFFFE80, s30;
	s0 =	sadd.s32 $0xFFFFFF00, s30  }
0x8b: {  	s3 =	sadd.s32 $0xFFFFFD00, s30;
	s2 =	sadd.s32 $0xFFFFFD80, s30;
	s5 =	sadd.s32 $0xFFFFFE00, s30;
	(v2sf) =	vpush v1, $0x7  }
0x8c: {  	s10 =	sadd.s32 $0xFFFFFB80, s30;
	s9 =	sadd.s32 $0xFFFFFC00, s30;
	s16 =	sadd.s32 $0xFFFFFC80, s30  }
0x8d: {  	s11 =	sadd.s32 $0xFFFFFA00, s30;
	s12 =	sadd.s32 $0xFFFFFA80, s30;
	s15 =	sadd.s32 $0xFFFFFB00, s30;
	(v2sf) =	vpush v1, $0x8  }
0x8e: {  	s18 =	sadd.s32 $0xFFFFF900, s30;
	s7 =	sadd.s32 $0xFFFFF980, s30;
	s22 =	spop (v2sf)  }
0x8f: {  	s8 =	sadd.s32 $0xFFFFF880, s30;
	s22 =	sand.u32 $0x1FFFFFF0, s22;
	s14 =	spop (v2sf);
	(v2sf) =	vpush v1, $0x9  }
0x90: {  	s22 =	sadd.s32 s6, s22;
	s14 =	sand.u32 $0x1FFFFFF0, s14;
	s17 =	spop (v2sf)  }
0x91: {  	[tilespmem:s8], [sflag:$0x9] =	stream.linear.gather [hbm4b:s22+s19], $0x40, $0x38;
	(v2sf) =	vpush v1, $0xA;
	[tilespmem:$0x1EF88] =	vst v63  }
0x92: {  	s8 =	sadd.s32 s6, s14;
	s14 =	sand.u32 $0x1FFFFFF0, s17;
	s17 =	spop (v2sf)  }
0x93: {  	[tilespmem:s18], [sflag:$0x9] =	stream.linear.gather [hbm4b:s8+s19], $0x40, $0x38;
	(v2sf) =	vpush v1, $0xB;
	[tilespmem:$0x1EF88] =	vst v63  }
0x94: {  	s8 =	sadd.s32 s6, s14;
	s14 =	sand.u32 $0x1FFFFFF0, s17;
	s17 =	spop (v2sf)  }
0x95: {  	[tilespmem:s7], [sflag:$0x9] =	stream.linear.gather [hbm4b:s8+s19], $0x40, $0x38;
	(v2sf) =	vpush v1, $0xC;
	[tilespmem:$0x1EF88] =	vst v63  }
0x96: {  	s7 =	sadd.s32 s6, s14;
	s8 =	sand.u32 $0x1FFFFFF0, s17;
	s14 =	spop (v2sf)  }
0x97: {  	[tilespmem:s11], [sflag:$0x9] =	stream.linear.gather [hbm4b:s7+s19], $0x40, $0x38;
	(v2sf) =	vpush v1, $0xD;
	[tilespmem:$0x1EF88] =	vst v63  }
0x98: {  	s7 =	sadd.s32 s6, s8;
	s8 =	sand.u32 $0x1FFFFFF0, s14;
	s11 =	spop (v2sf)  }
0x99: {  	[tilespmem:s12], [sflag:$0x9] =	stream.linear.gather [hbm4b:s7+s19], $0x40, $0x38;
	(v2sf) =	vpush v1, $0xE;
	[tilespmem:$0x1EF88] =	vst v63  }
0x9a: {  	s7 =	sadd.s32 s6, s8;
	s8 =	sand.u32 $0x1FFFFFF0, s11;
	s11 =	spop (v2sf)  }
0x9b: {  	[tilespmem:s15], [sflag:$0x9] =	stream.linear.gather [hbm4b:s7+s19], $0x40, $0x38;
	(v2sf) =	vpush v1, $0xF;
	[tilespmem:$0x1EF88] =	vst v63  }
0x9c: {  	s7 =	sadd.s32 s6, s8;
	s8 =	sand.u32 $0x1FFFFFF0, s11;
	s11 =	spop (v2sf)  }
0x9d: {  	[tilespmem:s10], [sflag:$0x9] =	stream.linear.gather [hbm4b:s7+s19], $0x40, $0x38;
	[tilespmem:$0x1EF88] =	vst v63  }
0x9e: {  	s7 =	sadd.s32 s6, s8;
	s8 =	sand.u32 $0x1FFFFFF0, s11;
	s10 =	spop (v2sf)  }
0x9f: {  	[tilespmem:s9], [sflag:$0x9] =	stream.linear.gather [hbm4b:s7+s19], $0x40, $0x38;
	[tilespmem:$0x1EF88] =	vst v63  }
0xa0: {  	s7 =	sadd.s32 s6, s8;
	s8 =	sand.u32 $0x1FFFFFF0, s10;
	s9 =	spop (v2sf)  }
0xa1: {  	[tilespmem:s16], [sflag:$0x9] =	stream.linear.gather [hbm4b:s7+s19], $0x40, $0x38;
	[tilespmem:$0x1EF88] =	vst v63  }
0xa2: {  	s7 =	sadd.s32 s6, s8;
	s8 =	sand.u32 $0x1FFFFFF0, s9;
	s9 =	spop (v2sf)  }
0xa3: {  	[tilespmem:s3], [sflag:$0x9] =	stream.linear.gather [hbm4b:s7+s19], $0x40, $0x38;
	[tilespmem:$0x1EF88] =	vst v63  }
0xa4: {  	s3 =	sadd.s32 s6, s8;
	s7 =	sand.u32 $0x1FFFFFF0, s9;
	s8 =	spop (v2sf)  }
0xa5: {  	[tilespmem:s2], [sflag:$0x9] =	stream.linear.gather [hbm4b:s3+s19], $0x40, $0x38;
	[tilespmem:$0x1EF88] =	vst v63  }
0xa6: {  	s2 =	sadd.s32 s6, s7;
	s3 =	sand.u32 $0x1FFFFFF0, s8;
	s7 =	spop (v2sf)  }
0xa7: {  	[tilespmem:s5], [sflag:$0x9] =	stream.linear.gather [hbm4b:s2+s19], $0x40, $0x38;
	[tilespmem:$0x1EF88] =	vst v63  }
0xa8: {  	s2 =	sadd.s32 s6, s3;
	s3 =	sand.u32 $0x1FFFFFF0, s7;
	s5 =	spop (v2sf)  }
0xa9: {  	[tilespmem:s4], [sflag:$0x9] =	stream.linear.gather [hbm4b:s2+s19], $0x40, $0x38;
	[tilespmem:$0x1EF88] =	vst v63  }
0xaa: {  	s2 =	sadd.s32 s6, s3  }
.Ltmp4:
0xab: {  	s3 =	sand.u32 $0x1FFFFFF0, s5;
	s4 =	spop (v2sf);
	(pc) =	sbr.rel @p2 .LBB2_5-.Ltmp4, $4  }
0xac: {  	[tilespmem:s0], [sflag:$0x9] =	stream.linear.gather [hbm4b:s2+s19], $0x40, $0x38;
	[tilespmem:$0x1EF88] =	vst v63  }
0xad: {  	s0 =	sadd.s32 s6, s3;
	s2 =	sadd.s32 $0xFFFFFF80, s30;
	s3 =	sand.u32 $0x1FFFFFF0, s4  }
0xae: {  	[tilespmem:s2], [sflag:$0x9] =	stream.linear.gather [hbm4b:s0+s19], $0x40, $0x38;
	[tilespmem:$0x1EF88] =	vst v63  }
0xaf: {  	s31 =	sadd.s32 $0x10, s31;
	s30 =	sadd.s32 $0x800, s30;
	s2 =	sadd.s32 s6, s3  }
0xb0: {  	[tilespmem:s28], [sflag:$0x9] =	stream.linear.gather [hbm4b:s2+s19], $0x40, $0x38;
	[tilespmem:$0x1EF88] =	vst v63  }
0xb1: {  	s12 =	rddreg [dreg:$0x5]  }
0xb2: {  	s14 =	rddreg [dreg:$0x6]  }
0xb3: {  	s15 =	rddreg [dreg:$0x7]  }
0xb4: {  	s17 =	rddreg [dreg:$0x8]  }
0xb5: {  	s18 =	rddreg [dreg:$0xa]  }
0xb6: {  	s22 =	rddreg [dreg:$0xb]  }
.LBB2_7:
0xb7: {  	p2 =	slt.u32 s25, $0x2  }
.Ltmp5:
0xb8: {  	_ = 	snop;
	(pc) =	sbr.rel @p2 .LBB2_25-.Ltmp5, $1  }
0xb9: {  	_ =	sdelay $0x3  }
0xba: {  	p2 =	sgt.s32 s26, $0x26FC0;
	s0 =	smov.u32 s26;
	s2 =	sshra.s32 s26, $0x1F  }
0xbb: {  	s0 =	simm.s32 @!p2 $0x26FC0;
	s2 =	sand.u32 s2, s26  }
0xbc: {  	s0 =	ssub.s32 s0, s2  }
0xbd: {  	s0 =	sadd.s32 $0xFFFD9040, s0  }
0xbe: {  	s3 =	simm.s32 $0x9;
	s29 =	sshll.u32 s0, $0x2  }
0xbf: {  	_ =	swait.ge [sflag:s3], $0x5000;
	s2 =	ssub.s32 $0x500, s29  }
0xc0: {  	[sflag:s3] =	ssyncset.done $0x0;
	p2 =	sgt.s32 s0, $0x13F;
	s0 =	sshrl.u32 s2, $0x2  }
0xc1: {  	s30 =	simm.s32 $0xB;
	[sflag:s3] =	ssyncadd.s32 $0xFFFFB000;
	s0 =	simm.s32 @p2 $0x0  }
0xc2: {  	_ =	swait.ge [sflag:s30], s0  }
0xc3: {  	s0 =	ssub.s32 $0x0, s0;
	[sflag:s30] =	ssyncset.done $0x0  }
0xc4: {  	[sflag:s30] =	ssyncadd.s32 s0  }
0xc5: {  	v1 =	vld [tilespmem:$0xA108];
	_ =	sdelay $0x4  }
0xc6: {  	(v2sf) =	vpush v1, $0x0  }
0xc7: {  	(v2sf) =	vpush v1, $0x1  }
0xc8: {  	(v2sf) =	vpush v1, $0x2;
	_ =	sdelay $0x3  }
0xc9: {  	s0 =	sadd.s32 $0x140, s26  }
0xca: {  	s4 =	ssub.s32 $0x4E200, s26;
	p2 =	slt.s32 s14, s0  }
0xcb: {  	s0 =	smov.u32 @p2 s14;
	p2 =	sgt.s32 s4, $0x0  }
0xcc: {  	s0 =	ssub.s32 s0, s26;
	s4 =	simm.s32 @!p2 $0x0  }
0xcd: {  	p2 =	slt.s32 s4, s0  }
0xce: {  	s0 =	smov.u32 @p2 s4  }
0xcf: {  	s2 =	simm.s32 $0x1;
	p2 =	slt.s32 s0, $0x1  }
.Ltmp6:
0xd0: {  	s2 =	simm.s32 @!p1 $0x0;
	(pc) =	sbr.rel @p2 .LBB2_12-.Ltmp6, $4  }
0xd1: {  	s7 =	smul.u32 $0x500, s2  }
0xd2: {  	s3 =	spop (v2sf)  }
0xd3: {  	s31 =	sshrl.u32 s7, $0x2;
	s5 =	spop (v2sf)  }
0xd4: {  	s28 =	sadd.s32 $0xAD08, s31;
	s26 =	spop (v2sf)  }
0xd5: {  	s4 =	smin.u32 s0, $0x10  }
0xd6: {  	v1 =	vmov s4  }
0xd7: {  	p3 =	sgt.s32 s0, $0x10;
	vm1 =	vgt.u32 v1, v0  }
.Ltmp7:
0xd8: {  	_ = 	snop;
	(pc) =	sbr.rel @!p3 .LBB2_11-.Ltmp7, $2  }
0xd9: {  	_ =	sdelay $0x2  }
0xda: {  	s9 =	simm.s32 $0x10;
	s10 =	sadd.s32 $0xFFFFFFF0, s0;
	s4 =	smov.u32 s28;
	vm0 =	vmmov vm1  }
.LBB2_10:
0xdb: {  	s7 =	smin.u32 s10, $0x10;
	s9 =	sadd.s32 $0x10, s9;
	v1 =	vld.msk [tilespmem:s4+$0x0 ss:$0x1], vm1  }
0xdc: {  	v2 =	vmov s7;
	p3 =	slt.s32 s9, s0  }
0xdd: {  	vm1 =	vgt.u32 v2, v0  }
.Ltmp8:
0xde: {  	(pc) =	sbr.rel @p3 .LBB2_10-.Ltmp8, $3  }
0xdf: {  	_ =	sdelay $0x1  }
0xe0: {  	v1 =	vshll.u32 v1, $0x4  }
0xe1: {  	s10 =	sadd.s32 $0xFFFFFFF0, s10;
	[tilespmem:s4+$0x0] =	vst.msk vm0, v1;
	s4 =	sadd.s32 $0x10, s4;
	vm0 =	vmmov vm1  }
.LBB2_11:
0xe2: {  	_ =	sdelay $0x4  }
0xe3: {  	v1 =	vld.msk [tilespmem:s4+$0x0 ss:$0x1], vm1;
	_ =	sdelay $0x4  }
0xe4: {  	v1 =	vshll.u32 v1, $0x4  }
0xe5: {  	[tilespmem:s4+$0x0] =	vst.msk vm0, v1  }
.LBB2_12:
0xe6: {  	s4 =	sand.u32 $0x1, s25  }
0xe7: {  	s4 =	smul.u32 $0x140, s4  }
0xe8: {  	p3 =	sne.s32 s5, $0xFFFFFFFF  }
0xe9: {  	v1 =	vld.msk @!p3 [tilespmem:s4+$0xAD08], $0x1;
	_ =	sdelay $0x4  }
0xea: {  	(v2sf) =	vpush @!p3 v1, $0x0;
	_ =	sdelay $0xc  }
.Ltmp9:
0xeb: {  	_ = 	snop;
	(pc) =	sbr.rel @p2 .LBB2_23-.Ltmp9, $4  }
0xec: {  	_ = 	snop  }
0xed: {  	s29 =	spop @!p3 (v2sf)  }
0xee: {  	s31 =	simm.s32 $0xC;
	s26 =	simm.s32 @!p3 $0x0;
	s4 =	smov.u32 s29  }
0xef: {  	[sflag:s31] =	ssyncpa.u1 $0x0;
	s29 =	smov.u32 @p3 s3;
	s4 =	smov.u32 @p3 s5  }
0xf0: {  	v1 =	vld.msk [tilespmem:s28+$0x0], $0x1;
	_ =	sdelay $0x4  }
0xf1: {  	(v2sf) =	vpush v1, $0x0;
	_ =	sdelay $0xe  }
0xf2: {  	s2 =	smul.u32 $0x28000, s2;
	s5 =	spop (v2sf)  }
0xf3: {  	s31 =	ssub.s32 $0x0, s0;
	p2 =	seq.s32 s29, s5  }
0xf4: {  	s3 =	smov.u32 s29;
	s2 =	sshrl.u32 s2, $0x2;
	p3 =	sgt.s32 @!p2 s29, $0x0  }
0xf5: {  	s30 =	sadd.s32 $0xAFA8, s2;
	s2 =	sadd.s32 $0x1, s31;
	p3 =	por !p3, p2  }
0xf6: {  	s3 =	simm.s32 @p3 $0x0;
	p3 =	seq.s32 s2, $0x0  }
.Ltmp10:
0xf7: {  	_ = 	snop;
	(pc) =	sbr.rel @p3 .LBB2_15-.Ltmp10, $4  }
0xf8: {  	_ = 	snop  }
0xf9: {  	s0 =	simm.s32 $0x0;
	s9 =	simm.s32 @!p2 $0x1;
	s3 =	smin.u32 @!p2 s3, $0x270F8  }
0xfa: {  	s10 =	simm.s32 @!p2 $0x50C8;
	s9 =	smov.u32 @p2 s0;
	s7 =	sand.u32 @!p2 $0x3FFF8, s3  }
0xfb: {  	s16 =	sand.u32 @!p2 $0x7, s3;
	s3 =	sadd.s32 $0x1, s28;
	s11 =	sadd.s32 @!p2 s1, s7  }
.LBB2_14:
0xfc: {  	s7 =	smov.u32 s9  }
0xfd: {  	[tilespmem:s10], [sflag:$0x2] =	stream.linear.gather @!p2 [hbm4b:s11+s16], $0x40, $0x38;
	[tilespmem:$0x1EF88] =	vst v63  }
0xfe: {  	s2 =	sadd.s32 $0x1, s2;
	s8 =	smov.u32 s5;
	v1 =	vld.msk [tilespmem:s3+$0x0], $0x1  }
0xff: {  	p3 =	seq.s32 s2, $0x0;
	_ =	sdelay $0x3  }
0x100: {  	(v2sf) =	vpush v1, $0x0;
	_ =	sdelay $0xe  }
0x101: {  	s5 =	spop (v2sf)  }
0x102: {  	p2 =	seq.s32 s8, s5  }
0x103: {  	p4 =	sgt.s32 @!p2 s8, $0x0;
	s10 =	sshll.u32 @!p2 s9, $0x8;
	s9 =	sadd.s32 @!p2 $0x1, s9  }
.Ltmp11:
0x104: {  	p4 =	por !p4, p2;
	s10 =	sshra.s32 @!p2 s10, $0x2;
	(pc) =	sbr.rel @!p3 .LBB2_14-.Ltmp11, $4  }
0x105: {  	s9 =	smov.u32 @p2 s7;
	s8 =	simm.s32 @p4 $0x0;
	s10 =	sadd.s32 @!p2 $0x50C8, s10  }
0x106: {  	s7 =	smin.u32 @!p2 s8, $0x270F8  }
0x107: {  	s8 =	sand.u32 @!p2 $0x3FFF8, s7;
	s16 =	sand.u32 @!p2 $0x7, s7  }
0x108: {  	s3 =	sadd.s32 $0x1, s3;
	s11 =	sadd.s32 @!p2 s1, s8  }
.LBB2_15:
0x109: {  	[tilespmem:s10], [sflag:$0x2] =	stream.linear.gather @!p2 [hbm4b:s11+s16], $0x40, $0x38;
	[tilespmem:$0x1EF88] =	vst v63  }
.Ltmp12:
0x10a: {  	s2 =	sshll.u32 s9, $0x6;
	(pc) =	sbr.rel .LBB2_16-.Ltmp12, $4  }
0x10b: {  	s3 =	simm.s32 $0x2;
	s2 =	sand.u32 $0x3FFFFFC0, s2  }
0x10c: {  	_ =	swait.ge [sflag:s3], s2  }
0x10d: {  	s2 =	ssub.s32 $0x0, s2;
	[sflag:s3] =	ssyncset.done $0x0  }
0x10e: {  	[sflag:s3] =	ssyncadd.s32 s2;
	s3 =	simm.s32 $0x0  }
.LBB2_17:
0x10f: {  	v1 =	vld [tilespmem:s30+$0xFFFFFFE0];
	_ =	sdelay $0x4  }
0x110: {  	[tilespmem:s5+$0x88] =	vst.add.f32.msk $0xffff, v1  }
0x111: {  	v1 =	vld [tilespmem:s30+$0xFFFFFFF0];
	_ =	sdelay $0x4  }
0x112: {  	[tilespmem:s5+$0x98] =	vst.add.f32.msk $0xffff, v1  }
0x113: {  	v1 =	vld [tilespmem:s30+$0x0];
	_ =	sdelay $0x4  }
0x114: {  	[tilespmem:s5+$0xA8] =	vst.add.f32.msk $0xffff, v1  }
0x115: {  	v1 =	vld [tilespmem:s30+$0x10];
	_ =	sdelay $0x4  }
0x116: {  	[tilespmem:s5+$0xB8] =	vst.add.f32.msk $0xffff, v1  }
.LBB2_21:
0x117: {  	s31 =	sadd.s32 $0x1, s31  }
0x118: {  	p2 =	seq.s32 s31, $0x0  }
.Ltmp13:
0x119: {  	_ = 	snop;
	(pc) =	sbr.rel @p2 .LBB2_22-.Ltmp13, $2  }
0x11a: {  	_ =	sdelay $0x2  }
0x11b: {  	s30 =	sadd.s32 $0x80, s30;
	s28 =	sadd.s32 $0x1, s28;
	s29 =	smov.u32 s2  }
.LBB2_16:
0x11c: {  	v1 =	vld.msk [tilespmem:s28+$0x0], $0x1;
	_ =	sdelay $0x4  }
0x11d: {  	(v2sf) =	vpush v1, $0x0;
	_ =	sdelay $0xe  }
0x11e: {  	s2 =	spop (v2sf)  }
0x11f: {  	p2 =	sne.s32 s29, s2  }
.Ltmp14:
0x120: {  	_ = 	snop;
	(pc) =	sbr.rel @!p2 .LBB2_17-.Ltmp14, $3  }
0x121: {  	_ =	sdelay $0x1  }
0x122: {  	s5 =	sshll.u32 s26, $0x8  }
0x123: {  	s5 =	sshra.s32 s5, $0x2  }
0x124: {  	p2 =	seq.s32 s29, s4  }
.Ltmp15:
0x125: {  	_ = 	snop;
	(pc) =	sbr.rel @!p2 .LBB2_19-.Ltmp15, $1  }
0x126: {  	_ =	sdelay $0x3  }
.Ltmp16:
0x127: {  	s5 =	sadd.s32 $0x88, s5;
	(pc) =	sbr.rel .LBB2_20-.Ltmp16, $4  }
0x128: {  	[spmem:s18] =	stream.linear.scatter [tilespmem:s5], [sflag:$0x1], $0x40, $0x38;
	[tilespmem:$0x1EF88] =	vst v63  }
0x129: {  	_ =	swait.ge [sflag:s13], $0x40  }
0x12a: {  	[sflag:s13] =	ssyncset.done $0x0  }
0x12b: {  	[sflag:s13] =	ssyncadd.s32 $0xFFFFFFC0  }
.LBB2_19:
0x12c: {  	s7 =	sshll.u32 s0, $0x8  }
0x12d: {  	s7 =	sshra.s32 s7, $0x2  }
0x12e: {  	v1 =	vld [tilespmem:s7+$0x50C8];
	_ =	sdelay $0x4  }
0x12f: {  	[tilespmem:s5+$0x88] =	vst.add.f32.msk $0xffff, v1  }
0x130: {  	v1 =	vld [tilespmem:s7+$0x50D8];
	_ =	sdelay $0x4  }
0x131: {  	[tilespmem:s5+$0x98] =	vst.add.f32.msk $0xffff, v1  }
0x132: {  	v1 =	vld [tilespmem:s7+$0x50E8];
	_ =	sdelay $0x4  }
0x133: {  	[tilespmem:s5+$0xA8] =	vst.add.f32.msk $0xffff, v1  }
0x134: {  	v1 =	vld [tilespmem:s7+$0x50F8];
	_ =	sdelay $0x2  }
0x135: {  	p2 =	sgt.u32 s29, $0x270F8  }
0x136: {  	s7 =	sand.u32 @!p2 $0x3FFF8, s29  }
0x137: {  	s8 =	sadd.s32 $0x88, s5;
	[tilespmem:s5+$0xB8] =	vst.add.f32.msk $0xffff, v1;
	s5 =	sadd.s32 @!p2 s1, s7;
	s7 =	sand.u32 @!p2 $0x7, s29  }
0x138: {  	[hbm4b:s5+s7] =	stream.linear.scatter @!p2 [tilespmem:s8], [sflag:$0xC], $0x40, $0x38;
	[tilespmem:$0x1EF88] =	vst v63  }
0x139: {  	s5 =	simm.s32 $0x0  }
0x13a: {  	s5 =	simm.s32 @!p2 $0x100  }
0x13b: {  	s3 =	sadd.s32 s5, s3  }
.LBB2_20:
0x13c: {  	s5 =	sadd.s32 $0x1, s26  }
0x13d: {  	s7 =	smulhi.u32 $0xCCCCCCCD, s5;
	_ =	sdelay $0x1  }
0x13e: {  	v1 =	vld [tilespmem:s30+$0xFFFFFFE0];
	s7 =	sshrl.u32 s7, $0x8  }
0x13f: {  	s7 =	smul.u32 $0x140, s7;
	_ =	sdelay $0x1  }
0x140: {  	s26 =	ssub.s32 s5, s7  }
0x141: {  	s5 =	sshll.u32 s26, $0x6  }
0x142: {  	[tilespmem:s5+$0x88] =	vst v1  }
0x143: {  	v1 =	vld [tilespmem:s30+$0xFFFFFFF0];
	_ =	sdelay $0x4  }
0x144: {  	[tilespmem:s5+$0x98] =	vst v1  }
0x145: {  	v1 =	vld [tilespmem:s30+$0x0];
	_ =	sdelay $0x4  }
0x146: {  	[tilespmem:s5+$0xA8] =	vst v1  }
0x147: {  	v1 =	vld [tilespmem:s30+$0x10]  }
.Ltmp17:
0x148: {  	_ = 	snop;
	(pc) =	sbr.rel .LBB2_21-.Ltmp17, $2  }
0x149: {  	_ =	sdelay $0x2  }
0x14a: {  	s0 =	sadd.s32 $0x1, s0;
	[tilespmem:s5+$0xB8] =	vst v1  }
.LBB2_23:
.Ltmp18:
0x14b: {  	(pc) =	sbr.rel .LBB2_24-.Ltmp18, $4  }
0x14c: {  	_ = 	snop  }
0x14d: {  	s0 =	simm.s32 $0x2  }
0x14e: {  	_ =	swait.ge [sflag:s0], $0x0  }
0x14f: {  	s2 =	smov.u32 s29;
	[sflag:s0] =	ssyncset.done $0x0;
	s0 =	simm.s32 $0x0  }
.LBB2_26:
0x150: {  	_ =	sfence.sel $0x180000  }
0x151: {  	s0 =	simm.s32 $0x9;
	[bflag:$0x0] =	sbarrier.arrive $0xFFFF  }
0x152: {  	s24 =	simm.s32 $0xA;
	[sflag:s0] =	ssyncpa.u1 $0x1  }
0x153: {  	s25 =	simm.s32 $0xB;
	[sflag:s24] =	ssyncpa.u1 $0x1  }
0x154: {  	s26 =	simm.s32 $0x2;
	[sflag:s25] =	ssyncpa.u1 $0x1  }
0x155: {  	[sflag:s26] =	ssyncpa.u1 $0x1  }
0x156: {  	v0 =	vld [tilespmem:$0xA108];
	_ =	sdelay $0x4  }
0x157: {  	(v2sf) =	vpush v0, $0x0  }
0x158: {  	(v2sf) =	vpush v0, $0x1;
	_ =	sdelay $0x1  }
0x159: {  	(v2sf) =	vpush v0, $0x2;
	_ =	sdelay $0xb  }
0x15a: {  	s0 =	spop (v2sf)  }
0x15b: {  	s2 =	spop (v2sf)  }
0x15c: {  	s3 =	smov.u32 s0;
	p0 =	sne.s32 s0, s2  }
0x15d: {  	s4 =	spop (v2sf);
	s3 =	simm.s32 @!p0 $0xFFFFFFFF  }
0x15e: {  	v2 =	vimm.s32 $0x1;
	v3 =	vlaneseq.u32;
	p0 =	seq.s32 s4, $0xFFFFFFFF;
	v1 =	vmov s3  }
0x15f: {  	s14 =	stileid.u32;
	v0 =	vperm.xlane v0, v2;
	p1 =	sne.s32 @!p0 s0, s2;
	v1 =	vperm.xlane v1, v3  }
0x160: {  	vm0 =	vcmask $0x3F04;
	s6 =	simm.s32 $0xA108;
	s0 =	simm.s32 @!p0 $0x1;
	p1 =	por !p1, p0  }
0x161: {  	s3 =	sshll.u32 s14, $0x1;
	s2 =	sshll.u32 @!p0 s4, $0x8;
	s0 =	simm.s32 @p1 $0x0;
	v0 =	vsel vm0, v1, v0  }
0x162: {  	s5 =	sor.u32 $0x800, s3;
	s2 =	sshra.s32 @!p0 s2, $0x2;
	s0 =	sor.u32 @!p0 s0, s3;
	[tilespmem:$0xA108] =	vst v0  }
0x163: {  	[spmem:s5] =	stream.linear.scatter [tilespmem:s6], [sflag:$0x1], $0x2, $0x38;
	[tilespmem:$0x1EF88] =	vst v63  }
0x164: {  	s2 =	sadd.s32 @!p0 $0x88, s2;
	s0 =	sshll.u32 @!p0 s0, $0x6  }
0x165: {  	[spmem:s0] =	stream.linear.scatter @!p0 [tilespmem:s2], [sflag:$0x1], $0x40, $0x38;
	[tilespmem:$0x1EF88] =	vst v63  }
0x166: {  	s0 =	simm.s32 @!p0 $0x42  }
0x167: {  	s28 =	simm.s32 $0x1;
	s0 =	simm.s32 @p0 $0x2  }
0x168: {  	_ =	swait.ge [sflag:s28], s0  }
0x169: {  	s0 =	ssub.s32 $0x0, s0;
	[sflag:s28] =	ssyncset.done $0x0  }
0x16a: {  	p0 =	sne.s32 s14, $0x0;
	[sflag:s28] =	ssyncadd.s32 s0  }
.Ltmp19:
0x16b: {  	_ =	sfence.stream.spmem;
	(pc) =	sbr.rel @p0 .LBB2_43-.Ltmp19, $4  }
0x16c: {  	s29 =	simm.s32 $0x3;
	[bflag:$0x0] =	sbarrier.arrive $0xFFFF  }
0x16d: {  	s30 =	simm.s32 $0x4;
	[sflag:s29] =	ssyncpa.u1 $0x1  }
0x16e: {  	s31 =	simm.s32 $0x3C;
	[sflag:s30] =	ssyncpa.u1 $0x1  }
0x16f: {  	s13 =	rddreg [dreg:$0x4];
	[sflag:s31] =	ssyncpa.u1 $0x1  }
0x170: {  	_ =	sfence.stream.spmem;
	s0 =	simm.s32 $0x5  }
0x171: {  	s2 =	simm.s32 $0x800;
	s3 =	simm.s32 $0xA118;
	[sflag:s0] =	ssyncpa.u1 $0x0  }
0x172: {  	[tilespmem:s3], [sflag:$0x5] =	stream.linear.gather [spmem:s2], $0x20, $0x38;
	[tilespmem:$0x1EF88] =	vst v63  }
0x173: {  	s26 =	simm.s32 $0x0;
	s28 =	simm.s32 $0xA138  }
0x174: {  	[tilespmem:s28], [sflag:$0x5] =	stream.linear.gather [spmem:s26], $0x800, $0x38;
	[tilespmem:$0x1EF88] =	vst v63  }
0x175: {  	_ =	swait.ge [sflag:s0], $0x820  }
0x176: {  	[sflag:s0] =	ssyncset.done $0x0  }
0x177: {  	s29 =	simm.s32 $0x0;
	[sflag:s0] =	ssyncadd.s32 $0xFFFFF7E0  }
0x178: {  	v0 =	vld.msk [tilespmem:s29+$0xA118], $0x1;
	_ =	sdelay $0x1  }
0x179: {  	s30 =	simm.s32 $0x1  }
0x17a: {  	v1 =	vld.msk [tilespmem:s30+$0xA118], $0x1;
	_ =	sdelay $0x1  }
0x17b: {  	(v2sf) =	vpush v0, $0x0;
	_ =	sdelay $0x2  }
0x17c: {  	(v2sf) =	vpush v1, $0x0;
	_ =	sdelay $0x2  }
0x17d: {  	s31 =	simm.s32 $0x2  }
0x17e: {  	v0 =	vld.msk [tilespmem:s31+$0xA118], $0x1;
	_ =	sdelay $0x2  }
0x17f: {  	s2 =	simm.s32 $0xFFFFFFFF;
	s3 =	simm.s32 $0xFFFFFFFF;
	s0 =	simm.s32 $0xC  }
.LBB2_28:
0x180: {  	s4 =	smov.u32 s3;
	s5 =	smov.u32 s2  }
0x181: {  	s2 =	sshra.s32 s0, $0x2;
	p1 =	sne.s32 s0, $0x7C;
	s0 =	sadd.s32 $0x4, s0;
	(v2sf) =	vpush v0, $0x0  }
0x182: {  	v0 =	vld.msk [tilespmem:s2+$0xA118], $0x1  }
.Ltmp20:
0x183: {  	(pc) =	sbr.rel @p1 .LBB2_28-.Ltmp20, $4  }
0x184: {  	s3 =	spop (v2sf)  }
0x185: {  	p2 =	sne.s32 s5, $0xFFFFFFFF;
	s2 =	smov.u32 s3  }
0x186: {  	p3 =	seq.s32 s3, $0xFFFFFFFF;
	s2 =	smov.u32 @p2 s5  }
0x187: {  	s3 =	smov.u32 @p3 s4;
	s2 =	smov.u32 @p3 s5  }
0x188: {  	(v2sf) =	vpush v0, $0x0;
	_ =	sdelay $0x8  }
0x189: {  	s0 =	spop (v2sf)  }
0x18a: {  	p1 =	sne.s32 s2, $0xFFFFFFFF;
	s4 =	smov.u32 s0  }
0x18b: {  	s6 =	simm.s32 $0x0;
	p2 =	seq.s32 s0, $0xFFFFFFFF;
	s4 =	smov.u32 @p1 s2  }
0x18c: {  	s9 =	simm.s32 $0xA0C8;
	s4 =	smov.u32 @p2 s2;
	s2 =	spop (v2sf)  }
0x18d: {  	s0 =	smov.u32 @p2 s3;
	p1 =	sne.s32 s4, $0xFFFFFFFF;
	s5 =	smov.u32 s2  }
.Ltmp21:
0x18e: {  	p2 =	seq.s32 s2, $0xFFFFFFFF;
	s5 =	smov.u32 @p1 s4;
	(pc) =	sbr.rel .LBB2_30-.Ltmp21, $4  }
0x18f: {  	s10 =	simm.s32 $0x0;
	s5 =	smov.u32 @p2 s4;
	s7 =	spop (v2sf)  }
0x190: {  	s2 =	smov.u32 @p2 s0;
	p1 =	sne.s32 s5, $0xFFFFFFFF;
	s8 =	smov.u32 s7  }
0x191: {  	s0 =	simm.s32 $0x6;
	p2 =	seq.s32 s7, $0xFFFFFFFF;
	s8 =	smov.u32 @p1 s5  }
0x192: {  	[sflag:s0] =	ssyncpa.u1 $0x0;
	s7 =	smov.u32 @p2 s2;
	s8 =	smov.u32 @p2 s5  }
.LBB2_36:
0x193: {  	p1 =	sgt.u32 s2, $0x270F8  }
0x194: {  	p2 =	seq.s32 @!p1 s2, s8  }
0x195: {  	p1 =	por p1, p2  }
0x196: {  	p2 =	sne.s32 @!p1 s2, s7  }
0x197: {  	p1 =	por p1, !p2  }
0x198: {  	s2 =	sshll.u32 @p1 s10, $0x8  }
0x199: {  	s3 =	sand.u32 @!p1 $0x3FFF8, s2  }
0x19a: {  	s2 =	sand.u32 @!p1 $0x7, s2;
	s3 =	sadd.s32 @!p1 s1, s3  }
0x19b: {  	[tilespmem:s9], [sflag:$0x6] =	stream.linear.gather @!p1 [hbm4b:s3+s2], $0x40, $0x38;
	[tilespmem:$0x1EF88] =	vst v63  }
0x19c: {  	_ =	swait.ge @!p1 [sflag:s0], $0x40  }
0x19d: {  	[sflag:s0] =	ssyncset.done @!p1 $0x0  }
0x19e: {  	[sflag:s0] =	ssyncadd.s32 @!p1 $0xFFFFFFC0  }
0x19f: {  	v1 =	vld @!p1 [tilespmem:$0xA0C8];
	_ =	sdelay $0x2  }
0x1a0: {  	s2 =	sshll.u32 @!p1 s10, $0x8  }
0x1a1: {  	s3 =	sshrl.u32 @!p1 s2, $0x2  }
0x1a2: {  	[tilespmem:s3+$0xA138] =	vst.add.f32.msk @!p1 $0xffff, v1  }
0x1a3: {  	v1 =	vld @!p1 [tilespmem:$0xA0D8];
	_ =	sdelay $0x4  }
0x1a4: {  	[tilespmem:s3+$0xA148] =	vst.add.f32.msk @!p1 $0xffff, v1  }
0x1a5: {  	v1 =	vld @!p1 [tilespmem:$0xA0E8];
	_ =	sdelay $0x4  }
0x1a6: {  	[tilespmem:s3+$0xA158] =	vst.add.f32.msk @!p1 $0xffff, v1  }
0x1a7: {  	v1 =	vld @!p1 [tilespmem:$0xA0F8];
	_ =	sdelay $0x4  }
0x1a8: {  	[tilespmem:s3+$0xA168] =	vst.add.f32.msk @!p1 $0xffff, v1  }
0x1a9: {  	s2 =	sshrl.u32 s2, $0x2;
	[tilespmem:s6+$0xA118] =	vst.msk $0x1, v0  }
0x1aa: {  	v0 =	vld [tilespmem:s2+$0xA138];
	_ =	sdelay $0x2  }
0x1ab: {  	s31 =	sshll.u32 s6, $0x8  }
0x1ac: {  	s3 =	sshra.s32 s31, $0x2  }
0x1ad: {  	[tilespmem:s3+$0xA138] =	vst v0  }
0x1ae: {  	v0 =	vld [tilespmem:s2+$0xA148];
	_ =	sdelay $0x4  }
0x1af: {  	[tilespmem:s3+$0xA148] =	vst v0  }
0x1b0: {  	v0 =	vld [tilespmem:s2+$0xA158];
	_ =	sdelay $0x4  }
0x1b1: {  	[tilespmem:s3+$0xA158] =	vst v0  }
0x1b2: {  	v0 =	vld [tilespmem:s2+$0xA168];
	_ =	sdelay $0x4  }
0x1b3: {  	s6 =	sadd.s32 $0x1, s6;
	[tilespmem:s3+$0xA168] =	vst v0  }
.LBB2_37:
0x1b4: {  	s10 =	sadd.s32 $0x1, s10  }
0x1b5: {  	p1 =	sne.s32 s10, $0x20  }
.Ltmp22:
0x1b6: {  	_ = 	snop;
	(pc) =	sbr.rel @!p1 .LBB2_38-.Ltmp22, $1  }
0x1b7: {  	_ =	sdelay $0x3  }
.LBB2_30:
0x1b8: {  	v0 =	vld.msk [tilespmem:s10+$0xA118], $0x1;
	_ =	sdelay $0x4  }
0x1b9: {  	(v2sf) =	vpush v0, $0x0;
	_ =	sdelay $0xe  }
0x1ba: {  	s2 =	spop (v2sf)  }
0x1bb: {  	p1 =	seq.s32 s2, $0xFFFFFFFF  }
.Ltmp23:
0x1bc: {  	_ = 	snop;
	(pc) =	sbr.rel @p1 .LBB2_37-.Ltmp23, $1  }
0x1bd: {  	_ =	sdelay $0x3  }
0x1be: {  	p1 =	slt.s32 s6, $0x1  }
.Ltmp24:
0x1bf: {  	_ = 	snop;
	(pc) =	sbr.rel @p1 .LBB2_36-.Ltmp24, $1  }
0x1c0: {  	_ =	sdelay $0x3  }
0x1c1: {  	s3 =	simm.s32 $0xA118;
	p1 =	por $0x0, $0x0  }
0x1c2: {  	v1 =	vld.msk @!p1 [tilespmem:s3+$0x0], $0x1;
	_ =	sdelay $0x4  }
0x1c3: {  	(v2sf) =	vpush @!p1 v1, $0x0;
	_ =	sdelay $0xd  }
0x1c4: {  	p3 =	sne.s32 s6, $0x1  }
.Ltmp25:
0x1c5: {  	s4 =	spop @!p1 (v2sf);
	(pc) =	sbr.rel @!p3 .LBB2_34-.Ltmp25, $4  }
0x1c6: {  	p2 =	seq.s32 @!p1 s2, s4  }
0x1c7: {  	s4 =	simm.s32 $0x0;
	p2 =	por !p2, p1  }
0x1c8: {  	s11 =	simm.s32 $0xFFFFFFFF;
	s4 =	simm.s32 @p2 $0xFFFFFFFF  }
0x1c9: {  	s5 =	simm.s32 $0x1;
	s4 =	smov.u32 @p1 s11  }
.LBB2_33:
0x1ca: {  	s11 =	smov.u32 s4;
	p1 =	sne.s32 s4, $0xFFFFFFFF  }
0x1cb: {  	s3 =	sadd.s32 $0x1, s3;
	s4 =	smov.u32 s5;
	s5 =	sadd.s32 $0x1, s5  }
0x1cc: {  	p2 =	sne.s32 s6, s5;
	v1 =	vld.msk @!p1 [tilespmem:s3+$0x0], $0x1;
	_ =	sdelay $0x4  }
0x1cd: {  	(v2sf) =	vpush @!p1 v1, $0x0;
	_ =	sdelay $0xe  }
.Ltmp26:
0x1ce: {  	s12 =	spop @!p1 (v2sf);
	(pc) =	sbr.rel @p2 .LBB2_33-.Ltmp26, $4  }
0x1cf: {  	p3 =	seq.s32 @!p1 s2, s12  }
0x1d0: {  	p3 =	por !p3, p1  }
0x1d1: {  	s4 =	simm.s32 @p3 $0xFFFFFFFF  }
0x1d2: {  	s4 =	smov.u32 @p1 s11  }
.LBB2_34:
0x1d3: {  	p1 =	seq.s32 s4, $0xFFFFFFFF  }
.Ltmp27:
0x1d4: {  	_ = 	snop;
	(pc) =	sbr.rel @p1 .LBB2_36-.Ltmp27, $1  }
0x1d5: {  	_ =	sdelay $0x3  }
0x1d6: {  	s2 =	sshll.u32 s10, $0x6  }
0x1d7: {  	s2 =	sand.u32 $0x3FFFFFC0, s2  }
0x1d8: {  	v0 =	vld [tilespmem:s2+$0xA138];
	_ =	sdelay $0x2  }
0x1d9: {  	s3 =	sshll.u32 s4, $0x8  }
0x1da: {  	s3 =	sshra.s32 s3, $0x2  }
0x1db: {  	[tilespmem:s3+$0xA138] =	vst.add.f32.msk $0xffff, v0  }
0x1dc: {  	v0 =	vld [tilespmem:s2+$0xA148];
	_ =	sdelay $0x4  }
0x1dd: {  	[tilespmem:s3+$0xA148] =	vst.add.f32.msk $0xffff, v0  }
0x1de: {  	v0 =	vld [tilespmem:s2+$0xA158];
	_ =	sdelay $0x4  }
0x1df: {  	[tilespmem:s3+$0xA158] =	vst.add.f32.msk $0xffff, v0  }
0x1e0: {  	v0 =	vld [tilespmem:s2+$0xA168]  }
.Ltmp28:
0x1e1: {  	_ = 	snop;
	(pc) =	sbr.rel .LBB2_37-.Ltmp28, $2  }
0x1e2: {  	_ =	sdelay $0x2  }
0x1e3: {  	[tilespmem:s3+$0xA168] =	vst.add.f32.msk $0xffff, v0  }
.LBB2_38:
0x1e4: {  	s0 =	simm.s32 $0x6;
	p1 =	seq.s32 s6, $0x0  }
0x1e5: {  	[sflag:s0] =	ssyncpa.u1 $0x1;
	v0 =	vimm.s32 @p1 $0xFFFFFFFF  }
0x1e6: {  	s0 =	sadd.s32 $0xFFFFFFFF, s6;
	[tilespmem:$0xA938] =	vst @p1 v0  }
0x1e7: {  	v0 =	vld.msk @!p1 [tilespmem:s0+$0xA118], $0x1;
	_ =	sdelay $0x1  }
0x1e8: {  	v1 =	vld.msk @!p1 [tilespmem:$0xA118], $0x1;
	_ =	sdelay $0x2  }
0x1e9: {  	p2 =	seq.s32 @!p1 s0, $0x0;
	v0 =	vbroadcast @!p1 v0, $0x0  }
0x1ea: {  	vm0 =	vmmov @!p1 $0x1;
	p2 =	por !p2, p1  }
0x1eb: {  	v1 =	vnsel @!p1 vm0, $0xFFFFFFFF, v1;
	vm0 =	vcmask @!p1 $0x308;
	v0 =	vpsel !p2, $0xFFFFFFFF, v0  }
0x1ec: {  	p2 =	sne.s32 @!p1 s8, s7;
	v0 =	vsel @!p1 vm0, v1, v0  }
0x1ed: {  	s2 =	simm.s32 @!p1 $0xA138;
	s3 =	simm.s32 @!p1 $0x0;
	p3 =	por !p2, p1;
	[tilespmem:$0xA938] =	vst @!p1 v0  }
0x1ee: {  	[spmem:s3] =	stream.linear.scatter @!p1 [tilespmem:s2], [sflag:$0x1], $0x40, $0x38;
	[tilespmem:$0x1EF88] =	vst v63  }
0x1ef: {  	s2 =	sshll.u32 @!p3 s0, $0x8  }
0x1f0: {  	s2 =	sshra.s32 @!p3 s2, $0x2  }
0x1f1: {  	s3 =	simm.s32 @!p3 $0x40;
	s2 =	sadd.s32 @!p3 $0xA138, s2  }
0x1f2: {  	[spmem:s3] =	stream.linear.scatter @!p3 [tilespmem:s2], [sflag:$0x1], $0x40, $0x38;
	[tilespmem:$0x1EF88] =	vst v63  }
0x1f3: {  	s2 =	simm.s32 @!p3 $0x1  }
0x1f4: {  	_ =	swait.ge @!p3 [sflag:s2], $0x80  }
0x1f5: {  	p1 =	por p2, p1;
	[sflag:s2] =	ssyncset.done @!p3 $0x0  }
0x1f6: {  	[sflag:s2] =	ssyncadd.s32 @!p3 $0xFFFFFF80;
	s2 =	simm.s32 @!p1 $0x1  }
0x1f7: {  	_ =	swait.ge @!p1 [sflag:s2], $0x40  }
0x1f8: {  	s29 =	simm.s32 $0xA938;
	[sflag:s2] =	ssyncset.done @!p1 $0x0  }
0x1f9: {  	s30 =	simm.s32 $0x800;
	s31 =	simm.s32 $0x1;
	[sflag:s2] =	ssyncadd.s32 @!p1 $0xFFFFFFC0  }
0x1fa: {  	[spmem:s30] =	stream.linear.scatter [tilespmem:s29], [sflag:$0x1], $0x10, $0x38;
	[tilespmem:$0x1EF88] =	vst v63  }
0x1fb: {  	_ =	swait.ge [sflag:s31], $0x10  }
0x1fc: {  	[sflag:s31] =	ssyncset.done $0x0  }
0x1fd: {  	p1 =	seq.s32 s13, $0x0;
	s9 =	rddreg [dreg:$0x1];
	[sflag:s31] =	ssyncadd.s32 $0xFFFFFFF0  }
0x1fe: {  	s3 =	sshll.u32 @p1 s9, $0xE;
	s8 =	rddreg [dreg:$0x2]  }
0x1ff: {  	s2 =	sadd.s32 @p1 $0x15C3C, s3;
	s3 =	sshll.u32 @p1 s8, $0x11  }
0x200: {  	_ =	sfence.stream.spmem;
	s2 =	sor.u32 @p1 s3, s2  }
0x201: {  	[sflag:s2] =	ssyncadd.remote.s32 @p1 $0x1;
	s2 =	simm.s32 @p1 $0x4  }
0x202: {  	s4 =	simm.s32 @!p1 $0x3C;
	s3 =	sand.u32 $0xFFFFFFFE, s9;
	_ =	swait.ge @p1 [sflag:s2], $0x12  }
0x203: {  	s5 =	simm.s32 @!p1 $0x0;
	s3 =	sadd.s32 @!p1 $0x4, s3;
	[sflag:s2] =	ssyncset.done @p1 $0x0  }
0x204: {  	s7 =	simm.s32 @!p1 $0x80;
	[sflag:s2] =	ssyncadd.s32 @p1 $0xFFFFFFEE;
	s2 =	sshll.u32 @!p1 s3, $0x1A  }
0x205: {  	s3 =	sshll.u32 @!p1 s3, $0xD;
	s2 =	sor.u32 @!p1 s2, s8;
	_ =	swait.eq @!p1 [sflag:s4], $0x1  }
0x206: {  	s3 =	sor.u32 @!p1 $0x1C04, s3;
	s4 =	simm.s32 @!p1 $0x1C03;
	s2 =	sor.u32 @!p1 $0x80004000, s2  }
0x207: {  	[spmem:s7], [sflag:s3] =	dma.general @!p1 [spmem:s5], [sflag:s4], length:$0x10, [dreg:$0x0], stride_count:$0x0, ici_dest:s2, dma_misc:DstOpCode:WRITE  }
0x208: {  	p2 =	slt.s32 s0, $0x2;
	s5 =	simm.s32 @!p1 $0x100;
	s7 =	simm.s32 @!p1 $0x102  }
0x209: {  	[spmem:s7], [sflag:s3] =	dma.general @!p1 [spmem:s5], [sflag:s4], length:$0x2, [dreg:$0x0], stride_count:$0x0, ici_dest:s2, dma_misc:DstOpCode:WRITE  }
.Ltmp29:
0x20a: {  	s2 =	simm.s32 @!p1 $0x3;
	(pc) =	sbr.rel @p2 .LBB2_42-.Ltmp29, $4  }
0x20b: {  	s3 =	sshll.u32 @!p1 s9, $0xE;
	_ =	swait.ge @!p1 [sflag:s2], $0x12  }
0x20c: {  	s4 =	sshll.u32 @!p1 s8, $0x11;
	s3 =	sadd.s32 @!p1 $0x11C3C, s3;
	[sflag:s2] =	ssyncset.done @!p1 $0x0  }
0x20d: {  	[sflag:s2] =	ssyncadd.s32 @!p1 $0xFFFFFFEE;
	s2 =	sor.u32 @!p1 s4, s3  }
0x20e: {  	s0 =	simm.s32 $0x0;
	[sflag:s2] =	ssyncadd.remote.s32 @!p1 $0xFFFFFFFF  }
0x20f: {  	s0 =	simm.s32 $0xA119  }
0x210: {  	v0 =	vld.msk [tilespmem:s0+$0x0], $0x1;
	_ =	sdelay $0x4  }
0x211: {  	(v2sf) =	vpush v0, $0x0;
	_ =	sdelay $0xc  }
0x212: {  	s2 =	sadd.s32 $0xFFFFFFFE, s6  }
0x213: {  	s2 =	sadd.s32 $0xFFFFFFFF, s2  }
0x214: {  	p2 =	sne.s32 s2, $0x0;
	s3 =	spop (v2sf)  }
.Ltmp30:
0x215: {  	p1 =	sgt.u32 s3, $0x270F8;
	(pc) =	sbr.rel @!p2 .LBB2_41-.Ltmp30, $4  }
0x216: {  	s5 =	simm.s32 $0x0;
	s4 =	sand.u32 @!p1 $0x3FFF8, s3  }
0x217: {  	s0 =	simm.s32 $0xA178;
	s3 =	sand.u32 @!p1 $0x7, s3;
	s4 =	sadd.s32 @!p1 s1, s4  }
0x218: {  	[hbm4b:s4+s3] =	stream.linear.scatter @!p1 [tilespmem:s0], [sflag:$0x5], $0x40, $0x38;
	[tilespmem:$0x1EF88] =	vst v63  }
0x219: {  	s5 =	simm.s32 @!p1 $0x100;
	s3 =	simm.s32 $0x0;
	s4 =	simm.s32 $0xA11A  }
.LBB2_40:
0x21a: {  	v0 =	vld.msk [tilespmem:s4+$0x0], $0x1;
	s2 =	sadd.s32 $0xFFFFFFFF, s2;
	s3 =	sadd.s32 s3, s5  }
0x21b: {  	p1 =	sne.s32 s2, $0x0;
	_ =	sdelay $0x3  }
0x21c: {  	(v2sf) =	vpush v0, $0x0;
	_ =	sdelay $0xe  }
.Ltmp31:
0x21d: {  	s6 =	spop (v2sf);
	(pc) =	sbr.rel @p1 .LBB2_40-.Ltmp31, $4  }
0x21e: {  	s5 =	simm.s32 $0x0;
	p2 =	sgt.u32 s6, $0x270F8  }
0x21f: {  	s0 =	sadd.s32 $0x40, s0;
	s5 =	simm.s32 @!p2 $0x100;
	s7 =	sand.u32 @!p2 $0x3FFF8, s6  }
0x220: {  	s4 =	sadd.s32 $0x1, s4;
	s6 =	sand.u32 @!p2 $0x7, s6;
	s7 =	sadd.s32 @!p2 s1, s7  }
0x221: {  	[hbm4b:s7+s6] =	stream.linear.scatter @!p2 [tilespmem:s0], [sflag:$0x5], $0x40, $0x38;
	[tilespmem:$0x1EF88] =	vst v63  }
.LBB2_41:
0x222: {  	s0 =	sadd.s32 s3, s5  }
0x223: {  	s0 =	sshrl.u32 s0, $0x2  }
.LBB2_42:
0x224: {  	s2 =	simm.s32 $0x5  }
0x225: {  	_ =	swait.ge [sflag:s2], s0  }
0x226: {  	s31 =	ssub.s32 $0x0, s0;
	[sflag:s2] =	ssyncset.done $0x0  }
0x227: {  	[sflag:s2] =	ssyncadd.s32 s31  }
0x228: {  	[sflag:s2] =	ssyncpa.u1 $0x1  }
.LBB2_43:
0x229: {  	s0 =	sor.u32 s13, s14  }
0x22a: {  	p1 =	sne.s32 s0, $0x0  }
.Ltmp32:
0x22b: {  	_ = 	snop;
	(pc) =	sbr.rel @p1 .LBB2_58-.Ltmp32, $3  }
0x22c: {  	_ =	sdelay $0x1  }
0x22d: {  	[bflag:$0x0] =	sbarrier.arrive $0xFFFF  }
0x22e: {  	_ =	sfence  }
0x22f: {  	s2 =	simm.s32 $0x7  }
0x230: {  	s0 =	simm.s32 $0x800;
	s3 =	simm.s32 $0xA118;
	[sflag:s2] =	ssyncpa.u1 $0x0  }
0x231: {  	[tilespmem:s3], [sflag:$0x7] =	stream.linear.gather [spmem:s0], $0x20, $0x38;
	[tilespmem:$0x1EF88] =	vst v63  }
0x232: {  	s30 =	simm.s32 $0xA138;
	s0 =	simm.s32 $0x0  }
0x233: {  	[tilespmem:s30], [sflag:$0x7] =	stream.linear.gather [spmem:s0], $0x800, $0x38;
	[tilespmem:$0x1EF88] =	vst v63  }
.Ltmp33:
0x234: {  	_ = 	snop;
	(pc) =	sbr.rel .LBB2_45-.Ltmp33, $4  }
0x235: {  	_ =	swait.ge [sflag:s2], $0x820  }
0x236: {  	[sflag:s2] =	ssyncset.done $0x0  }
0x237: {  	s31 =	simm.s32 $0x8;
	[sflag:s2] =	ssyncadd.s32 $0xFFFFF7E0  }
0x238: {  	s2 =	simm.s32 $0x0;
	[sflag:s31] =	ssyncpa.u1 $0x0  }
.LBB2_51:
0x239: {  	p1 =	slt.u32 s3, $0x270F9  }
0x23a: {  	s4 =	sand.u32 @p1 $0x3FFF8, s3  }
0x23b: {  	s3 =	sand.u32 @p1 $0x7, s3;
	s5 =	simm.s32 @p1 $0xA0C8;
	s4 =	sadd.s32 @p1 s1, s4  }
0x23c: {  	[tilespmem:s5], [sflag:$0x8] =	stream.linear.gather @p1 [hbm4b:s4+s3], $0x40, $0x38;
	[tilespmem:$0x1EF88] =	vst v63  }
0x23d: {  	s3 =	simm.s32 @p1 $0x8  }
0x23e: {  	_ =	swait.ge @p1 [sflag:s3], $0x40  }
0x23f: {  	[sflag:s3] =	ssyncset.done @p1 $0x0  }
0x240: {  	[sflag:s3] =	ssyncadd.s32 @p1 $0xFFFFFFC0  }
0x241: {  	v1 =	vld @p1 [tilespmem:$0xA0C8];
	_ =	sdelay $0x2  }
0x242: {  	s3 =	sshll.u32 @p1 s2, $0x8  }
0x243: {  	s4 =	sshrl.u32 @p1 s3, $0x2  }
0x244: {  	[tilespmem:s4+$0xA138] =	vst.add.f32.msk @p1 $0xffff, v1  }
0x245: {  	v1 =	vld @p1 [tilespmem:$0xA0D8];
	_ =	sdelay $0x4  }
0x246: {  	[tilespmem:s4+$0xA148] =	vst.add.f32.msk @p1 $0xffff, v1  }
0x247: {  	v1 =	vld @p1 [tilespmem:$0xA0E8];
	_ =	sdelay $0x4  }
0x248: {  	[tilespmem:s4+$0xA158] =	vst.add.f32.msk @p1 $0xffff, v1  }
0x249: {  	v1 =	vld @p1 [tilespmem:$0xA0F8];
	_ =	sdelay $0x3  }
0x24a: {  	s5 =	sshll.u32 @!p1 s2, $0x8  }
0x24b: {  	s5 =	smov.u32 @p1 s3;
	[tilespmem:s4+$0xA168] =	vst.add.f32.msk @p1 $0xffff, v1  }
0x24c: {  	s3 =	sshrl.u32 s5, $0x2;
	[tilespmem:s0+$0xA118] =	vst.msk $0x1, v0  }
0x24d: {  	v0 =	vld [tilespmem:s3+$0xA138];
	_ =	sdelay $0x2  }
0x24e: {  	s31 =	sshll.u32 s0, $0x8  }
0x24f: {  	s4 =	sshra.s32 s31, $0x2  }
0x250: {  	[tilespmem:s4+$0xA138] =	vst v0  }
0x251: {  	v0 =	vld [tilespmem:s3+$0xA148];
	_ =	sdelay $0x4  }
0x252: {  	[tilespmem:s4+$0xA148] =	vst v0  }
0x253: {  	v0 =	vld [tilespmem:s3+$0xA158];
	_ =	sdelay $0x4  }
0x254: {  	[tilespmem:s4+$0xA158] =	vst v0  }
0x255: {  	v0 =	vld [tilespmem:s3+$0xA168];
	_ =	sdelay $0x4  }
0x256: {  	s0 =	sadd.s32 $0x1, s0;
	[tilespmem:s4+$0xA168] =	vst v0  }
.LBB2_52:
0x257: {  	s2 =	sadd.s32 $0x1, s2  }
0x258: {  	p1 =	sne.s32 s2, $0x20  }
.Ltmp34:
0x259: {  	_ = 	snop;
	(pc) =	sbr.rel @!p1 .LBB2_53-.Ltmp34, $1  }
0x25a: {  	_ =	sdelay $0x3  }
.LBB2_45:
0x25b: {  	v0 =	vld.msk [tilespmem:s2+$0xA118], $0x1;
	_ =	sdelay $0x4  }
0x25c: {  	(v2sf) =	vpush v0, $0x0;
	_ =	sdelay $0xe  }
0x25d: {  	s3 =	spop (v2sf)  }
0x25e: {  	p1 =	seq.s32 s3, $0xFFFFFFFF  }
.Ltmp35:
0x25f: {  	_ = 	snop;
	(pc) =	sbr.rel @p1 .LBB2_52-.Ltmp35, $1  }
0x260: {  	_ =	sdelay $0x3  }
0x261: {  	p1 =	slt.s32 s0, $0x1  }
.Ltmp36:
0x262: {  	_ = 	snop;
	(pc) =	sbr.rel @p1 .LBB2_51-.Ltmp36, $1  }
0x263: {  	_ =	sdelay $0x3  }
0x264: {  	s4 =	simm.s32 $0xA118;
	p1 =	por $0x0, $0x0  }
0x265: {  	v1 =	vld.msk @!p1 [tilespmem:s4+$0x0], $0x1;
	_ =	sdelay $0x4  }
0x266: {  	(v2sf) =	vpush @!p1 v1, $0x0;
	_ =	sdelay $0xd  }
0x267: {  	p3 =	sne.s32 s0, $0x1  }
.Ltmp37:
0x268: {  	s5 =	spop @!p1 (v2sf);
	(pc) =	sbr.rel @!p3 .LBB2_49-.Ltmp37, $4  }
0x269: {  	p2 =	seq.s32 @!p1 s3, s5  }
0x26a: {  	s5 =	simm.s32 $0x0;
	p2 =	por !p2, p1  }
0x26b: {  	s7 =	simm.s32 $0xFFFFFFFF;
	s5 =	simm.s32 @p2 $0xFFFFFFFF  }
0x26c: {  	s6 =	simm.s32 $0x1;
	s5 =	smov.u32 @p1 s7  }
.LBB2_48:
0x26d: {  	s7 =	smov.u32 s5;
	p1 =	sne.s32 s5, $0xFFFFFFFF  }
0x26e: {  	s4 =	sadd.s32 $0x1, s4;
	s5 =	smov.u32 s6;
	s6 =	sadd.s32 $0x1, s6  }
0x26f: {  	p2 =	sne.s32 s0, s6;
	v1 =	vld.msk @!p1 [tilespmem:s4+$0x0], $0x1;
	_ =	sdelay $0x4  }
0x270: {  	(v2sf) =	vpush @!p1 v1, $0x0;
	_ =	sdelay $0xe  }
.Ltmp38:
0x271: {  	s8 =	spop @!p1 (v2sf);
	(pc) =	sbr.rel @p2 .LBB2_48-.Ltmp38, $4  }
0x272: {  	p3 =	seq.s32 @!p1 s3, s8  }
0x273: {  	p3 =	por !p3, p1  }
0x274: {  	s5 =	simm.s32 @p3 $0xFFFFFFFF  }
0x275: {  	s5 =	smov.u32 @p1 s7  }
.LBB2_49:
0x276: {  	p1 =	seq.s32 s5, $0xFFFFFFFF  }
.Ltmp39:
0x277: {  	_ = 	snop;
	(pc) =	sbr.rel @p1 .LBB2_51-.Ltmp39, $1  }
0x278: {  	_ =	sdelay $0x3  }
0x279: {  	s3 =	sshll.u32 s2, $0x6  }
0x27a: {  	s3 =	sand.u32 $0x3FFFFFC0, s3  }
0x27b: {  	v0 =	vld [tilespmem:s3+$0xA138];
	_ =	sdelay $0x2  }
0x27c: {  	s4 =	sshll.u32 s5, $0x8  }
0x27d: {  	s4 =	sshra.s32 s4, $0x2  }
0x27e: {  	[tilespmem:s4+$0xA138] =	vst.add.f32.msk $0xffff, v0  }
0x27f: {  	v0 =	vld [tilespmem:s3+$0xA148];
	_ =	sdelay $0x4  }
0x280: {  	[tilespmem:s4+$0xA148] =	vst.add.f32.msk $0xffff, v0  }
0x281: {  	v0 =	vld [tilespmem:s3+$0xA158];
	_ =	sdelay $0x4  }
0x282: {  	[tilespmem:s4+$0xA158] =	vst.add.f32.msk $0xffff, v0  }
0x283: {  	v0 =	vld [tilespmem:s3+$0xA168]  }
.Ltmp40:
0x284: {  	_ = 	snop;
	(pc) =	sbr.rel .LBB2_52-.Ltmp40, $2  }
0x285: {  	_ =	sdelay $0x2  }
0x286: {  	[tilespmem:s4+$0xA168] =	vst.add.f32.msk $0xffff, v0  }
.LBB2_53:
0x287: {  	p1 =	slt.s32 s0, $0x1  }
.Ltmp41:
0x288: {  	_ = 	snop;
	(pc) =	sbr.rel @p1 .LBB2_57-.Ltmp41, $3  }
0x289: {  	_ =	sdelay $0x1  }
0x28a: {  	s2 =	simm.s32 $0x8  }
0x28b: {  	[sflag:s2] =	ssyncpa.u1 $0x1;
	s2 =	simm.s32 $0x0  }
0x28c: {  	s3 =	simm.s32 $0xA118  }
0x28d: {  	v0 =	vld.msk [tilespmem:s3+$0x0], $0x1;
	_ =	sdelay $0x4  }
0x28e: {  	(v2sf) =	vpush v0, $0x0;
	_ =	sdelay $0xe  }
0x28f: {  	s0 =	sadd.s32 $0xFFFFFFFF, s0;
	s4 =	spop (v2sf)  }
0x290: {  	p2 =	sne.s32 s0, $0x0;
	p1 =	sgt.u32 s4, $0x270F8  }
.Ltmp42:
0x291: {  	s5 =	sand.u32 @!p1 $0x3FFF8, s4;
	(pc) =	sbr.rel @!p2 .LBB2_56-.Ltmp42, $4  }
0x292: {  	s3 =	simm.s32 $0xA138;
	s4 =	sand.u32 @!p1 $0x7, s4;
	s5 =	sadd.s32 @!p1 s1, s5  }
0x293: {  	[hbm4b:s5+s4] =	stream.linear.scatter @!p1 [tilespmem:s3], [sflag:$0x7], $0x40, $0x38;
	[tilespmem:$0x1EF88] =	vst v63  }
0x294: {  	s5 =	simm.s32 $0x0  }
0x295: {  	s4 =	simm.s32 $0xA119;
	s5 =	simm.s32 @!p1 $0x100  }
.LBB2_55:
0x296: {  	v0 =	vld.msk [tilespmem:s4+$0x0], $0x1;
	s0 =	sadd.s32 $0xFFFFFFFF, s0;
	s2 =	sadd.s32 s2, s5  }
0x297: {  	p1 =	sne.s32 s0, $0x0;
	_ =	sdelay $0x3  }
0x298: {  	(v2sf) =	vpush v0, $0x0;
	_ =	sdelay $0xe  }
.Ltmp43:
0x299: {  	s6 =	spop (v2sf);
	(pc) =	sbr.rel @p1 .LBB2_55-.Ltmp43, $4  }
0x29a: {  	s5 =	simm.s32 $0x0;
	p2 =	sgt.u32 s6, $0x270F8  }
0x29b: {  	s3 =	sadd.s32 $0x40, s3;
	s5 =	simm.s32 @!p2 $0x100;
	s7 =	sand.u32 @!p2 $0x3FFF8, s6  }
0x29c: {  	s4 =	sadd.s32 $0x1, s4;
	s6 =	sand.u32 @!p2 $0x7, s6;
	s7 =	sadd.s32 @!p2 s1, s7  }
0x29d: {  	[hbm4b:s7+s6] =	stream.linear.scatter @!p2 [tilespmem:s3], [sflag:$0x7], $0x40, $0x38;
	[tilespmem:$0x1EF88] =	vst v63  }
.LBB2_56:
0x29e: {  	s0 =	sadd.s32 s2, s5  }
0x29f: {  	s2 =	sshrl.u32 s0, $0x2  }
.LBB2_57:
0x2a0: {  	s0 =	simm.s32 $0x7  }
0x2a1: {  	_ =	swait.ge [sflag:s0], s2  }
0x2a2: {  	s1 =	ssub.s32 $0x0, s2;
	[sflag:s0] =	ssyncset.done $0x0  }
0x2a3: {  	[sflag:s0] =	ssyncadd.s32 s1  }
0x2a4: {  	[sflag:s0] =	ssyncpa.u1 $0x1  }
.LBB2_58:
0x2a5: {  	_ =	sfence;
	s0 =	simm.s32 $0x1  }
0x2a6: {  	[sflag:s0] =	ssyncpa.u1 $0x1  }
0x2a7: {  	_ =	strace $0x90000050  }
0x2a8: {  	[bflag:$0x2] =	sbarrier.arrive $0xFFFF  }
0x2a9: {  	s0 =	rddreg [dreg:$0x3]  }
0x2aa: {  	s0 =	sadd.s32 @!p0 $0x100000, s0  }
0x2ab: {  	[sflag:s0] =	ssyncadd.tile.s32 @!p0 $0x1;
	_ =	shalt  }
.Lfunc_end2:
_tile_overlayer_lowered:
.L_overlay_start_2:
0x2ac: {  	(tag) =	ssettag $0x2  }
0x2ad: {  	s0 =	rddreg [dreg:$0x0];
	s2 =	stileid.u32  }
0x2ae: {  	s1 =	rddreg [dreg:$0x1];
	p0 =	sne.s32 s2, $0x0  }
0x2af: {  	s3 =	rddreg [dreg:$0x2];
	[bflag:$0x3] =	sbarrier.arrive $0xFFFF;
	s2 =	simm.s32 @!p0 $0x1C01  }
0x2b0: {  	[timem:s3], [sflag:s2] =	dma.local @!p0 [hbm:s0], s1  }
0x2b1: {  	s0 =	simm.s32 @!p0 $0x1  }
0x2b2: {  	_ =	swait.ge @!p0 [sflag:s0], s1  }
0x2b3: {  	s1 =	ssub.s32 @!p0 $0x0, s1;
	[sflag:s0] =	ssyncset.done @!p0 $0x0  }
0x2b4: {  	[sflag:s0] =	ssyncadd.s32 @!p0 s1  }
0x2b5: {  	[bflag:$0x3] =	sbarrier.arrive $0xFFFF  }
0x2b6: {  	_ =	shalt  }

// kernel: scatter_offload_async_start.3
scs
__scs_entry_jumppad:
0x0: {  	(pc) =	sbr.rel $0x88, $3  }
0x1: {  	(tag) =	ssettag $0x0;
	lr =	simm.s32 $0x1  }
0x2: {  	[smem:$0x3F91] =	sst lr;
	_ =	strace $0xD0000000  }
0x3: {  	_ = 	snop  }
0x4: {  	_ = 	snop  }
0x5: {  	_ = 	snop  }
0x6: {  	_ = 	snop  }
0x7: {  	_ = 	snop  }
__scs_overlays_trampoline_lowered:
0x8: {  	[smem:$0x3FA0] =	sst s0  }
0x9: {  	[smem:$0x3FA1] =	sst s1  }
0xa: {  	[smem:$0x3FA2] =	sst s2  }
0xb: {  	[smem:$0x3FA3] =	sst s3  }
0xc: {  	[smem:$0x3FA4] =	sst s4  }
0xd: {  	[smem:$0x3FA5] =	sst s5  }
0xe: {  	[smem:$0x3FA6] =	sst s6  }
0xf: {  	[smem:$0x3FA7] =	sst s7  }
0x10: {  	[smem:$0x3FA8] =	sst s8  }
0x11: {  	[smem:$0x3FA9] =	sst s9;
	s0 =	simm.s32 @!p0 $0x0  }
0x12: {  	s1 =	sld [smem:$0x3F8F];
	s0 =	simm.s32 @p0 $0x1  }
0x13: {  	[smem:$0x3FAA] =	sst s0;
	s0 =	simm.s32 @!p1 $0x0  }
0x14: {  	s2 =	sld [smem:$0x3F8E];
	s0 =	simm.s32 @p1 $0x1  }
0x15: {  	[smem:$0x3FAB] =	sst s0;
	s0 =	simm.s32 @!p2 $0x0  }
0x16: {  	s3 =	sld [smem:$0x3FDB];
	s0 =	simm.s32 @p2 $0x1  }
0x17: {  	s4 =	simm.s32 $0x1BF5;
	[smem:$0x3FAD] =	sst s0  }
0x18: {  	s0 =	sld [smem:$0x3F90];
	_ =	swait.ge [sflag:s4], $0x0  }
0x19: {  	s7 =	sld [smem:$0x3F91]  }
0x1a: {  	s8 =	sadd.s32 $0xFFFFE003, lr  }
0x1b: {  	s9 =	sadd.s32 $0xFFFFFEF7, lr;
	s5 =	simm.s32 $0xFFFFFFFF;
	p2 =	slt.u32 s8, $0xFFFFF086  }
0x1c: {  	p1 =	slt.u32 s9, $0xF7A;
	s5 =	simm.s32 @!p2 $0x0  }
0x1d: {  	s5 =	simm.s32 @p1 $0x1;
	p0 =	seq.s32 s7, s2  }
0x1e: {  	s7 =	smul.u32 @!p0 $0xF7A, s2;
	p2 =	seq.s32 @!p0 s5, $0x0  }
0x1f: {  	s9 =	smul.u32 $0xF7A, s1;
	s8 =	simm.s32 @!p0 $0x1BF5;
	p2 =	por !p2, p0  }
0x20: {  	[sflag:s8] =	ssyncset.s32 @!p0 $0xFFFFF086;
	s6 =	sadd.s32 @!p0 s3, s7;
	s7 =	simm.s32 @!p0 $0x108  }
0x21: {  	s3 =	sadd.s32 s3, s9;
	s6 =	sadd.s32 @!p0 $0x88, s6;
	s7 =	simm.s32 @p2 $0x1082  }
0x22: {  	[simem:s7], [sflag:s8] =	dma.local @!p0 [hbm:s6], $0xF7A  }
0x23: {  	s9 =	sor.u32 $0xD0000000, s2;
	s6 =	simm.s32 $0x108;
	_ =	swait.ge @!p0 [sflag:s8], $0x0  }
0x24: {  	s3 =	sadd.s32 $0x88, s3;
	s6 =	simm.s32 @!p1 $0x1082;
	[sflag:s4] =	ssyncset.s32 $0xFFFFF086  }
0x25: {  	[simem:s6], [sflag:s4] =	dma.local [hbm:s3], $0xF7A  }
0x26: {  	[smem:$0x3F91] =	sst s1;
	(tag) =	ssettag s2;
	_ =	strace s9  }
0x27: {  	s1 =	sld [smem:$0x3FA1]  }
0x28: {  	s2 =	sld [smem:$0x3FA2]  }
0x29: {  	s4 =	sld [smem:$0x3FA4]  }
0x2a: {  	p0 =	seq.s32 s5, $0x0;
	s5 =	sld [smem:$0x3FA5]  }
0x2b: {  	s6 =	sld [smem:$0x3FA6]  }
0x2c: {  	s7 =	sld [smem:$0x3FA7]  }
0x2d: {  	s3 =	simm.s32 $0x108;
	s8 =	sld [smem:$0x3FA8]  }
0x2e: {  	s3 =	simm.s32 @!p0 $0x1082;
	s9 =	sld [smem:$0x3FA9]  }
0x2f: {  	lr =	sadd.s32 s0, s3;
	s0 =	sld [smem:$0x3FA0]  }
0x30: {  	s3 =	sld [smem:$0x3FA3]  }
0x31: {  	[smem:$0x3FAC] =	sst s10  }
0x32: {  	s10 =	sld [smem:$0x3FAA];
	_ =	sdelay $0x3  }
0x33: {  	p0 =	seq.s32 s10, $0x1;
	s10 =	sld [smem:$0x3FAC];
	_ =	sdelay $0x3  }
0x34: {  	[smem:$0x3FAC] =	sst s10  }
0x35: {  	s10 =	sld [smem:$0x3FAB];
	_ =	sdelay $0x3  }
0x36: {  	p1 =	seq.s32 s10, $0x1;
	s10 =	sld [smem:$0x3FAC];
	_ =	sdelay $0x3  }
0x37: {  	[smem:$0x3FAC] =	sst s10  }
0x38: {  	s10 =	sld [smem:$0x3FAD]  }
0x39: {  	_ = 	snop;
	(pc) =	sbr.ind lr, $3  }
0x3a: {  	_ = 	snop  }
0x3b: {  	_ = 	snop  }
0x3c: {  	p2 =	seq.s32 s10, $0x1;
	s10 =	sld [smem:$0x3FAC]  }
0x3d: {  	_ =	shalt  }
0x3e: {  	_ =	shalt  }
0x3f: {  	_ =	shalt  }
0x40: {  	_ =	shalt  }
0x41: {  	_ =	shalt  }
0x42: {  	_ =	shalt  }
0x43: {  	_ =	shalt  }
0x44: {  	_ =	shalt  }
0x45: {  	_ =	shalt  }
0x46: {  	_ =	shalt  }
0x47: {  	_ =	shalt  }
0x48: {  	_ =	shalt  }
0x49: {  	_ =	shalt  }
0x4a: {  	_ =	shalt  }
0x4b: {  	_ =	shalt  }
0x4c: {  	_ =	shalt  }
0x4d: {  	_ =	shalt  }
0x4e: {  	_ =	shalt  }
0x4f: {  	_ =	shalt  }
0x50: {  	_ =	shalt  }
0x51: {  	_ =	shalt  }
0x52: {  	_ =	shalt  }
0x53: {  	_ =	shalt  }
0x54: {  	_ =	shalt  }
0x55: {  	_ =	shalt  }
0x56: {  	_ =	shalt  }
0x57: {  	_ =	shalt  }
0x58: {  	_ =	shalt  }
0x59: {  	_ =	shalt  }
0x5a: {  	_ =	shalt  }
0x5b: {  	_ =	shalt  }
0x5c: {  	_ =	shalt  }
0x5d: {  	_ =	shalt  }
0x5e: {  	_ =	shalt  }
0x5f: {  	_ =	shalt  }
0x60: {  	_ =	shalt  }
0x61: {  	_ =	shalt  }
0x62: {  	_ =	shalt  }
0x63: {  	_ =	shalt  }
0x64: {  	_ =	shalt  }
0x65: {  	_ =	shalt  }
0x66: {  	_ =	shalt  }
0x67: {  	_ =	shalt  }
0x68: {  	_ =	shalt  }
0x69: {  	_ =	shalt  }
0x6a: {  	_ =	shalt  }
0x6b: {  	_ =	shalt  }
0x6c: {  	_ =	shalt  }
0x6d: {  	_ =	shalt  }
0x6e: {  	_ =	shalt  }
0x6f: {  	_ =	shalt  }
0x70: {  	_ =	shalt  }
0x71: {  	_ =	shalt  }
0x72: {  	_ =	shalt  }
0x73: {  	_ =	shalt  }
0x74: {  	_ =	shalt  }
0x75: {  	_ =	shalt  }
0x76: {  	_ =	shalt  }
0x77: {  	_ =	shalt  }
0x78: {  	_ =	shalt  }
0x79: {  	_ =	shalt  }
0x7a: {  	_ =	shalt  }
0x7b: {  	_ =	shalt  }
0x7c: {  	_ =	shalt  }
0x7d: {  	_ =	shalt  }
0x7e: {  	_ =	shalt  }
0x7f: {  	_ =	shalt  }
0x80: {  	_ =	shalt  }
0x81: {  	_ =	shalt  }
0x82: {  	_ =	shalt  }
0x83: {  	_ =	shalt  }
0x84: {  	_ =	shalt  }
0x85: {  	_ =	shalt  }
0x86: {  	_ =	shalt  }
0x87: {  	_ =	shalt  }
.Lfunc_end0:
.L_simem_size_0:
called_computation.3_lowered:
.L_overlay_start_0:
0x88: {  	s2 =	sld [smem:$0x3FD9]  }
0x89: {  	s3 =	sld [smem:$0x3FFE];
	_ =	sdelay $0x1  }
0x8a: {  	s1 =	srdreg.scid  }
0x8b: {  	s0 =	sand.u32 $0x1, s1  }
0x8c: {  	s15 =	sshll.u32 s0, $0xA;
	s2 =	sadd.s32 s3, s2  }
0x8d: {  	s2 =	sadd.s32 s2, s15  }
0x8e: {  	[smem:$0x3FB8] =	sst s2  }
0x8f: {  	_ = 	snop  }
0x90: {  	(tm) =	ssettm $0x1  }
0x91: {  	s16 =	sld [smem:$0x3FFB];
	_ =	sdelay $0x3  }
0x92: {  	_ =	strace s16  }
0x93: {  	s2 =	sld [smem:$0x3FFC];
	_ =	sdelay $0x3  }
0x94: {  	_ =	strace s2  }
0x95: {  	s2 =	sld [smem:$0x3FFD];
	_ =	sdelay $0x3  }
0x96: {  	_ =	strace s2  }
0x97: {  	_ =	strace $0x8FFFFFFF  }
0x98: {  	s17 =	sld [smem:$0x3FDB];
	_ =	sdelay $0x1  }
0x99: {  	s18 =	simm.s32 $_scs_section_size  }
0x9a: {  	s4 =	simm.s32 $_size__tile_overlayer_lowered;
	s5 =	simm.s32 $_tile_overlayer_lowered  }
0x9b: {  	s21 =	simm.s32 $0x1BFF;
	s20 =	sshll.u32 s5, $0x1;
	s2 =	sadd.s32 s18, s17  }
0x9c: {  	s6 =	simm.s32 $0x0;
	s19 =	sshll.u32 s4, $0x1;
	s4 =	sadd.s32 s20, s2  }
0x9d: {  	[timem:s6], [sflag:s21] =	dma.local [hbm:s4], s19  }
0x9e: {  	_ =	swait.ge [sflag:s21], s19  }
0x9f: {  	s3 =	ssub.s32 $0x0, s19;
	[sflag:s21] =	ssyncset.done $0x0  }
0xa0: {  	[sflag:s21] =	ssyncadd.s32 s3;
	_ =	sdelay $0x1  }
0xa1: {  	s22 =	simm.s32 $0x1B8B  }
0xa2: {  	_ =	swait.ge [sflag:s22], $0x1  }
0xa3: {  	[sflag:s22] =	ssyncset.done $0x0  }
0xa4: {  	s23 =	sld [smem:$0x3FFE];
	[sflag:s22] =	ssyncadd.s32 $0xFFFFFFFF  }
0xa5: {  	s25 =	simm.s32 $0x1B8E;
	s24 =	sld [smem:$0x0]  }
0xa6: {  	s26 =	simm.s32 $execute0_lowered;
	[smem:$0x3FD2] =	sst s25  }
0xa7: {  	s5 =	sshll.u32 s26, $0x1;
	_ =	strace $0x80000052;
	[dreg:$0x1] =	wrdreg $0xFFFFFFFF  }
0xa8: {  	s28 =	simm.s32 $_size_execute0_lowered;
	s2 =	sadd.s32 s2, s5;
	[dreg:$0x0] =	wrdreg $0x0  }
0xa9: {  	s5 =	sshll.u32 s28, $0x1;
	[dreg:$0x2] =	wrdreg s2  }
0xaa: {  	[dreg:$0x3] =	wrdreg s5  }
0xab: {  	[dreg:$0x4] =	wrdreg $0xC0  }
0xac: {  	_ =	task [dreg:s6], $0x5FFFF  }
0xad: {  	[dreg:$0x1] =	wrdreg $0xFFFFFFFF  }
0xae: {  	[dreg:$0x0] =	wrdreg $0x60  }
0xaf: {  	[dreg:$0x2] =	wrdreg s23  }
0xb0: {  	[dreg:$0x3] =	wrdreg s1  }
0xb1: {  	[dreg:$0x4] =	wrdreg s24  }
0xb2: {  	[dreg:$0x5] =	wrdreg $0x9  }
0xb3: {  	_ =	task.clear_ibuf [dreg:s6], $0x6FFFF;
	_ =	strace $0x90000052  }
0xb4: {  	s29 =	simm.s32 $0x9;
	_ =	strace $0x80000054  }
0xb5: {  	_ =	swait.ge [sflag:s29], $0x1  }
0xb6: {  	[sflag:s29] =	ssyncadd.s32 $0xFFFFFFFF  }
0xb7: {  	_ =	strace $0x90000054  }
0xb8: {  	_ =	sfence  }
0xb9: {  	s30 =	sld [smem:$0x0];
	_ =	sdelay $0x2  }
0xba: {  	s31 =	sshll.u32 s1, $0xD;
	s1 =	sshrl.u32 s1, $0x2  }
0xbb: {  	s3 =	sand.u32 $0x4000, s31;
	s1 =	sadd.s32 s1, s30  }
0xbc: {  	s0 =	sor.u32 s3, s0;
	s1 =	sshll.u32 s1, $0x11  }
0xbd: {  	s0 =	sor.u32 s1, s0  }
0xbe: {  	s0 =	sadd.s32 $0x8F2B, s0  }
0xbf: {  	[sflag:s0] =	ssyncadd.remote.s32 $0x1  }
0xc0: {  	_ =	sfence.sel $0xFFFF  }
0xc1: {  	[dreg:$0x0] =	wrdreg $0xFFFFFFFF;
	(pc) =	sbr.abs _section_cstart, $3  }
0xc2: {  	[dreg:$0x1] =	wrdreg $0xFFFFFFFF  }
0xc3: {  	_ =	task.clear_ibuf [dreg:s6], $0x2FFFF;
	_ =	strace $0x9FFFFFFF  }
0xc4: {  	(tm) =	ssettm $0x7FFFFFFF  }
0xc5: {  	_ =	shalt  }
tec
execute0_lowered:
.L_overlay_start_1:
0x0: {  	(tag) =	ssettag $0x1  }
0x1: {  	s2 =	rddreg [dreg:$0x0]  }
0x2: {  	s4 =	rddreg [dreg:$0x1];
	_ =	strace $0x80000053;
	s0 =	simm.s32 $0x1  }
0x3: {  	s3 =	simm.s32 $0x88;
	v0 =	vimm.s32 $0x0;
	[sflag:s0] =	ssyncpa.u1 $0x0  }
0x4: {  	[tilespmem:s3+$0x30] =	vst v0  }
0x5: {  	s1 =	sadd.s32 $0x47000, s2;
	s0 =	sadd.s32 $0x33400, s2;
	s6 =	sadd.s32 $0x6E200, s2;
	[tilespmem:s3+$0x20] =	vst v0  }
0x6: {  	s2 =	sadd.s32 $0x3D200, s2;
	s7 =	sand.u32 $0x1, s4;
	s4 =	simm.s32 $0x40;
	[tilespmem:s3+$0x10] =	vst v0  }
.LBB2_1:
0x7: {  	s4 =	sadd.s32 $0x40, s4  }
0x8: {  	[tilespmem:s3+$0x0] =	vst v0;
	s3 =	sadd.s32 $0x40, s3;
	p0 =	slt.u32 s4, $0x5040  }
.Ltmp0:
0x9: {  	(pc) =	sbr.rel @p0 .LBB2_1-.Ltmp0, $4  }
0xa: {  	_ = 	snop  }
0xb: {  	[tilespmem:s3+$0x30] =	vst v0  }
0xc: {  	[tilespmem:s3+$0x20] =	vst v0  }
0xd: {  	[tilespmem:s3+$0x10] =	vst v0  }
0xe: {  	s8 =	stileid.u32  }
0xf: {  	s4 =	smul.u32 $0x1F, s8  }
0x10: {  	s5 =	smin.u32 s8, $0x4  }
0x11: {  	s4 =	sadd.s32 s5, s4  }
0x12: {  	p0 =	slt.u32 s8, $0x4;
	s12 =	smul.u32 $0x140, s4;
	s4 =	simm.s32 $0x2800  }
0x13: {  	s4 =	simm.s32 @!p0 $0x26C0  }
0x14: {  	s25 =	simm.s32 $0x2;
	s4 =	sadd.s32 s4, s12  }
0x15: {  	s28 =	simm.s32 $0x9;
	s9 =	simm.s32 $0xA;
	s14 =	smin.u32 s4, $0x27100  }
0x16: {  	s30 =	simm.s32 $0xB;
	[dreg:$0x4] =	wrdreg s7;
	s4 =	ssub.s32 s14, s12  }
0x17: {  	s31 =	smul.u32 $0x4E20, s7;
	s13 =	simm.s32 $0x1;
	p0 =	sgt.s32 s4, $0x0  }
0x18: {  	s19 =	simm.s32 $0x0;
	s20 =	simm.s32 $0xA808;
	s4 =	simm.s32 @!p0 $0x0  }
0x19: {  	s21 =	simm.s32 $0xFFFFFFFF;
	p1 =	por $0x0, $0x0;
	s26 =	smulhi.u32 $0x66666667, s4  }
0x1a: {  	[tilespmem:s3+$0x0] =	vst v0;
	s23 =	simm.s32 $0x0;
	[sflag:s25] =	ssyncpa.u1 $0x0;
	s18 =	sshll.u32 s8, $0x7  }
0x1b: {  	s0 =	sadd.s32 s31, s0;
	[dreg:$0xa] =	wrdreg s18;
	s3 =	sshrl.u32 s26, $0x7  }
0x1c: {  	v0 =	vimm.s32 $0xFFFFFFFF;
	s17 =	sadd.s32 s31, s2;
	[dreg:$0x9] =	wrdreg s0;
	s29 =	smul.u32 $0x140, s3  }
0x1d: {  	s25 =	simm.s32 $0x0;
	[tilespmem:$0xA108] =	vst v0;
	[sflag:s28] =	ssyncpa.u1 $0x0;
	[dreg:$0x8] =	wrdreg s17  }
.Ltmp1:
0x1e: {  	p0 =	sne.s32 s4, s29;
	s4 =	simm.s32 $0x1;
	(pc) =	sbr.rel .LBB2_3-.Ltmp1, $4  }
0x1f: {  	[sflag:s9] =	ssyncpa.u1 $0x0;
	[dreg:$0x5] =	wrdreg s12;
	s4 =	simm.s32 @!p0 $0x0  }
0x20: {  	[sflag:s30] =	ssyncpa.u1 $0x0;
	[dreg:$0x6] =	wrdreg s14;
	s15 =	sadd.s32 s4, s3  }
0x21: {  	s24 =	smov.u32 s12;
	s22 =	sadd.s32 $0x1, s15;
	[dreg:$0x7] =	wrdreg s15  }
0x22: {  	v0 =	vlaneseq.u32;
	s26 =	simm.s32 $0x0;
	p0 =	por $0x1, $0x1;
	[dreg:$0xb] =	wrdreg s22  }
.LBB2_22:
0x23: {  	s0 =	sshrl.u32 s3, $0x2  }
.LBB2_24:
0x24: {  	s3 =	simm.s32 $0xC  }
0x25: {  	_ =	swait.ge [sflag:s3], s0  }
0x26: {  	s31 =	ssub.s32 $0x0, s0;
	v1 =	vmov s4;
	vm0 =	veq.s32 v0, $0x0;
	[sflag:s3] =	ssyncset.done $0x0  }
0x27: {  	vm15 =	veq.s32 v0, $0x2;
	v1 =	vsel vm0, s2, v1;
	[sflag:s3] =	ssyncadd.s32 s31  }
0x28: {  	v1 =	vsel vm15, s26, v1;
	[sflag:s3] =	ssyncpa.u1 $0x1  }
0x29: {  	[tilespmem:$0xA108] =	vst v1  }
.LBB2_25:
0x2a: {  	s0 =	sadd.s32 $0x140, s24  }
0x2b: {  	s2 =	smov.u32 s12;
	p2 =	slt.s32 s0, s14  }
0x2c: {  	s2 =	smov.u32 @p2 s0;
	p2 =	sne.s32 s25, s22  }
.Ltmp2:
0x2d: {  	_ = 	snop;
	(pc) =	sbr.rel @!p2 .LBB2_26-.Ltmp2, $4  }
0x2e: {  	_ = 	snop  }
0x2f: {  	s26 =	smov.u32 s23;
	s31 =	sadd.s32 $0x1, s25;
	p0 =	por !p0, !p0  }
0x30: {  	s23 =	smov.u32 s24;
	s20 =	sadd.s32 $0x140, s20;
	s21 =	sadd.s32 $0x1, s21  }
0x31: {  	p1 =	por !p1, !p1;
	s25 =	smov.u32 s31;
	s24 =	smov.u32 s2  }
.LBB2_3:
0x32: {  	p2 =	sge.u32 s25, s15  }
0x33: {  	s0 =	smulhi.u32 @!p2 $0xAAAAAAAB, s25  }
0x34: {  	s2 =	smov.u32 s24;
	p3 =	sgt.s32 @!p2 s24, $0x26FC0  }
0x35: {  	s3 =	sshra.s32 @!p2 s24, $0x1F;
	p3 =	por !p3, p2;
	s0 =	sshrl.u32 @!p2 s0, $0x1  }
0x36: {  	s3 =	sand.u32 @!p2 s3, s24;
	s2 =	simm.s32 @p3 $0x26FC0;
	s0 =	smul.u32 @!p2 $0x3, s0  }
0x37: {  	s2 =	ssub.s32 @!p2 s2, s3  }
0x38: {  	s2 =	sadd.s32 @!p2 $0xFFFD9040, s2;
	s0 =	ssub.s32 @!p2 s25, s0  }
0x39: {  	s3 =	sshll.u32 @!p2 s2, $0x2;
	p3 =	sgt.s32 @!p2 s2, $0x13F;
	s0 =	smul.u32 @!p2 $0x500, s0  }
0x3a: {  	s4 =	sand.u32 @!p2 $0x7, s24;
	s2 =	ssub.s32 @!p2 $0x500, s3;
	p3 =	por !p3, p2  }
0x3b: {  	s3 =	sshrl.u32 @!p2 s24, $0x3;
	s2 =	sshrl.u32 @!p2 s2, $0x2;
	s0 =	sshrl.u32 @!p2 s0, $0x2  }
0x3c: {  	s3 =	sadd.s32 @!p2 s3, s17;
	s2 =	simm.s32 @!p3 $0x0;
	s0 =	sadd.s32 @!p2 $0xA948, s0  }
0x3d: {  	[tilespmem:s0], [sflag:$0xA] =	stream.linear.gather @!p2 [hbm4b:s3+s4], s2, $0x38;
	[tilespmem:$0x1EF88] =	vst v63  }
0x3e: {  	s0 =	sadd.s32 $0xFFFFFFFF, s25  }
0x3f: {  	p2 =	sge.u32 s0, s15  }
.Ltmp3:
0x40: {  	_ = 	snop;
	(pc) =	sbr.rel @p2 .LBB2_7-.Ltmp3, $1  }
0x41: {  	_ =	sdelay $0x3  }
0x42: {  	p2 =	sgt.s32 s23, $0x26FC0;
	s2 =	smov.u32 s23;
	s3 =	sshra.s32 s23, $0x1F  }
0x43: {  	s2 =	simm.s32 @!p2 $0x26FC0;
	s3 =	sand.u32 s3, s23  }
0x44: {  	s17 =	smulhi.u32 $0xAAAAAAAB, s21;
	s2 =	ssub.s32 s2, s3  }
0x45: {  	s0 =	sand.u32 $0x1, s0;
	s2 =	sadd.s32 $0xFFFD9040, s2  }
0x46: {  	s5 =	simm.s32 $0xA;
	s3 =	sshrl.u32 s17, $0x1;
	s4 =	sshll.u32 s2, $0x2  }
0x47: {  	s7 =	sshrl.u32 s23, $0x3;
	s3 =	smul.u32 $0xFFFFF100, s3;
	s4 =	ssub.s32 $0x500, s4  }
0x48: {  	s18 =	smul.u32 $0x500, s0;
	p2 =	sgt.s32 s2, $0x13F;
	s2 =	sshrl.u32 s4, $0x2  }
0x49: {  	s9 =	sand.u32 $0x7, s23;
	s3 =	sshra.s32 s3, $0x2;
	s2 =	simm.s32 @p2 $0x0  }
0x4a: {  	s0 =	sadd.s32 s3, s20;
	s4 =	sshrl.u32 s18, $0x2;
	_ =	swait.ge [sflag:s5], s2  }
0x4b: {  	s22 =	ssub.s32 $0x0, s2;
	[sflag:s5] =	ssyncset.done $0x0;
	s8 =	rddreg [dreg:$0x9]  }
0x4c: {  	s4 =	sadd.s32 $0xAD08, s4;
	[sflag:s5] =	ssyncadd.s32 s22;
	s3 =	sadd.s32 s7, s8  }
0x4d: {  	[tilespmem:s4], [sflag:$0xB] =	stream.linear.gather [hbm4b:s3+s9], s2, $0x38;
	[tilespmem:$0x1EF88] =	vst v63  }
0x4e: {  	v1 =	vld.msk [tilespmem:s0+$0x0], $0xffff;
	_ =	sdelay $0x4  }
0x4f: {  	v1 =	vshll.u32 v1, $0x4  }
0x50: {  	(v2sf) =	vpush v1, $0x0  }
0x51: {  	(v2sf) =	vpush v1, $0x1  }
0x52: {  	(v2sf) =	vpush v1, $0x2;
	_ =	sdelay $0x3  }
0x53: {  	(v2sf) =	vpush v1, $0x3;
	_ =	sdelay $0x1  }
0x54: {  	(v2sf) =	vpush v1, $0x4  }
0x55: {  	s2 =	simm.s32 $0x1;
	(v2sf) =	vpush v1, $0x5  }
0x56: {  	s2 =	simm.s32 @!p0 $0x0  }
0x57: {  	s2 =	smul.u32 $0x28000, s2;
	(v2sf) =	vpush v1, $0x6;
	_ =	sdelay $0x1  }
0x58: {  	s2 =	sshrl.u32 s2, $0x2  }
0x59: {  	s28 =	sadd.s32 $0xB708, s2  }
0x5a: {  	s12 =	sadd.s32 $0xFFFFF880, s28;
	s17 =	sadd.s32 $0xFFFFF900, s28;
	s10 =	spop (v2sf);
	(v2sf) =	vpush v1, $0x7  }
0x5b: {  	s18 =	sadd.s32 $0xFFFFF980, s28;
	s11 =	sand.u32 $0x1FFFFFF0, s10;
	s14 =	spop (v2sf)  }
0x5c: {  	(v2sf) =	vpush v1, $0x8;
	s2 =	sadd.s32 s6, s11;
	s15 =	sand.u32 $0x1FFFFFF0, s14;
	s16 =	spop (v2sf)  }
0x5d: {  	[tilespmem:s12], [sflag:$0x9] =	stream.linear.gather [hbm4b:s2+s19], $0x40, $0x38;
	[tilespmem:$0x1EF88] =	vst v63  }
0x5e: {  	s5 =	sadd.s32 $0xFFFFFA00, s28;
	s2 =	sadd.s32 s6, s15;
	s3 =	sand.u32 $0x1FFFFFF0, s16  }
0x5f: {  	(v2sf) =	vpush v1, $0x9;
	[tilespmem:s17], [sflag:$0x9] =	stream.linear.gather [hbm4b:s2+s19], $0x40, $0x38;
	[tilespmem:$0x1EF88] =	vst v63  }
0x60: {  	s7 =	sadd.s32 $0xFFFFFA80, s28;
	s22 =	spop (v2sf);
	s3 =	sadd.s32 s6, s3  }
0x61: {  	(v2sf) =	vpush v1, $0xA;
	[tilespmem:s18], [sflag:$0x9] =	stream.linear.gather [hbm4b:s3+s19], $0x40, $0x38;
	[tilespmem:$0x1EF88] =	vst v63  }
0x62: {  	s11 =	sadd.s32 $0xFFFFFB00, s28;
	s4 =	spop (v2sf);
	(v2sf) =	vpush v1, $0xB;
	s3 =	sand.u32 $0x1FFFFFF0, s22  }
0x63: {  	s8 =	spop (v2sf);
	s2 =	sadd.s32 s6, s3;
	s3 =	sand.u32 $0x1FFFFFF0, s4  }
0x64: {  	(v2sf) =	vpush v1, $0xC;
	[tilespmem:s5], [sflag:$0x9] =	stream.linear.gather [hbm4b:s2+s19], $0x40, $0x38;
	[tilespmem:$0x1EF88] =	vst v63  }
0x65: {  	s9 =	sand.u32 $0x1FFFFFF0, s8;
	s10 =	spop (v2sf);
	s3 =	sadd.s32 s6, s3  }
0x66: {  	(v2sf) =	vpush v1, $0xD;
	[tilespmem:s7], [sflag:$0x9] =	stream.linear.gather [hbm4b:s3+s19], $0x40, $0x38;
	[tilespmem:$0x1EF88] =	vst v63  }
0x67: {  	s12 =	sadd.s32 $0xFFFFFB80, s28;
	s2 =	sadd.s32 s6, s9;
	s3 =	sand.u32 $0x1FFFFFF0, s10  }
0x68: {  	[tilespmem:s11], [sflag:$0x9] =	stream.linear.gather [hbm4b:s2+s19], $0x40, $0x38;
	[tilespmem:$0x1EF88] =	vst v63  }
0x69: {  	s17 =	sadd.s32 $0xFFFFFC00, s28;
	s3 =	sadd.s32 s6, s3;
	s14 =	spop (v2sf)  }
0x6a: {  	[tilespmem:s12], [sflag:$0x9] =	stream.linear.gather [hbm4b:s3+s19], $0x40, $0x38;
	(v2sf) =	vpush v1, $0xE;
	[tilespmem:$0x1EF88] =	vst v63  }
0x6b: {  	s18 =	sadd.s32 $0xFFFFFC80, s28;
	s15 =	sand.u32 $0x1FFFFFF0, s14;
	s16 =	spop (v2sf)  }
0x6c: {  	s5 =	sadd.s32 $0xFFFFFD00, s28;
	(v2sf) =	vpush v1, $0xF;
	s2 =	sadd.s32 s6, s15;
	s3 =	sand.u32 $0x1FFFFFF0, s16  }
0x6d: {  	[tilespmem:s17], [sflag:$0x9] =	stream.linear.gather [hbm4b:s2+s19], $0x40, $0x38;
	[tilespmem:$0x1EF88] =	vst v63  }
0x6e: {  	s7 =	sadd.s32 $0xFFFFFD80, s28;
	s22 =	spop (v2sf);
	s3 =	sadd.s32 s6, s3  }
0x6f: {  	[tilespmem:s18], [sflag:$0x9] =	stream.linear.gather [hbm4b:s3+s19], $0x40, $0x38;
	[tilespmem:$0x1EF88] =	vst v63  }
0x70: {  	s11 =	sadd.s32 $0xFFFFFE00, s28;
	s4 =	spop (v2sf);
	s3 =	sand.u32 $0x1FFFFFF0, s22  }
0x71: {  	s8 =	spop (v2sf);
	s2 =	sadd.s32 s6, s3;
	s3 =	sand.u32 $0x1FFFFFF0, s4  }
0x72: {  	[tilespmem:s5], [sflag:$0x9] =	stream.linear.gather [hbm4b:s2+s19], $0x40, $0x38;
	[tilespmem:$0x1EF88] =	vst v63  }
0x73: {  	s9 =	sand.u32 $0x1FFFFFF0, s8;
	s10 =	spop (v2sf);
	s3 =	sadd.s32 s6, s3  }
0x74: {  	[tilespmem:s7], [sflag:$0x9] =	stream.linear.gather [hbm4b:s3+s19], $0x40, $0x38;
	[tilespmem:$0x1EF88] =	vst v63  }
0x75: {  	s14 =	spop (v2sf);
	s2 =	sadd.s32 s6, s9;
	s3 =	sand.u32 $0x1FFFFFF0, s10  }
0x76: {  	[tilespmem:s11], [sflag:$0x9] =	stream.linear.gather [hbm4b:s2+s19], $0x40, $0x38;
	[tilespmem:$0x1EF88] =	vst v63  }
0x77: {  	s12 =	sadd.s32 $0xFFFFFE80, s28;
	s15 =	sand.u32 $0x1FFFFFF0, s14;
	s3 =	sadd.s32 s6, s3  }
0x78: {  	[tilespmem:s12], [sflag:$0x9] =	stream.linear.gather [hbm4b:s3+s19], $0x40, $0x38;
	[tilespmem:$0x1EF88] =	vst v63  }
0x79: {  	s17 =	sadd.s32 $0xFFFFFF00, s28;
	s2 =	sadd.s32 s6, s15;
	s16 =	spop (v2sf)  }
0x7a: {  	[tilespmem:s17], [sflag:$0x9] =	stream.linear.gather [hbm4b:s2+s19], $0x40, $0x38;
	[tilespmem:$0x1EF88] =	vst v63  }
0x7b: {  	s29 =	simm.s32 $0x0;
	s3 =	sand.u32 $0x1FFFFFF0, s16;
	s18 =	spop (v2sf)  }
0x7c: {  	s22 =	sadd.s32 $0xFFFFFF80, s28;
	s3 =	sadd.s32 s6, s3;
	s2 =	sand.u32 $0x1FFFFFF0, s18  }
0x7d: {  	[tilespmem:s22], [sflag:$0x9] =	stream.linear.gather [hbm4b:s3+s19], $0x40, $0x38;
	[tilespmem:$0x1EF88] =	vst v63  }
0x7e: {  	s31 =	sadd.s32 $0x10, s0;
	s30 =	sadd.s32 $0x800, s28;
	s2 =	sadd.s32 s6, s2  }
.LBB2_5:
0x7f: {  	[tilespmem:s28], [sflag:$0x9] =	stream.linear.gather [hbm4b:s2+s19], $0x40, $0x38;
	[tilespmem:$0x1EF88] =	vst v63  }
0x80: {  	s29 =	sadd.s32 $0x10, s29;
	s28 =	smov.u32 s30  }
0x81: {  	p2 =	slt.u32 s29, $0x130;
	v1 =	vld.msk [tilespmem:s31+$0x0], $0xffff;
	_ =	sdelay $0x4  }
0x82: {  	v1 =	vshll.u32 v1, $0x4  }
0x83: {  	(v2sf) =	vpush v1, $0x0  }
0x84: {  	(v2sf) =	vpush v1, $0x1  }
0x85: {  	(v2sf) =	vpush v1, $0x2;
	_ =	sdelay $0x1  }
0x86: {  	(v2sf) =	vpush v1, $0x3;
	_ =	sdelay $0x1  }
0x87: {  	(v2sf) =	vpush v1, $0x4;
	_ =	sdelay $0x1  }
0x88: {  	(v2sf) =	vpush v1, $0x5;
	_ =	sdelay $0x1  }
0x89: {  	(v2sf) =	vpush v1, $0x6  }
0x8a: {  	s4 =	sadd.s32 $0xFFFFFE80, s30;
	s0 =	sadd.s32 $0xFFFFFF00, s30  }
0x8b: {  	s3 =	sadd.s32 $0xFFFFFD00, s30;
	s2 =	sadd.s32 $0xFFFFFD80, s30;
	s5 =	sadd.s32 $0xFFFFFE00, s30;
	(v2sf) =	vpush v1, $0x7  }
0x8c: {  	s10 =	sadd.s32 $0xFFFFFB80, s30;
	s9 =	sadd.s32 $0xFFFFFC00, s30;
	s16 =	sadd.s32 $0xFFFFFC80, s30  }
0x8d: {  	s11 =	sadd.s32 $0xFFFFFA00, s30;
	s12 =	sadd.s32 $0xFFFFFA80, s30;
	s15 =	sadd.s32 $0xFFFFFB00, s30;
	(v2sf) =	vpush v1, $0x8  }
0x8e: {  	s18 =	sadd.s32 $0xFFFFF900, s30;
	s7 =	sadd.s32 $0xFFFFF980, s30;
	s22 =	spop (v2sf)  }
0x8f: {  	s8 =	sadd.s32 $0xFFFFF880, s30;
	s22 =	sand.u32 $0x1FFFFFF0, s22;
	s14 =	spop (v2sf);
	(v2sf) =	vpush v1, $0x9  }
0x90: {  	s22 =	sadd.s32 s6, s22;
	s14 =	sand.u32 $0x1FFFFFF0, s14;
	s17 =	spop (v2sf)  }
0x91: {  	[tilespmem:s8], [sflag:$0x9] =	stream.linear.gather [hbm4b:s22+s19], $0x40, $0x38;
	(v2sf) =	vpush v1, $0xA;
	[tilespmem:$0x1EF88] =	vst v63  }
0x92: {  	s8 =	sadd.s32 s6, s14;
	s14 =	sand.u32 $0x1FFFFFF0, s17;
	s17 =	spop (v2sf)  }
0x93: {  	[tilespmem:s18], [sflag:$0x9] =	stream.linear.gather [hbm4b:s8+s19], $0x40, $0x38;
	(v2sf) =	vpush v1, $0xB;
	[tilespmem:$0x1EF88] =	vst v63  }
0x94: {  	s8 =	sadd.s32 s6, s14;
	s14 =	sand.u32 $0x1FFFFFF0, s17;
	s17 =	spop (v2sf)  }
0x95: {  	[tilespmem:s7], [sflag:$0x9] =	stream.linear.gather [hbm4b:s8+s19], $0x40, $0x38;
	(v2sf) =	vpush v1, $0xC;
	[tilespmem:$0x1EF88] =	vst v63  }
0x96: {  	s7 =	sadd.s32 s6, s14;
	s8 =	sand.u32 $0x1FFFFFF0, s17;
	s14 =	spop (v2sf)  }
0x97: {  	[tilespmem:s11], [sflag:$0x9] =	stream.linear.gather [hbm4b:s7+s19], $0x40, $0x38;
	(v2sf) =	vpush v1, $0xD;
	[tilespmem:$0x1EF88] =	vst v63  }
0x98: {  	s7 =	sadd.s32 s6, s8;
	s8 =	sand.u32 $0x1FFFFFF0, s14;
	s11 =	spop (v2sf)  }
0x99: {  	[tilespmem:s12], [sflag:$0x9] =	stream.linear.gather [hbm4b:s7+s19], $0x40, $0x38;
	(v2sf) =	vpush v1, $0xE;
	[tilespmem:$0x1EF88] =	vst v63  }
0x9a: {  	s7 =	sadd.s32 s6, s8;
	s8 =	sand.u32 $0x1FFFFFF0, s11;
	s11 =	spop (v2sf)  }
0x9b: {  	[tilespmem:s15], [sflag:$0x9] =	stream.linear.gather [hbm4b:s7+s19], $0x40, $0x38;
	(v2sf) =	vpush v1, $0xF;
	[tilespmem:$0x1EF88] =	vst v63  }
0x9c: {  	s7 =	sadd.s32 s6, s8;
	s8 =	sand.u32 $0x1FFFFFF0, s11;
	s11 =	spop (v2sf)  }
0x9d: {  	[tilespmem:s10], [sflag:$0x9] =	stream.linear.gather [hbm4b:s7+s19], $0x40, $0x38;
	[tilespmem:$0x1EF88] =	vst v63  }
0x9e: {  	s7 =	sadd.s32 s6, s8;
	s8 =	sand.u32 $0x1FFFFFF0, s11;
	s10 =	spop (v2sf)  }
0x9f: {  	[tilespmem:s9], [sflag:$0x9] =	stream.linear.gather [hbm4b:s7+s19], $0x40, $0x38;
	[tilespmem:$0x1EF88] =	vst v63  }
0xa0: {  	s7 =	sadd.s32 s6, s8;
	s8 =	sand.u32 $0x1FFFFFF0, s10;
	s9 =	spop (v2sf)  }
0xa1: {  	[tilespmem:s16], [sflag:$0x9] =	stream.linear.gather [hbm4b:s7+s19], $0x40, $0x38;
	[tilespmem:$0x1EF88] =	vst v63  }
0xa2: {  	s7 =	sadd.s32 s6, s8;
	s8 =	sand.u32 $0x1FFFFFF0, s9;
	s9 =	spop (v2sf)  }
0xa3: {  	[tilespmem:s3], [sflag:$0x9] =	stream.linear.gather [hbm4b:s7+s19], $0x40, $0x38;
	[tilespmem:$0x1EF88] =	vst v63  }
0xa4: {  	s3 =	sadd.s32 s6, s8;
	s7 =	sand.u32 $0x1FFFFFF0, s9;
	s8 =	spop (v2sf)  }
0xa5: {  	[tilespmem:s2], [sflag:$0x9] =	stream.linear.gather [hbm4b:s3+s19], $0x40, $0x38;
	[tilespmem:$0x1EF88] =	vst v63  }
0xa6: {  	s2 =	sadd.s32 s6, s7;
	s3 =	sand.u32 $0x1FFFFFF0, s8;
	s7 =	spop (v2sf)  }
0xa7: {  	[tilespmem:s5], [sflag:$0x9] =	stream.linear.gather [hbm4b:s2+s19], $0x40, $0x38;
	[tilespmem:$0x1EF88] =	vst v63  }
0xa8: {  	s2 =	sadd.s32 s6, s3;
	s3 =	sand.u32 $0x1FFFFFF0, s7;
	s5 =	spop (v2sf)  }
0xa9: {  	[tilespmem:s4], [sflag:$0x9] =	stream.linear.gather [hbm4b:s2+s19], $0x40, $0x38;
	[tilespmem:$0x1EF88] =	vst v63  }
0xaa: {  	s2 =	sadd.s32 s6, s3  }
.Ltmp4:
0xab: {  	s3 =	sand.u32 $0x1FFFFFF0, s5;
	s4 =	spop (v2sf);
	(pc) =	sbr.rel @p2 .LBB2_5-.Ltmp4, $4  }
0xac: {  	[tilespmem:s0], [sflag:$0x9] =	stream.linear.gather [hbm4b:s2+s19], $0x40, $0x38;
	[tilespmem:$0x1EF88] =	vst v63  }
0xad: {  	s0 =	sadd.s32 s6, s3;
	s2 =	sadd.s32 $0xFFFFFF80, s30;
	s3 =	sand.u32 $0x1FFFFFF0, s4  }
0xae: {  	[tilespmem:s2], [sflag:$0x9] =	stream.linear.gather [hbm4b:s0+s19], $0x40, $0x38;
	[tilespmem:$0x1EF88] =	vst v63  }
0xaf: {  	s31 =	sadd.s32 $0x10, s31;
	s30 =	sadd.s32 $0x800, s30;
	s2 =	sadd.s32 s6, s3  }
0xb0: {  	[tilespmem:s28], [sflag:$0x9] =	stream.linear.gather [hbm4b:s2+s19], $0x40, $0x38;
	[tilespmem:$0x1EF88] =	vst v63  }
0xb1: {  	s12 =	rddreg [dreg:$0x5]  }
0xb2: {  	s14 =	rddreg [dreg:$0x6]  }
0xb3: {  	s15 =	rddreg [dreg:$0x7]  }
0xb4: {  	s17 =	rddreg [dreg:$0x8]  }
0xb5: {  	s18 =	rddreg [dreg:$0xa]  }
0xb6: {  	s22 =	rddreg [dreg:$0xb]  }
.LBB2_7:
0xb7: {  	p2 =	slt.u32 s25, $0x2  }
.Ltmp5:
0xb8: {  	_ = 	snop;
	(pc) =	sbr.rel @p2 .LBB2_25-.Ltmp5, $1  }
0xb9: {  	_ =	sdelay $0x3  }
0xba: {  	p2 =	sgt.s32 s26, $0x26FC0;
	s0 =	smov.u32 s26;
	s2 =	sshra.s32 s26, $0x1F  }
0xbb: {  	s0 =	simm.s32 @!p2 $0x26FC0;
	s2 =	sand.u32 s2, s26  }
0xbc: {  	s0 =	ssub.s32 s0, s2  }
0xbd: {  	s0 =	sadd.s32 $0xFFFD9040, s0  }
0xbe: {  	s3 =	simm.s32 $0x9;
	s29 =	sshll.u32 s0, $0x2  }
0xbf: {  	_ =	swait.ge [sflag:s3], $0x5000;
	s2 =	ssub.s32 $0x500, s29  }
0xc0: {  	[sflag:s3] =	ssyncset.done $0x0;
	p2 =	sgt.s32 s0, $0x13F;
	s0 =	sshrl.u32 s2, $0x2  }
0xc1: {  	s30 =	simm.s32 $0xB;
	[sflag:s3] =	ssyncadd.s32 $0xFFFFB000;
	s0 =	simm.s32 @p2 $0x0  }
0xc2: {  	_ =	swait.ge [sflag:s30], s0  }
0xc3: {  	s0 =	ssub.s32 $0x0, s0;
	[sflag:s30] =	ssyncset.done $0x0  }
0xc4: {  	[sflag:s30] =	ssyncadd.s32 s0  }
0xc5: {  	v1 =	vld [tilespmem:$0xA108];
	_ =	sdelay $0x4  }
0xc6: {  	(v2sf) =	vpush v1, $0x0  }
0xc7: {  	(v2sf) =	vpush v1, $0x1  }
0xc8: {  	(v2sf) =	vpush v1, $0x2;
	_ =	sdelay $0x3  }
0xc9: {  	s0 =	sadd.s32 $0x140, s26  }
0xca: {  	s4 =	ssub.s32 $0x4E200, s26;
	p2 =	slt.s32 s14, s0  }
0xcb: {  	s0 =	smov.u32 @p2 s14;
	p2 =	sgt.s32 s4, $0x0  }
0xcc: {  	s0 =	ssub.s32 s0, s26;
	s4 =	simm.s32 @!p2 $0x0  }
0xcd: {  	p2 =	slt.s32 s4, s0  }
0xce: {  	s0 =	smov.u32 @p2 s4  }
0xcf: {  	s2 =	simm.s32 $0x1;
	p2 =	slt.s32 s0, $0x1  }
.Ltmp6:
0xd0: {  	s2 =	simm.s32 @!p1 $0x0;
	(pc) =	sbr.rel @p2 .LBB2_12-.Ltmp6, $4  }
0xd1: {  	s7 =	smul.u32 $0x500, s2  }
0xd2: {  	s3 =	spop (v2sf)  }
0xd3: {  	s31 =	sshrl.u32 s7, $0x2;
	s5 =	spop (v2sf)  }
0xd4: {  	s28 =	sadd.s32 $0xAD08, s31;
	s26 =	spop (v2sf)  }
0xd5: {  	s4 =	smin.u32 s0, $0x10  }
0xd6: {  	v1 =	vmov s4  }
0xd7: {  	p3 =	sgt.s32 s0, $0x10;
	vm1 =	vgt.u32 v1, v0  }
.Ltmp7:
0xd8: {  	_ = 	snop;
	(pc) =	sbr.rel @!p3 .LBB2_11-.Ltmp7, $2  }
0xd9: {  	_ =	sdelay $0x2  }
0xda: {  	s9 =	simm.s32 $0x10;
	s10 =	sadd.s32 $0xFFFFFFF0, s0;
	s4 =	smov.u32 s28;
	vm0 =	vmmov vm1  }
.LBB2_10:
0xdb: {  	s7 =	smin.u32 s10, $0x10;
	s9 =	sadd.s32 $0x10, s9;
	v1 =	vld.msk [tilespmem:s4+$0x0 ss:$0x1], vm1  }
0xdc: {  	v2 =	vmov s7;
	p3 =	slt.s32 s9, s0  }
0xdd: {  	vm1 =	vgt.u32 v2, v0  }
.Ltmp8:
0xde: {  	(pc) =	sbr.rel @p3 .LBB2_10-.Ltmp8, $3  }
0xdf: {  	_ =	sdelay $0x1  }
0xe0: {  	v1 =	vshll.u32 v1, $0x4  }
0xe1: {  	s10 =	sadd.s32 $0xFFFFFFF0, s10;
	[tilespmem:s4+$0x0] =	vst.msk vm0, v1;
	s4 =	sadd.s32 $0x10, s4;
	vm0 =	vmmov vm1  }
.LBB2_11:
0xe2: {  	_ =	sdelay $0x4  }
0xe3: {  	v1 =	vld.msk [tilespmem:s4+$0x0 ss:$0x1], vm1;
	_ =	sdelay $0x4  }
0xe4: {  	v1 =	vshll.u32 v1, $0x4  }
0xe5: {  	[tilespmem:s4+$0x0] =	vst.msk vm0, v1  }
.LBB2_12:
0xe6: {  	s4 =	sand.u32 $0x1, s25  }
0xe7: {  	s4 =	smul.u32 $0x140, s4  }
0xe8: {  	p3 =	sne.s32 s5, $0xFFFFFFFF  }
0xe9: {  	v1 =	vld.msk @!p3 [tilespmem:s4+$0xAD08], $0x1;
	_ =	sdelay $0x4  }
0xea: {  	(v2sf) =	vpush @!p3 v1, $0x0;
	_ =	sdelay $0xc  }
.Ltmp9:
0xeb: {  	_ = 	snop;
	(pc) =	sbr.rel @p2 .LBB2_23-.Ltmp9, $4  }
0xec: {  	_ = 	snop  }
0xed: {  	s29 =	spop @!p3 (v2sf)  }
0xee: {  	s31 =	simm.s32 $0xC;
	s26 =	simm.s32 @!p3 $0x0;
	s4 =	smov.u32 s29  }
0xef: {  	[sflag:s31] =	ssyncpa.u1 $0x0;
	s29 =	smov.u32 @p3 s3;
	s4 =	smov.u32 @p3 s5  }
0xf0: {  	v1 =	vld.msk [tilespmem:s28+$0x0], $0x1;
	_ =	sdelay $0x4  }
0xf1: {  	(v2sf) =	vpush v1, $0x0;
	_ =	sdelay $0xe  }
0xf2: {  	s2 =	smul.u32 $0x28000, s2;
	s5 =	spop (v2sf)  }
0xf3: {  	s31 =	ssub.s32 $0x0, s0;
	p2 =	seq.s32 s29, s5  }
0xf4: {  	s3 =	smov.u32 s29;
	s2 =	sshrl.u32 s2, $0x2;
	p3 =	sgt.s32 @!p2 s29, $0x0  }
0xf5: {  	s30 =	sadd.s32 $0xAFA8, s2;
	s2 =	sadd.s32 $0x1, s31;
	p3 =	por !p3, p2  }
0xf6: {  	s3 =	simm.s32 @p3 $0x0;
	p3 =	seq.s32 s2, $0x0  }
.Ltmp10:
0xf7: {  	_ = 	snop;
	(pc) =	sbr.rel @p3 .LBB2_15-.Ltmp10, $4  }
0xf8: {  	_ = 	snop  }
0xf9: {  	s0 =	simm.s32 $0x0;
	s9 =	simm.s32 @!p2 $0x1;
	s3 =	smin.u32 @!p2 s3, $0x270F8  }
0xfa: {  	s10 =	simm.s32 @!p2 $0x50C8;
	s9 =	smov.u32 @p2 s0;
	s7 =	sand.u32 @!p2 $0x3FFF8, s3  }
0xfb: {  	s16 =	sand.u32 @!p2 $0x7, s3;
	s3 =	sadd.s32 $0x1, s28;
	s11 =	sadd.s32 @!p2 s1, s7  }
.LBB2_14:
0xfc: {  	s7 =	smov.u32 s9  }
0xfd: {  	[tilespmem:s10], [sflag:$0x2] =	stream.linear.gather @!p2 [hbm4b:s11+s16], $0x40, $0x38;
	[tilespmem:$0x1EF88] =	vst v63  }
0xfe: {  	s2 =	sadd.s32 $0x1, s2;
	s8 =	smov.u32 s5;
	v1 =	vld.msk [tilespmem:s3+$0x0], $0x1  }
0xff: {  	p3 =	seq.s32 s2, $0x0;
	_ =	sdelay $0x3  }
0x100: {  	(v2sf) =	vpush v1, $0x0;
	_ =	sdelay $0xe  }
0x101: {  	s5 =	spop (v2sf)  }
0x102: {  	p2 =	seq.s32 s8, s5  }
0x103: {  	p4 =	sgt.s32 @!p2 s8, $0x0;
	s10 =	sshll.u32 @!p2 s9, $0x8;
	s9 =	sadd.s32 @!p2 $0x1, s9  }
.Ltmp11:
0x104: {  	p4 =	por !p4, p2;
	s10 =	sshra.s32 @!p2 s10, $0x2;
	(pc) =	sbr.rel @!p3 .LBB2_14-.Ltmp11, $4  }
0x105: {  	s9 =	smov.u32 @p2 s7;
	s8 =	simm.s32 @p4 $0x0;
	s10 =	sadd.s32 @!p2 $0x50C8, s10  }
0x106: {  	s7 =	smin.u32 @!p2 s8, $0x270F8  }
0x107: {  	s8 =	sand.u32 @!p2 $0x3FFF8, s7;
	s16 =	sand.u32 @!p2 $0x7, s7  }
0x108: {  	s3 =	sadd.s32 $0x1, s3;
	s11 =	sadd.s32 @!p2 s1, s8  }
.LBB2_15:
0x109: {  	[tilespmem:s10], [sflag:$0x2] =	stream.linear.gather @!p2 [hbm4b:s11+s16], $0x40, $0x38;
	[tilespmem:$0x1EF88] =	vst v63  }
.Ltmp12:
0x10a: {  	s2 =	sshll.u32 s9, $0x6;
	(pc) =	sbr.rel .LBB2_16-.Ltmp12, $4  }
0x10b: {  	s3 =	simm.s32 $0x2;
	s2 =	sand.u32 $0x3FFFFFC0, s2  }
0x10c: {  	_ =	swait.ge [sflag:s3], s2  }
0x10d: {  	s2 =	ssub.s32 $0x0, s2;
	[sflag:s3] =	ssyncset.done $0x0  }
0x10e: {  	[sflag:s3] =	ssyncadd.s32 s2;
	s3 =	simm.s32 $0x0  }
.LBB2_17:
0x10f: {  	v1 =	vld [tilespmem:s30+$0xFFFFFFE0];
	_ =	sdelay $0x4  }
0x110: {  	[tilespmem:s5+$0x88] =	vst.add.f32.msk $0xffff, v1  }
0x111: {  	v1 =	vld [tilespmem:s30+$0xFFFFFFF0];
	_ =	sdelay $0x4  }
0x112: {  	[tilespmem:s5+$0x98] =	vst.add.f32.msk $0xffff, v1  }
0x113: {  	v1 =	vld [tilespmem:s30+$0x0];
	_ =	sdelay $0x4  }
0x114: {  	[tilespmem:s5+$0xA8] =	vst.add.f32.msk $0xffff, v1  }
0x115: {  	v1 =	vld [tilespmem:s30+$0x10];
	_ =	sdelay $0x4  }
0x116: {  	[tilespmem:s5+$0xB8] =	vst.add.f32.msk $0xffff, v1  }
.LBB2_21:
0x117: {  	s31 =	sadd.s32 $0x1, s31  }
0x118: {  	p2 =	seq.s32 s31, $0x0  }
.Ltmp13:
0x119: {  	_ = 	snop;
	(pc) =	sbr.rel @p2 .LBB2_22-.Ltmp13, $2  }
0x11a: {  	_ =	sdelay $0x2  }
0x11b: {  	s30 =	sadd.s32 $0x80, s30;
	s28 =	sadd.s32 $0x1, s28;
	s29 =	smov.u32 s2  }
.LBB2_16:
0x11c: {  	v1 =	vld.msk [tilespmem:s28+$0x0], $0x1;
	_ =	sdelay $0x4  }
0x11d: {  	(v2sf) =	vpush v1, $0x0;
	_ =	sdelay $0xe  }
0x11e: {  	s2 =	spop (v2sf)  }
0x11f: {  	p2 =	sne.s32 s29, s2  }
.Ltmp14:
0x120: {  	_ = 	snop;
	(pc) =	sbr.rel @!p2 .LBB2_17-.Ltmp14, $3  }
0x121: {  	_ =	sdelay $0x1  }
0x122: {  	s5 =	sshll.u32 s26, $0x8  }
0x123: {  	s5 =	sshra.s32 s5, $0x2  }
0x124: {  	p2 =	seq.s32 s29, s4  }
.Ltmp15:
0x125: {  	_ = 	snop;
	(pc) =	sbr.rel @!p2 .LBB2_19-.Ltmp15, $1  }
0x126: {  	_ =	sdelay $0x3  }
.Ltmp16:
0x127: {  	s5 =	sadd.s32 $0x88, s5;
	(pc) =	sbr.rel .LBB2_20-.Ltmp16, $4  }
0x128: {  	[spmem:s18] =	stream.linear.scatter [tilespmem:s5], [sflag:$0x1], $0x40, $0x38;
	[tilespmem:$0x1EF88] =	vst v63  }
0x129: {  	_ =	swait.ge [sflag:s13], $0x40  }
0x12a: {  	[sflag:s13] =	ssyncset.done $0x0  }
0x12b: {  	[sflag:s13] =	ssyncadd.s32 $0xFFFFFFC0  }
.LBB2_19:
0x12c: {  	s7 =	sshll.u32 s0, $0x8  }
0x12d: {  	s7 =	sshra.s32 s7, $0x2  }
0x12e: {  	v1 =	vld [tilespmem:s7+$0x50C8];
	_ =	sdelay $0x4  }
0x12f: {  	[tilespmem:s5+$0x88] =	vst.add.f32.msk $0xffff, v1  }
0x130: {  	v1 =	vld [tilespmem:s7+$0x50D8];
	_ =	sdelay $0x4  }
0x131: {  	[tilespmem:s5+$0x98] =	vst.add.f32.msk $0xffff, v1  }
0x132: {  	v1 =	vld [tilespmem:s7+$0x50E8];
	_ =	sdelay $0x4  }
0x133: {  	[tilespmem:s5+$0xA8] =	vst.add.f32.msk $0xffff, v1  }
0x134: {  	v1 =	vld [tilespmem:s7+$0x50F8];
	_ =	sdelay $0x2  }
0x135: {  	p2 =	sgt.u32 s29, $0x270F8  }
0x136: {  	s7 =	sand.u32 @!p2 $0x3FFF8, s29  }
0x137: {  	s8 =	sadd.s32 $0x88, s5;
	[tilespmem:s5+$0xB8] =	vst.add.f32.msk $0xffff, v1;
	s5 =	sadd.s32 @!p2 s1, s7;
	s7 =	sand.u32 @!p2 $0x7, s29  }
0x138: {  	[hbm4b:s5+s7] =	stream.linear.scatter @!p2 [tilespmem:s8], [sflag:$0xC], $0x40, $0x38;
	[tilespmem:$0x1EF88] =	vst v63  }
0x139: {  	s5 =	simm.s32 $0x0  }
0x13a: {  	s5 =	simm.s32 @!p2 $0x100  }
0x13b: {  	s3 =	sadd.s32 s5, s3  }
.LBB2_20:
0x13c: {  	s5 =	sadd.s32 $0x1, s26  }
0x13d: {  	s7 =	smulhi.u32 $0xCCCCCCCD, s5;
	_ =	sdelay $0x1  }
0x13e: {  	v1 =	vld [tilespmem:s30+$0xFFFFFFE0];
	s7 =	sshrl.u32 s7, $0x8  }
0x13f: {  	s7 =	smul.u32 $0x140, s7;
	_ =	sdelay $0x1  }
0x140: {  	s26 =	ssub.s32 s5, s7  }
0x141: {  	s5 =	sshll.u32 s26, $0x6  }
0x142: {  	[tilespmem:s5+$0x88] =	vst v1  }
0x143: {  	v1 =	vld [tilespmem:s30+$0xFFFFFFF0];
	_ =	sdelay $0x4  }
0x144: {  	[tilespmem:s5+$0x98] =	vst v1  }
0x145: {  	v1 =	vld [tilespmem:s30+$0x0];
	_ =	sdelay $0x4  }
0x146: {  	[tilespmem:s5+$0xA8] =	vst v1  }
0x147: {  	v1 =	vld [tilespmem:s30+$0x10]  }
.Ltmp17:
0x148: {  	_ = 	snop;
	(pc) =	sbr.rel .LBB2_21-.Ltmp17, $2  }
0x149: {  	_ =	sdelay $0x2  }
0x14a: {  	s0 =	sadd.s32 $0x1, s0;
	[tilespmem:s5+$0xB8] =	vst v1  }
.LBB2_23:
.Ltmp18:
0x14b: {  	(pc) =	sbr.rel .LBB2_24-.Ltmp18, $4  }
0x14c: {  	_ = 	snop  }
0x14d: {  	s0 =	simm.s32 $0x2  }
0x14e: {  	_ =	swait.ge [sflag:s0], $0x0  }
0x14f: {  	s2 =	smov.u32 s29;
	[sflag:s0] =	ssyncset.done $0x0;
	s0 =	simm.s32 $0x0  }
.LBB2_26:
0x150: {  	_ =	sfence.sel $0x180000  }
0x151: {  	s0 =	simm.s32 $0x9;
	[bflag:$0x0] =	sbarrier.arrive $0xFFFF  }
0x152: {  	s24 =	simm.s32 $0xA;
	[sflag:s0] =	ssyncpa.u1 $0x1  }
0x153: {  	s25 =	simm.s32 $0xB;
	[sflag:s24] =	ssyncpa.u1 $0x1  }
0x154: {  	s26 =	simm.s32 $0x2;
	[sflag:s25] =	ssyncpa.u1 $0x1  }
0x155: {  	[sflag:s26] =	ssyncpa.u1 $0x1  }
0x156: {  	v0 =	vld [tilespmem:$0xA108];
	_ =	sdelay $0x4  }
0x157: {  	(v2sf) =	vpush v0, $0x0  }
0x158: {  	(v2sf) =	vpush v0, $0x1;
	_ =	sdelay $0x1  }
0x159: {  	(v2sf) =	vpush v0, $0x2;
	_ =	sdelay $0xb  }
0x15a: {  	s0 =	spop (v2sf)  }
0x15b: {  	s2 =	spop (v2sf)  }
0x15c: {  	s3 =	smov.u32 s0;
	p0 =	sne.s32 s0, s2  }
0x15d: {  	s4 =	spop (v2sf);
	s3 =	simm.s32 @!p0 $0xFFFFFFFF  }
0x15e: {  	v2 =	vimm.s32 $0x1;
	v3 =	vlaneseq.u32;
	p0 =	seq.s32 s4, $0xFFFFFFFF;
	v1 =	vmov s3  }
0x15f: {  	s14 =	stileid.u32;
	v0 =	vperm.xlane v0, v2;
	p1 =	sne.s32 @!p0 s0, s2;
	v1 =	vperm.xlane v1, v3  }
0x160: {  	vm0 =	vcmask $0x3F04;
	s6 =	simm.s32 $0xA108;
	s0 =	simm.s32 @!p0 $0x1;
	p1 =	por !p1, p0  }
0x161: {  	s3 =	sshll.u32 s14, $0x1;
	s2 =	sshll.u32 @!p0 s4, $0x8;
	s0 =	simm.s32 @p1 $0x0;
	v0 =	vsel vm0, v1, v0  }
0x162: {  	s5 =	sor.u32 $0x800, s3;
	s2 =	sshra.s32 @!p0 s2, $0x2;
	s0 =	sor.u32 @!p0 s0, s3;
	[tilespmem:$0xA108] =	vst v0  }
0x163: {  	[spmem:s5] =	stream.linear.scatter [tilespmem:s6], [sflag:$0x1], $0x2, $0x38;
	[tilespmem:$0x1EF88] =	vst v63  }
0x164: {  	s2 =	sadd.s32 @!p0 $0x88, s2;
	s0 =	sshll.u32 @!p0 s0, $0x6  }
0x165: {  	[spmem:s0] =	stream.linear.scatter @!p0 [tilespmem:s2], [sflag:$0x1], $0x40, $0x38;
	[tilespmem:$0x1EF88] =	vst v63  }
0x166: {  	s0 =	simm.s32 @!p0 $0x42  }
0x167: {  	s28 =	simm.s32 $0x1;
	s0 =	simm.s32 @p0 $0x2  }
0x168: {  	_ =	swait.ge [sflag:s28], s0  }
0x169: {  	s0 =	ssub.s32 $0x0, s0;
	[sflag:s28] =	ssyncset.done $0x0  }
0x16a: {  	p0 =	sne.s32 s14, $0x0;
	[sflag:s28] =	ssyncadd.s32 s0  }
.Ltmp19:
0x16b: {  	_ =	sfence.stream.spmem;
	(pc) =	sbr.rel @p0 .LBB2_43-.Ltmp19, $4  }
0x16c: {  	s29 =	simm.s32 $0x3;
	[bflag:$0x0] =	sbarrier.arrive $0xFFFF  }
0x16d: {  	s30 =	simm.s32 $0x4;
	[sflag:s29] =	ssyncpa.u1 $0x1  }
0x16e: {  	s31 =	simm.s32 $0x3C;
	[sflag:s30] =	ssyncpa.u1 $0x1  }
0x16f: {  	s13 =	rddreg [dreg:$0x4];
	[sflag:s31] =	ssyncpa.u1 $0x1  }
0x170: {  	_ =	sfence.stream.spmem;
	s0 =	simm.s32 $0x5  }
0x171: {  	s2 =	simm.s32 $0x800;
	s3 =	simm.s32 $0xA118;
	[sflag:s0] =	ssyncpa.u1 $0x0  }
0x172: {  	[tilespmem:s3], [sflag:$0x5] =	stream.linear.gather [spmem:s2], $0x20, $0x38;
	[tilespmem:$0x1EF88] =	vst v63  }
0x173: {  	s26 =	simm.s32 $0x0;
	s28 =	simm.s32 $0xA138  }
0x174: {  	[tilespmem:s28], [sflag:$0x5] =	stream.linear.gather [spmem:s26], $0x800, $0x38;
	[tilespmem:$0x1EF88] =	vst v63  }
0x175: {  	_ =	swait.ge [sflag:s0], $0x820  }
0x176: {  	[sflag:s0] =	ssyncset.done $0x0  }
0x177: {  	s29 =	simm.s32 $0x0;
	[sflag:s0] =	ssyncadd.s32 $0xFFFFF7E0  }
0x178: {  	v0 =	vld.msk [tilespmem:s29+$0xA118], $0x1;
	_ =	sdelay $0x1  }
0x179: {  	s30 =	simm.s32 $0x1  }
0x17a: {  	v1 =	vld.msk [tilespmem:s30+$0xA118], $0x1;
	_ =	sdelay $0x1  }
0x17b: {  	(v2sf) =	vpush v0, $0x0;
	_ =	sdelay $0x2  }
0x17c: {  	(v2sf) =	vpush v1, $0x0;
	_ =	sdelay $0x2  }
0x17d: {  	s31 =	simm.s32 $0x2  }
0x17e: {  	v0 =	vld.msk [tilespmem:s31+$0xA118], $0x1;
	_ =	sdelay $0x2  }
0x17f: {  	s2 =	simm.s32 $0xFFFFFFFF;
	s3 =	simm.s32 $0xFFFFFFFF;
	s0 =	simm.s32 $0xC  }
.LBB2_28:
0x180: {  	s4 =	smov.u32 s3;
	s5 =	smov.u32 s2  }
0x181: {  	s2 =	sshra.s32 s0, $0x2;
	p1 =	sne.s32 s0, $0x7C;
	s0 =	sadd.s32 $0x4, s0;
	(v2sf) =	vpush v0, $0x0  }
0x182: {  	v0 =	vld.msk [tilespmem:s2+$0xA118], $0x1  }
.Ltmp20:
0x183: {  	(pc) =	sbr.rel @p1 .LBB2_28-.Ltmp20, $4  }
0x184: {  	s3 =	spop (v2sf)  }
0x185: {  	p2 =	sne.s32 s5, $0xFFFFFFFF;
	s2 =	smov.u32 s3  }
0x186: {  	p3 =	seq.s32 s3, $0xFFFFFFFF;
	s2 =	smov.u32 @p2 s5  }
0x187: {  	s3 =	smov.u32 @p3 s4;
	s2 =	smov.u32 @p3 s5  }
0x188: {  	(v2sf) =	vpush v0, $0x0;
	_ =	sdelay $0x8  }
0x189: {  	s0 =	spop (v2sf)  }
0x18a: {  	p1 =	sne.s32 s2, $0xFFFFFFFF;
	s4 =	smov.u32 s0  }
0x18b: {  	s6 =	simm.s32 $0x0;
	p2 =	seq.s32 s0, $0xFFFFFFFF;
	s4 =	smov.u32 @p1 s2  }
0x18c: {  	s9 =	simm.s32 $0xA0C8;
	s4 =	smov.u32 @p2 s2;
	s2 =	spop (v2sf)  }
0x18d: {  	s0 =	smov.u32 @p2 s3;
	p1 =	sne.s32 s4, $0xFFFFFFFF;
	s5 =	smov.u32 s2  }
.Ltmp21:
0x18e: {  	p2 =	seq.s32 s2, $0xFFFFFFFF;
	s5 =	smov.u32 @p1 s4;
	(pc) =	sbr.rel .LBB2_30-.Ltmp21, $4  }
0x18f: {  	s10 =	simm.s32 $0x0;
	s5 =	smov.u32 @p2 s4;
	s7 =	spop (v2sf)  }
0x190: {  	s2 =	smov.u32 @p2 s0;
	p1 =	sne.s32 s5, $0xFFFFFFFF;
	s8 =	smov.u32 s7  }
0x191: {  	s0 =	simm.s32 $0x6;
	p2 =	seq.s32 s7, $0xFFFFFFFF;
	s8 =	smov.u32 @p1 s5  }
0x192: {  	[sflag:s0] =	ssyncpa.u1 $0x0;
	s7 =	smov.u32 @p2 s2;
	s8 =	smov.u32 @p2 s5  }
.LBB2_36:
0x193: {  	p1 =	sgt.u32 s2, $0x270F8  }
0x194: {  	p2 =	seq.s32 @!p1 s2, s8  }
0x195: {  	p1 =	por p1, p2  }
0x196: {  	p2 =	sne.s32 @!p1 s2, s7  }
0x197: {  	p1 =	por p1, !p2  }
0x198: {  	s2 =	sshll.u32 @p1 s10, $0x8  }
0x199: {  	s3 =	sand.u32 @!p1 $0x3FFF8, s2  }
0x19a: {  	s2 =	sand.u32 @!p1 $0x7, s2;
	s3 =	sadd.s32 @!p1 s1, s3  }
0x19b: {  	[tilespmem:s9], [sflag:$0x6] =	stream.linear.gather @!p1 [hbm4b:s3+s2], $0x40, $0x38;
	[tilespmem:$0x1EF88] =	vst v63  }
0x19c: {  	_ =	swait.ge @!p1 [sflag:s0], $0x40  }
0x19d: {  	[sflag:s0] =	ssyncset.done @!p1 $0x0  }
0x19e: {  	[sflag:s0] =	ssyncadd.s32 @!p1 $0xFFFFFFC0  }
0x19f: {  	v1 =	vld @!p1 [tilespmem:$0xA0C8];
	_ =	sdelay $0x2  }
0x1a0: {  	s2 =	sshll.u32 @!p1 s10, $0x8  }
0x1a1: {  	s3 =	sshrl.u32 @!p1 s2, $0x2  }
0x1a2: {  	[tilespmem:s3+$0xA138] =	vst.add.f32.msk @!p1 $0xffff, v1  }
0x1a3: {  	v1 =	vld @!p1 [tilespmem:$0xA0D8];
	_ =	sdelay $0x4  }
0x1a4: {  	[tilespmem:s3+$0xA148] =	vst.add.f32.msk @!p1 $0xffff, v1  }
0x1a5: {  	v1 =	vld @!p1 [tilespmem:$0xA0E8];
	_ =	sdelay $0x4  }
0x1a6: {  	[tilespmem:s3+$0xA158] =	vst.add.f32.msk @!p1 $0xffff, v1  }
0x1a7: {  	v1 =	vld @!p1 [tilespmem:$0xA0F8];
	_ =	sdelay $0x4  }
0x1a8: {  	[tilespmem:s3+$0xA168] =	vst.add.f32.msk @!p1 $0xffff, v1  }
0x1a9: {  	s2 =	sshrl.u32 s2, $0x2;
	[tilespmem:s6+$0xA118] =	vst.msk $0x1, v0  }
0x1aa: {  	v0 =	vld [tilespmem:s2+$0xA138];
	_ =	sdelay $0x2  }
0x1ab: {  	s31 =	sshll.u32 s6, $0x8  }
0x1ac: {  	s3 =	sshra.s32 s31, $0x2  }
0x1ad: {  	[tilespmem:s3+$0xA138] =	vst v0  }
0x1ae: {  	v0 =	vld [tilespmem:s2+$0xA148];
	_ =	sdelay $0x4  }
0x1af: {  	[tilespmem:s3+$0xA148] =	vst v0  }
0x1b0: {  	v0 =	vld [tilespmem:s2+$0xA158];
	_ =	sdelay $0x4  }
0x1b1: {  	[tilespmem:s3+$0xA158] =	vst v0  }
0x1b2: {  	v0 =	vld [tilespmem:s2+$0xA168];
	_ =	sdelay $0x4  }
0x1b3: {  	s6 =	sadd.s32 $0x1, s6;
	[tilespmem:s3+$0xA168] =	vst v0  }
.LBB2_37:
0x1b4: {  	s10 =	sadd.s32 $0x1, s10  }
0x1b5: {  	p1 =	sne.s32 s10, $0x20  }
.Ltmp22:
0x1b6: {  	_ = 	snop;
	(pc) =	sbr.rel @!p1 .LBB2_38-.Ltmp22, $1  }
0x1b7: {  	_ =	sdelay $0x3  }
.LBB2_30:
0x1b8: {  	v0 =	vld.msk [tilespmem:s10+$0xA118], $0x1;
	_ =	sdelay $0x4  }
0x1b9: {  	(v2sf) =	vpush v0, $0x0;
	_ =	sdelay $0xe  }
0x1ba: {  	s2 =	spop (v2sf)  }
0x1bb: {  	p1 =	seq.s32 s2, $0xFFFFFFFF  }
.Ltmp23:
0x1bc: {  	_ = 	snop;
	(pc) =	sbr.rel @p1 .LBB2_37-.Ltmp23, $1  }
0x1bd: {  	_ =	sdelay $0x3  }
0x1be: {  	p1 =	slt.s32 s6, $0x1  }
.Ltmp24:
0x1bf: {  	_ = 	snop;
	(pc) =	sbr.rel @p1 .LBB2_36-.Ltmp24, $1  }
0x1c0: {  	_ =	sdelay $0x3  }
0x1c1: {  	s3 =	simm.s32 $0xA118;
	p1 =	por $0x0, $0x0  }
0x1c2: {  	v1 =	vld.msk @!p1 [tilespmem:s3+$0x0], $0x1;
	_ =	sdelay $0x4  }
0x1c3: {  	(v2sf) =	vpush @!p1 v1, $0x0;
	_ =	sdelay $0xd  }
0x1c4: {  	p3 =	sne.s32 s6, $0x1  }
.Ltmp25:
0x1c5: {  	s4 =	spop @!p1 (v2sf);
	(pc) =	sbr.rel @!p3 .LBB2_34-.Ltmp25, $4  }
0x1c6: {  	p2 =	seq.s32 @!p1 s2, s4  }
0x1c7: {  	s4 =	simm.s32 $0x0;
	p2 =	por !p2, p1  }
0x1c8: {  	s11 =	simm.s32 $0xFFFFFFFF;
	s4 =	simm.s32 @p2 $0xFFFFFFFF  }
0x1c9: {  	s5 =	simm.s32 $0x1;
	s4 =	smov.u32 @p1 s11  }
.LBB2_33:
0x1ca: {  	s11 =	smov.u32 s4;
	p1 =	sne.s32 s4, $0xFFFFFFFF  }
0x1cb: {  	s3 =	sadd.s32 $0x1, s3;
	s4 =	smov.u32 s5;
	s5 =	sadd.s32 $0x1, s5  }
0x1cc: {  	p2 =	sne.s32 s6, s5;
	v1 =	vld.msk @!p1 [tilespmem:s3+$0x0], $0x1;
	_ =	sdelay $0x4  }
0x1cd: {  	(v2sf) =	vpush @!p1 v1, $0x0;
	_ =	sdelay $0xe  }
.Ltmp26:
0x1ce: {  	s12 =	spop @!p1 (v2sf);
	(pc) =	sbr.rel @p2 .LBB2_33-.Ltmp26, $4  }
0x1cf: {  	p3 =	seq.s32 @!p1 s2, s12  }
0x1d0: {  	p3 =	por !p3, p1  }
0x1d1: {  	s4 =	simm.s32 @p3 $0xFFFFFFFF  }
0x1d2: {  	s4 =	smov.u32 @p1 s11  }
.LBB2_34:
0x1d3: {  	p1 =	seq.s32 s4, $0xFFFFFFFF  }
.Ltmp27:
0x1d4: {  	_ = 	snop;
	(pc) =	sbr.rel @p1 .LBB2_36-.Ltmp27, $1  }
0x1d5: {  	_ =	sdelay $0x3  }
0x1d6: {  	s2 =	sshll.u32 s10, $0x6  }
0x1d7: {  	s2 =	sand.u32 $0x3FFFFFC0, s2  }
0x1d8: {  	v0 =	vld [tilespmem:s2+$0xA138];
	_ =	sdelay $0x2  }
0x1d9: {  	s3 =	sshll.u32 s4, $0x8  }
0x1da: {  	s3 =	sshra.s32 s3, $0x2  }
0x1db: {  	[tilespmem:s3+$0xA138] =	vst.add.f32.msk $0xffff, v0  }
0x1dc: {  	v0 =	vld [tilespmem:s2+$0xA148];
	_ =	sdelay $0x4  }
0x1dd: {  	[tilespmem:s3+$0xA148] =	vst.add.f32.msk $0xffff, v0  }
0x1de: {  	v0 =	vld [tilespmem:s2+$0xA158];
	_ =	sdelay $0x4  }
0x1df: {  	[tilespmem:s3+$0xA158] =	vst.add.f32.msk $0xffff, v0  }
0x1e0: {  	v0 =	vld [tilespmem:s2+$0xA168]  }
.Ltmp28:
0x1e1: {  	_ = 	snop;
	(pc) =	sbr.rel .LBB2_37-.Ltmp28, $2  }
0x1e2: {  	_ =	sdelay $0x2  }
0x1e3: {  	[tilespmem:s3+$0xA168] =	vst.add.f32.msk $0xffff, v0  }
.LBB2_38:
0x1e4: {  	s0 =	simm.s32 $0x6;
	p1 =	seq.s32 s6, $0x0  }
0x1e5: {  	[sflag:s0] =	ssyncpa.u1 $0x1;
	v0 =	vimm.s32 @p1 $0xFFFFFFFF  }
0x1e6: {  	s0 =	sadd.s32 $0xFFFFFFFF, s6;
	[tilespmem:$0xA938] =	vst @p1 v0  }
0x1e7: {  	v0 =	vld.msk @!p1 [tilespmem:s0+$0xA118], $0x1;
	_ =	sdelay $0x1  }
0x1e8: {  	v1 =	vld.msk @!p1 [tilespmem:$0xA118], $0x1;
	_ =	sdelay $0x2  }
0x1e9: {  	p2 =	seq.s32 @!p1 s0, $0x0;
	v0 =	vbroadcast @!p1 v0, $0x0  }
0x1ea: {  	vm0 =	vmmov @!p1 $0x1;
	p2 =	por !p2, p1  }
0x1eb: {  	v1 =	vnsel @!p1 vm0, $0xFFFFFFFF, v1;
	vm0 =	vcmask @!p1 $0x308;
	v0 =	vpsel !p2, $0xFFFFFFFF, v0  }
0x1ec: {  	p2 =	sne.s32 @!p1 s8, s7;
	v0 =	vsel @!p1 vm0, v1, v0  }
0x1ed: {  	s2 =	simm.s32 @!p1 $0xA138;
	s3 =	simm.s32 @!p1 $0x0;
	p3 =	por !p2, p1;
	[tilespmem:$0xA938] =	vst @!p1 v0  }
0x1ee: {  	[spmem:s3] =	stream.linear.scatter @!p1 [tilespmem:s2], [sflag:$0x1], $0x40, $0x38;
	[tilespmem:$0x1EF88] =	vst v63  }
0x1ef: {  	s2 =	sshll.u32 @!p3 s0, $0x8  }
0x1f0: {  	s2 =	sshra.s32 @!p3 s2, $0x2  }
0x1f1: {  	s3 =	simm.s32 @!p3 $0x40;
	s2 =	sadd.s32 @!p3 $0xA138, s2  }
0x1f2: {  	[spmem:s3] =	stream.linear.scatter @!p3 [tilespmem:s2], [sflag:$0x1], $0x40, $0x38;
	[tilespmem:$0x1EF88] =	vst v63  }
0x1f3: {  	s2 =	simm.s32 @!p3 $0x1  }
0x1f4: {  	_ =	swait.ge @!p3 [sflag:s2], $0x80  }
0x1f5: {  	p1 =	por p2, p1;
	[sflag:s2] =	ssyncset.done @!p3 $0x0  }
0x1f6: {  	[sflag:s2] =	ssyncadd.s32 @!p3 $0xFFFFFF80;
	s2 =	simm.s32 @!p1 $0x1  }
0x1f7: {  	_ =	swait.ge @!p1 [sflag:s2], $0x40  }
0x1f8: {  	s29 =	simm.s32 $0xA938;
	[sflag:s2] =	ssyncset.done @!p1 $0x0  }
0x1f9: {  	s30 =	simm.s32 $0x800;
	s31 =	simm.s32 $0x1;
	[sflag:s2] =	ssyncadd.s32 @!p1 $0xFFFFFFC0  }
0x1fa: {  	[spmem:s30] =	stream.linear.scatter [tilespmem:s29], [sflag:$0x1], $0x10, $0x38;
	[tilespmem:$0x1EF88] =	vst v63  }
0x1fb: {  	_ =	swait.ge [sflag:s31], $0x10  }
0x1fc: {  	[sflag:s31] =	ssyncset.done $0x0  }
0x1fd: {  	p1 =	seq.s32 s13, $0x0;
	s9 =	rddreg [dreg:$0x1];
	[sflag:s31] =	ssyncadd.s32 $0xFFFFFFF0  }
0x1fe: {  	s3 =	sshll.u32 @p1 s9, $0xE;
	s8 =	rddreg [dreg:$0x2]  }
0x1ff: {  	s2 =	sadd.s32 @p1 $0x15C3C, s3;
	s3 =	sshll.u32 @p1 s8, $0x11  }
0x200: {  	_ =	sfence.stream.spmem;
	s2 =	sor.u32 @p1 s3, s2  }
0x201: {  	[sflag:s2] =	ssyncadd.remote.s32 @p1 $0x1;
	s2 =	simm.s32 @p1 $0x4  }
0x202: {  	s4 =	simm.s32 @!p1 $0x3C;
	s3 =	sand.u32 $0xFFFFFFFE, s9;
	_ =	swait.ge @p1 [sflag:s2], $0x12  }
0x203: {  	s5 =	simm.s32 @!p1 $0x0;
	s3 =	sadd.s32 @!p1 $0x4, s3;
	[sflag:s2] =	ssyncset.done @p1 $0x0  }
0x204: {  	s7 =	simm.s32 @!p1 $0x80;
	[sflag:s2] =	ssyncadd.s32 @p1 $0xFFFFFFEE;
	s2 =	sshll.u32 @!p1 s3, $0x1A  }
0x205: {  	s3 =	sshll.u32 @!p1 s3, $0xD;
	s2 =	sor.u32 @!p1 s2, s8;
	_ =	swait.eq @!p1 [sflag:s4], $0x1  }
0x206: {  	s3 =	sor.u32 @!p1 $0x1C04, s3;
	s4 =	simm.s32 @!p1 $0x1C03;
	s2 =	sor.u32 @!p1 $0x80004000, s2  }
0x207: {  	[spmem:s7], [sflag:s3] =	dma.general @!p1 [spmem:s5], [sflag:s4], length:$0x10, [dreg:$0x0], stride_count:$0x0, ici_dest:s2, dma_misc:DstOpCode:WRITE  }
0x208: {  	p2 =	slt.s32 s0, $0x2;
	s5 =	simm.s32 @!p1 $0x100;
	s7 =	simm.s32 @!p1 $0x102  }
0x209: {  	[spmem:s7], [sflag:s3] =	dma.general @!p1 [spmem:s5], [sflag:s4], length:$0x2, [dreg:$0x0], stride_count:$0x0, ici_dest:s2, dma_misc:DstOpCode:WRITE  }
.Ltmp29:
0x20a: {  	s2 =	simm.s32 @!p1 $0x3;
	(pc) =	sbr.rel @p2 .LBB2_42-.Ltmp29, $4  }
0x20b: {  	s3 =	sshll.u32 @!p1 s9, $0xE;
	_ =	swait.ge @!p1 [sflag:s2], $0x12  }
0x20c: {  	s4 =	sshll.u32 @!p1 s8, $0x11;
	s3 =	sadd.s32 @!p1 $0x11C3C, s3;
	[sflag:s2] =	ssyncset.done @!p1 $0x0  }
0x20d: {  	[sflag:s2] =	ssyncadd.s32 @!p1 $0xFFFFFFEE;
	s2 =	sor.u32 @!p1 s4, s3  }
0x20e: {  	s0 =	simm.s32 $0x0;
	[sflag:s2] =	ssyncadd.remote.s32 @!p1 $0xFFFFFFFF  }
0x20f: {  	s0 =	simm.s32 $0xA119  }
0x210: {  	v0 =	vld.msk [tilespmem:s0+$0x0], $0x1;
	_ =	sdelay $0x4  }
0x211: {  	(v2sf) =	vpush v0, $0x0;
	_ =	sdelay $0xc  }
0x212: {  	s2 =	sadd.s32 $0xFFFFFFFE, s6  }
0x213: {  	s2 =	sadd.s32 $0xFFFFFFFF, s2  }
0x214: {  	p2 =	sne.s32 s2, $0x0;
	s3 =	spop (v2sf)  }
.Ltmp30:
0x215: {  	p1 =	sgt.u32 s3, $0x270F8;
	(pc) =	sbr.rel @!p2 .LBB2_41-.Ltmp30, $4  }
0x216: {  	s5 =	simm.s32 $0x0;
	s4 =	sand.u32 @!p1 $0x3FFF8, s3  }
0x217: {  	s0 =	simm.s32 $0xA178;
	s3 =	sand.u32 @!p1 $0x7, s3;
	s4 =	sadd.s32 @!p1 s1, s4  }
0x218: {  	[hbm4b:s4+s3] =	stream.linear.scatter @!p1 [tilespmem:s0], [sflag:$0x5], $0x40, $0x38;
	[tilespmem:$0x1EF88] =	vst v63  }
0x219: {  	s5 =	simm.s32 @!p1 $0x100;
	s3 =	simm.s32 $0x0;
	s4 =	simm.s32 $0xA11A  }
.LBB2_40:
0x21a: {  	v0 =	vld.msk [tilespmem:s4+$0x0], $0x1;
	s2 =	sadd.s32 $0xFFFFFFFF, s2;
	s3 =	sadd.s32 s3, s5  }
0x21b: {  	p1 =	sne.s32 s2, $0x0;
	_ =	sdelay $0x3  }
0x21c: {  	(v2sf) =	vpush v0, $0x0;
	_ =	sdelay $0xe  }
.Ltmp31:
0x21d: {  	s6 =	spop (v2sf);
	(pc) =	sbr.rel @p1 .LBB2_40-.Ltmp31, $4  }
0x21e: {  	s5 =	simm.s32 $0x0;
	p2 =	sgt.u32 s6, $0x270F8  }
0x21f: {  	s0 =	sadd.s32 $0x40, s0;
	s5 =	simm.s32 @!p2 $0x100;
	s7 =	sand.u32 @!p2 $0x3FFF8, s6  }
0x220: {  	s4 =	sadd.s32 $0x1, s4;
	s6 =	sand.u32 @!p2 $0x7, s6;
	s7 =	sadd.s32 @!p2 s1, s7  }
0x221: {  	[hbm4b:s7+s6] =	stream.linear.scatter @!p2 [tilespmem:s0], [sflag:$0x5], $0x40, $0x38;
	[tilespmem:$0x1EF88] =	vst v63  }
.LBB2_41:
0x222: {  	s0 =	sadd.s32 s3, s5  }
0x223: {  	s0 =	sshrl.u32 s0, $0x2  }
.LBB2_42:
0x224: {  	s2 =	simm.s32 $0x5  }
0x225: {  	_ =	swait.ge [sflag:s2], s0  }
0x226: {  	s31 =	ssub.s32 $0x0, s0;
	[sflag:s2] =	ssyncset.done $0x0  }
0x227: {  	[sflag:s2] =	ssyncadd.s32 s31  }
0x228: {  	[sflag:s2] =	ssyncpa.u1 $0x1  }
.LBB2_43:
0x229: {  	s0 =	sor.u32 s13, s14  }
0x22a: {  	p1 =	sne.s32 s0, $0x0  }
.Ltmp32:
0x22b: {  	_ = 	snop;
	(pc) =	sbr.rel @p1 .LBB2_58-.Ltmp32, $3  }
0x22c: {  	_ =	sdelay $0x1  }
0x22d: {  	[bflag:$0x0] =	sbarrier.arrive $0xFFFF  }
0x22e: {  	_ =	sfence  }
0x22f: {  	s2 =	simm.s32 $0x7  }
0x230: {  	s0 =	simm.s32 $0x800;
	s3 =	simm.s32 $0xA118;
	[sflag:s2] =	ssyncpa.u1 $0x0  }
0x231: {  	[tilespmem:s3], [sflag:$0x7] =	stream.linear.gather [spmem:s0], $0x20, $0x38;
	[tilespmem:$0x1EF88] =	vst v63  }
0x232: {  	s30 =	simm.s32 $0xA138;
	s0 =	simm.s32 $0x0  }
0x233: {  	[tilespmem:s30], [sflag:$0x7] =	stream.linear.gather [spmem:s0], $0x800, $0x38;
	[tilespmem:$0x1EF88] =	vst v63  }
.Ltmp33:
0x234: {  	_ = 	snop;
	(pc) =	sbr.rel .LBB2_45-.Ltmp33, $4  }
0x235: {  	_ =	swait.ge [sflag:s2], $0x820  }
0x236: {  	[sflag:s2] =	ssyncset.done $0x0  }
0x237: {  	s31 =	simm.s32 $0x8;
	[sflag:s2] =	ssyncadd.s32 $0xFFFFF7E0  }
0x238: {  	s2 =	simm.s32 $0x0;
	[sflag:s31] =	ssyncpa.u1 $0x0  }
.LBB2_51:
0x239: {  	p1 =	slt.u32 s3, $0x270F9  }
0x23a: {  	s4 =	sand.u32 @p1 $0x3FFF8, s3  }
0x23b: {  	s3 =	sand.u32 @p1 $0x7, s3;
	s5 =	simm.s32 @p1 $0xA0C8;
	s4 =	sadd.s32 @p1 s1, s4  }
0x23c: {  	[tilespmem:s5], [sflag:$0x8] =	stream.linear.gather @p1 [hbm4b:s4+s3], $0x40, $0x38;
	[tilespmem:$0x1EF88] =	vst v63  }
0x23d: {  	s3 =	simm.s32 @p1 $0x8  }
0x23e: {  	_ =	swait.ge @p1 [sflag:s3], $0x40  }
0x23f: {  	[sflag:s3] =	ssyncset.done @p1 $0x0  }
0x240: {  	[sflag:s3] =	ssyncadd.s32 @p1 $0xFFFFFFC0  }
0x241: {  	v1 =	vld @p1 [tilespmem:$0xA0C8];
	_ =	sdelay $0x2  }
0x242: {  	s3 =	sshll.u32 @p1 s2, $0x8  }
0x243: {  	s4 =	sshrl.u32 @p1 s3, $0x2  }
0x244: {  	[tilespmem:s4+$0xA138] =	vst.add.f32.msk @p1 $0xffff, v1  }
0x245: {  	v1 =	vld @p1 [tilespmem:$0xA0D8];
	_ =	sdelay $0x4  }
0x246: {  	[tilespmem:s4+$0xA148] =	vst.add.f32.msk @p1 $0xffff, v1  }
0x247: {  	v1 =	vld @p1 [tilespmem:$0xA0E8];
	_ =	sdelay $0x4  }
0x248: {  	[tilespmem:s4+$0xA158] =	vst.add.f32.msk @p1 $0xffff, v1  }
0x249: {  	v1 =	vld @p1 [tilespmem:$0xA0F8];
	_ =	sdelay $0x3  }
0x24a: {  	s5 =	sshll.u32 @!p1 s2, $0x8  }
0x24b: {  	s5 =	smov.u32 @p1 s3;
	[tilespmem:s4+$0xA168] =	vst.add.f32.msk @p1 $0xffff, v1  }
0x24c: {  	s3 =	sshrl.u32 s5, $0x2;
	[tilespmem:s0+$0xA118] =	vst.msk $0x1, v0  }
0x24d: {  	v0 =	vld [tilespmem:s3+$0xA138];
	_ =	sdelay $0x2  }
0x24e: {  	s31 =	sshll.u32 s0, $0x8  }
0x24f: {  	s4 =	sshra.s32 s31, $0x2  }
0x250: {  	[tilespmem:s4+$0xA138] =	vst v0  }
0x251: {  	v0 =	vld [tilespmem:s3+$0xA148];
	_ =	sdelay $0x4  }
0x252: {  	[tilespmem:s4+$0xA148] =	vst v0  }
0x253: {  	v0 =	vld [tilespmem:s3+$0xA158];
	_ =	sdelay $0x4  }
0x254: {  	[tilespmem:s4+$0xA158] =	vst v0  }
0x255: {  	v0 =	vld [tilespmem:s3+$0xA168];
	_ =	sdelay $0x4  }
0x256: {  	s0 =	sadd.s32 $0x1, s0;
	[tilespmem:s4+$0xA168] =	vst v0  }
.LBB2_52:
0x257: {  	s2 =	sadd.s32 $0x1, s2  }
0x258: {  	p1 =	sne.s32 s2, $0x20  }
.Ltmp34:
0x259: {  	_ = 	snop;
	(pc) =	sbr.rel @!p1 .LBB2_53-.Ltmp34, $1  }
0x25a: {  	_ =	sdelay $0x3  }
.LBB2_45:
0x25b: {  	v0 =	vld.msk [tilespmem:s2+$0xA118], $0x1;
	_ =	sdelay $0x4  }
0x25c: {  	(v2sf) =	vpush v0, $0x0;
	_ =	sdelay $0xe  }
0x25d: {  	s3 =	spop (v2sf)  }
0x25e: {  	p1 =	seq.s32 s3, $0xFFFFFFFF  }
.Ltmp35:
0x25f: {  	_ = 	snop;
	(pc) =	sbr.rel @p1 .LBB2_52-.Ltmp35, $1  }
0x260: {  	_ =	sdelay $0x3  }
0x261: {  	p1 =	slt.s32 s0, $0x1  }
.Ltmp36:
0x262: {  	_ = 	snop;
	(pc) =	sbr.rel @p1 .LBB2_51-.Ltmp36, $1  }
0x263: {  	_ =	sdelay $0x3  }
0x264: {  	s4 =	simm.s32 $0xA118;
	p1 =	por $0x0, $0x0  }
0x265: {  	v1 =	vld.msk @!p1 [tilespmem:s4+$0x0], $0x1;
	_ =	sdelay $0x4  }
0x266: {  	(v2sf) =	vpush @!p1 v1, $0x0;
	_ =	sdelay $0xd  }
0x267: {  	p3 =	sne.s32 s0, $0x1  }
.Ltmp37:
0x268: {  	s5 =	spop @!p1 (v2sf);
	(pc) =	sbr.rel @!p3 .LBB2_49-.Ltmp37, $4  }
0x269: {  	p2 =	seq.s32 @!p1 s3, s5  }
0x26a: {  	s5 =	simm.s32 $0x0;
	p2 =	por !p2, p1  }
0x26b: {  	s7 =	simm.s32 $0xFFFFFFFF;
	s5 =	simm.s32 @p2 $0xFFFFFFFF  }
0x26c: {  	s6 =	simm.s32 $0x1;
	s5 =	smov.u32 @p1 s7  }
.LBB2_48:
0x26d: {  	s7 =	smov.u32 s5;
	p1 =	sne.s32 s5, $0xFFFFFFFF  }
0x26e: {  	s4 =	sadd.s32 $0x1, s4;
	s5 =	smov.u32 s6;
	s6 =	sadd.s32 $0x1, s6  }
0x26f: {  	p2 =	sne.s32 s0, s6;
	v1 =	vld.msk @!p1 [tilespmem:s4+$0x0], $0x1;
	_ =	sdelay $0x4  }
0x270: {  	(v2sf) =	vpush @!p1 v1, $0x0;
	_ =	sdelay $0xe  }
.Ltmp38:
0x271: {  	s8 =	spop @!p1 (v2sf);
	(pc) =	sbr.rel @p2 .LBB2_48-.Ltmp38, $4  }
0x272: {  	p3 =	seq.s32 @!p1 s3, s8  }
0x273: {  	p3 =	por !p3, p1  }
0x274: {  	s5 =	simm.s32 @p3 $0xFFFFFFFF  }
0x275: {  	s5 =	smov.u32 @p1 s7  }
.LBB2_49:
0x276: {  	p1 =	seq.s32 s5, $0xFFFFFFFF  }
.Ltmp39:
0x277: {  	_ = 	snop;
	(pc) =	sbr.rel @p1 .LBB2_51-.Ltmp39, $1  }
0x278: {  	_ =	sdelay $0x3  }
0x279: {  	s3 =	sshll.u32 s2, $0x6  }
0x27a: {  	s3 =	sand.u32 $0x3FFFFFC0, s3  }
0x27b: {  	v0 =	vld [tilespmem:s3+$0xA138];
	_ =	sdelay $0x2  }
0x27c: {  	s4 =	sshll.u32 s5, $0x8  }
0x27d: {  	s4 =	sshra.s32 s4, $0x2  }
0x27e: {  	[tilespmem:s4+$0xA138] =	vst.add.f32.msk $0xffff, v0  }
0x27f: {  	v0 =	vld [tilespmem:s3+$0xA148];
	_ =	sdelay $0x4  }
0x280: {  	[tilespmem:s4+$0xA148] =	vst.add.f32.msk $0xffff, v0  }
0x281: {  	v0 =	vld [tilespmem:s3+$0xA158];
	_ =	sdelay $0x4  }
0x282: {  	[tilespmem:s4+$0xA158] =	vst.add.f32.msk $0xffff, v0  }
0x283: {  	v0 =	vld [tilespmem:s3+$0xA168]  }
.Ltmp40:
0x284: {  	_ = 	snop;
	(pc) =	sbr.rel .LBB2_52-.Ltmp40, $2  }
0x285: {  	_ =	sdelay $0x2  }
0x286: {  	[tilespmem:s4+$0xA168] =	vst.add.f32.msk $0xffff, v0  }
.LBB2_53:
0x287: {  	p1 =	slt.s32 s0, $0x1  }
.Ltmp41:
0x288: {  	_ = 	snop;
	(pc) =	sbr.rel @p1 .LBB2_57-.Ltmp41, $3  }
0x289: {  	_ =	sdelay $0x1  }
0x28a: {  	s2 =	simm.s32 $0x8  }
0x28b: {  	[sflag:s2] =	ssyncpa.u1 $0x1;
	s2 =	simm.s32 $0x0  }
0x28c: {  	s3 =	simm.s32 $0xA118  }
0x28d: {  	v0 =	vld.msk [tilespmem:s3+$0x0], $0x1;
	_ =	sdelay $0x4  }
0x28e: {  	(v2sf) =	vpush v0, $0x0;
	_ =	sdelay $0xe  }
0x28f: {  	s0 =	sadd.s32 $0xFFFFFFFF, s0;
	s4 =	spop (v2sf)  }
0x290: {  	p2 =	sne.s32 s0, $0x0;
	p1 =	sgt.u32 s4, $0x270F8  }
.Ltmp42:
0x291: {  	s5 =	sand.u32 @!p1 $0x3FFF8, s4;
	(pc) =	sbr.rel @!p2 .LBB2_56-.Ltmp42, $4  }
0x292: {  	s3 =	simm.s32 $0xA138;
	s4 =	sand.u32 @!p1 $0x7, s4;
	s5 =	sadd.s32 @!p1 s1, s5  }
0x293: {  	[hbm4b:s5+s4] =	stream.linear.scatter @!p1 [tilespmem:s3], [sflag:$0x7], $0x40, $0x38;
	[tilespmem:$0x1EF88] =	vst v63  }
0x294: {  	s5 =	simm.s32 $0x0  }
0x295: {  	s4 =	simm.s32 $0xA119;
	s5 =	simm.s32 @!p1 $0x100  }
.LBB2_55:
0x296: {  	v0 =	vld.msk [tilespmem:s4+$0x0], $0x1;
	s0 =	sadd.s32 $0xFFFFFFFF, s0;
	s2 =	sadd.s32 s2, s5  }
0x297: {  	p1 =	sne.s32 s0, $0x0;
	_ =	sdelay $0x3  }
0x298: {  	(v2sf) =	vpush v0, $0x0;
	_ =	sdelay $0xe  }
.Ltmp43:
0x299: {  	s6 =	spop (v2sf);
	(pc) =	sbr.rel @p1 .LBB2_55-.Ltmp43, $4  }
0x29a: {  	s5 =	simm.s32 $0x0;
	p2 =	sgt.u32 s6, $0x270F8  }
0x29b: {  	s3 =	sadd.s32 $0x40, s3;
	s5 =	simm.s32 @!p2 $0x100;
	s7 =	sand.u32 @!p2 $0x3FFF8, s6  }
0x29c: {  	s4 =	sadd.s32 $0x1, s4;
	s6 =	sand.u32 @!p2 $0x7, s6;
	s7 =	sadd.s32 @!p2 s1, s7  }
0x29d: {  	[hbm4b:s7+s6] =	stream.linear.scatter @!p2 [tilespmem:s3], [sflag:$0x7], $0x40, $0x38;
	[tilespmem:$0x1EF88] =	vst v63  }
.LBB2_56:
0x29e: {  	s0 =	sadd.s32 s2, s5  }
0x29f: {  	s2 =	sshrl.u32 s0, $0x2  }
.LBB2_57:
0x2a0: {  	s0 =	simm.s32 $0x7  }
0x2a1: {  	_ =	swait.ge [sflag:s0], s2  }
0x2a2: {  	s1 =	ssub.s32 $0x0, s2;
	[sflag:s0] =	ssyncset.done $0x0  }
0x2a3: {  	[sflag:s0] =	ssyncadd.s32 s1  }
0x2a4: {  	[sflag:s0] =	ssyncpa.u1 $0x1  }
.LBB2_58:
0x2a5: {  	_ =	sfence;
	s0 =	simm.s32 $0x1  }
0x2a6: {  	[sflag:s0] =	ssyncpa.u1 $0x1  }
0x2a7: {  	_ =	strace $0x90000053  }
0x2a8: {  	[bflag:$0x2] =	sbarrier.arrive $0xFFFF  }
0x2a9: {  	s0 =	rddreg [dreg:$0x3]  }
0x2aa: {  	s0 =	sadd.s32 @!p0 $0x100000, s0  }
0x2ab: {  	[sflag:s0] =	ssyncadd.tile.s32 @!p0 $0x1;
	_ =	shalt  }
.Lfunc_end2:
_tile_overlayer_lowered:
.L_overlay_start_2:
0x2ac: {  	(tag) =	ssettag $0x2  }
0x2ad: {  	s0 =	rddreg [dreg:$0x0];
	s2 =	stileid.u32  }
0x2ae: {  	s1 =	rddreg [dreg:$0x1];
	p0 =	sne.s32 s2, $0x0  }
0x2af: {  	s3 =	rddreg [dreg:$0x2];
	[bflag:$0x3] =	sbarrier.arrive $0xFFFF;
	s2 =	simm.s32 @!p0 $0x1C01  }
0x2b0: {  	[timem:s3], [sflag:s2] =	dma.local @!p0 [hbm:s0], s1  }
0x2b1: {  	s0 =	simm.s32 @!p0 $0x1  }
0x2b2: {  	_ =	swait.ge @!p0 [sflag:s0], s1  }
0x2b3: {  	s1 =	ssub.s32 @!p0 $0x0, s1;
	[sflag:s0] =	ssyncset.done @!p0 $0x0  }
0x2b4: {  	[sflag:s0] =	ssyncadd.s32 @!p0 s1  }
0x2b5: {  	[bflag:$0x3] =	sbarrier.arrive $0xFFFF  }
0x2b6: {  	_ =	shalt  }

// kernel: scatter_offload_async_start.4
scs
__scs_entry_jumppad:
0x0: {  	(pc) =	sbr.rel $0x88, $3  }
0x1: {  	(tag) =	ssettag $0x0;
	lr =	simm.s32 $0x1  }
0x2: {  	[smem:$0x3F91] =	sst lr;
	_ =	strace $0xD0000000  }
0x3: {  	_ = 	snop  }
0x4: {  	_ = 	snop  }
0x5: {  	_ = 	snop  }
0x6: {  	_ = 	snop  }
0x7: {  	_ = 	snop  }
__scs_overlays_trampoline_lowered:
0x8: {  	[smem:$0x3FA0] =	sst s0  }
0x9: {  	[smem:$0x3FA1] =	sst s1  }
0xa: {  	[smem:$0x3FA2] =	sst s2  }
0xb: {  	[smem:$0x3FA3] =	sst s3  }
0xc: {  	[smem:$0x3FA4] =	sst s4  }
0xd: {  	[smem:$0x3FA5] =	sst s5  }
0xe: {  	[smem:$0x3FA6] =	sst s6  }
0xf: {  	[smem:$0x3FA7] =	sst s7  }
0x10: {  	[smem:$0x3FA8] =	sst s8  }
0x11: {  	[smem:$0x3FA9] =	sst s9;
	s0 =	simm.s32 @!p0 $0x0  }
0x12: {  	s1 =	sld [smem:$0x3F8F];
	s0 =	simm.s32 @p0 $0x1  }
0x13: {  	[smem:$0x3FAA] =	sst s0;
	s0 =	simm.s32 @!p1 $0x0  }
0x14: {  	s2 =	sld [smem:$0x3F8E];
	s0 =	simm.s32 @p1 $0x1  }
0x15: {  	[smem:$0x3FAB] =	sst s0;
	s0 =	simm.s32 @!p2 $0x0  }
0x16: {  	s3 =	sld [smem:$0x3FDB];
	s0 =	simm.s32 @p2 $0x1  }
0x17: {  	s4 =	simm.s32 $0x1BF5;
	[smem:$0x3FAD] =	sst s0  }
0x18: {  	s0 =	sld [smem:$0x3F90];
	_ =	swait.ge [sflag:s4], $0x0  }
0x19: {  	s7 =	sld [smem:$0x3F91]  }
0x1a: {  	s8 =	sadd.s32 $0xFFFFE003, lr  }
0x1b: {  	s9 =	sadd.s32 $0xFFFFFEF7, lr;
	s5 =	simm.s32 $0xFFFFFFFF;
	p2 =	slt.u32 s8, $0xFFFFF086  }
0x1c: {  	p1 =	slt.u32 s9, $0xF7A;
	s5 =	simm.s32 @!p2 $0x0  }
0x1d: {  	s5 =	simm.s32 @p1 $0x1;
	p0 =	seq.s32 s7, s2  }
0x1e: {  	s7 =	smul.u32 @!p0 $0xF7A, s2;
	p2 =	seq.s32 @!p0 s5, $0x0  }
0x1f: {  	s9 =	smul.u32 $0xF7A, s1;
	s8 =	simm.s32 @!p0 $0x1BF5;
	p2 =	por !p2, p0  }
0x20: {  	[sflag:s8] =	ssyncset.s32 @!p0 $0xFFFFF086;
	s6 =	sadd.s32 @!p0 s3, s7;
	s7 =	simm.s32 @!p0 $0x108  }
0x21: {  	s3 =	sadd.s32 s3, s9;
	s6 =	sadd.s32 @!p0 $0x88, s6;
	s7 =	simm.s32 @p2 $0x1082  }
0x22: {  	[simem:s7], [sflag:s8] =	dma.local @!p0 [hbm:s6], $0xF7A  }
0x23: {  	s9 =	sor.u32 $0xD0000000, s2;
	s6 =	simm.s32 $0x108;
	_ =	swait.ge @!p0 [sflag:s8], $0x0  }
0x24: {  	s3 =	sadd.s32 $0x88, s3;
	s6 =	simm.s32 @!p1 $0x1082;
	[sflag:s4] =	ssyncset.s32 $0xFFFFF086  }
0x25: {  	[simem:s6], [sflag:s4] =	dma.local [hbm:s3], $0xF7A  }
0x26: {  	[smem:$0x3F91] =	sst s1;
	(tag) =	ssettag s2;
	_ =	strace s9  }
0x27: {  	s1 =	sld [smem:$0x3FA1]  }
0x28: {  	s2 =	sld [smem:$0x3FA2]  }
0x29: {  	s4 =	sld [smem:$0x3FA4]  }
0x2a: {  	p0 =	seq.s32 s5, $0x0;
	s5 =	sld [smem:$0x3FA5]  }
0x2b: {  	s6 =	sld [smem:$0x3FA6]  }
0x2c: {  	s7 =	sld [smem:$0x3FA7]  }
0x2d: {  	s3 =	simm.s32 $0x108;
	s8 =	sld [smem:$0x3FA8]  }
0x2e: {  	s3 =	simm.s32 @!p0 $0x1082;
	s9 =	sld [smem:$0x3FA9]  }
0x2f: {  	lr =	sadd.s32 s0, s3;
	s0 =	sld [smem:$0x3FA0]  }
0x30: {  	s3 =	sld [smem:$0x3FA3]  }
0x31: {  	[smem:$0x3FAC] =	sst s10  }
0x32: {  	s10 =	sld [smem:$0x3FAA];
	_ =	sdelay $0x3  }
0x33: {  	p0 =	seq.s32 s10, $0x1;
	s10 =	sld [smem:$0x3FAC];
	_ =	sdelay $0x3  }
0x34: {  	[smem:$0x3FAC] =	sst s10  }
0x35: {  	s10 =	sld [smem:$0x3FAB];
	_ =	sdelay $0x3  }
0x36: {  	p1 =	seq.s32 s10, $0x1;
	s10 =	sld [smem:$0x3FAC];
	_ =	sdelay $0x3  }
0x37: {  	[smem:$0x3FAC] =	sst s10  }
0x38: {  	s10 =	sld [smem:$0x3FAD]  }
0x39: {  	_ = 	snop;
	(pc) =	sbr.ind lr, $3  }
0x3a: {  	_ = 	snop  }
0x3b: {  	_ = 	snop  }
0x3c: {  	p2 =	seq.s32 s10, $0x1;
	s10 =	sld [smem:$0x3FAC]  }
0x3d: {  	_ =	shalt  }
0x3e: {  	_ =	shalt  }
0x3f: {  	_ =	shalt  }
0x40: {  	_ =	shalt  }
0x41: {  	_ =	shalt  }
0x42: {  	_ =	shalt  }
0x43: {  	_ =	shalt  }
0x44: {  	_ =	shalt  }
0x45: {  	_ =	shalt  }
0x46: {  	_ =	shalt  }
0x47: {  	_ =	shalt  }
0x48: {  	_ =	shalt  }
0x49: {  	_ =	shalt  }
0x4a: {  	_ =	shalt  }
0x4b: {  	_ =	shalt  }
0x4c: {  	_ =	shalt  }
0x4d: {  	_ =	shalt  }
0x4e: {  	_ =	shalt  }
0x4f: {  	_ =	shalt  }
0x50: {  	_ =	shalt  }
0x51: {  	_ =	shalt  }
0x52: {  	_ =	shalt  }
0x53: {  	_ =	shalt  }
0x54: {  	_ =	shalt  }
0x55: {  	_ =	shalt  }
0x56: {  	_ =	shalt  }
0x57: {  	_ =	shalt  }
0x58: {  	_ =	shalt  }
0x59: {  	_ =	shalt  }
0x5a: {  	_ =	shalt  }
0x5b: {  	_ =	shalt  }
0x5c: {  	_ =	shalt  }
0x5d: {  	_ =	shalt  }
0x5e: {  	_ =	shalt  }
0x5f: {  	_ =	shalt  }
0x60: {  	_ =	shalt  }
0x61: {  	_ =	shalt  }
0x62: {  	_ =	shalt  }
0x63: {  	_ =	shalt  }
0x64: {  	_ =	shalt  }
0x65: {  	_ =	shalt  }
0x66: {  	_ =	shalt  }
0x67: {  	_ =	shalt  }
0x68: {  	_ =	shalt  }
0x69: {  	_ =	shalt  }
0x6a: {  	_ =	shalt  }
0x6b: {  	_ =	shalt  }
0x6c: {  	_ =	shalt  }
0x6d: {  	_ =	shalt  }
0x6e: {  	_ =	shalt  }
0x6f: {  	_ =	shalt  }
0x70: {  	_ =	shalt  }
0x71: {  	_ =	shalt  }
0x72: {  	_ =	shalt  }
0x73: {  	_ =	shalt  }
0x74: {  	_ =	shalt  }
0x75: {  	_ =	shalt  }
0x76: {  	_ =	shalt  }
0x77: {  	_ =	shalt  }
0x78: {  	_ =	shalt  }
0x79: {  	_ =	shalt  }
0x7a: {  	_ =	shalt  }
0x7b: {  	_ =	shalt  }
0x7c: {  	_ =	shalt  }
0x7d: {  	_ =	shalt  }
0x7e: {  	_ =	shalt  }
0x7f: {  	_ =	shalt  }
0x80: {  	_ =	shalt  }
0x81: {  	_ =	shalt  }
0x82: {  	_ =	shalt  }
0x83: {  	_ =	shalt  }
0x84: {  	_ =	shalt  }
0x85: {  	_ =	shalt  }
0x86: {  	_ =	shalt  }
0x87: {  	_ =	shalt  }
.Lfunc_end0:
.L_simem_size_0:
called_computation.4_lowered:
.L_overlay_start_0:
0x88: {  	s2 =	sld [smem:$0x3FD9]  }
0x89: {  	s3 =	sld [smem:$0x3FFE];
	_ =	sdelay $0x1  }
0x8a: {  	s1 =	srdreg.scid  }
0x8b: {  	s0 =	sand.u32 $0x1, s1  }
0x8c: {  	s15 =	sshll.u32 s0, $0xA;
	s2 =	sadd.s32 s3, s2  }
0x8d: {  	s2 =	sadd.s32 s2, s15  }
0x8e: {  	[smem:$0x3FB8] =	sst s2  }
0x8f: {  	_ = 	snop  }
0x90: {  	(tm) =	ssettm $0x1  }
0x91: {  	s16 =	sld [smem:$0x3FFB];
	_ =	sdelay $0x3  }
0x92: {  	_ =	strace s16  }
0x93: {  	s2 =	sld [smem:$0x3FFC];
	_ =	sdelay $0x3  }
0x94: {  	_ =	strace s2  }
0x95: {  	s2 =	sld [smem:$0x3FFD];
	_ =	sdelay $0x3  }
0x96: {  	_ =	strace s2  }
0x97: {  	_ =	strace $0x8FFFFFFF  }
0x98: {  	s17 =	sld [smem:$0x3FDB];
	_ =	sdelay $0x1  }
0x99: {  	s18 =	simm.s32 $_scs_section_size  }
0x9a: {  	s4 =	simm.s32 $_size__tile_overlayer_lowered;
	s5 =	simm.s32 $_tile_overlayer_lowered  }
0x9b: {  	s21 =	simm.s32 $0x1BFF;
	s20 =	sshll.u32 s5, $0x1;
	s2 =	sadd.s32 s18, s17  }
0x9c: {  	s6 =	simm.s32 $0x0;
	s19 =	sshll.u32 s4, $0x1;
	s4 =	sadd.s32 s20, s2  }
0x9d: {  	[timem:s6], [sflag:s21] =	dma.local [hbm:s4], s19  }
0x9e: {  	_ =	swait.ge [sflag:s21], s19  }
0x9f: {  	s3 =	ssub.s32 $0x0, s19;
	[sflag:s21] =	ssyncset.done $0x0  }
0xa0: {  	[sflag:s21] =	ssyncadd.s32 s3;
	_ =	sdelay $0x1  }
0xa1: {  	s22 =	simm.s32 $0x1B8B  }
0xa2: {  	_ =	swait.ge [sflag:s22], $0x1  }
0xa3: {  	[sflag:s22] =	ssyncset.done $0x0  }
0xa4: {  	s23 =	sld [smem:$0x3FFE];
	[sflag:s22] =	ssyncadd.s32 $0xFFFFFFFF  }
0xa5: {  	s25 =	simm.s32 $0x1B8E;
	s24 =	sld [smem:$0x0]  }
0xa6: {  	s26 =	simm.s32 $execute0_lowered;
	[smem:$0x3FD2] =	sst s25  }
0xa7: {  	s5 =	sshll.u32 s26, $0x1;
	_ =	strace $0x80000055;
	[dreg:$0x1] =	wrdreg $0xFFFFFFFF  }
0xa8: {  	s28 =	simm.s32 $_size_execute0_lowered;
	s2 =	sadd.s32 s2, s5;
	[dreg:$0x0] =	wrdreg $0x0  }
0xa9: {  	s5 =	sshll.u32 s28, $0x1;
	[dreg:$0x2] =	wrdreg s2  }
0xaa: {  	[dreg:$0x3] =	wrdreg s5  }
0xab: {  	[dreg:$0x4] =	wrdreg $0xC0  }
0xac: {  	_ =	task [dreg:s6], $0x5FFFF  }
0xad: {  	[dreg:$0x1] =	wrdreg $0xFFFFFFFF  }
0xae: {  	[dreg:$0x0] =	wrdreg $0x60  }
0xaf: {  	[dreg:$0x2] =	wrdreg s23  }
0xb0: {  	[dreg:$0x3] =	wrdreg s1  }
0xb1: {  	[dreg:$0x4] =	wrdreg s24  }
0xb2: {  	[dreg:$0x5] =	wrdreg $0x9  }
0xb3: {  	_ =	task.clear_ibuf [dreg:s6], $0x6FFFF;
	_ =	strace $0x90000055  }
0xb4: {  	s29 =	simm.s32 $0x9;
	_ =	strace $0x80000057  }
0xb5: {  	_ =	swait.ge [sflag:s29], $0x1  }
0xb6: {  	[sflag:s29] =	ssyncadd.s32 $0xFFFFFFFF  }
0xb7: {  	_ =	strace $0x90000057  }
0xb8: {  	_ =	sfence  }
0xb9: {  	s30 =	sld [smem:$0x0];
	_ =	sdelay $0x2  }
0xba: {  	s31 =	sshll.u32 s1, $0xD;
	s1 =	sshrl.u32 s1, $0x2  }
0xbb: {  	s3 =	sand.u32 $0x4000, s31;
	s1 =	sadd.s32 s1, s30  }
0xbc: {  	s0 =	sor.u32 s3, s0;
	s1 =	sshll.u32 s1, $0x11  }
0xbd: {  	s0 =	sor.u32 s1, s0  }
0xbe: {  	s0 =	sadd.s32 $0x8F2B, s0  }
0xbf: {  	[sflag:s0] =	ssyncadd.remote.s32 $0x1  }
0xc0: {  	_ =	sfence.sel $0xFFFF  }
0xc1: {  	[dreg:$0x0] =	wrdreg $0xFFFFFFFF;
	(pc) =	sbr.abs _section_cstart, $3  }
0xc2: {  	[dreg:$0x1] =	wrdreg $0xFFFFFFFF  }
0xc3: {  	_ =	task.clear_ibuf [dreg:s6], $0x2FFFF;
	_ =	strace $0x9FFFFFFF  }
0xc4: {  	(tm) =	ssettm $0x7FFFFFFF  }
0xc5: {  	_ =	shalt  }
tec
execute0_lowered:
.L_overlay_start_1:
0x0: {  	(tag) =	ssettag $0x1  }
0x1: {  	s2 =	rddreg [dreg:$0x0]  }
0x2: {  	s4 =	rddreg [dreg:$0x1];
	_ =	strace $0x80000056;
	s0 =	simm.s32 $0x1  }
0x3: {  	s3 =	simm.s32 $0x88;
	v0 =	vimm.s32 $0x0;
	[sflag:s0] =	ssyncpa.u1 $0x0  }
0x4: {  	[tilespmem:s3+$0x30] =	vst v0  }
0x5: {  	s1 =	sadd.s32 $0x47000, s2;
	s0 =	sadd.s32 $0x33400, s2;
	s6 =	sadd.s32 $0x6E200, s2;
	[tilespmem:s3+$0x20] =	vst v0  }
0x6: {  	s2 =	sadd.s32 $0x3D200, s2;
	s7 =	sand.u32 $0x1, s4;
	s4 =	simm.s32 $0x40;
	[tilespmem:s3+$0x10] =	vst v0  }
.LBB2_1:
0x7: {  	s4 =	sadd.s32 $0x40, s4  }
0x8: {  	[tilespmem:s3+$0x0] =	vst v0;
	s3 =	sadd.s32 $0x40, s3;
	p0 =	slt.u32 s4, $0x5040  }
.Ltmp0:
0x9: {  	(pc) =	sbr.rel @p0 .LBB2_1-.Ltmp0, $4  }
0xa: {  	_ = 	snop  }
0xb: {  	[tilespmem:s3+$0x30] =	vst v0  }
0xc: {  	[tilespmem:s3+$0x20] =	vst v0  }
0xd: {  	[tilespmem:s3+$0x10] =	vst v0  }
0xe: {  	s8 =	stileid.u32  }
0xf: {  	s4 =	smul.u32 $0x1F, s8  }
0x10: {  	s5 =	smin.u32 s8, $0x4  }
0x11: {  	s4 =	sadd.s32 s5, s4  }
0x12: {  	p0 =	slt.u32 s8, $0x4;
	s12 =	smul.u32 $0x140, s4;
	s4 =	simm.s32 $0x2800  }
0x13: {  	s4 =	simm.s32 @!p0 $0x26C0  }
0x14: {  	s25 =	simm.s32 $0x2;
	s4 =	sadd.s32 s4, s12  }
0x15: {  	s28 =	simm.s32 $0x9;
	s9 =	simm.s32 $0xA;
	s14 =	smin.u32 s4, $0x27100  }
0x16: {  	s30 =	simm.s32 $0xB;
	[dreg:$0x4] =	wrdreg s7;
	s4 =	ssub.s32 s14, s12  }
0x17: {  	s31 =	smul.u32 $0x4E20, s7;
	s13 =	simm.s32 $0x1;
	p0 =	sgt.s32 s4, $0x0  }
0x18: {  	s19 =	simm.s32 $0x0;
	s20 =	simm.s32 $0xA808;
	s4 =	simm.s32 @!p0 $0x0  }
0x19: {  	s21 =	simm.s32 $0xFFFFFFFF;
	p1 =	por $0x0, $0x0;
	s26 =	smulhi.u32 $0x66666667, s4  }
0x1a: {  	[tilespmem:s3+$0x0] =	vst v0;
	s23 =	simm.s32 $0x0;
	[sflag:s25] =	ssyncpa.u1 $0x0;
	s18 =	sshll.u32 s8, $0x7  }
0x1b: {  	s0 =	sadd.s32 s31, s0;
	[dreg:$0xa] =	wrdreg s18;
	s3 =	sshrl.u32 s26, $0x7  }
0x1c: {  	v0 =	vimm.s32 $0xFFFFFFFF;
	s17 =	sadd.s32 s31, s2;
	[dreg:$0x9] =	wrdreg s0;
	s29 =	smul.u32 $0x140, s3  }
0x1d: {  	s25 =	simm.s32 $0x0;
	[tilespmem:$0xA108] =	vst v0;
	[sflag:s28] =	ssyncpa.u1 $0x0;
	[dreg:$0x8] =	wrdreg s17  }
.Ltmp1:
0x1e: {  	p0 =	sne.s32 s4, s29;
	s4 =	simm.s32 $0x1;
	(pc) =	sbr.rel .LBB2_3-.Ltmp1, $4  }
0x1f: {  	[sflag:s9] =	ssyncpa.u1 $0x0;
	[dreg:$0x5] =	wrdreg s12;
	s4 =	simm.s32 @!p0 $0x0  }
0x20: {  	[sflag:s30] =	ssyncpa.u1 $0x0;
	[dreg:$0x6] =	wrdreg s14;
	s15 =	sadd.s32 s4, s3  }
0x21: {  	s24 =	smov.u32 s12;
	s22 =	sadd.s32 $0x1, s15;
	[dreg:$0x7] =	wrdreg s15  }
0x22: {  	v0 =	vlaneseq.u32;
	s26 =	simm.s32 $0x0;
	p0 =	por $0x1, $0x1;
	[dreg:$0xb] =	wrdreg s22  }
.LBB2_22:
0x23: {  	s0 =	sshrl.u32 s3, $0x2  }
.LBB2_24:
0x24: {  	s3 =	simm.s32 $0xC  }
0x25: {  	_ =	swait.ge [sflag:s3], s0  }
0x26: {  	s31 =	ssub.s32 $0x0, s0;
	v1 =	vmov s4;
	vm0 =	veq.s32 v0, $0x0;
	[sflag:s3] =	ssyncset.done $0x0  }
0x27: {  	vm15 =	veq.s32 v0, $0x2;
	v1 =	vsel vm0, s2, v1;
	[sflag:s3] =	ssyncadd.s32 s31  }
0x28: {  	v1 =	vsel vm15, s26, v1;
	[sflag:s3] =	ssyncpa.u1 $0x1  }
0x29: {  	[tilespmem:$0xA108] =	vst v1  }
.LBB2_25:
0x2a: {  	s0 =	sadd.s32 $0x140, s24  }
0x2b: {  	s2 =	smov.u32 s12;
	p2 =	slt.s32 s0, s14  }
0x2c: {  	s2 =	smov.u32 @p2 s0;
	p2 =	sne.s32 s25, s22  }
.Ltmp2:
0x2d: {  	_ = 	snop;
	(pc) =	sbr.rel @!p2 .LBB2_26-.Ltmp2, $4  }
0x2e: {  	_ = 	snop  }
0x2f: {  	s26 =	smov.u32 s23;
	s31 =	sadd.s32 $0x1, s25;
	p0 =	por !p0, !p0  }
0x30: {  	s23 =	smov.u32 s24;
	s20 =	sadd.s32 $0x140, s20;
	s21 =	sadd.s32 $0x1, s21  }
0x31: {  	p1 =	por !p1, !p1;
	s25 =	smov.u32 s31;
	s24 =	smov.u32 s2  }
.LBB2_3:
0x32: {  	p2 =	sge.u32 s25, s15  }
0x33: {  	s0 =	smulhi.u32 @!p2 $0xAAAAAAAB, s25  }
0x34: {  	s2 =	smov.u32 s24;
	p3 =	sgt.s32 @!p2 s24, $0x26FC0  }
0x35: {  	s3 =	sshra.s32 @!p2 s24, $0x1F;
	p3 =	por !p3, p2;
	s0 =	sshrl.u32 @!p2 s0, $0x1  }
0x36: {  	s3 =	sand.u32 @!p2 s3, s24;
	s2 =	simm.s32 @p3 $0x26FC0;
	s0 =	smul.u32 @!p2 $0x3, s0  }
0x37: {  	s2 =	ssub.s32 @!p2 s2, s3  }
0x38: {  	s2 =	sadd.s32 @!p2 $0xFFFD9040, s2;
	s0 =	ssub.s32 @!p2 s25, s0  }
0x39: {  	s3 =	sshll.u32 @!p2 s2, $0x2;
	p3 =	sgt.s32 @!p2 s2, $0x13F;
	s0 =	smul.u32 @!p2 $0x500, s0  }
0x3a: {  	s4 =	sand.u32 @!p2 $0x7, s24;
	s2 =	ssub.s32 @!p2 $0x500, s3;
	p3 =	por !p3, p2  }
0x3b: {  	s3 =	sshrl.u32 @!p2 s24, $0x3;
	s2 =	sshrl.u32 @!p2 s2, $0x2;
	s0 =	sshrl.u32 @!p2 s0, $0x2  }
0x3c: {  	s3 =	sadd.s32 @!p2 s3, s17;
	s2 =	simm.s32 @!p3 $0x0;
	s0 =	sadd.s32 @!p2 $0xA948, s0  }
0x3d: {  	[tilespmem:s0], [sflag:$0xA] =	stream.linear.gather @!p2 [hbm4b:s3+s4], s2, $0x38;
	[tilespmem:$0x1EF88] =	vst v63  }
0x3e: {  	s0 =	sadd.s32 $0xFFFFFFFF, s25  }
0x3f: {  	p2 =	sge.u32 s0, s15  }
.Ltmp3:
0x40: {  	_ = 	snop;
	(pc) =	sbr.rel @p2 .LBB2_7-.Ltmp3, $1  }
0x41: {  	_ =	sdelay $0x3  }
0x42: {  	p2 =	sgt.s32 s23, $0x26FC0;
	s2 =	smov.u32 s23;
	s3 =	sshra.s32 s23, $0x1F  }
0x43: {  	s2 =	simm.s32 @!p2 $0x26FC0;
	s3 =	sand.u32 s3, s23  }
0x44: {  	s17 =	smulhi.u32 $0xAAAAAAAB, s21;
	s2 =	ssub.s32 s2, s3  }
0x45: {  	s0 =	sand.u32 $0x1, s0;
	s2 =	sadd.s32 $0xFFFD9040, s2  }
0x46: {  	s5 =	simm.s32 $0xA;
	s3 =	sshrl.u32 s17, $0x1;
	s4 =	sshll.u32 s2, $0x2  }
0x47: {  	s7 =	sshrl.u32 s23, $0x3;
	s3 =	smul.u32 $0xFFFFF100, s3;
	s4 =	ssub.s32 $0x500, s4  }
0x48: {  	s18 =	smul.u32 $0x500, s0;
	p2 =	sgt.s32 s2, $0x13F;
	s2 =	sshrl.u32 s4, $0x2  }
0x49: {  	s9 =	sand.u32 $0x7, s23;
	s3 =	sshra.s32 s3, $0x2;
	s2 =	simm.s32 @p2 $0x0  }
0x4a: {  	s0 =	sadd.s32 s3, s20;
	s4 =	sshrl.u32 s18, $0x2;
	_ =	swait.ge [sflag:s5], s2  }
0x4b: {  	s22 =	ssub.s32 $0x0, s2;
	[sflag:s5] =	ssyncset.done $0x0;
	s8 =	rddreg [dreg:$0x9]  }
0x4c: {  	s4 =	sadd.s32 $0xAD08, s4;
	[sflag:s5] =	ssyncadd.s32 s22;
	s3 =	sadd.s32 s7, s8  }
0x4d: {  	[tilespmem:s4], [sflag:$0xB] =	stream.linear.gather [hbm4b:s3+s9], s2, $0x38;
	[tilespmem:$0x1EF88] =	vst v63  }
0x4e: {  	v1 =	vld.msk [tilespmem:s0+$0x0], $0xffff;
	_ =	sdelay $0x4  }
0x4f: {  	v1 =	vshll.u32 v1, $0x4  }
0x50: {  	(v2sf) =	vpush v1, $0x0  }
0x51: {  	(v2sf) =	vpush v1, $0x1  }
0x52: {  	(v2sf) =	vpush v1, $0x2;
	_ =	sdelay $0x3  }
0x53: {  	(v2sf) =	vpush v1, $0x3;
	_ =	sdelay $0x1  }
0x54: {  	(v2sf) =	vpush v1, $0x4  }
0x55: {  	s2 =	simm.s32 $0x1;
	(v2sf) =	vpush v1, $0x5  }
0x56: {  	s2 =	simm.s32 @!p0 $0x0  }
0x57: {  	s2 =	smul.u32 $0x28000, s2;
	(v2sf) =	vpush v1, $0x6;
	_ =	sdelay $0x1  }
0x58: {  	s2 =	sshrl.u32 s2, $0x2  }
0x59: {  	s28 =	sadd.s32 $0xB708, s2  }
0x5a: {  	s12 =	sadd.s32 $0xFFFFF880, s28;
	s17 =	sadd.s32 $0xFFFFF900, s28;
	s10 =	spop (v2sf);
	(v2sf) =	vpush v1, $0x7  }
0x5b: {  	s18 =	sadd.s32 $0xFFFFF980, s28;
	s11 =	sand.u32 $0x1FFFFFF0, s10;
	s14 =	spop (v2sf)  }
0x5c: {  	(v2sf) =	vpush v1, $0x8;
	s2 =	sadd.s32 s6, s11;
	s15 =	sand.u32 $0x1FFFFFF0, s14;
	s16 =	spop (v2sf)  }
0x5d: {  	[tilespmem:s12], [sflag:$0x9] =	stream.linear.gather [hbm4b:s2+s19], $0x40, $0x38;
	[tilespmem:$0x1EF88] =	vst v63  }
0x5e: {  	s5 =	sadd.s32 $0xFFFFFA00, s28;
	s2 =	sadd.s32 s6, s15;
	s3 =	sand.u32 $0x1FFFFFF0, s16  }
0x5f: {  	(v2sf) =	vpush v1, $0x9;
	[tilespmem:s17], [sflag:$0x9] =	stream.linear.gather [hbm4b:s2+s19], $0x40, $0x38;
	[tilespmem:$0x1EF88] =	vst v63  }
0x60: {  	s7 =	sadd.s32 $0xFFFFFA80, s28;
	s22 =	spop (v2sf);
	s3 =	sadd.s32 s6, s3  }
0x61: {  	(v2sf) =	vpush v1, $0xA;
	[tilespmem:s18], [sflag:$0x9] =	stream.linear.gather [hbm4b:s3+s19], $0x40, $0x38;
	[tilespmem:$0x1EF88] =	vst v63  }
0x62: {  	s11 =	sadd.s32 $0xFFFFFB00, s28;
	s4 =	spop (v2sf);
	(v2sf) =	vpush v1, $0xB;
	s3 =	sand.u32 $0x1FFFFFF0, s22  }
0x63: {  	s8 =	spop (v2sf);
	s2 =	sadd.s32 s6, s3;
	s3 =	sand.u32 $0x1FFFFFF0, s4  }
0x64: {  	(v2sf) =	vpush v1, $0xC;
	[tilespmem:s5], [sflag:$0x9] =	stream.linear.gather [hbm4b:s2+s19], $0x40, $0x38;
	[tilespmem:$0x1EF88] =	vst v63  }
0x65: {  	s9 =	sand.u32 $0x1FFFFFF0, s8;
	s10 =	spop (v2sf);
	s3 =	sadd.s32 s6, s3  }
0x66: {  	(v2sf) =	vpush v1, $0xD;
	[tilespmem:s7], [sflag:$0x9] =	stream.linear.gather [hbm4b:s3+s19], $0x40, $0x38;
	[tilespmem:$0x1EF88] =	vst v63  }
0x67: {  	s12 =	sadd.s32 $0xFFFFFB80, s28;
	s2 =	sadd.s32 s6, s9;
	s3 =	sand.u32 $0x1FFFFFF0, s10  }
0x68: {  	[tilespmem:s11], [sflag:$0x9] =	stream.linear.gather [hbm4b:s2+s19], $0x40, $0x38;
	[tilespmem:$0x1EF88] =	vst v63  }
0x69: {  	s17 =	sadd.s32 $0xFFFFFC00, s28;
	s3 =	sadd.s32 s6, s3;
	s14 =	spop (v2sf)  }
0x6a: {  	[tilespmem:s12], [sflag:$0x9] =	stream.linear.gather [hbm4b:s3+s19], $0x40, $0x38;
	(v2sf) =	vpush v1, $0xE;
	[tilespmem:$0x1EF88] =	vst v63  }
0x6b: {  	s18 =	sadd.s32 $0xFFFFFC80, s28;
	s15 =	sand.u32 $0x1FFFFFF0, s14;
	s16 =	spop (v2sf)  }
0x6c: {  	s5 =	sadd.s32 $0xFFFFFD00, s28;
	(v2sf) =	vpush v1, $0xF;
	s2 =	sadd.s32 s6, s15;
	s3 =	sand.u32 $0x1FFFFFF0, s16  }
0x6d: {  	[tilespmem:s17], [sflag:$0x9] =	stream.linear.gather [hbm4b:s2+s19], $0x40, $0x38;
	[tilespmem:$0x1EF88] =	vst v63  }
0x6e: {  	s7 =	sadd.s32 $0xFFFFFD80, s28;
	s22 =	spop (v2sf);
	s3 =	sadd.s32 s6, s3  }
0x6f: {  	[tilespmem:s18], [sflag:$0x9] =	stream.linear.gather [hbm4b:s3+s19], $0x40, $0x38;
	[tilespmem:$0x1EF88] =	vst v63  }
0x70: {  	s11 =	sadd.s32 $0xFFFFFE00, s28;
	s4 =	spop (v2sf);
	s3 =	sand.u32 $0x1FFFFFF0, s22  }
0x71: {  	s8 =	spop (v2sf);
	s2 =	sadd.s32 s6, s3;
	s3 =	sand.u32 $0x1FFFFFF0, s4  }
0x72: {  	[tilespmem:s5], [sflag:$0x9] =	stream.linear.gather [hbm4b:s2+s19], $0x40, $0x38;
	[tilespmem:$0x1EF88] =	vst v63  }
0x73: {  	s9 =	sand.u32 $0x1FFFFFF0, s8;
	s10 =	spop (v2sf);
	s3 =	sadd.s32 s6, s3  }
0x74: {  	[tilespmem:s7], [sflag:$0x9] =	stream.linear.gather [hbm4b:s3+s19], $0x40, $0x38;
	[tilespmem:$0x1EF88] =	vst v63  }
0x75: {  	s14 =	spop (v2sf);
	s2 =	sadd.s32 s6, s9;
	s3 =	sand.u32 $0x1FFFFFF0, s10  }
0x76: {  	[tilespmem:s11], [sflag:$0x9] =	stream.linear.gather [hbm4b:s2+s19], $0x40, $0x38;
	[tilespmem:$0x1EF88] =	vst v63  }
0x77: {  	s12 =	sadd.s32 $0xFFFFFE80, s28;
	s15 =	sand.u32 $0x1FFFFFF0, s14;
	s3 =	sadd.s32 s6, s3  }
0x78: {  	[tilespmem:s12], [sflag:$0x9] =	stream.linear.gather [hbm4b:s3+s19], $0x40, $0x38;
	[tilespmem:$0x1EF88] =	vst v63  }
0x79: {  	s17 =	sadd.s32 $0xFFFFFF00, s28;
	s2 =	sadd.s32 s6, s15;
	s16 =	spop (v2sf)  }
0x7a: {  	[tilespmem:s17], [sflag:$0x9] =	stream.linear.gather [hbm4b:s2+s19], $0x40, $0x38;
	[tilespmem:$0x1EF88] =	vst v63  }
0x7b: {  	s29 =	simm.s32 $0x0;
	s3 =	sand.u32 $0x1FFFFFF0, s16;
	s18 =	spop (v2sf)  }
0x7c: {  	s22 =	sadd.s32 $0xFFFFFF80, s28;
	s3 =	sadd.s32 s6, s3;
	s2 =	sand.u32 $0x1FFFFFF0, s18  }
0x7d: {  	[tilespmem:s22], [sflag:$0x9] =	stream.linear.gather [hbm4b:s3+s19], $0x40, $0x38;
	[tilespmem:$0x1EF88] =	vst v63  }
0x7e: {  	s31 =	sadd.s32 $0x10, s0;
	s30 =	sadd.s32 $0x800, s28;
	s2 =	sadd.s32 s6, s2  }
.LBB2_5:
0x7f: {  	[tilespmem:s28], [sflag:$0x9] =	stream.linear.gather [hbm4b:s2+s19], $0x40, $0x38;
	[tilespmem:$0x1EF88] =	vst v63  }
0x80: {  	s29 =	sadd.s32 $0x10, s29;
	s28 =	smov.u32 s30  }
0x81: {  	p2 =	slt.u32 s29, $0x130;
	v1 =	vld.msk [tilespmem:s31+$0x0], $0xffff;
	_ =	sdelay $0x4  }
0x82: {  	v1 =	vshll.u32 v1, $0x4  }
0x83: {  	(v2sf) =	vpush v1, $0x0  }
0x84: {  	(v2sf) =	vpush v1, $0x1  }
0x85: {  	(v2sf) =	vpush v1, $0x2;
	_ =	sdelay $0x1  }
0x86: {  	(v2sf) =	vpush v1, $0x3;
	_ =	sdelay $0x1  }
0x87: {  	(v2sf) =	vpush v1, $0x4;
	_ =	sdelay $0x1  }
0x88: {  	(v2sf) =	vpush v1, $0x5;
	_ =	sdelay $0x1  }
0x89: {  	(v2sf) =	vpush v1, $0x6  }
0x8a: {  	s4 =	sadd.s32 $0xFFFFFE80, s30;
	s0 =	sadd.s32 $0xFFFFFF00, s30  }
0x8b: {  	s3 =	sadd.s32 $0xFFFFFD00, s30;
	s2 =	sadd.s32 $0xFFFFFD80, s30;
	s5 =	sadd.s32 $0xFFFFFE00, s30;
	(v2sf) =	vpush v1, $0x7  }
0x8c: {  	s10 =	sadd.s32 $0xFFFFFB80, s30;
	s9 =	sadd.s32 $0xFFFFFC00, s30;
	s16 =	sadd.s32 $0xFFFFFC80, s30  }
0x8d: {  	s11 =	sadd.s32 $0xFFFFFA00, s30;
	s12 =	sadd.s32 $0xFFFFFA80, s30;
	s15 =	sadd.s32 $0xFFFFFB00, s30;
	(v2sf) =	vpush v1, $0x8  }
0x8e: {  	s18 =	sadd.s32 $0xFFFFF900, s30;
	s7 =	sadd.s32 $0xFFFFF980, s30;
	s22 =	spop (v2sf)  }
0x8f: {  	s8 =	sadd.s32 $0xFFFFF880, s30;
	s22 =	sand.u32 $0x1FFFFFF0, s22;
	s14 =	spop (v2sf);
	(v2sf) =	vpush v1, $0x9  }
0x90: {  	s22 =	sadd.s32 s6, s22;
	s14 =	sand.u32 $0x1FFFFFF0, s14;
	s17 =	spop (v2sf)  }
0x91: {  	[tilespmem:s8], [sflag:$0x9] =	stream.linear.gather [hbm4b:s22+s19], $0x40, $0x38;
	(v2sf) =	vpush v1, $0xA;
	[tilespmem:$0x1EF88] =	vst v63  }
0x92: {  	s8 =	sadd.s32 s6, s14;
	s14 =	sand.u32 $0x1FFFFFF0, s17;
	s17 =	spop (v2sf)  }
0x93: {  	[tilespmem:s18], [sflag:$0x9] =	stream.linear.gather [hbm4b:s8+s19], $0x40, $0x38;
	(v2sf) =	vpush v1, $0xB;
	[tilespmem:$0x1EF88] =	vst v63  }
0x94: {  	s8 =	sadd.s32 s6, s14;
	s14 =	sand.u32 $0x1FFFFFF0, s17;
	s17 =	spop (v2sf)  }
0x95: {  	[tilespmem:s7], [sflag:$0x9] =	stream.linear.gather [hbm4b:s8+s19], $0x40, $0x38;
	(v2sf) =	vpush v1, $0xC;
	[tilespmem:$0x1EF88] =	vst v63  }
0x96: {  	s7 =	sadd.s32 s6, s14;
	s8 =	sand.u32 $0x1FFFFFF0, s17;
	s14 =	spop (v2sf)  }
0x97: {  	[tilespmem:s11], [sflag:$0x9] =	stream.linear.gather [hbm4b:s7+s19], $0x40, $0x38;
	(v2sf) =	vpush v1, $0xD;
	[tilespmem:$0x1EF88] =	vst v63  }
0x98: {  	s7 =	sadd.s32 s6, s8;
	s8 =	sand.u32 $0x1FFFFFF0, s14;
	s11 =	spop (v2sf)  }
0x99: {  	[tilespmem:s12], [sflag:$0x9] =	stream.linear.gather [hbm4b:s7+s19], $0x40, $0x38;
	(v2sf) =	vpush v1, $0xE;
	[tilespmem:$0x1EF88] =	vst v63  }
0x9a: {  	s7 =	sadd.s32 s6, s8;
	s8 =	sand.u32 $0x1FFFFFF0, s11;
	s11 =	spop (v2sf)  }
0x9b: {  	[tilespmem:s15], [sflag:$0x9] =	stream.linear.gather [hbm4b:s7+s19], $0x40, $0x38;
	(v2sf) =	vpush v1, $0xF;
	[tilespmem:$0x1EF88] =	vst v63  }
0x9c: {  	s7 =	sadd.s32 s6, s8;
	s8 =	sand.u32 $0x1FFFFFF0, s11;
	s11 =	spop (v2sf)  }
0x9d: {  	[tilespmem:s10], [sflag:$0x9] =	stream.linear.gather [hbm4b:s7+s19], $0x40, $0x38;
	[tilespmem:$0x1EF88] =	vst v63  }
0x9e: {  	s7 =	sadd.s32 s6, s8;
	s8 =	sand.u32 $0x1FFFFFF0, s11;
	s10 =	spop (v2sf)  }
0x9f: {  	[tilespmem:s9], [sflag:$0x9] =	stream.linear.gather [hbm4b:s7+s19], $0x40, $0x38;
	[tilespmem:$0x1EF88] =	vst v63  }
0xa0: {  	s7 =	sadd.s32 s6, s8;
	s8 =	sand.u32 $0x1FFFFFF0, s10;
	s9 =	spop (v2sf)  }
0xa1: {  	[tilespmem:s16], [sflag:$0x9] =	stream.linear.gather [hbm4b:s7+s19], $0x40, $0x38;
	[tilespmem:$0x1EF88] =	vst v63  }
0xa2: {  	s7 =	sadd.s32 s6, s8;
	s8 =	sand.u32 $0x1FFFFFF0, s9;
	s9 =	spop (v2sf)  }
0xa3: {  	[tilespmem:s3], [sflag:$0x9] =	stream.linear.gather [hbm4b:s7+s19], $0x40, $0x38;
	[tilespmem:$0x1EF88] =	vst v63  }
0xa4: {  	s3 =	sadd.s32 s6, s8;
	s7 =	sand.u32 $0x1FFFFFF0, s9;
	s8 =	spop (v2sf)  }
0xa5: {  	[tilespmem:s2], [sflag:$0x9] =	stream.linear.gather [hbm4b:s3+s19], $0x40, $0x38;
	[tilespmem:$0x1EF88] =	vst v63  }
0xa6: {  	s2 =	sadd.s32 s6, s7;
	s3 =	sand.u32 $0x1FFFFFF0, s8;
	s7 =	spop (v2sf)  }
0xa7: {  	[tilespmem:s5], [sflag:$0x9] =	stream.linear.gather [hbm4b:s2+s19], $0x40, $0x38;
	[tilespmem:$0x1EF88] =	vst v63  }
0xa8: {  	s2 =	sadd.s32 s6, s3;
	s3 =	sand.u32 $0x1FFFFFF0, s7;
	s5 =	spop (v2sf)  }
0xa9: {  	[tilespmem:s4], [sflag:$0x9] =	stream.linear.gather [hbm4b:s2+s19], $0x40, $0x38;
	[tilespmem:$0x1EF88] =	vst v63  }
0xaa: {  	s2 =	sadd.s32 s6, s3  }
.Ltmp4:
0xab: {  	s3 =	sand.u32 $0x1FFFFFF0, s5;
	s4 =	spop (v2sf);
	(pc) =	sbr.rel @p2 .LBB2_5-.Ltmp4, $4  }
0xac: {  	[tilespmem:s0], [sflag:$0x9] =	stream.linear.gather [hbm4b:s2+s19], $0x40, $0x38;
	[tilespmem:$0x1EF88] =	vst v63  }
0xad: {  	s0 =	sadd.s32 s6, s3;
	s2 =	sadd.s32 $0xFFFFFF80, s30;
	s3 =	sand.u32 $0x1FFFFFF0, s4  }
0xae: {  	[tilespmem:s2], [sflag:$0x9] =	stream.linear.gather [hbm4b:s0+s19], $0x40, $0x38;
	[tilespmem:$0x1EF88] =	vst v63  }
0xaf: {  	s31 =	sadd.s32 $0x10, s31;
	s30 =	sadd.s32 $0x800, s30;
	s2 =	sadd.s32 s6, s3  }
0xb0: {  	[tilespmem:s28], [sflag:$0x9] =	stream.linear.gather [hbm4b:s2+s19], $0x40, $0x38;
	[tilespmem:$0x1EF88] =	vst v63  }
0xb1: {  	s12 =	rddreg [dreg:$0x5]  }
0xb2: {  	s14 =	rddreg [dreg:$0x6]  }
0xb3: {  	s15 =	rddreg [dreg:$0x7]  }
0xb4: {  	s17 =	rddreg [dreg:$0x8]  }
0xb5: {  	s18 =	rddreg [dreg:$0xa]  }
0xb6: {  	s22 =	rddreg [dreg:$0xb]  }
.LBB2_7:
0xb7: {  	p2 =	slt.u32 s25, $0x2  }
.Ltmp5:
0xb8: {  	_ = 	snop;
	(pc) =	sbr.rel @p2 .LBB2_25-.Ltmp5, $1  }
0xb9: {  	_ =	sdelay $0x3  }
0xba: {  	p2 =	sgt.s32 s26, $0x26FC0;
	s0 =	smov.u32 s26;
	s2 =	sshra.s32 s26, $0x1F  }
0xbb: {  	s0 =	simm.s32 @!p2 $0x26FC0;
	s2 =	sand.u32 s2, s26  }
0xbc: {  	s0 =	ssub.s32 s0, s2  }
0xbd: {  	s0 =	sadd.s32 $0xFFFD9040, s0  }
0xbe: {  	s3 =	simm.s32 $0x9;
	s29 =	sshll.u32 s0, $0x2  }
0xbf: {  	_ =	swait.ge [sflag:s3], $0x5000;
	s2 =	ssub.s32 $0x500, s29  }
0xc0: {  	[sflag:s3] =	ssyncset.done $0x0;
	p2 =	sgt.s32 s0, $0x13F;
	s0 =	sshrl.u32 s2, $0x2  }
0xc1: {  	s30 =	simm.s32 $0xB;
	[sflag:s3] =	ssyncadd.s32 $0xFFFFB000;
	s0 =	simm.s32 @p2 $0x0  }
0xc2: {  	_ =	swait.ge [sflag:s30], s0  }
0xc3: {  	s0 =	ssub.s32 $0x0, s0;
	[sflag:s30] =	ssyncset.done $0x0  }
0xc4: {  	[sflag:s30] =	ssyncadd.s32 s0  }
0xc5: {  	v1 =	vld [tilespmem:$0xA108];
	_ =	sdelay $0x4  }
0xc6: {  	(v2sf) =	vpush v1, $0x0  }
0xc7: {  	(v2sf) =	vpush v1, $0x1  }
0xc8: {  	(v2sf) =	vpush v1, $0x2;
	_ =	sdelay $0x3  }
0xc9: {  	s0 =	sadd.s32 $0x140, s26  }
0xca: {  	s4 =	ssub.s32 $0x4E200, s26;
	p2 =	slt.s32 s14, s0  }
0xcb: {  	s0 =	smov.u32 @p2 s14;
	p2 =	sgt.s32 s4, $0x0  }
0xcc: {  	s0 =	ssub.s32 s0, s26;
	s4 =	simm.s32 @!p2 $0x0  }
0xcd: {  	p2 =	slt.s32 s4, s0  }
0xce: {  	s0 =	smov.u32 @p2 s4  }
0xcf: {  	s2 =	simm.s32 $0x1;
	p2 =	slt.s32 s0, $0x1  }
.Ltmp6:
0xd0: {  	s2 =	simm.s32 @!p1 $0x0;
	(pc) =	sbr.rel @p2 .LBB2_12-.Ltmp6, $4  }
0xd1: {  	s7 =	smul.u32 $0x500, s2  }
0xd2: {  	s3 =	spop (v2sf)  }
0xd3: {  	s31 =	sshrl.u32 s7, $0x2;
	s5 =	spop (v2sf)  }
0xd4: {  	s28 =	sadd.s32 $0xAD08, s31;
	s26 =	spop (v2sf)  }
0xd5: {  	s4 =	smin.u32 s0, $0x10  }
0xd6: {  	v1 =	vmov s4  }
0xd7: {  	p3 =	sgt.s32 s0, $0x10;
	vm1 =	vgt.u32 v1, v0  }
.Ltmp7:
0xd8: {  	_ = 	snop;
	(pc) =	sbr.rel @!p3 .LBB2_11-.Ltmp7, $2  }
0xd9: {  	_ =	sdelay $0x2  }
0xda: {  	s9 =	simm.s32 $0x10;
	s10 =	sadd.s32 $0xFFFFFFF0, s0;
	s4 =	smov.u32 s28;
	vm0 =	vmmov vm1  }
.LBB2_10:
0xdb: {  	s7 =	smin.u32 s10, $0x10;
	s9 =	sadd.s32 $0x10, s9;
	v1 =	vld.msk [tilespmem:s4+$0x0 ss:$0x1], vm1  }
0xdc: {  	v2 =	vmov s7;
	p3 =	slt.s32 s9, s0  }
0xdd: {  	vm1 =	vgt.u32 v2, v0  }
.Ltmp8:
0xde: {  	(pc) =	sbr.rel @p3 .LBB2_10-.Ltmp8, $3  }
0xdf: {  	_ =	sdelay $0x1  }
0xe0: {  	v1 =	vshll.u32 v1, $0x4  }
0xe1: {  	s10 =	sadd.s32 $0xFFFFFFF0, s10;
	[tilespmem:s4+$0x0] =	vst.msk vm0, v1;
	s4 =	sadd.s32 $0x10, s4;
	vm0 =	vmmov vm1  }
.LBB2_11:
0xe2: {  	_ =	sdelay $0x4  }
0xe3: {  	v1 =	vld.msk [tilespmem:s4+$0x0 ss:$0x1], vm1;
	_ =	sdelay $0x4  }
0xe4: {  	v1 =	vshll.u32 v1, $0x4  }
0xe5: {  	[tilespmem:s4+$0x0] =	vst.msk vm0, v1  }
.LBB2_12:
0xe6: {  	s4 =	sand.u32 $0x1, s25  }
0xe7: {  	s4 =	smul.u32 $0x140, s4  }
0xe8: {  	p3 =	sne.s32 s5, $0xFFFFFFFF  }
0xe9: {  	v1 =	vld.msk @!p3 [tilespmem:s4+$0xAD08], $0x1;
	_ =	sdelay $0x4  }
0xea: {  	(v2sf) =	vpush @!p3 v1, $0x0;
	_ =	sdelay $0xc  }
.Ltmp9:
0xeb: {  	_ = 	snop;
	(pc) =	sbr.rel @p2 .LBB2_23-.Ltmp9, $4  }
0xec: {  	_ = 	snop  }
0xed: {  	s29 =	spop @!p3 (v2sf)  }
0xee: {  	s31 =	simm.s32 $0xC;
	s26 =	simm.s32 @!p3 $0x0;
	s4 =	smov.u32 s29  }
0xef: {  	[sflag:s31] =	ssyncpa.u1 $0x0;
	s29 =	smov.u32 @p3 s3;
	s4 =	smov.u32 @p3 s5  }
0xf0: {  	v1 =	vld.msk [tilespmem:s28+$0x0], $0x1;
	_ =	sdelay $0x4  }
0xf1: {  	(v2sf) =	vpush v1, $0x0;
	_ =	sdelay $0xe  }
0xf2: {  	s2 =	smul.u32 $0x28000, s2;
	s5 =	spop (v2sf)  }
0xf3: {  	s31 =	ssub.s32 $0x0, s0;
	p2 =	seq.s32 s29, s5  }
0xf4: {  	s3 =	smov.u32 s29;
	s2 =	sshrl.u32 s2, $0x2;
	p3 =	sgt.s32 @!p2 s29, $0x0  }
0xf5: {  	s30 =	sadd.s32 $0xAFA8, s2;
	s2 =	sadd.s32 $0x1, s31;
	p3 =	por !p3, p2  }
0xf6: {  	s3 =	simm.s32 @p3 $0x0;
	p3 =	seq.s32 s2, $0x0  }
.Ltmp10:
0xf7: {  	_ = 	snop;
	(pc) =	sbr.rel @p3 .LBB2_15-.Ltmp10, $4  }
0xf8: {  	_ = 	snop  }
0xf9: {  	s0 =	simm.s32 $0x0;
	s9 =	simm.s32 @!p2 $0x1;
	s3 =	smin.u32 @!p2 s3, $0x270F8  }
0xfa: {  	s10 =	simm.s32 @!p2 $0x50C8;
	s9 =	smov.u32 @p2 s0;
	s7 =	sand.u32 @!p2 $0x3FFF8, s3  }
0xfb: {  	s16 =	sand.u32 @!p2 $0x7, s3;
	s3 =	sadd.s32 $0x1, s28;
	s11 =	sadd.s32 @!p2 s1, s7  }
.LBB2_14:
0xfc: {  	s7 =	smov.u32 s9  }
0xfd: {  	[tilespmem:s10], [sflag:$0x2] =	stream.linear.gather @!p2 [hbm4b:s11+s16], $0x40, $0x38;
	[tilespmem:$0x1EF88] =	vst v63  }
0xfe: {  	s2 =	sadd.s32 $0x1, s2;
	s8 =	smov.u32 s5;
	v1 =	vld.msk [tilespmem:s3+$0x0], $0x1  }
0xff: {  	p3 =	seq.s32 s2, $0x0;
	_ =	sdelay $0x3  }
0x100: {  	(v2sf) =	vpush v1, $0x0;
	_ =	sdelay $0xe  }
0x101: {  	s5 =	spop (v2sf)  }
0x102: {  	p2 =	seq.s32 s8, s5  }
0x103: {  	p4 =	sgt.s32 @!p2 s8, $0x0;
	s10 =	sshll.u32 @!p2 s9, $0x8;
	s9 =	sadd.s32 @!p2 $0x1, s9  }
.Ltmp11:
0x104: {  	p4 =	por !p4, p2;
	s10 =	sshra.s32 @!p2 s10, $0x2;
	(pc) =	sbr.rel @!p3 .LBB2_14-.Ltmp11, $4  }
0x105: {  	s9 =	smov.u32 @p2 s7;
	s8 =	simm.s32 @p4 $0x0;
	s10 =	sadd.s32 @!p2 $0x50C8, s10  }
0x106: {  	s7 =	smin.u32 @!p2 s8, $0x270F8  }
0x107: {  	s8 =	sand.u32 @!p2 $0x3FFF8, s7;
	s16 =	sand.u32 @!p2 $0x7, s7  }
0x108: {  	s3 =	sadd.s32 $0x1, s3;
	s11 =	sadd.s32 @!p2 s1, s8  }
.LBB2_15:
0x109: {  	[tilespmem:s10], [sflag:$0x2] =	stream.linear.gather @!p2 [hbm4b:s11+s16], $0x40, $0x38;
	[tilespmem:$0x1EF88] =	vst v63  }
.Ltmp12:
0x10a: {  	s2 =	sshll.u32 s9, $0x6;
	(pc) =	sbr.rel .LBB2_16-.Ltmp12, $4  }
0x10b: {  	s3 =	simm.s32 $0x2;
	s2 =	sand.u32 $0x3FFFFFC0, s2  }
0x10c: {  	_ =	swait.ge [sflag:s3], s2  }
0x10d: {  	s2 =	ssub.s32 $0x0, s2;
	[sflag:s3] =	ssyncset.done $0x0  }
0x10e: {  	[sflag:s3] =	ssyncadd.s32 s2;
	s3 =	simm.s32 $0x0  }
.LBB2_17:
0x10f: {  	v1 =	vld [tilespmem:s30+$0xFFFFFFE0];
	_ =	sdelay $0x4  }
0x110: {  	[tilespmem:s5+$0x88] =	vst.add.f32.msk $0xffff, v1  }
0x111: {  	v1 =	vld [tilespmem:s30+$0xFFFFFFF0];
	_ =	sdelay $0x4  }
0x112: {  	[tilespmem:s5+$0x98] =	vst.add.f32.msk $0xffff, v1  }
0x113: {  	v1 =	vld [tilespmem:s30+$0x0];
	_ =	sdelay $0x4  }
0x114: {  	[tilespmem:s5+$0xA8] =	vst.add.f32.msk $0xffff, v1  }
0x115: {  	v1 =	vld [tilespmem:s30+$0x10];
	_ =	sdelay $0x4  }
0x116: {  	[tilespmem:s5+$0xB8] =	vst.add.f32.msk $0xffff, v1  }
.LBB2_21:
0x117: {  	s31 =	sadd.s32 $0x1, s31  }
0x118: {  	p2 =	seq.s32 s31, $0x0  }
.Ltmp13:
0x119: {  	_ = 	snop;
	(pc) =	sbr.rel @p2 .LBB2_22-.Ltmp13, $2  }
0x11a: {  	_ =	sdelay $0x2  }
0x11b: {  	s30 =	sadd.s32 $0x80, s30;
	s28 =	sadd.s32 $0x1, s28;
	s29 =	smov.u32 s2  }
.LBB2_16:
0x11c: {  	v1 =	vld.msk [tilespmem:s28+$0x0], $0x1;
	_ =	sdelay $0x4  }
0x11d: {  	(v2sf) =	vpush v1, $0x0;
	_ =	sdelay $0xe  }
0x11e: {  	s2 =	spop (v2sf)  }
0x11f: {  	p2 =	sne.s32 s29, s2  }
.Ltmp14:
0x120: {  	_ = 	snop;
	(pc) =	sbr.rel @!p2 .LBB2_17-.Ltmp14, $3  }
0x121: {  	_ =	sdelay $0x1  }
0x122: {  	s5 =	sshll.u32 s26, $0x8  }
0x123: {  	s5 =	sshra.s32 s5, $0x2  }
0x124: {  	p2 =	seq.s32 s29, s4  }
.Ltmp15:
0x125: {  	_ = 	snop;
	(pc) =	sbr.rel @!p2 .LBB2_19-.Ltmp15, $1  }
0x126: {  	_ =	sdelay $0x3  }
.Ltmp16:
0x127: {  	s5 =	sadd.s32 $0x88, s5;
	(pc) =	sbr.rel .LBB2_20-.Ltmp16, $4  }
0x128: {  	[spmem:s18] =	stream.linear.scatter [tilespmem:s5], [sflag:$0x1], $0x40, $0x38;
	[tilespmem:$0x1EF88] =	vst v63  }
0x129: {  	_ =	swait.ge [sflag:s13], $0x40  }
0x12a: {  	[sflag:s13] =	ssyncset.done $0x0  }
0x12b: {  	[sflag:s13] =	ssyncadd.s32 $0xFFFFFFC0  }
.LBB2_19:
0x12c: {  	s7 =	sshll.u32 s0, $0x8  }
0x12d: {  	s7 =	sshra.s32 s7, $0x2  }
0x12e: {  	v1 =	vld [tilespmem:s7+$0x50C8];
	_ =	sdelay $0x4  }
0x12f: {  	[tilespmem:s5+$0x88] =	vst.add.f32.msk $0xffff, v1  }
0x130: {  	v1 =	vld [tilespmem:s7+$0x50D8];
	_ =	sdelay $0x4  }
0x131: {  	[tilespmem:s5+$0x98] =	vst.add.f32.msk $0xffff, v1  }
0x132: {  	v1 =	vld [tilespmem:s7+$0x50E8];
	_ =	sdelay $0x4  }
0x133: {  	[tilespmem:s5+$0xA8] =	vst.add.f32.msk $0xffff, v1  }
0x134: {  	v1 =	vld [tilespmem:s7+$0x50F8];
	_ =	sdelay $0x2  }
0x135: {  	p2 =	sgt.u32 s29, $0x270F8  }
0x136: {  	s7 =	sand.u32 @!p2 $0x3FFF8, s29  }
0x137: {  	s8 =	sadd.s32 $0x88, s5;
	[tilespmem:s5+$0xB8] =	vst.add.f32.msk $0xffff, v1;
	s5 =	sadd.s32 @!p2 s1, s7;
	s7 =	sand.u32 @!p2 $0x7, s29  }
0x138: {  	[hbm4b:s5+s7] =	stream.linear.scatter @!p2 [tilespmem:s8], [sflag:$0xC], $0x40, $0x38;
	[tilespmem:$0x1EF88] =	vst v63  }
0x139: {  	s5 =	simm.s32 $0x0  }
0x13a: {  	s5 =	simm.s32 @!p2 $0x100  }
0x13b: {  	s3 =	sadd.s32 s5, s3  }
.LBB2_20:
0x13c: {  	s5 =	sadd.s32 $0x1, s26  }
0x13d: {  	s7 =	smulhi.u32 $0xCCCCCCCD, s5;
	_ =	sdelay $0x1  }
0x13e: {  	v1 =	vld [tilespmem:s30+$0xFFFFFFE0];
	s7 =	sshrl.u32 s7, $0x8  }
0x13f: {  	s7 =	smul.u32 $0x140, s7;
	_ =	sdelay $0x1  }
0x140: {  	s26 =	ssub.s32 s5, s7  }
0x141: {  	s5 =	sshll.u32 s26, $0x6  }
0x142: {  	[tilespmem:s5+$0x88] =	vst v1  }
0x143: {  	v1 =	vld [tilespmem:s30+$0xFFFFFFF0];
	_ =	sdelay $0x4  }
0x144: {  	[tilespmem:s5+$0x98] =	vst v1  }
0x145: {  	v1 =	vld [tilespmem:s30+$0x0];
	_ =	sdelay $0x4  }
0x146: {  	[tilespmem:s5+$0xA8] =	vst v1  }
0x147: {  	v1 =	vld [tilespmem:s30+$0x10]  }
.Ltmp17:
0x148: {  	_ = 	snop;
	(pc) =	sbr.rel .LBB2_21-.Ltmp17, $2  }
0x149: {  	_ =	sdelay $0x2  }
0x14a: {  	s0 =	sadd.s32 $0x1, s0;
	[tilespmem:s5+$0xB8] =	vst v1  }
.LBB2_23:
.Ltmp18:
0x14b: {  	(pc) =	sbr.rel .LBB2_24-.Ltmp18, $4  }
0x14c: {  	_ = 	snop  }
0x14d: {  	s0 =	simm.s32 $0x2  }
0x14e: {  	_ =	swait.ge [sflag:s0], $0x0  }
0x14f: {  	s2 =	smov.u32 s29;
	[sflag:s0] =	ssyncset.done $0x0;
	s0 =	simm.s32 $0x0  }
.LBB2_26:
0x150: {  	_ =	sfence.sel $0x180000  }
0x151: {  	s0 =	simm.s32 $0x9;
	[bflag:$0x0] =	sbarrier.arrive $0xFFFF  }
0x152: {  	s24 =	simm.s32 $0xA;
	[sflag:s0] =	ssyncpa.u1 $0x1  }
0x153: {  	s25 =	simm.s32 $0xB;
	[sflag:s24] =	ssyncpa.u1 $0x1  }
0x154: {  	s26 =	simm.s32 $0x2;
	[sflag:s25] =	ssyncpa.u1 $0x1  }
0x155: {  	[sflag:s26] =	ssyncpa.u1 $0x1  }
0x156: {  	v0 =	vld [tilespmem:$0xA108];
	_ =	sdelay $0x4  }
0x157: {  	(v2sf) =	vpush v0, $0x0  }
0x158: {  	(v2sf) =	vpush v0, $0x1;
	_ =	sdelay $0x1  }
0x159: {  	(v2sf) =	vpush v0, $0x2;
	_ =	sdelay $0xb  }
0x15a: {  	s0 =	spop (v2sf)  }
0x15b: {  	s2 =	spop (v2sf)  }
0x15c: {  	s3 =	smov.u32 s0;
	p0 =	sne.s32 s0, s2  }
0x15d: {  	s4 =	spop (v2sf);
	s3 =	simm.s32 @!p0 $0xFFFFFFFF  }
0x15e: {  	v2 =	vimm.s32 $0x1;
	v3 =	vlaneseq.u32;
	p0 =	seq.s32 s4, $0xFFFFFFFF;
	v1 =	vmov s3  }
0x15f: {  	s14 =	stileid.u32;
	v0 =	vperm.xlane v0, v2;
	p1 =	sne.s32 @!p0 s0, s2;
	v1 =	vperm.xlane v1, v3  }
0x160: {  	vm0 =	vcmask $0x3F04;
	s6 =	simm.s32 $0xA108;
	s0 =	simm.s32 @!p0 $0x1;
	p1 =	por !p1, p0  }
0x161: {  	s3 =	sshll.u32 s14, $0x1;
	s2 =	sshll.u32 @!p0 s4, $0x8;
	s0 =	simm.s32 @p1 $0x0;
	v0 =	vsel vm0, v1, v0  }
0x162: {  	s5 =	sor.u32 $0x800, s3;
	s2 =	sshra.s32 @!p0 s2, $0x2;
	s0 =	sor.u32 @!p0 s0, s3;
	[tilespmem:$0xA108] =	vst v0  }
0x163: {  	[spmem:s5] =	stream.linear.scatter [tilespmem:s6], [sflag:$0x1], $0x2, $0x38;
	[tilespmem:$0x1EF88] =	vst v63  }
0x164: {  	s2 =	sadd.s32 @!p0 $0x88, s2;
	s0 =	sshll.u32 @!p0 s0, $0x6  }
0x165: {  	[spmem:s0] =	stream.linear.scatter @!p0 [tilespmem:s2], [sflag:$0x1], $0x40, $0x38;
	[tilespmem:$0x1EF88] =	vst v63  }
0x166: {  	s0 =	simm.s32 @!p0 $0x42  }
0x167: {  	s28 =	simm.s32 $0x1;
	s0 =	simm.s32 @p0 $0x2  }
0x168: {  	_ =	swait.ge [sflag:s28], s0  }
0x169: {  	s0 =	ssub.s32 $0x0, s0;
	[sflag:s28] =	ssyncset.done $0x0  }
0x16a: {  	p0 =	sne.s32 s14, $0x0;
	[sflag:s28] =	ssyncadd.s32 s0  }
.Ltmp19:
0x16b: {  	_ =	sfence.stream.spmem;
	(pc) =	sbr.rel @p0 .LBB2_43-.Ltmp19, $4  }
0x16c: {  	s29 =	simm.s32 $0x3;
	[bflag:$0x0] =	sbarrier.arrive $0xFFFF  }
0x16d: {  	s30 =	simm.s32 $0x4;
	[sflag:s29] =	ssyncpa.u1 $0x1  }
0x16e: {  	s31 =	simm.s32 $0x3C;
	[sflag:s30] =	ssyncpa.u1 $0x1  }
0x16f: {  	s13 =	rddreg [dreg:$0x4];
	[sflag:s31] =	ssyncpa.u1 $0x1  }
0x170: {  	_ =	sfence.stream.spmem;
	s0 =	simm.s32 $0x5  }
0x171: {  	s2 =	simm.s32 $0x800;
	s3 =	simm.s32 $0xA118;
	[sflag:s0] =	ssyncpa.u1 $0x0  }
0x172: {  	[tilespmem:s3], [sflag:$0x5] =	stream.linear.gather [spmem:s2], $0x20, $0x38;
	[tilespmem:$0x1EF88] =	vst v63  }
0x173: {  	s26 =	simm.s32 $0x0;
	s28 =	simm.s32 $0xA138  }
0x174: {  	[tilespmem:s28], [sflag:$0x5] =	stream.linear.gather [spmem:s26], $0x800, $0x38;
	[tilespmem:$0x1EF88] =	vst v63  }
0x175: {  	_ =	swait.ge [sflag:s0], $0x820  }
0x176: {  	[sflag:s0] =	ssyncset.done $0x0  }
0x177: {  	s29 =	simm.s32 $0x0;
	[sflag:s0] =	ssyncadd.s32 $0xFFFFF7E0  }
0x178: {  	v0 =	vld.msk [tilespmem:s29+$0xA118], $0x1;
	_ =	sdelay $0x1  }
0x179: {  	s30 =	simm.s32 $0x1  }
0x17a: {  	v1 =	vld.msk [tilespmem:s30+$0xA118], $0x1;
	_ =	sdelay $0x1  }
0x17b: {  	(v2sf) =	vpush v0, $0x0;
	_ =	sdelay $0x2  }
0x17c: {  	(v2sf) =	vpush v1, $0x0;
	_ =	sdelay $0x2  }
0x17d: {  	s31 =	simm.s32 $0x2  }
0x17e: {  	v0 =	vld.msk [tilespmem:s31+$0xA118], $0x1;
	_ =	sdelay $0x2  }
0x17f: {  	s2 =	simm.s32 $0xFFFFFFFF;
	s3 =	simm.s32 $0xFFFFFFFF;
	s0 =	simm.s32 $0xC  }
.LBB2_28:
0x180: {  	s4 =	smov.u32 s3;
	s5 =	smov.u32 s2  }
0x181: {  	s2 =	sshra.s32 s0, $0x2;
	p1 =	sne.s32 s0, $0x7C;
	s0 =	sadd.s32 $0x4, s0;
	(v2sf) =	vpush v0, $0x0  }
0x182: {  	v0 =	vld.msk [tilespmem:s2+$0xA118], $0x1  }
.Ltmp20:
0x183: {  	(pc) =	sbr.rel @p1 .LBB2_28-.Ltmp20, $4  }
0x184: {  	s3 =	spop (v2sf)  }
0x185: {  	p2 =	sne.s32 s5, $0xFFFFFFFF;
	s2 =	smov.u32 s3  }
0x186: {  	p3 =	seq.s32 s3, $0xFFFFFFFF;
	s2 =	smov.u32 @p2 s5  }
0x187: {  	s3 =	smov.u32 @p3 s4;
	s2 =	smov.u32 @p3 s5  }
0x188: {  	(v2sf) =	vpush v0, $0x0;
	_ =	sdelay $0x8  }
0x189: {  	s0 =	spop (v2sf)  }
0x18a: {  	p1 =	sne.s32 s2, $0xFFFFFFFF;
	s4 =	smov.u32 s0  }
0x18b: {  	s6 =	simm.s32 $0x0;
	p2 =	seq.s32 s0, $0xFFFFFFFF;
	s4 =	smov.u32 @p1 s2  }
0x18c: {  	s9 =	simm.s32 $0xA0C8;
	s4 =	smov.u32 @p2 s2;
	s2 =	spop (v2sf)  }
0x18d: {  	s0 =	smov.u32 @p2 s3;
	p1 =	sne.s32 s4, $0xFFFFFFFF;
	s5 =	smov.u32 s2  }
.Ltmp21:
0x18e: {  	p2 =	seq.s32 s2, $0xFFFFFFFF;
	s5 =	smov.u32 @p1 s4;
	(pc) =	sbr.rel .LBB2_30-.Ltmp21, $4  }
0x18f: {  	s10 =	simm.s32 $0x0;
	s5 =	smov.u32 @p2 s4;
	s7 =	spop (v2sf)  }
0x190: {  	s2 =	smov.u32 @p2 s0;
	p1 =	sne.s32 s5, $0xFFFFFFFF;
	s8 =	smov.u32 s7  }
0x191: {  	s0 =	simm.s32 $0x6;
	p2 =	seq.s32 s7, $0xFFFFFFFF;
	s8 =	smov.u32 @p1 s5  }
0x192: {  	[sflag:s0] =	ssyncpa.u1 $0x0;
	s7 =	smov.u32 @p2 s2;
	s8 =	smov.u32 @p2 s5  }
.LBB2_36:
0x193: {  	p1 =	sgt.u32 s2, $0x270F8  }
0x194: {  	p2 =	seq.s32 @!p1 s2, s8  }
0x195: {  	p1 =	por p1, p2  }
0x196: {  	p2 =	sne.s32 @!p1 s2, s7  }
0x197: {  	p1 =	por p1, !p2  }
0x198: {  	s2 =	sshll.u32 @p1 s10, $0x8  }
0x199: {  	s3 =	sand.u32 @!p1 $0x3FFF8, s2  }
0x19a: {  	s2 =	sand.u32 @!p1 $0x7, s2;
	s3 =	sadd.s32 @!p1 s1, s3  }
0x19b: {  	[tilespmem:s9], [sflag:$0x6] =	stream.linear.gather @!p1 [hbm4b:s3+s2], $0x40, $0x38;
	[tilespmem:$0x1EF88] =	vst v63  }
0x19c: {  	_ =	swait.ge @!p1 [sflag:s0], $0x40  }
0x19d: {  	[sflag:s0] =	ssyncset.done @!p1 $0x0  }
0x19e: {  	[sflag:s0] =	ssyncadd.s32 @!p1 $0xFFFFFFC0  }
0x19f: {  	v1 =	vld @!p1 [tilespmem:$0xA0C8];
	_ =	sdelay $0x2  }
0x1a0: {  	s2 =	sshll.u32 @!p1 s10, $0x8  }
0x1a1: {  	s3 =	sshrl.u32 @!p1 s2, $0x2  }
0x1a2: {  	[tilespmem:s3+$0xA138] =	vst.add.f32.msk @!p1 $0xffff, v1  }
0x1a3: {  	v1 =	vld @!p1 [tilespmem:$0xA0D8];
	_ =	sdelay $0x4  }
0x1a4: {  	[tilespmem:s3+$0xA148] =	vst.add.f32.msk @!p1 $0xffff, v1  }
0x1a5: {  	v1 =	vld @!p1 [tilespmem:$0xA0E8];
	_ =	sdelay $0x4  }
0x1a6: {  	[tilespmem:s3+$0xA158] =	vst.add.f32.msk @!p1 $0xffff, v1  }
0x1a7: {  	v1 =	vld @!p1 [tilespmem:$0xA0F8];
	_ =	sdelay $0x4  }
0x1a8: {  	[tilespmem:s3+$0xA168] =	vst.add.f32.msk @!p1 $0xffff, v1  }
0x1a9: {  	s2 =	sshrl.u32 s2, $0x2;
	[tilespmem:s6+$0xA118] =	vst.msk $0x1, v0  }
0x1aa: {  	v0 =	vld [tilespmem:s2+$0xA138];
	_ =	sdelay $0x2  }
0x1ab: {  	s31 =	sshll.u32 s6, $0x8  }
0x1ac: {  	s3 =	sshra.s32 s31, $0x2  }
0x1ad: {  	[tilespmem:s3+$0xA138] =	vst v0  }
0x1ae: {  	v0 =	vld [tilespmem:s2+$0xA148];
	_ =	sdelay $0x4  }
0x1af: {  	[tilespmem:s3+$0xA148] =	vst v0  }
0x1b0: {  	v0 =	vld [tilespmem:s2+$0xA158];
	_ =	sdelay $0x4  }
0x1b1: {  	[tilespmem:s3+$0xA158] =	vst v0  }
0x1b2: {  	v0 =	vld [tilespmem:s2+$0xA168];
	_ =	sdelay $0x4  }
0x1b3: {  	s6 =	sadd.s32 $0x1, s6;
	[tilespmem:s3+$0xA168] =	vst v0  }
.LBB2_37:
0x1b4: {  	s10 =	sadd.s32 $0x1, s10  }
0x1b5: {  	p1 =	sne.s32 s10, $0x20  }
.Ltmp22:
0x1b6: {  	_ = 	snop;
	(pc) =	sbr.rel @!p1 .LBB2_38-.Ltmp22, $1  }
0x1b7: {  	_ =	sdelay $0x3  }
.LBB2_30:
0x1b8: {  	v0 =	vld.msk [tilespmem:s10+$0xA118], $0x1;
	_ =	sdelay $0x4  }
0x1b9: {  	(v2sf) =	vpush v0, $0x0;
	_ =	sdelay $0xe  }
0x1ba: {  	s2 =	spop (v2sf)  }
0x1bb: {  	p1 =	seq.s32 s2, $0xFFFFFFFF  }
.Ltmp23:
0x1bc: {  	_ = 	snop;
	(pc) =	sbr.rel @p1 .LBB2_37-.Ltmp23, $1  }
0x1bd: {  	_ =	sdelay $0x3  }
0x1be: {  	p1 =	slt.s32 s6, $0x1  }
.Ltmp24:
0x1bf: {  	_ = 	snop;
	(pc) =	sbr.rel @p1 .LBB2_36-.Ltmp24, $1  }
0x1c0: {  	_ =	sdelay $0x3  }
0x1c1: {  	s3 =	simm.s32 $0xA118;
	p1 =	por $0x0, $0x0  }
0x1c2: {  	v1 =	vld.msk @!p1 [tilespmem:s3+$0x0], $0x1;
	_ =	sdelay $0x4  }
0x1c3: {  	(v2sf) =	vpush @!p1 v1, $0x0;
	_ =	sdelay $0xd  }
0x1c4: {  	p3 =	sne.s32 s6, $0x1  }
.Ltmp25:
0x1c5: {  	s4 =	spop @!p1 (v2sf);
	(pc) =	sbr.rel @!p3 .LBB2_34-.Ltmp25, $4  }
0x1c6: {  	p2 =	seq.s32 @!p1 s2, s4  }
0x1c7: {  	s4 =	simm.s32 $0x0;
	p2 =	por !p2, p1  }
0x1c8: {  	s11 =	simm.s32 $0xFFFFFFFF;
	s4 =	simm.s32 @p2 $0xFFFFFFFF  }
0x1c9: {  	s5 =	simm.s32 $0x1;
	s4 =	smov.u32 @p1 s11  }
.LBB2_33:
0x1ca: {  	s11 =	smov.u32 s4;
	p1 =	sne.s32 s4, $0xFFFFFFFF  }
0x1cb: {  	s3 =	sadd.s32 $0x1, s3;
	s4 =	smov.u32 s5;
	s5 =	sadd.s32 $0x1, s5  }
0x1cc: {  	p2 =	sne.s32 s6, s5;
	v1 =	vld.msk @!p1 [tilespmem:s3+$0x0], $0x1;
	_ =	sdelay $0x4  }
0x1cd: {  	(v2sf) =	vpush @!p1 v1, $0x0;
	_ =	sdelay $0xe  }
.Ltmp26:
0x1ce: {  	s12 =	spop @!p1 (v2sf);
	(pc) =	sbr.rel @p2 .LBB2_33-.Ltmp26, $4  }
0x1cf: {  	p3 =	seq.s32 @!p1 s2, s12  }
0x1d0: {  	p3 =	por !p3, p1  }
0x1d1: {  	s4 =	simm.s32 @p3 $0xFFFFFFFF  }
0x1d2: {  	s4 =	smov.u32 @p1 s11  }
.LBB2_34:
0x1d3: {  	p1 =	seq.s32 s4, $0xFFFFFFFF  }
.Ltmp27:
0x1d4: {  	_ = 	snop;
	(pc) =	sbr.rel @p1 .LBB2_36-.Ltmp27, $1  }
0x1d5: {  	_ =	sdelay $0x3  }
0x1d6: {  	s2 =	sshll.u32 s10, $0x6  }
0x1d7: {  	s2 =	sand.u32 $0x3FFFFFC0, s2  }
0x1d8: {  	v0 =	vld [tilespmem:s2+$0xA138];
	_ =	sdelay $0x2  }
0x1d9: {  	s3 =	sshll.u32 s4, $0x8  }
0x1da: {  	s3 =	sshra.s32 s3, $0x2  }
0x1db: {  	[tilespmem:s3+$0xA138] =	vst.add.f32.msk $0xffff, v0  }
0x1dc: {  	v0 =	vld [tilespmem:s2+$0xA148];
	_ =	sdelay $0x4  }
0x1dd: {  	[tilespmem:s3+$0xA148] =	vst.add.f32.msk $0xffff, v0  }
0x1de: {  	v0 =	vld [tilespmem:s2+$0xA158];
	_ =	sdelay $0x4  }
0x1df: {  	[tilespmem:s3+$0xA158] =	vst.add.f32.msk $0xffff, v0  }
0x1e0: {  	v0 =	vld [tilespmem:s2+$0xA168]  }
.Ltmp28:
0x1e1: {  	_ = 	snop;
	(pc) =	sbr.rel .LBB2_37-.Ltmp28, $2  }
0x1e2: {  	_ =	sdelay $0x2  }
0x1e3: {  	[tilespmem:s3+$0xA168] =	vst.add.f32.msk $0xffff, v0  }
.LBB2_38:
0x1e4: {  	s0 =	simm.s32 $0x6;
	p1 =	seq.s32 s6, $0x0  }
0x1e5: {  	[sflag:s0] =	ssyncpa.u1 $0x1;
	v0 =	vimm.s32 @p1 $0xFFFFFFFF  }
0x1e6: {  	s0 =	sadd.s32 $0xFFFFFFFF, s6;
	[tilespmem:$0xA938] =	vst @p1 v0  }
0x1e7: {  	v0 =	vld.msk @!p1 [tilespmem:s0+$0xA118], $0x1;
	_ =	sdelay $0x1  }
0x1e8: {  	v1 =	vld.msk @!p1 [tilespmem:$0xA118], $0x1;
	_ =	sdelay $0x2  }
0x1e9: {  	p2 =	seq.s32 @!p1 s0, $0x0;
	v0 =	vbroadcast @!p1 v0, $0x0  }
0x1ea: {  	vm0 =	vmmov @!p1 $0x1;
	p2 =	por !p2, p1  }
0x1eb: {  	v1 =	vnsel @!p1 vm0, $0xFFFFFFFF, v1;
	vm0 =	vcmask @!p1 $0x308;
	v0 =	vpsel !p2, $0xFFFFFFFF, v0  }
0x1ec: {  	p2 =	sne.s32 @!p1 s8, s7;
	v0 =	vsel @!p1 vm0, v1, v0  }
0x1ed: {  	s2 =	simm.s32 @!p1 $0xA138;
	s3 =	simm.s32 @!p1 $0x0;
	p3 =	por !p2, p1;
	[tilespmem:$0xA938] =	vst @!p1 v0  }
0x1ee: {  	[spmem:s3] =	stream.linear.scatter @!p1 [tilespmem:s2], [sflag:$0x1], $0x40, $0x38;
	[tilespmem:$0x1EF88] =	vst v63  }
0x1ef: {  	s2 =	sshll.u32 @!p3 s0, $0x8  }
0x1f0: {  	s2 =	sshra.s32 @!p3 s2, $0x2  }
0x1f1: {  	s3 =	simm.s32 @!p3 $0x40;
	s2 =	sadd.s32 @!p3 $0xA138, s2  }
0x1f2: {  	[spmem:s3] =	stream.linear.scatter @!p3 [tilespmem:s2], [sflag:$0x1], $0x40, $0x38;
	[tilespmem:$0x1EF88] =	vst v63  }
0x1f3: {  	s2 =	simm.s32 @!p3 $0x1  }
0x1f4: {  	_ =	swait.ge @!p3 [sflag:s2], $0x80  }
0x1f5: {  	p1 =	por p2, p1;
	[sflag:s2] =	ssyncset.done @!p3 $0x0  }
0x1f6: {  	[sflag:s2] =	ssyncadd.s32 @!p3 $0xFFFFFF80;
	s2 =	simm.s32 @!p1 $0x1  }
0x1f7: {  	_ =	swait.ge @!p1 [sflag:s2], $0x40  }
0x1f8: {  	s29 =	simm.s32 $0xA938;
	[sflag:s2] =	ssyncset.done @!p1 $0x0  }
0x1f9: {  	s30 =	simm.s32 $0x800;
	s31 =	simm.s32 $0x1;
	[sflag:s2] =	ssyncadd.s32 @!p1 $0xFFFFFFC0  }
0x1fa: {  	[spmem:s30] =	stream.linear.scatter [tilespmem:s29], [sflag:$0x1], $0x10, $0x38;
	[tilespmem:$0x1EF88] =	vst v63  }
0x1fb: {  	_ =	swait.ge [sflag:s31], $0x10  }
0x1fc: {  	[sflag:s31] =	ssyncset.done $0x0  }
0x1fd: {  	p1 =	seq.s32 s13, $0x0;
	s9 =	rddreg [dreg:$0x1];
	[sflag:s31] =	ssyncadd.s32 $0xFFFFFFF0  }
0x1fe: {  	s3 =	sshll.u32 @p1 s9, $0xE;
	s8 =	rddreg [dreg:$0x2]  }
0x1ff: {  	s2 =	sadd.s32 @p1 $0x15C3C, s3;
	s3 =	sshll.u32 @p1 s8, $0x11  }
0x200: {  	_ =	sfence.stream.spmem;
	s2 =	sor.u32 @p1 s3, s2  }
0x201: {  	[sflag:s2] =	ssyncadd.remote.s32 @p1 $0x1;
	s2 =	simm.s32 @p1 $0x4  }
0x202: {  	s4 =	simm.s32 @!p1 $0x3C;
	s3 =	sand.u32 $0xFFFFFFFE, s9;
	_ =	swait.ge @p1 [sflag:s2], $0x12  }
0x203: {  	s5 =	simm.s32 @!p1 $0x0;
	s3 =	sadd.s32 @!p1 $0x4, s3;
	[sflag:s2] =	ssyncset.done @p1 $0x0  }
0x204: {  	s7 =	simm.s32 @!p1 $0x80;
	[sflag:s2] =	ssyncadd.s32 @p1 $0xFFFFFFEE;
	s2 =	sshll.u32 @!p1 s3, $0x1A  }
0x205: {  	s3 =	sshll.u32 @!p1 s3, $0xD;
	s2 =	sor.u32 @!p1 s2, s8;
	_ =	swait.eq @!p1 [sflag:s4], $0x1  }
0x206: {  	s3 =	sor.u32 @!p1 $0x1C04, s3;
	s4 =	simm.s32 @!p1 $0x1C03;
	s2 =	sor.u32 @!p1 $0x80004000, s2  }
0x207: {  	[spmem:s7], [sflag:s3] =	dma.general @!p1 [spmem:s5], [sflag:s4], length:$0x10, [dreg:$0x0], stride_count:$0x0, ici_dest:s2, dma_misc:DstOpCode:WRITE  }
0x208: {  	p2 =	slt.s32 s0, $0x2;
	s5 =	simm.s32 @!p1 $0x100;
	s7 =	simm.s32 @!p1 $0x102  }
0x209: {  	[spmem:s7], [sflag:s3] =	dma.general @!p1 [spmem:s5], [sflag:s4], length:$0x2, [dreg:$0x0], stride_count:$0x0, ici_dest:s2, dma_misc:DstOpCode:WRITE  }
.Ltmp29:
0x20a: {  	s2 =	simm.s32 @!p1 $0x3;
	(pc) =	sbr.rel @p2 .LBB2_42-.Ltmp29, $4  }
0x20b: {  	s3 =	sshll.u32 @!p1 s9, $0xE;
	_ =	swait.ge @!p1 [sflag:s2], $0x12  }
0x20c: {  	s4 =	sshll.u32 @!p1 s8, $0x11;
	s3 =	sadd.s32 @!p1 $0x11C3C, s3;
	[sflag:s2] =	ssyncset.done @!p1 $0x0  }
0x20d: {  	[sflag:s2] =	ssyncadd.s32 @!p1 $0xFFFFFFEE;
	s2 =	sor.u32 @!p1 s4, s3  }
0x20e: {  	s0 =	simm.s32 $0x0;
	[sflag:s2] =	ssyncadd.remote.s32 @!p1 $0xFFFFFFFF  }
0x20f: {  	s0 =	simm.s32 $0xA119  }
0x210: {  	v0 =	vld.msk [tilespmem:s0+$0x0], $0x1;
	_ =	sdelay $0x4  }
0x211: {  	(v2sf) =	vpush v0, $0x0;
	_ =	sdelay $0xc  }
0x212: {  	s2 =	sadd.s32 $0xFFFFFFFE, s6  }
0x213: {  	s2 =	sadd.s32 $0xFFFFFFFF, s2  }
0x214: {  	p2 =	sne.s32 s2, $0x0;
	s3 =	spop (v2sf)  }
.Ltmp30:
0x215: {  	p1 =	sgt.u32 s3, $0x270F8;
	(pc) =	sbr.rel @!p2 .LBB2_41-.Ltmp30, $4  }
0x216: {  	s5 =	simm.s32 $0x0;
	s4 =	sand.u32 @!p1 $0x3FFF8, s3  }
0x217: {  	s0 =	simm.s32 $0xA178;
	s3 =	sand.u32 @!p1 $0x7, s3;
	s4 =	sadd.s32 @!p1 s1, s4  }
0x218: {  	[hbm4b:s4+s3] =	stream.linear.scatter @!p1 [tilespmem:s0], [sflag:$0x5], $0x40, $0x38;
	[tilespmem:$0x1EF88] =	vst v63  }
0x219: {  	s5 =	simm.s32 @!p1 $0x100;
	s3 =	simm.s32 $0x0;
	s4 =	simm.s32 $0xA11A  }
.LBB2_40:
0x21a: {  	v0 =	vld.msk [tilespmem:s4+$0x0], $0x1;
	s2 =	sadd.s32 $0xFFFFFFFF, s2;
	s3 =	sadd.s32 s3, s5  }
0x21b: {  	p1 =	sne.s32 s2, $0x0;
	_ =	sdelay $0x3  }
0x21c: {  	(v2sf) =	vpush v0, $0x0;
	_ =	sdelay $0xe  }
.Ltmp31:
0x21d: {  	s6 =	spop (v2sf);
	(pc) =	sbr.rel @p1 .LBB2_40-.Ltmp31, $4  }
0x21e: {  	s5 =	simm.s32 $0x0;
	p2 =	sgt.u32 s6, $0x270F8  }
0x21f: {  	s0 =	sadd.s32 $0x40, s0;
	s5 =	simm.s32 @!p2 $0x100;
	s7 =	sand.u32 @!p2 $0x3FFF8, s6  }
0x220: {  	s4 =	sadd.s32 $0x1, s4;
	s6 =	sand.u32 @!p2 $0x7, s6;
	s7 =	sadd.s32 @!p2 s1, s7  }
0x221: {  	[hbm4b:s7+s6] =	stream.linear.scatter @!p2 [tilespmem:s0], [sflag:$0x5], $0x40, $0x38;
	[tilespmem:$0x1EF88] =	vst v63  }
.LBB2_41:
0x222: {  	s0 =	sadd.s32 s3, s5  }
0x223: {  	s0 =	sshrl.u32 s0, $0x2  }
.LBB2_42:
0x224: {  	s2 =	simm.s32 $0x5  }
0x225: {  	_ =	swait.ge [sflag:s2], s0  }
0x226: {  	s31 =	ssub.s32 $0x0, s0;
	[sflag:s2] =	ssyncset.done $0x0  }
0x227: {  	[sflag:s2] =	ssyncadd.s32 s31  }
0x228: {  	[sflag:s2] =	ssyncpa.u1 $0x1  }
.LBB2_43:
0x229: {  	s0 =	sor.u32 s13, s14  }
0x22a: {  	p1 =	sne.s32 s0, $0x0  }
.Ltmp32:
0x22b: {  	_ = 	snop;
	(pc) =	sbr.rel @p1 .LBB2_58-.Ltmp32, $3  }
0x22c: {  	_ =	sdelay $0x1  }
0x22d: {  	[bflag:$0x0] =	sbarrier.arrive $0xFFFF  }
0x22e: {  	_ =	sfence  }
0x22f: {  	s2 =	simm.s32 $0x7  }
0x230: {  	s0 =	simm.s32 $0x800;
	s3 =	simm.s32 $0xA118;
	[sflag:s2] =	ssyncpa.u1 $0x0  }
0x231: {  	[tilespmem:s3], [sflag:$0x7] =	stream.linear.gather [spmem:s0], $0x20, $0x38;
	[tilespmem:$0x1EF88] =	vst v63  }
0x232: {  	s30 =	simm.s32 $0xA138;
	s0 =	simm.s32 $0x0  }
0x233: {  	[tilespmem:s30], [sflag:$0x7] =	stream.linear.gather [spmem:s0], $0x800, $0x38;
	[tilespmem:$0x1EF88] =	vst v63  }
.Ltmp33:
0x234: {  	_ = 	snop;
	(pc) =	sbr.rel .LBB2_45-.Ltmp33, $4  }
0x235: {  	_ =	swait.ge [sflag:s2], $0x820  }
0x236: {  	[sflag:s2] =	ssyncset.done $0x0  }
0x237: {  	s31 =	simm.s32 $0x8;
	[sflag:s2] =	ssyncadd.s32 $0xFFFFF7E0  }
0x238: {  	s2 =	simm.s32 $0x0;
	[sflag:s31] =	ssyncpa.u1 $0x0  }
.LBB2_51:
0x239: {  	p1 =	slt.u32 s3, $0x270F9  }
0x23a: {  	s4 =	sand.u32 @p1 $0x3FFF8, s3  }
0x23b: {  	s3 =	sand.u32 @p1 $0x7, s3;
	s5 =	simm.s32 @p1 $0xA0C8;
	s4 =	sadd.s32 @p1 s1, s4  }
0x23c: {  	[tilespmem:s5], [sflag:$0x8] =	stream.linear.gather @p1 [hbm4b:s4+s3], $0x40, $0x38;
	[tilespmem:$0x1EF88] =	vst v63  }
0x23d: {  	s3 =	simm.s32 @p1 $0x8  }
0x23e: {  	_ =	swait.ge @p1 [sflag:s3], $0x40  }
0x23f: {  	[sflag:s3] =	ssyncset.done @p1 $0x0  }
0x240: {  	[sflag:s3] =	ssyncadd.s32 @p1 $0xFFFFFFC0  }
0x241: {  	v1 =	vld @p1 [tilespmem:$0xA0C8];
	_ =	sdelay $0x2  }
0x242: {  	s3 =	sshll.u32 @p1 s2, $0x8  }
0x243: {  	s4 =	sshrl.u32 @p1 s3, $0x2  }
0x244: {  	[tilespmem:s4+$0xA138] =	vst.add.f32.msk @p1 $0xffff, v1  }
0x245: {  	v1 =	vld @p1 [tilespmem:$0xA0D8];
	_ =	sdelay $0x4  }
0x246: {  	[tilespmem:s4+$0xA148] =	vst.add.f32.msk @p1 $0xffff, v1  }
0x247: {  	v1 =	vld @p1 [tilespmem:$0xA0E8];
	_ =	sdelay $0x4  }
0x248: {  	[tilespmem:s4+$0xA158] =	vst.add.f32.msk @p1 $0xffff, v1  }
0x249: {  	v1 =	vld @p1 [tilespmem:$0xA0F8];
	_ =	sdelay $0x3  }
0x24a: {  	s5 =	sshll.u32 @!p1 s2, $0x8  }
0x24b: {  	s5 =	smov.u32 @p1 s3;
	[tilespmem:s4+$0xA168] =	vst.add.f32.msk @p1 $0xffff, v1  }
0x24c: {  	s3 =	sshrl.u32 s5, $0x2;
	[tilespmem:s0+$0xA118] =	vst.msk $0x1, v0  }
0x24d: {  	v0 =	vld [tilespmem:s3+$0xA138];
	_ =	sdelay $0x2  }
0x24e: {  	s31 =	sshll.u32 s0, $0x8  }
0x24f: {  	s4 =	sshra.s32 s31, $0x2  }
0x250: {  	[tilespmem:s4+$0xA138] =	vst v0  }
0x251: {  	v0 =	vld [tilespmem:s3+$0xA148];
	_ =	sdelay $0x4  }
0x252: {  	[tilespmem:s4+$0xA148] =	vst v0  }
0x253: {  	v0 =	vld [tilespmem:s3+$0xA158];
	_ =	sdelay $0x4  }
0x254: {  	[tilespmem:s4+$0xA158] =	vst v0  }
0x255: {  	v0 =	vld [tilespmem:s3+$0xA168];
	_ =	sdelay $0x4  }
0x256: {  	s0 =	sadd.s32 $0x1, s0;
	[tilespmem:s4+$0xA168] =	vst v0  }
.LBB2_52:
0x257: {  	s2 =	sadd.s32 $0x1, s2  }
0x258: {  	p1 =	sne.s32 s2, $0x20  }
.Ltmp34:
0x259: {  	_ = 	snop;
	(pc) =	sbr.rel @!p1 .LBB2_53-.Ltmp34, $1  }
0x25a: {  	_ =	sdelay $0x3  }
.LBB2_45:
0x25b: {  	v0 =	vld.msk [tilespmem:s2+$0xA118], $0x1;
	_ =	sdelay $0x4  }
0x25c: {  	(v2sf) =	vpush v0, $0x0;
	_ =	sdelay $0xe  }
0x25d: {  	s3 =	spop (v2sf)  }
0x25e: {  	p1 =	seq.s32 s3, $0xFFFFFFFF  }
.Ltmp35:
0x25f: {  	_ = 	snop;
	(pc) =	sbr.rel @p1 .LBB2_52-.Ltmp35, $1  }
0x260: {  	_ =	sdelay $0x3  }
0x261: {  	p1 =	slt.s32 s0, $0x1  }
.Ltmp36:
0x262: {  	_ = 	snop;
	(pc) =	sbr.rel @p1 .LBB2_51-.Ltmp36, $1  }
0x263: {  	_ =	sdelay $0x3  }
0x264: {  	s4 =	simm.s32 $0xA118;
	p1 =	por $0x0, $0x0  }
0x265: {  	v1 =	vld.msk @!p1 [tilespmem:s4+$0x0], $0x1;
	_ =	sdelay $0x4  }
0x266: {  	(v2sf) =	vpush @!p1 v1, $0x0;
	_ =	sdelay $0xd  }
0x267: {  	p3 =	sne.s32 s0, $0x1  }
.Ltmp37:
0x268: {  	s5 =	spop @!p1 (v2sf);
	(pc) =	sbr.rel @!p3 .LBB2_49-.Ltmp37, $4  }
0x269: {  	p2 =	seq.s32 @!p1 s3, s5  }
0x26a: {  	s5 =	simm.s32 $0x0;
	p2 =	por !p2, p1  }
0x26b: {  	s7 =	simm.s32 $0xFFFFFFFF;
	s5 =	simm.s32 @p2 $0xFFFFFFFF  }
0x26c: {  	s6 =	simm.s32 $0x1;
	s5 =	smov.u32 @p1 s7  }
.LBB2_48:
0x26d: {  	s7 =	smov.u32 s5;
	p1 =	sne.s32 s5, $0xFFFFFFFF  }
0x26e: {  	s4 =	sadd.s32 $0x1, s4;
	s5 =	smov.u32 s6;
	s6 =	sadd.s32 $0x1, s6  }
0x26f: {  	p2 =	sne.s32 s0, s6;
	v1 =	vld.msk @!p1 [tilespmem:s4+$0x0], $0x1;
	_ =	sdelay $0x4  }
0x270: {  	(v2sf) =	vpush @!p1 v1, $0x0;
	_ =	sdelay $0xe  }
.Ltmp38:
0x271: {  	s8 =	spop @!p1 (v2sf);
	(pc) =	sbr.rel @p2 .LBB2_48-.Ltmp38, $4  }
0x272: {  	p3 =	seq.s32 @!p1 s3, s8  }
0x273: {  	p3 =	por !p3, p1  }
0x274: {  	s5 =	simm.s32 @p3 $0xFFFFFFFF  }
0x275: {  	s5 =	smov.u32 @p1 s7  }
.LBB2_49:
0x276: {  	p1 =	seq.s32 s5, $0xFFFFFFFF  }
.Ltmp39:
0x277: {  	_ = 	snop;
	(pc) =	sbr.rel @p1 .LBB2_51-.Ltmp39, $1  }
0x278: {  	_ =	sdelay $0x3  }
0x279: {  	s3 =	sshll.u32 s2, $0x6  }
0x27a: {  	s3 =	sand.u32 $0x3FFFFFC0, s3  }
0x27b: {  	v0 =	vld [tilespmem:s3+$0xA138];
	_ =	sdelay $0x2  }
0x27c: {  	s4 =	sshll.u32 s5, $0x8  }
0x27d: {  	s4 =	sshra.s32 s4, $0x2  }
0x27e: {  	[tilespmem:s4+$0xA138] =	vst.add.f32.msk $0xffff, v0  }
0x27f: {  	v0 =	vld [tilespmem:s3+$0xA148];
	_ =	sdelay $0x4  }
0x280: {  	[tilespmem:s4+$0xA148] =	vst.add.f32.msk $0xffff, v0  }
0x281: {  	v0 =	vld [tilespmem:s3+$0xA158];
	_ =	sdelay $0x4  }
0x282: {  	[tilespmem:s4+$0xA158] =	vst.add.f32.msk $0xffff, v0  }
0x283: {  	v0 =	vld [tilespmem:s3+$0xA168]  }
.Ltmp40:
0x284: {  	_ = 	snop;
	(pc) =	sbr.rel .LBB2_52-.Ltmp40, $2  }
0x285: {  	_ =	sdelay $0x2  }
0x286: {  	[tilespmem:s4+$0xA168] =	vst.add.f32.msk $0xffff, v0  }
.LBB2_53:
0x287: {  	p1 =	slt.s32 s0, $0x1  }
.Ltmp41:
0x288: {  	_ = 	snop;
	(pc) =	sbr.rel @p1 .LBB2_57-.Ltmp41, $3  }
0x289: {  	_ =	sdelay $0x1  }
0x28a: {  	s2 =	simm.s32 $0x8  }
0x28b: {  	[sflag:s2] =	ssyncpa.u1 $0x1;
	s2 =	simm.s32 $0x0  }
0x28c: {  	s3 =	simm.s32 $0xA118  }
0x28d: {  	v0 =	vld.msk [tilespmem:s3+$0x0], $0x1;
	_ =	sdelay $0x4  }
0x28e: {  	(v2sf) =	vpush v0, $0x0;
	_ =	sdelay $0xe  }
0x28f: {  	s0 =	sadd.s32 $0xFFFFFFFF, s0;
	s4 =	spop (v2sf)  }
0x290: {  	p2 =	sne.s32 s0, $0x0;
	p1 =	sgt.u32 s4, $0x270F8  }
.Ltmp42:
0x291: {  	s5 =	sand.u32 @!p1 $0x3FFF8, s4;
	(pc) =	sbr.rel @!p2 .LBB2_56-.Ltmp42, $4  }
0x292: {  	s3 =	simm.s32 $0xA138;
	s4 =	sand.u32 @!p1 $0x7, s4;
	s5 =	sadd.s32 @!p1 s1, s5  }
0x293: {  	[hbm4b:s5+s4] =	stream.linear.scatter @!p1 [tilespmem:s3], [sflag:$0x7], $0x40, $0x38;
	[tilespmem:$0x1EF88] =	vst v63  }
0x294: {  	s5 =	simm.s32 $0x0  }
0x295: {  	s4 =	simm.s32 $0xA119;
	s5 =	simm.s32 @!p1 $0x100  }
.LBB2_55:
0x296: {  	v0 =	vld.msk [tilespmem:s4+$0x0], $0x1;
	s0 =	sadd.s32 $0xFFFFFFFF, s0;
	s2 =	sadd.s32 s2, s5  }
0x297: {  	p1 =	sne.s32 s0, $0x0;
	_ =	sdelay $0x3  }
0x298: {  	(v2sf) =	vpush v0, $0x0;
	_ =	sdelay $0xe  }
.Ltmp43:
0x299: {  	s6 =	spop (v2sf);
	(pc) =	sbr.rel @p1 .LBB2_55-.Ltmp43, $4  }
0x29a: {  	s5 =	simm.s32 $0x0;
	p2 =	sgt.u32 s6, $0x270F8  }
0x29b: {  	s3 =	sadd.s32 $0x40, s3;
	s5 =	simm.s32 @!p2 $0x100;
	s7 =	sand.u32 @!p2 $0x3FFF8, s6  }
0x29c: {  	s4 =	sadd.s32 $0x1, s4;
	s6 =	sand.u32 @!p2 $0x7, s6;
	s7 =	sadd.s32 @!p2 s1, s7  }
0x29d: {  	[hbm4b:s7+s6] =	stream.linear.scatter @!p2 [tilespmem:s3], [sflag:$0x7], $0x40, $0x38;
	[tilespmem:$0x1EF88] =	vst v63  }
.LBB2_56:
0x29e: {  	s0 =	sadd.s32 s2, s5  }
0x29f: {  	s2 =	sshrl.u32 s0, $0x2  }
.LBB2_57:
0x2a0: {  	s0 =	simm.s32 $0x7  }
0x2a1: {  	_ =	swait.ge [sflag:s0], s2  }
0x2a2: {  	s1 =	ssub.s32 $0x0, s2;
	[sflag:s0] =	ssyncset.done $0x0  }
0x2a3: {  	[sflag:s0] =	ssyncadd.s32 s1  }
0x2a4: {  	[sflag:s0] =	ssyncpa.u1 $0x1  }
.LBB2_58:
0x2a5: {  	_ =	sfence;
	s0 =	simm.s32 $0x1  }
0x2a6: {  	[sflag:s0] =	ssyncpa.u1 $0x1  }
0x2a7: {  	_ =	strace $0x90000056  }
0x2a8: {  	[bflag:$0x2] =	sbarrier.arrive $0xFFFF  }
0x2a9: {  	s0 =	rddreg [dreg:$0x3]  }
0x2aa: {  	s0 =	sadd.s32 @!p0 $0x100000, s0  }
0x2ab: {  	[sflag:s0] =	ssyncadd.tile.s32 @!p0 $0x1;
	_ =	shalt  }
.Lfunc_end2:
_tile_overlayer_lowered:
.L_overlay_start_2:
0x2ac: {  	(tag) =	ssettag $0x2  }
0x2ad: {  	s0 =	rddreg [dreg:$0x0];
	s2 =	stileid.u32  }
0x2ae: {  	s1 =	rddreg [dreg:$0x1];
	p0 =	sne.s32 s2, $0x0  }
0x2af: {  	s3 =	rddreg [dreg:$0x2];
	[bflag:$0x3] =	sbarrier.arrive $0xFFFF;
	s2 =	simm.s32 @!p0 $0x1C01  }
0x2b0: {  	[timem:s3], [sflag:s2] =	dma.local @!p0 [hbm:s0], s1  }
0x2b1: {  	s0 =	simm.s32 @!p0 $0x1  }
0x2b2: {  	_ =	swait.ge @!p0 [sflag:s0], s1  }
0x2b3: {  	s1 =	ssub.s32 @!p0 $0x0, s1;
	[sflag:s0] =	ssyncset.done @!p0 $0x0  }
0x2b4: {  	[sflag:s0] =	ssyncadd.s32 @!p0 s1  }
0x2b5: {  	[bflag:$0x3] =	sbarrier.arrive $0xFFFF  }
0x2b6: {  	_ =	shalt  }

// kernel: scatter_offload_async_start.5
scs
__scs_entry_jumppad:
0x0: {  	(pc) =	sbr.rel $0x88, $3  }
0x1: {  	(tag) =	ssettag $0x0;
	lr =	simm.s32 $0x1  }
0x2: {  	[smem:$0x3F91] =	sst lr;
	_ =	strace $0xD0000000  }
0x3: {  	_ = 	snop  }
0x4: {  	_ = 	snop  }
0x5: {  	_ = 	snop  }
0x6: {  	_ = 	snop  }
0x7: {  	_ = 	snop  }
__scs_overlays_trampoline_lowered:
0x8: {  	[smem:$0x3FA0] =	sst s0  }
0x9: {  	[smem:$0x3FA1] =	sst s1  }
0xa: {  	[smem:$0x3FA2] =	sst s2  }
0xb: {  	[smem:$0x3FA3] =	sst s3  }
0xc: {  	[smem:$0x3FA4] =	sst s4  }
0xd: {  	[smem:$0x3FA5] =	sst s5  }
0xe: {  	[smem:$0x3FA6] =	sst s6  }
0xf: {  	[smem:$0x3FA7] =	sst s7  }
0x10: {  	[smem:$0x3FA8] =	sst s8  }
0x11: {  	[smem:$0x3FA9] =	sst s9;
	s0 =	simm.s32 @!p0 $0x0  }
0x12: {  	s1 =	sld [smem:$0x3F8F];
	s0 =	simm.s32 @p0 $0x1  }
0x13: {  	[smem:$0x3FAA] =	sst s0;
	s0 =	simm.s32 @!p1 $0x0  }
0x14: {  	s2 =	sld [smem:$0x3F8E];
	s0 =	simm.s32 @p1 $0x1  }
0x15: {  	[smem:$0x3FAB] =	sst s0;
	s0 =	simm.s32 @!p2 $0x0  }
0x16: {  	s3 =	sld [smem:$0x3FDB];
	s0 =	simm.s32 @p2 $0x1  }
0x17: {  	s4 =	simm.s32 $0x1BF5;
	[smem:$0x3FAD] =	sst s0  }
0x18: {  	s0 =	sld [smem:$0x3F90];
	_ =	swait.ge [sflag:s4], $0x0  }
0x19: {  	s7 =	sld [smem:$0x3F91]  }
0x1a: {  	s8 =	sadd.s32 $0xFFFFE003, lr  }
0x1b: {  	s9 =	sadd.s32 $0xFFFFFEF7, lr;
	s5 =	simm.s32 $0xFFFFFFFF;
	p2 =	slt.u32 s8, $0xFFFFF086  }
0x1c: {  	p1 =	slt.u32 s9, $0xF7A;
	s5 =	simm.s32 @!p2 $0x0  }
0x1d: {  	s5 =	simm.s32 @p1 $0x1;
	p0 =	seq.s32 s7, s2  }
0x1e: {  	s7 =	smul.u32 @!p0 $0xF7A, s2;
	p2 =	seq.s32 @!p0 s5, $0x0  }
0x1f: {  	s9 =	smul.u32 $0xF7A, s1;
	s8 =	simm.s32 @!p0 $0x1BF5;
	p2 =	por !p2, p0  }
0x20: {  	[sflag:s8] =	ssyncset.s32 @!p0 $0xFFFFF086;
	s6 =	sadd.s32 @!p0 s3, s7;
	s7 =	simm.s32 @!p0 $0x108  }
0x21: {  	s3 =	sadd.s32 s3, s9;
	s6 =	sadd.s32 @!p0 $0x88, s6;
	s7 =	simm.s32 @p2 $0x1082  }
0x22: {  	[simem:s7], [sflag:s8] =	dma.local @!p0 [hbm:s6], $0xF7A  }
0x23: {  	s9 =	sor.u32 $0xD0000000, s2;
	s6 =	simm.s32 $0x108;
	_ =	swait.ge @!p0 [sflag:s8], $0x0  }
0x24: {  	s3 =	sadd.s32 $0x88, s3;
	s6 =	simm.s32 @!p1 $0x1082;
	[sflag:s4] =	ssyncset.s32 $0xFFFFF086  }
0x25: {  	[simem:s6], [sflag:s4] =	dma.local [hbm:s3], $0xF7A  }
0x26: {  	[smem:$0x3F91] =	sst s1;
	(tag) =	ssettag s2;
	_ =	strace s9  }
0x27: {  	s1 =	sld [smem:$0x3FA1]  }
0x28: {  	s2 =	sld [smem:$0x3FA2]  }
0x29: {  	s4 =	sld [smem:$0x3FA4]  }
0x2a: {  	p0 =	seq.s32 s5, $0x0;
	s5 =	sld [smem:$0x3FA5]  }
0x2b: {  	s6 =	sld [smem:$0x3FA6]  }
0x2c: {  	s7 =	sld [smem:$0x3FA7]  }
0x2d: {  	s3 =	simm.s32 $0x108;
	s8 =	sld [smem:$0x3FA8]  }
0x2e: {  	s3 =	simm.s32 @!p0 $0x1082;
	s9 =	sld [smem:$0x3FA9]  }
0x2f: {  	lr =	sadd.s32 s0, s3;
	s0 =	sld [smem:$0x3FA0]  }
0x30: {  	s3 =	sld [smem:$0x3FA3]  }
0x31: {  	[smem:$0x3FAC] =	sst s10  }
0x32: {  	s10 =	sld [smem:$0x3FAA];
	_ =	sdelay $0x3  }
0x33: {  	p0 =	seq.s32 s10, $0x1;
	s10 =	sld [smem:$0x3FAC];
	_ =	sdelay $0x3  }
0x34: {  	[smem:$0x3FAC] =	sst s10  }
0x35: {  	s10 =	sld [smem:$0x3FAB];
	_ =	sdelay $0x3  }
0x36: {  	p1 =	seq.s32 s10, $0x1;
	s10 =	sld [smem:$0x3FAC];
	_ =	sdelay $0x3  }
0x37: {  	[smem:$0x3FAC] =	sst s10  }
0x38: {  	s10 =	sld [smem:$0x3FAD]  }
0x39: {  	_ = 	snop;
	(pc) =	sbr.ind lr, $3  }
0x3a: {  	_ = 	snop  }
0x3b: {  	_ = 	snop  }
0x3c: {  	p2 =	seq.s32 s10, $0x1;
	s10 =	sld [smem:$0x3FAC]  }
0x3d: {  	_ =	shalt  }
0x3e: {  	_ =	shalt  }
0x3f: {  	_ =	shalt  }
0x40: {  	_ =	shalt  }
0x41: {  	_ =	shalt  }
0x42: {  	_ =	shalt  }
0x43: {  	_ =	shalt  }
0x44: {  	_ =	shalt  }
0x45: {  	_ =	shalt  }
0x46: {  	_ =	shalt  }
0x47: {  	_ =	shalt  }
0x48: {  	_ =	shalt  }
0x49: {  	_ =	shalt  }
0x4a: {  	_ =	shalt  }
0x4b: {  	_ =	shalt  }
0x4c: {  	_ =	shalt  }
0x4d: {  	_ =	shalt  }
0x4e: {  	_ =	shalt  }
0x4f: {  	_ =	shalt  }
0x50: {  	_ =	shalt  }
0x51: {  	_ =	shalt  }
0x52: {  	_ =	shalt  }
0x53: {  	_ =	shalt  }
0x54: {  	_ =	shalt  }
0x55: {  	_ =	shalt  }
0x56: {  	_ =	shalt  }
0x57: {  	_ =	shalt  }
0x58: {  	_ =	shalt  }
0x59: {  	_ =	shalt  }
0x5a: {  	_ =	shalt  }
0x5b: {  	_ =	shalt  }
0x5c: {  	_ =	shalt  }
0x5d: {  	_ =	shalt  }
0x5e: {  	_ =	shalt  }
0x5f: {  	_ =	shalt  }
0x60: {  	_ =	shalt  }
0x61: {  	_ =	shalt  }
0x62: {  	_ =	shalt  }
0x63: {  	_ =	shalt  }
0x64: {  	_ =	shalt  }
0x65: {  	_ =	shalt  }
0x66: {  	_ =	shalt  }
0x67: {  	_ =	shalt  }
0x68: {  	_ =	shalt  }
0x69: {  	_ =	shalt  }
0x6a: {  	_ =	shalt  }
0x6b: {  	_ =	shalt  }
0x6c: {  	_ =	shalt  }
0x6d: {  	_ =	shalt  }
0x6e: {  	_ =	shalt  }
0x6f: {  	_ =	shalt  }
0x70: {  	_ =	shalt  }
0x71: {  	_ =	shalt  }
0x72: {  	_ =	shalt  }
0x73: {  	_ =	shalt  }
0x74: {  	_ =	shalt  }
0x75: {  	_ =	shalt  }
0x76: {  	_ =	shalt  }
0x77: {  	_ =	shalt  }
0x78: {  	_ =	shalt  }
0x79: {  	_ =	shalt  }
0x7a: {  	_ =	shalt  }
0x7b: {  	_ =	shalt  }
0x7c: {  	_ =	shalt  }
0x7d: {  	_ =	shalt  }
0x7e: {  	_ =	shalt  }
0x7f: {  	_ =	shalt  }
0x80: {  	_ =	shalt  }
0x81: {  	_ =	shalt  }
0x82: {  	_ =	shalt  }
0x83: {  	_ =	shalt  }
0x84: {  	_ =	shalt  }
0x85: {  	_ =	shalt  }
0x86: {  	_ =	shalt  }
0x87: {  	_ =	shalt  }
.Lfunc_end0:
.L_simem_size_0:
called_computation.5_lowered:
.L_overlay_start_0:
0x88: {  	s0 =	sld [smem:$0x3FD9]  }
0x89: {  	s1 =	sld [smem:$0x3FFE];
	_ =	sdelay $0x3  }
0x8a: {  	s0 =	sadd.s32 s1, s0  }
0x8b: {  	[smem:$0x3FB8] =	sst s0  }
0x8c: {  	_ = 	snop  }
0x8d: {  	(tm) =	ssettm $0x1  }
0x8e: {  	s15 =	sld [smem:$0x3FFB];
	_ =	sdelay $0x3  }
0x8f: {  	_ =	strace s15  }
0x90: {  	s0 =	sld [smem:$0x3FFC];
	_ =	sdelay $0x3  }
0x91: {  	_ =	strace s0  }
0x92: {  	s0 =	sld [smem:$0x3FFD];
	_ =	sdelay $0x3  }
0x93: {  	_ =	strace s0  }
0x94: {  	_ =	strace $0x8FFFFFFF  }
0x95: {  	s16 =	sld [smem:$0x3FDB];
	_ =	sdelay $0x1  }
0x96: {  	s17 =	simm.s32 $_scs_section_size  }
0x97: {  	s2 =	simm.s32 $_size__tile_overlayer_lowered;
	s3 =	simm.s32 $_tile_overlayer_lowered  }
0x98: {  	s20 =	simm.s32 $0x1BFF;
	s19 =	sshll.u32 s3, $0x1;
	s0 =	sadd.s32 s17, s16  }
0x99: {  	s4 =	simm.s32 $0x0;
	s18 =	sshll.u32 s2, $0x1;
	s2 =	sadd.s32 s19, s0  }
0x9a: {  	[timem:s4], [sflag:s20] =	dma.local [hbm:s2], s18  }
0x9b: {  	_ =	swait.ge [sflag:s20], s18  }
0x9c: {  	s1 =	ssub.s32 $0x0, s18;
	[sflag:s20] =	ssyncset.done $0x0  }
0x9d: {  	[sflag:s20] =	ssyncadd.s32 s1;
	_ =	sdelay $0x1  }
0x9e: {  	s21 =	simm.s32 $0x1B8B  }
0x9f: {  	_ =	swait.ge [sflag:s21], $0x1  }
0xa0: {  	[sflag:s21] =	ssyncset.done $0x0  }
0xa1: {  	s23 =	simm.s32 $0x1B8E;
	s22 =	sld [smem:$0x3FFE];
	[sflag:s21] =	ssyncadd.s32 $0xFFFFFFFF  }
0xa2: {  	s24 =	simm.s32 $execute0_lowered;
	[smem:$0x3FD2] =	sst s23  }
0xa3: {  	s2 =	sshll.u32 s24, $0x1;
	_ =	strace $0x8000005B;
	[dreg:$0x1] =	wrdreg $0xFFFFFFFF  }
0xa4: {  	s25 =	simm.s32 $_size_execute0_lowered;
	s0 =	sadd.s32 s0, s2;
	[dreg:$0x0] =	wrdreg $0x0  }
0xa5: {  	s2 =	sshll.u32 s25, $0x1;
	[dreg:$0x2] =	wrdreg s0  }
0xa6: {  	[dreg:$0x3] =	wrdreg s2  }
0xa7: {  	[dreg:$0x4] =	wrdreg $0xC0  }
0xa8: {  	_ =	task [dreg:s4], $0x5FFFF  }
0xa9: {  	[dreg:$0x1] =	wrdreg $0xFFFFFFFF  }
0xaa: {  	[dreg:$0x0] =	wrdreg $0x60  }
0xab: {  	[dreg:$0x2] =	wrdreg s22  }
0xac: {  	[dreg:$0x3] =	wrdreg $0x9  }
0xad: {  	_ =	task.clear_ibuf [dreg:s4], $0x4FFFF;
	_ =	strace $0x9000005B  }
0xae: {  	s26 =	simm.s32 $0x9;
	_ =	strace $0x8000005D  }
0xaf: {  	_ =	swait.ge [sflag:s26], $0x1  }
0xb0: {  	[sflag:s26] =	ssyncadd.s32 $0xFFFFFFFF  }
0xb1: {  	_ =	strace $0x9000005D  }
0xb2: {  	_ =	sfence  }
0xb3: {  	s28 =	sld [smem:$0x0];
	_ =	sdelay $0x1  }
0xb4: {  	s29 =	srdreg.scid  }
0xb5: {  	s30 =	sshll.u32 s29, $0xD;
	s31 =	sshrl.u32 s29, $0x2  }
0xb6: {  	s1 =	sand.u32 $0x1, s29;
	s2 =	sand.u32 $0x4000, s30;
	s0 =	sadd.s32 s31, s28  }
0xb7: {  	s1 =	sor.u32 s2, s1;
	s0 =	sshll.u32 s0, $0x11  }
0xb8: {  	s0 =	sor.u32 s0, s1  }
0xb9: {  	s0 =	sadd.s32 $0x8F2B, s0  }
0xba: {  	[sflag:s0] =	ssyncadd.remote.s32 $0x1  }
0xbb: {  	_ =	sfence.sel $0xFFFF  }
0xbc: {  	[dreg:$0x0] =	wrdreg $0xFFFFFFFF;
	(pc) =	sbr.abs _section_cstart, $3  }
0xbd: {  	[dreg:$0x1] =	wrdreg $0xFFFFFFFF  }
0xbe: {  	_ =	task.clear_ibuf [dreg:s4], $0x2FFFF;
	_ =	strace $0x9FFFFFFF  }
0xbf: {  	(tm) =	ssettm $0x7FFFFFFF  }
tec
execute0_lowered:
.L_overlay_start_1:
0x0: {  	(tag) =	ssettag $0x1  }
0x1: {  	s0 =	rddreg [dreg:$0x0];
	_ =	strace $0x8000005C;
	s15 =	stileid.u32  }
0x2: {  	s2 =	simm.s32 $0x1;
	s1 =	smin.u32 s15, $0x8;
	s3 =	sshll.u32 s15, $0x1  }
0x3: {  	v1 =	vimm.s32 $0xFFFFFFFF;
	[sflag:s2] =	ssyncpa.u1 $0x0;
	s1 =	sadd.s32 s1, s3  }
0x4: {  	p0 =	slt.u32 s15, $0x8;
	[tilespmem:$0x10] =	vst v1;
	s4 =	smul.u32 $0x1F40, s1;
	s1 =	simm.s32 $0x5DC0  }
0x5: {  	v0 =	vimm.f32 $0.0e+00;
	[tilespmem:$0x20] =	vst v1;
	s1 =	simm.s32 @!p0 $0x3E80  }
0x6: {  	[tilespmem:$0x30] =	vst v0;
	s1 =	sadd.s32 s1, s4  }
0x7: {  	[tilespmem:$0x40] =	vst v0;
	s5 =	smin.u32 s1, $0x4E200  }
0x8: {  	s7 =	simm.s32 $0x2;
	s8 =	simm.s32 $0x8;
	[tilespmem:$0x50] =	vst v0;
	s9 =	ssub.s32 s5, s4  }
0x9: {  	s31 =	simm.s32 $0x9;
	s16 =	simm.s32 $0x0;
	[tilespmem:$0x60] =	vst v1;
	p0 =	sgt.s32 s9, $0x0  }
0xa: {  	s17 =	simm.s32 $0xF0;
	s18 =	simm.s32 $0xFFFFFFFF;
	[tilespmem:$0x70] =	vst v1;
	s9 =	simm.s32 @!p0 $0x0  }
0xb: {  	s19 =	simm.s32 $0xFFFFC280;
	s20 =	simm.s32 $0xFFFFFFFE;
	[tilespmem:$0x80] =	vst v1;
	s30 =	smulhi.u32 $0x10624DD3, s9  }
0xc: {  	s21 =	simm.s32 $0xF;
	s25 =	simm.s32 $0x0;
	s24 =	simm.s32 $0x0;
	v1 =	vimm.s32 $0x0;
	[tilespmem:$0xB0] =	vst v0  }
0xd: {  	s6 =	sadd.s32 $0x1800, s0;
	s15 =	sshllo.u32 s15, $0x1;
	[tilespmem:$0x90] =	vst v1;
	s10 =	sshrl.u32 s30, $0x9  }
0xe: {  	[tilespmem:$0xA0] =	vst v1;
	[sflag:s7] =	ssyncpa.u1 $0x0;
	s7 =	simm.s32 $0x7;
	s11 =	smul.u32 $0x1F40, s10  }
.Ltmp0:
0xf: {  	s13 =	sor.u32 $0x80, s3;
	[sflag:s7] =	ssyncpa.u1 $0x0;
	(pc) =	sbr.rel .LBB2_1-.Ltmp0, $4  }
0x10: {  	s14 =	sor.u32 $0x81, s3;
	[sflag:s8] =	ssyncpa.u1 $0x0;
	p0 =	sne.s32 s9, s11  }
0x11: {  	s23 =	smov.u32 s4;
	s1 =	sadd.s32 $0x32E00, s0;
	s2 =	simm.s32 @!p0 $0x0  }
0x12: {  	vm0 =	vmmov $0xffff;
	v2 =	vlaneseq.u32;
	[sflag:s31] =	ssyncpa.u1 $0x0;
	s9 =	sadd.s32 $0xB600, s0;
	s10 =	sadd.s32 s2, s10  }
0x13: {  	vm1 =	vmxor vm1, vm1;
	vm2 =	vmmov $0x1;
	vm3 =	vcmask $0x3F3C;
	p0 =	por $0x0, $0x0;
	s11 =	sadd.s32 $0x1, s10;
	s12 =	sadd.s32 $0x2, s10  }
.LBB2_9:
0x14: {  	p1 =	slt.u32 s24, $0x3  }
0x15: {  	s0 =	simm.s32 @!p1 $0x2  }
0x16: {  	_ =	swait.ge @!p1 [sflag:s0], $0x1F40  }
0x17: {  	[sflag:s0] =	ssyncset.done @!p1 $0x0  }
0x18: {  	[sflag:s0] =	ssyncadd.s32 @!p1 $0xFFFFE0C0;
	s0 =	simm.s32 @!p1 $0x9  }
0x19: {  	_ =	swait.ge @!p1 [sflag:s0], $0x10  }
0x1a: {  	[sflag:s0] =	ssyncset.done @!p1 $0x0  }
0x1b: {  	[sflag:s0] =	ssyncadd.s32 @!p1 $0xFFFFFFF0;
	p1 =	sne.s32 s24, s12  }
.Ltmp1:
0x1c: {  	s2 =	sadd.s32 $0x1F40, s23;
	(pc) =	sbr.rel @!p1 .LBB2_10-.Ltmp1, $4  }
0x1d: {  	s22 =	smov.u32 s4;
	s31 =	sadd.s32 $0x1, s24;
	s17 =	sadd.s32 $0x1F40, s17  }
0x1e: {  	s18 =	sadd.s32 $0x1, s18;
	s25 =	smov.u32 s23;
	p2 =	slt.s32 s2, s5  }
0x1f: {  	p0 =	por !p0, !p0;
	s19 =	sadd.s32 $0x1F40, s19;
	s22 =	smov.u32 @p2 s2  }
0x20: {  	s20 =	sadd.s32 $0x1, s20;
	s23 =	smov.u32 s22;
	s24 =	smov.u32 s31  }
.LBB2_1:
0x21: {  	p1 =	sge.u32 s24, s10  }
0x22: {  	s0 =	smulhi.u32 @!p1 $0xAAAAAAAB, s24;
	_ =	sdelay $0x1  }
0x23: {  	s0 =	sshrl.u32 @!p1 s0, $0x1  }
0x24: {  	s0 =	smul.u32 @!p1 $0x3, s0;
	_ =	sdelay $0x1  }
0x25: {  	s0 =	ssub.s32 @!p1 s24, s0  }
0x26: {  	s0 =	smul.u32 @!p1 $0x7D00, s0;
	_ =	sdelay $0x1  }
0x27: {  	s2 =	sshrl.u32 @!p1 s23, $0x3;
	s0 =	sshrl.u32 @!p1 s0, $0x2  }
0x28: {  	s22 =	sand.u32 @!p1 $0x7, s23;
	s2 =	sadd.s32 @!p1 s6, s2;
	s0 =	sadd.s32 @!p1 $0x100, s0  }
0x29: {  	[tilespmem:s0], [sflag:$0x7] =	stream.linear.gather @!p1 [hbm4b:s2+s22], $0x1F40, $0x38;
	[tilespmem:$0x11A60] =	vst v63  }
0x2a: {  	s0 =	sadd.s32 $0xFFFFFFFF, s24  }
0x2b: {  	p1 =	sge.u32 s0, s10  }
.Ltmp2:
0x2c: {  	_ = 	snop;
	(pc) =	sbr.rel @p1 .LBB2_5-.Ltmp2, $1  }
0x2d: {  	_ =	sdelay $0x3  }
0x2e: {  	s2 =	smulhi.u32 $0xAAAAAAAB, s0;
	_ =	sdelay $0x1  }
0x2f: {  	s2 =	sshrl.u32 s2, $0x1  }
0x30: {  	s2 =	smul.u32 $0x3, s2;
	_ =	sdelay $0x1  }
0x31: {  	s2 =	ssub.s32 s0, s2  }
0x32: {  	s2 =	smul.u32 $0x7D00, s2  }
0x33: {  	_ =	swait.ge [sflag:s7], $0x1F40  }
0x34: {  	[sflag:s7] =	ssyncset.done $0x0;
	s2 =	sshrl.u32 s2, $0x2  }
0x35: {  	[sflag:s7] =	ssyncadd.s32 $0xFFFFE0C0;
	(ifvalue) =	ssetifvalue $0xFFFFFFFF;
	v3 =	vld.msk [tilespmem:s2+$0x100 ss:$0x1], $0xffff;
	_ =	sdelay $0x2  }
0x36: {  	s30 =	smulhi.u32 $0xAAAAAAAB, s18;
	p1 =	sne.s32 s24, $0x1  }
0x37: {  	v4 =	vimm.s32 @!p1 $0x0  }
0x38: {  	s2 =	sshrl.u32 s30, $0x1;
	v4 =	vperm.xlane @!p1 v3, v4  }
0x39: {  	s22 =	sshll.u32 s24, $0x4;
	s2 =	smul.u32 $0xFFFE8900, s2;
	vm4 =	vlt.u32 v3, $0x2800  }
0x3a: {  	s22 =	sand.u32 $0x10, s22;
	v3 =	vnsel vm4, $0xFFFFFFFE, v3;
	vm4 =	vlt.u32 @!p1 v4, $0x2800  }
0x3b: {  	s2 =	sshra.s32 s2, $0x2;
	[tilespmem:s22+$0x60] =	vst v3;
	v3 =	vnsel @!p1 vm4, $0xFFFFFFFE, v4  }
0x3c: {  	s28 =	sadd.s32 s2, s17;
	[tilespmem:$0x80] =	vst @!p1 v3  }
0x3d: {  	v3 =	vld.msk [tilespmem:s28+$0x0 ss:$0x1], $0xffff;
	_ =	sdelay $0x4  }
0x3e: {  	(xrf1) =	vunique.msk.u32 $0xffff, v3;
	_ =	sdelay $0xd  }
0x3f: {  	v4 =	vimm.s32 $0xFFFFFFFF;
	v5, _, _ =	vpop (xrf1)  }
0x40: {  	vm5 =	vne.s32 v3, v4;
	vm4 =	veq.s32 v5, v2  }
0x41: {  	vm6 =	vlt.u32 v3, $0x2800;
	vm4 =	vmand vm5, vm4  }
0x42: {  	vm4 =	vmand vm6, vm4  }
0x43: {  	v4 =	vnsel vm4, $0xFFFFFFFF, v3  }
0x44: {  	s31 =	sand.u32 $0x1, s0  }
0x45: {  	s0 =	simm.s32 $0x1F40;
	p1 =	seq.s32 s31, $0x1  }
0x46: {  	s0 =	simm.s32 @!p1 $0x0  }
0x47: {  	s26 =	sadd.s32 $0x7DF0, s0;
	(ifvalue) =	ssetifvalue $0xFFFFFFFF  }
0x48: {  	v3 =	vperm.xlane v3, v1;
	[tilespmem:s26], [sflag:$0x8] =	stream.indirect_vreg.gather [hbm4b:s1+s16], $0x1, v4, vm0, $0x4038;
	v4 =	vnsel vm6, $0xFFFFFFFE, v4;
	[tilespmem:$0x11A60] =	vst v63  }
0x49: {  	s2 =	simm.s32 $0x0;
	s22 =	sadd.s32 $0xFFFFFFF0, s28;
	[tilespmem:s28+$0x0] =	vst v4  }
.LBB2_3:
0x4a: {  	v4 =	vld.msk [tilespmem:s22+$0x0 ss:$0x1], $0xffff;
	s2 =	sadd.s32 $0x10, s2;
	v5 =	vmov v3;
	s28 =	smov.u32 s22  }
0x4b: {  	p1 =	slt.u32 s2, $0x1F30;
	_ =	sdelay $0x4  }
0x4c: {  	v3 =	vperm.xlane v4, v1;
	(xrf1) =	vunique.msk.u32 $0xffff, v4;
	_ =	sdelay $0xd  }
0x4d: {  	v6, _, _ =	vpop (xrf1)  }
0x4e: {  	vm5 =	vne.s32 v4, v5;
	vm4 =	veq.s32 v6, v2  }
0x4f: {  	vm6 =	vlt.u32 v4, $0x2800;
	vm4 =	vmand vm5, vm4  }
0x50: {  	vm4 =	vmand vm6, vm4  }
0x51: {  	v4 =	vnsel vm4, $0xFFFFFFFF, v4  }
.Ltmp3:
0x52: {  	v5 =	vnsel vm6, $0xFFFFFFFE, v4;
	(pc) =	sbr.rel @p1 .LBB2_3-.Ltmp3, $3  }
0x53: {  	_ =	sdelay $0x1  }
0x54: {  	s22 =	sadd.s32 $0xFFFFFFF0, s22;
	s26 =	sadd.s32 $0xFFFFFFF0, s26;
	(ifvalue) =	ssetifvalue $0xFFFFFFFF  }
0x55: {  	[tilespmem:s26], [sflag:$0x8] =	stream.indirect_vreg.gather [hbm4b:s1+s16], $0x1, v4, vm0, $0x4038;
	[tilespmem:s28+$0x0] =	vst v5  }
0x56: {  	s2 =	sshrl.u32 s25, $0x3  }
0x57: {  	s0 =	sadd.s32 $0x9D40, s0;
	s2 =	sadd.s32 s9, s2  }
0x58: {  	[tilespmem:s0], [sflag:$0x8] =	stream.linear.gather [hbm:s2], $0x1F40, $0x38;
	[tilespmem:$0x11A60] =	vst v63  }
.LBB2_5:
0x59: {  	p1 =	slt.u32 s24, $0x2  }
0x5a: {  	p2 =	sge.u32 @!p1 s24, s12  }
0x5b: {  	p1 =	por p1, p2  }
.Ltmp4:
0x5c: {  	_ = 	snop;
	(pc) =	sbr.rel @p1 .LBB2_9-.Ltmp4, $1  }
0x5d: {  	_ =	sdelay $0x3  }
0x5e: {  	s0 =	sadd.s32 $0xFFFFFFFE, s24  }
0x5f: {  	s2 =	smulhi.u32 $0xAAAAAAAB, s0;
	_ =	sdelay $0x1  }
0x60: {  	s2 =	sshrl.u32 s2, $0x1  }
0x61: {  	s2 =	smul.u32 $0x3, s2;
	_ =	sdelay $0x1  }
0x62: {  	s0 =	ssub.s32 s0, s2  }
0x63: {  	_ =	swait.ge [sflag:s8], $0x3E80;
	s0 =	smul.u32 $0x1F40, s0  }
0x64: {  	p1 =	sne.s32 s24, s11;
	[sflag:s8] =	ssyncset.done $0x0  }
0x65: {  	[sflag:s8] =	ssyncadd.s32 $0xFFFFC180;
	s2 =	sadd.s32 @!p1 $0x203F, s0  }
0x66: {  	[spmem:s14] =	stream.linear.scatter @!p1 [tilespmem:s2], [sflag:$0x1], $0x1, $0x38;
	[tilespmem:$0x11A60] =	vst v63  }
0x67: {  	s2 =	simm.s32 @!p1 $0x1  }
0x68: {  	_ =	swait.ge @!p1 [sflag:s2], $0x1  }
0x69: {  	s22 =	sshll.u32 s24, $0x4;
	[sflag:s2] =	ssyncset.done @!p1 $0x0  }
0x6a: {  	s25 =	sand.u32 $0x10, s22;
	[sflag:s2] =	ssyncadd.s32 @!p1 $0xFFFFFFFF  }
0x6b: {  	s2 =	sxor.u32 $0x10, s25;
	v4 =	vld [tilespmem:s25+$0x10]  }
0x6c: {  	v5 =	vld [tilespmem:s2+$0x60]  }
0x6d: {  	v3 =	vld [tilespmem:$0x80];
	_ =	sdelay $0x2  }
0x6e: {  	(v2sf) =	vpush v4, $0x0  }
0x6f: {  	(v2sf) =	vpush v5, $0x0  }
0x70: {  	(v2sf) =	vpush v3, $0x0;
	_ =	sdelay $0xc  }
0x71: {  	s22 =	spop (v2sf)  }
0x72: {  	s26 =	spop (v2sf)  }
0x73: {  	s28 =	spop (v2sf)  }
0x74: {  	p2 =	seq.s32 s22, s26;
	p3 =	seq.s32 s28, s22  }
0x75: {  	p3 =	por p2, p3  }
0x76: {  	s26 =	sand.u32 $0x1, s24;
	v4 =	vpsel p3, $0xFFFFFFFF, v4  }
0x77: {  	s29 =	smul.u32 $0x1F40, s26;
	[tilespmem:s25+$0x10] =	vst.msk $0x1, v4  }
0x78: {  	v4 =	vld [tilespmem:$0x30]  }
0x79: {  	v5 =	vld [tilespmem:s29+$0x9D40]  }
0x7a: {  	v6 =	vld [tilespmem:s25+$0x40];
	_ =	sdelay $0x3  }
0x7b: {  	vm4 =	vmmov vm1;
	v5 =	vadd.f32 v5, v4  }
0x7c: {  	vm5 =	vmmov vm2;
	vm4 =	vmmov @p2 vm2;
	s22 =	sshll.u32 s26, $0x4;
	v4 =	vadd.f32 v6, v4  }
0x7d: {  	s26 =	sor.u32 $0x11A40, s22;
	vm5 =	vmmov @p3 vm1;
	[tilespmem:s29+$0x9D40] =	vst.msk vm4, v5  }
0x7e: {  	[tilespmem:s26+$0x0] =	vst.msk vm5, v4  }
0x7f: {  	v4 =	vld [tilespmem:s29+$0x7DF0];
	_ =	sdelay $0x3  }
0x80: {  	v5 =	vimm.f32 $0.0e+00  }
0x81: {  	v4 =	vshift.insert v4, v5, s21  }
0x82: {  	s22 =	sor.u32 $0x40, s2  }
0x83: {  	[tilespmem:s22+$0x0] =	vst.msk $0x1, v4  }
0x84: {  	[tilespmem:s29+$0x7DFF] =	vst.msk $0x1, v5  }
0x85: {  	v4 =	vld [tilespmem:s0+$0x2030];
	_ =	sdelay $0x1  }
0x86: {  	s22 =	smulhi.u32 $0xAAAAAAAB, s20;
	s0 =	simm.s32 $0x1  }
0x87: {  	s0 =	simm.s32 @!p0 $0x0  }
0x88: {  	s22 =	sshrl.u32 s22, $0x1;
	s0 =	smul.u32 $0x7D00, s0  }
0x89: {  	s22 =	smul.u32 $0xFFFE8900, s22;
	v4 =	vshift.insert v4, v1, s21  }
0x8a: {  	s0 =	sshrl.u32 s0, $0x2  }
0x8b: {  	s22 =	sshra.s32 s22, $0x2;
	s30 =	sadd.s32 $0x9D40, s0;
	[tilespmem:s2+$0x10] =	vst.msk $0x1, v4  }
0x8c: {  	s22 =	sadd.s32 s22, s19;
	v6 =	vld [tilespmem:s30+$0x0]  }
0x8d: {  	v7 =	vld [tilespmem:s22+$0x0];
	_ =	sdelay $0x3  }
0x8e: {  	v5 =	vadd.f32 v6, v5  }
0x8f: {  	vm4 =	vne.s32 v7, $0xFFFFFFFF  }
0x90: {  	(xrf2) =	vadd.seg.scan.f32 vm4, v5;
	_ =	sdelay $0x3  }
0x91: {  	s31 =	sadd.s32 $0x5EC0, s0;
	v5 =	vperm.xlane v4, v1  }
0x92: {  	v6 =	vld [tilespmem:s31+$0x0]  }
0x93: {  	vm5 =	veq.s32 v7, v3;
	vm6 =	veq.s32 v7, v5  }
0x94: {  	vm7 =	vgt.u32 v7, $0xFFFFFFFD;
	vm6 =	vmor vm6, vm5  }
0x95: {  	vm6 =	vmor vm6, vm7  }
0x96: {  	v9 =	vld [tilespmem:$0xA0];
	v7 =	vsel vm6, $0xFFFFFFFF, v7  }
0x97: {  	v10 =	vld [tilespmem:$0x90];
	v6 =	vsel vm5, $0x0, v6;
	v8, _, _ =	vpop (xrf2)  }
0x98: {  	v6 =	vadd.f32 v8, v6  }
0x99: {  	s0 =	sadd.s32 $0xDBC0, s0  }
0x9a: {  	vm4 =	vmand vm4, vm3;
	[tilespmem:s0+$0x0] =	vst v6;
	(ifvalue) =	ssetifvalue $0xFFFFFFFF  }
0x9b: {  	vm6 =	veq.s32 v9, $0x1;
	[hbm4b:s1+s16] =	stream.indirect_vreg.scatter [tilespmem:s0], [sflag:$0x2], $0x1, v7, vm0, $0x4038;
	v7 =	vsel vm4, $0x0, v8;
	[tilespmem:$0x11A60] =	vst v63  }
0x9c: {  	s2 =	simm.s32 $0x0;
	s22 =	sadd.s32 $0x10, s22;
	vm4 =	vmor vm6, vm5;
	v6 =	vsel vm5, v8, v10;
	v7 =	vshift.insert v7, v0, s21  }
.LBB2_7:
0x9d: {  	v8 =	vld [tilespmem:s22+$0x0];
	s30 =	sadd.s32 $0x10, s30  }
0x9e: {  	s31 =	sadd.s32 $0x10, s31;
	v9 =	vld [tilespmem:s30+$0x0]  }
0x9f: {  	s2 =	sadd.s32 $0x10, s2;
	v10 =	vld [tilespmem:s31+$0x0]  }
0xa0: {  	p2 =	slt.u32 s2, $0x1F30;
	_ =	sdelay $0x2  }
0xa1: {  	v7 =	vadd.f32 v9, v7  }
0xa2: {  	vm5 =	vne.s32 v8, $0xFFFFFFFF  }
0xa3: {  	vm6 =	vmand vm5, vm3;
	(xrf2) =	vadd.seg.scan.f32 vm5, v7;
	_ =	sdelay $0x5  }
0xa4: {  	vm7 =	veq.s32 v8, v5;
	vm5 =	veq.s32 v8, v3  }
0xa5: {  	vm8 =	vgt.u32 v8, $0xFFFFFFFD;
	vm4 =	vmor vm4, vm5;
	vm7 =	vmor vm7, vm5  }
0xa6: {  	vm7 =	vmor vm7, vm8  }
0xa7: {  	v8 =	vsel vm7, $0xFFFFFFFF, v8  }
.Ltmp5:
0xa8: {  	v7 =	vsel vm5, $0x0, v10;
	v9, _, _ =	vpop (xrf2);
	(pc) =	sbr.rel @p2 .LBB2_7-.Ltmp5, $4  }
0xa9: {  	v6 =	vsel vm5, v9, v6;
	v10 =	vadd.f32 v9, v7;
	v7 =	vsel vm6, $0x0, v9  }
0xaa: {  	s0 =	sadd.s32 $0x10, s0;
	v7 =	vshift.insert v7, v0, s21  }
0xab: {  	s22 =	sadd.s32 $0x10, s22;
	[tilespmem:s0+$0x0] =	vst v10;
	(ifvalue) =	ssetifvalue $0xFFFFFFFF  }
0xac: {  	[hbm4b:s1+s16] =	stream.indirect_vreg.scatter [tilespmem:s0], [sflag:$0x2], $0x1, v8, vm0, $0x4038;
	[tilespmem:$0x11A60] =	vst v63  }
0xad: {  	v3 =	vld [tilespmem:s29+$0xFAF0];
	_ =	sdelay $0x4  }
0xae: {  	v3 =	vshift.insert v3, v0, s21  }
0xaf: {  	s0 =	simm.s32 $0x30  }
0xb0: {  	[tilespmem:s0+$0x0] =	vst.msk $0x1, v3  }
0xb1: {  	v3 =	vsel vm4, $0x1, v1;
	[tilespmem:$0x90] =	vst v6  }
0xb2: {  	s0 =	sadd.s32 @!p1 $0xFAFF, s29;
	[tilespmem:$0xA0] =	vst v3  }
0xb3: {  	[spmem:s15] =	stream.linear.scatter @!p1 [tilespmem:s0], [sflag:$0x1], $0x1, $0x38;
	[tilespmem:$0x11A60] =	vst v63  }
0xb4: {  	s0 =	simm.s32 @!p1 $0x1  }
0xb5: {  	v3 =	vmctz.xlane @!p1 vm4;
	_ =	swait.ge @!p1 [sflag:s0], $0x1  }
0xb6: {  	(v2sf) =	vpush @!p1 v4, $0x0  }
0xb7: {  	(v2sf) =	vpush @!p1 v3, $0x0;
	_ =	sdelay $0xd  }
0xb8: {  	s2 =	spop @!p1 (v2sf)  }
0xb9: {  	s22 =	spop @!p1 (v2sf)  }
0xba: {  	p2 =	sne.s32 @!p1 s28, s2;
	p3 =	slt.s32 @!p1 s22, $0xF  }
0xbb: {  	[sflag:s0] =	ssyncset.done @!p1 $0x0;
	p2 =	por p2, p1;
	p3 =	por !p3, p1  }
0xbc: {  	[sflag:s0] =	ssyncadd.s32 @!p1 $0xFFFFFFFF;
	v3 =	vimm.s32 @!p2 $0xFFFFFFFF;
	s22 =	simm.s32 @p3 $0xF  }
0xbd: {  	[tilespmem:$0x80] =	vst @!p2 v3;
	s2 =	sadd.s32 @!p1 $0x90, s22  }
0xbe: {  	[spmem:s3] =	stream.linear.scatter @!p1 [tilespmem:s2], [sflag:$0x1], $0x1, $0x38;
	[tilespmem:$0x11A60] =	vst v63  }
0xbf: {  	_ =	swait.ge @!p1 [sflag:s0], $0x1  }
0xc0: {  	[sflag:s0] =	ssyncset.done @!p1 $0x0  }
0xc1: {  	s2 =	simm.s32 @!p1 $0x80;
	[sflag:s0] =	ssyncadd.s32 @!p1 $0xFFFFFFFF  }
0xc2: {  	[spmem:s13] =	stream.linear.scatter @!p1 [tilespmem:s2], [sflag:$0x1], $0x1, $0x38;
	[tilespmem:$0x11A60] =	vst v63  }
0xc3: {  	_ =	swait.ge @!p1 [sflag:s0], $0x1  }
0xc4: {  	[sflag:s0] =	ssyncset.done @!p1 $0x0  }
0xc5: {  	[sflag:s0] =	ssyncadd.s32 @!p1 $0xFFFFFFFF;
	(ifvalue) =	ssetifvalue $0xFFFFFFFF;
	v3 =	vld [tilespmem:s25+$0x10];
	_ =	sdelay $0x3  }
.Ltmp6:
0xc6: {  	_ = 	snop;
	(pc) =	sbr.rel .LBB2_9-.Ltmp6, $3  }
0xc7: {  	_ =	sdelay $0x1  }
0xc8: {  	(ifvalue) =	ssetifvalue $0xFFFFFFFF  }
0xc9: {  	[hbm4b:s1+s16] =	stream.indirect_vreg.scatter [tilespmem:s26], [sflag:$0x9], $0x1, v3, vm0, $0x4038;
	[tilespmem:$0x11A60] =	vst v63  }
.LBB2_10:
0xca: {  	_ =	sfence.sel $0x180000  }
0xcb: {  	s0 =	simm.s32 $0x7;
	[bflag:$0x0] =	sbarrier.arrive $0xFFFF  }
0xcc: {  	s26 =	simm.s32 $0x8;
	[sflag:s0] =	ssyncpa.u1 $0x1  }
0xcd: {  	s28 =	simm.s32 $0x9;
	[sflag:s26] =	ssyncpa.u1 $0x1  }
0xce: {  	[sflag:s28] =	ssyncpa.u1 $0x1  }
0xcf: {  	_ =	sfence.stream.spmem  }
0xd0: {  	s29 =	simm.s32 $0x3;
	[bflag:$0x0] =	sbarrier.arrive $0xFFFF  }
0xd1: {  	s30 =	simm.s32 $0x4;
	[sflag:s29] =	ssyncpa.u1 $0x1  }
0xd2: {  	s31 =	simm.s32 $0x3C;
	s2 =	stileid.u32;
	[sflag:s30] =	ssyncpa.u1 $0x1  }
0xd3: {  	p0 =	sne.s32 s2, $0x0;
	[sflag:s31] =	ssyncpa.u1 $0x1  }
0xd4: {  	s0 =	simm.s32 @p0 $0x1;
	_ =	sfence @p0  }
0xd5: {  	[sflag:s0] =	ssyncpa.u1 @p0 $0x1;
	s0 =	simm.s32 @p0 $0x2  }
0xd6: {  	[sflag:s0] =	ssyncpa.u1 @p0 $0x1  }
0xd7: {  	_ =	strace @p0 $0x9000005C  }
0xd8: {  	[bflag:$0x2] =	sbarrier.arrive @p0 $0xFFFF  }
0xd9: {  	_ =	shalt @p0  }
.LBB2_11:
0xda: {  	_ =	sfence.stream.spmem;
	s0 =	simm.s32 $0x5  }
0xdb: {  	s2 =	simm.s32 $0x80;
	s3 =	simm.s32 $0xC0;
	[sflag:s0] =	ssyncpa.u1 $0x0  }
0xdc: {  	[tilespmem:s3], [sflag:$0x5] =	stream.linear.gather [spmem:s2], $0x20, $0x38;
	[tilespmem:$0x11A60] =	vst v63  }
0xdd: {  	s2 =	simm.s32 $0x0;
	s3 =	simm.s32 $0xE0  }
0xde: {  	[tilespmem:s3], [sflag:$0x5] =	stream.linear.gather [spmem:s2], $0x20, $0x38;
	[tilespmem:$0x11A60] =	vst v63  }
.Ltmp7:
0xdf: {  	_ = 	snop;
	(pc) =	sbr.rel .LBB2_12-.Ltmp7, $4  }
0xe0: {  	_ =	swait.ge [sflag:s0], $0x40  }
0xe1: {  	[sflag:s0] =	ssyncset.done $0x0  }
0xe2: {  	s31 =	simm.s32 $0x6;
	[sflag:s0] =	ssyncadd.s32 $0xFFFFFFC0  }
0xe3: {  	s4 =	simm.s32 $0x0;
	[sflag:s31] =	ssyncpa.u1 $0x0  }
.LBB2_17:
0xe4: {  	p0 =	sgt.u32 s5, $0x27FF  }
0xe5: {  	s0 =	sshrl.u32 @!p0 s5, $0x3  }
0xe6: {  	s5 =	sand.u32 @!p0 $0x7, s5;
	s6 =	simm.s32 @!p0 $0xB0;
	s0 =	sadd.s32 @!p0 s1, s0  }
0xe7: {  	[tilespmem:s6], [sflag:$0x6] =	stream.linear.gather @!p0 [hbm4b:s0+s5], $0x1, $0x38;
	[tilespmem:$0x11A60] =	vst v63  }
0xe8: {  	s0 =	simm.s32 @!p0 $0x6  }
0xe9: {  	_ =	swait.ge @!p0 [sflag:s0], $0x1  }
0xea: {  	[sflag:s0] =	ssyncset.done @!p0 $0x0  }
0xeb: {  	[sflag:s0] =	ssyncadd.s32 @!p0 $0xFFFFFFFF  }
0xec: {  	v2 =	vmov @!p0 s4;
	v1 =	vld.msk @!p0 [tilespmem:$0xB0], $0x1;
	_ =	sdelay $0x3  }
0xed: {  	s0 =	simm.s32 @!p0 $0xE0  }
0xee: {  	[tilespmem:v2+s0+$0x0], v1 =	vst.idx.ret.add.f32.msk @!p0 $0x1, v1  }
0xef: {  	[tilespmem:s2+$0xC0] =	vst.msk $0x1, v0  }
0xf0: {  	v0 =	vld.msk [tilespmem:s4+$0xE0], $0x1;
	_ =	sdelay $0x4  }
0xf1: {  	[tilespmem:s2+$0xE0] =	vst.msk $0x1, v0;
	s2 =	sadd.s32 $0x1, s2  }
.LBB2_19:
0xf2: {  	s4 =	sadd.s32 $0x1, s4  }
0xf3: {  	p0 =	sne.s32 s4, $0x20  }
.Ltmp8:
0xf4: {  	_ = 	snop;
	(pc) =	sbr.rel @!p0 .LBB2_20-.Ltmp8, $1  }
0xf5: {  	_ =	sdelay $0x3  }
.LBB2_12:
0xf6: {  	v0 =	vld.msk [tilespmem:s4+$0xC0], $0x1;
	_ =	sdelay $0x4  }
0xf7: {  	(v2sf) =	vpush v0, $0x0;
	_ =	sdelay $0xe  }
0xf8: {  	s5 =	spop (v2sf)  }
0xf9: {  	p0 =	seq.s32 s5, $0xFFFFFFFF  }
.Ltmp9:
0xfa: {  	_ = 	snop;
	(pc) =	sbr.rel @p0 .LBB2_19-.Ltmp9, $1  }
0xfb: {  	_ =	sdelay $0x3  }
0xfc: {  	p0 =	slt.s32 s2, $0x1  }
.Ltmp10:
0xfd: {  	_ = 	snop;
	(pc) =	sbr.rel @p0 .LBB2_17-.Ltmp10, $1  }
0xfe: {  	_ =	sdelay $0x3  }
0xff: {  	s0 =	simm.s32 $0xC0;
	p0 =	por $0x0, $0x0  }
0x100: {  	v1 =	vld.msk @!p0 [tilespmem:s0+$0x0], $0x1;
	_ =	sdelay $0x4  }
0x101: {  	(v2sf) =	vpush @!p0 v1, $0x0;
	_ =	sdelay $0xd  }
0x102: {  	p2 =	sne.s32 s2, $0x1  }
.Ltmp11:
0x103: {  	s6 =	spop @!p0 (v2sf);
	(pc) =	sbr.rel @!p2 .LBB2_16-.Ltmp11, $4  }
0x104: {  	p1 =	seq.s32 @!p0 s5, s6  }
0x105: {  	s6 =	simm.s32 $0x0;
	p1 =	por !p1, p0  }
0x106: {  	s8 =	simm.s32 $0xFFFFFFFF;
	s6 =	simm.s32 @p1 $0xFFFFFFFF  }
0x107: {  	s7 =	simm.s32 $0x1;
	s6 =	smov.u32 @p0 s8  }
.LBB2_15:
0x108: {  	s8 =	smov.u32 s6;
	p0 =	sne.s32 s6, $0xFFFFFFFF  }
0x109: {  	s0 =	sadd.s32 $0x1, s0;
	s6 =	smov.u32 s7;
	s7 =	sadd.s32 $0x1, s7  }
0x10a: {  	p1 =	sne.s32 s2, s7;
	v1 =	vld.msk @!p0 [tilespmem:s0+$0x0], $0x1;
	_ =	sdelay $0x4  }
0x10b: {  	(v2sf) =	vpush @!p0 v1, $0x0;
	_ =	sdelay $0xe  }
.Ltmp12:
0x10c: {  	s9 =	spop @!p0 (v2sf);
	(pc) =	sbr.rel @p1 .LBB2_15-.Ltmp12, $4  }
0x10d: {  	p2 =	seq.s32 @!p0 s5, s9  }
0x10e: {  	p2 =	por !p2, p0  }
0x10f: {  	s6 =	simm.s32 @p2 $0xFFFFFFFF  }
0x110: {  	s6 =	smov.u32 @p0 s8  }
.LBB2_16:
0x111: {  	p0 =	sne.s32 s6, $0xFFFFFFFF  }
.Ltmp13:
0x112: {  	_ = 	snop;
	(pc) =	sbr.rel @!p0 .LBB2_17-.Ltmp13, $1  }
0x113: {  	_ =	sdelay $0x3  }
0x114: {  	v0 =	vld.msk [tilespmem:s4+$0xE0], $0x1;
	v1 =	vmov s6  }
.Ltmp14:
0x115: {  	_ = 	snop;
	(pc) =	sbr.rel .LBB2_19-.Ltmp14, $2  }
0x116: {  	_ =	sdelay $0x2  }
0x117: {  	[tilespmem:v1+s3+$0x0], v0 =	vst.idx.ret.add.f32.msk $0x1, v0  }
.LBB2_20:
0x118: {  	p0 =	slt.s32 s2, $0x1  }
.Ltmp15:
0x119: {  	_ = 	snop;
	(pc) =	sbr.rel @p0 .LBB2_24-.Ltmp15, $3  }
0x11a: {  	_ =	sdelay $0x1  }
0x11b: {  	s0 =	simm.s32 $0x6  }
0x11c: {  	s3 =	simm.s32 $0x0;
	[sflag:s0] =	ssyncpa.u1 $0x1  }
0x11d: {  	s0 =	simm.s32 $0xC0  }
0x11e: {  	v0 =	vld.msk [tilespmem:s0+$0x0], $0x1;
	_ =	sdelay $0x4  }
0x11f: {  	(v2sf) =	vpush v0, $0x0;
	_ =	sdelay $0xe  }
0x120: {  	s2 =	sadd.s32 $0xFFFFFFFF, s2;
	s4 =	spop (v2sf)  }
0x121: {  	p1 =	sne.s32 s2, $0x0;
	p0 =	sgt.u32 s4, $0x27FF  }
.Ltmp16:
0x122: {  	s5 =	sshrl.u32 @!p0 s4, $0x3;
	(pc) =	sbr.rel @!p1 .LBB2_23-.Ltmp16, $4  }
0x123: {  	s0 =	simm.s32 $0xE0;
	s4 =	sand.u32 @!p0 $0x7, s4;
	s5 =	sadd.s32 @!p0 s1, s5  }
0x124: {  	[hbm4b:s5+s4] =	stream.linear.scatter @!p0 [tilespmem:s0], [sflag:$0x5], $0x1, $0x38;
	[tilespmem:$0x11A60] =	vst v63  }
0x125: {  	s5 =	simm.s32 $0x0  }
0x126: {  	s4 =	simm.s32 $0xC1;
	s5 =	simm.s32 @!p0 $0x4  }
.LBB2_22:
0x127: {  	v0 =	vld.msk [tilespmem:s4+$0x0], $0x1;
	s2 =	sadd.s32 $0xFFFFFFFF, s2;
	s3 =	sadd.s32 s3, s5  }
0x128: {  	p0 =	sne.s32 s2, $0x0;
	_ =	sdelay $0x3  }
0x129: {  	(v2sf) =	vpush v0, $0x0;
	_ =	sdelay $0xe  }
.Ltmp17:
0x12a: {  	s6 =	spop (v2sf);
	(pc) =	sbr.rel @p0 .LBB2_22-.Ltmp17, $4  }
0x12b: {  	s5 =	simm.s32 $0x0;
	p1 =	sgt.u32 s6, $0x27FF  }
0x12c: {  	s0 =	sadd.s32 $0x1, s0;
	s5 =	simm.s32 @!p1 $0x4;
	s7 =	sshrl.u32 @!p1 s6, $0x3  }
0x12d: {  	s4 =	sadd.s32 $0x1, s4;
	s6 =	sand.u32 @!p1 $0x7, s6;
	s7 =	sadd.s32 @!p1 s1, s7  }
0x12e: {  	[hbm4b:s7+s6] =	stream.linear.scatter @!p1 [tilespmem:s0], [sflag:$0x5], $0x1, $0x38;
	[tilespmem:$0x11A60] =	vst v63  }
.LBB2_23:
0x12f: {  	s0 =	sadd.s32 s3, s5  }
0x130: {  	s3 =	sshrl.u32 s0, $0x2  }
.LBB2_24:
0x131: {  	s0 =	simm.s32 $0x5  }
0x132: {  	_ =	swait.ge [sflag:s0], s3  }
0x133: {  	s1 =	ssub.s32 $0x0, s3;
	[sflag:s0] =	ssyncset.done $0x0  }
0x134: {  	[sflag:s0] =	ssyncadd.s32 s1  }
0x135: {  	[sflag:s0] =	ssyncpa.u1 $0x1  }
0x136: {  	s29 =	simm.s32 $0x1;
	_ =	sfence  }
0x137: {  	s30 =	simm.s32 $0x2;
	[sflag:s29] =	ssyncpa.u1 $0x1  }
0x138: {  	[sflag:s30] =	ssyncpa.u1 $0x1  }
0x139: {  	_ =	strace $0x9000005C  }
0x13a: {  	[bflag:$0x2] =	sbarrier.arrive $0xFFFF  }
0x13b: {  	s31 =	rddreg [dreg:$0x1]  }
0x13c: {  	s0 =	sadd.s32 $0x100000, s31  }
0x13d: {  	[sflag:s0] =	ssyncadd.tile.s32 $0x1;
	_ =	shalt  }
.Lfunc_end2:
_tile_overlayer_lowered:
.L_overlay_start_2:
0x13e: {  	(tag) =	ssettag $0x2  }
0x13f: {  	s0 =	rddreg [dreg:$0x0];
	s2 =	stileid.u32  }
0x140: {  	s1 =	rddreg [dreg:$0x1];
	p0 =	sne.s32 s2, $0x0  }
0x141: {  	s3 =	rddreg [dreg:$0x2];
	[bflag:$0x3] =	sbarrier.arrive $0xFFFF;
	s2 =	simm.s32 @!p0 $0x1C01  }
0x142: {  	[timem:s3], [sflag:s2] =	dma.local @!p0 [hbm:s0], s1  }
0x143: {  	s0 =	simm.s32 @!p0 $0x1  }
0x144: {  	_ =	swait.ge @!p0 [sflag:s0], s1  }
0x145: {  	s1 =	ssub.s32 @!p0 $0x0, s1;
	[sflag:s0] =	ssyncset.done @!p0 $0x0  }
0x146: {  	[sflag:s0] =	ssyncadd.s32 @!p0 s1  }
0x147: {  	[bflag:$0x3] =	sbarrier.arrive $0xFFFF  }
0x148: {  	_ =	shalt  }

// kernel: scatter_offload_async_start.6
scs
__scs_entry_jumppad:
0x0: {  	(pc) =	sbr.rel $0x88, $3  }
0x1: {  	(tag) =	ssettag $0x0;
	lr =	simm.s32 $0x1  }
0x2: {  	[smem:$0x3F91] =	sst lr;
	_ =	strace $0xD0000000  }
0x3: {  	_ = 	snop  }
0x4: {  	_ = 	snop  }
0x5: {  	_ = 	snop  }
0x6: {  	_ = 	snop  }
0x7: {  	_ = 	snop  }
__scs_overlays_trampoline_lowered:
0x8: {  	[smem:$0x3FA0] =	sst s0  }
0x9: {  	[smem:$0x3FA1] =	sst s1  }
0xa: {  	[smem:$0x3FA2] =	sst s2  }
0xb: {  	[smem:$0x3FA3] =	sst s3  }
0xc: {  	[smem:$0x3FA4] =	sst s4  }
0xd: {  	[smem:$0x3FA5] =	sst s5  }
0xe: {  	[smem:$0x3FA6] =	sst s6  }
0xf: {  	[smem:$0x3FA7] =	sst s7  }
0x10: {  	[smem:$0x3FA8] =	sst s8  }
0x11: {  	[smem:$0x3FA9] =	sst s9;
	s0 =	simm.s32 @!p0 $0x0  }
0x12: {  	s1 =	sld [smem:$0x3F8F];
	s0 =	simm.s32 @p0 $0x1  }
0x13: {  	[smem:$0x3FAA] =	sst s0;
	s0 =	simm.s32 @!p1 $0x0  }
0x14: {  	s2 =	sld [smem:$0x3F8E];
	s0 =	simm.s32 @p1 $0x1  }
0x15: {  	[smem:$0x3FAB] =	sst s0;
	s0 =	simm.s32 @!p2 $0x0  }
0x16: {  	s3 =	sld [smem:$0x3FDB];
	s0 =	simm.s32 @p2 $0x1  }
0x17: {  	s4 =	simm.s32 $0x1BF5;
	[smem:$0x3FAD] =	sst s0  }
0x18: {  	s0 =	sld [smem:$0x3F90];
	_ =	swait.ge [sflag:s4], $0x0  }
0x19: {  	s7 =	sld [smem:$0x3F91]  }
0x1a: {  	s8 =	sadd.s32 $0xFFFFE003, lr  }
0x1b: {  	s9 =	sadd.s32 $0xFFFFFEF7, lr;
	s5 =	simm.s32 $0xFFFFFFFF;
	p2 =	slt.u32 s8, $0xFFFFF086  }
0x1c: {  	p1 =	slt.u32 s9, $0xF7A;
	s5 =	simm.s32 @!p2 $0x0  }
0x1d: {  	s5 =	simm.s32 @p1 $0x1;
	p0 =	seq.s32 s7, s2  }
0x1e: {  	s7 =	smul.u32 @!p0 $0xF7A, s2;
	p2 =	seq.s32 @!p0 s5, $0x0  }
0x1f: {  	s9 =	smul.u32 $0xF7A, s1;
	s8 =	simm.s32 @!p0 $0x1BF5;
	p2 =	por !p2, p0  }
0x20: {  	[sflag:s8] =	ssyncset.s32 @!p0 $0xFFFFF086;
	s6 =	sadd.s32 @!p0 s3, s7;
	s7 =	simm.s32 @!p0 $0x108  }
0x21: {  	s3 =	sadd.s32 s3, s9;
	s6 =	sadd.s32 @!p0 $0x88, s6;
	s7 =	simm.s32 @p2 $0x1082  }
0x22: {  	[simem:s7], [sflag:s8] =	dma.local @!p0 [hbm:s6], $0xF7A  }
0x23: {  	s9 =	sor.u32 $0xD0000000, s2;
	s6 =	simm.s32 $0x108;
	_ =	swait.ge @!p0 [sflag:s8], $0x0  }
0x24: {  	s3 =	sadd.s32 $0x88, s3;
	s6 =	simm.s32 @!p1 $0x1082;
	[sflag:s4] =	ssyncset.s32 $0xFFFFF086  }
0x25: {  	[simem:s6], [sflag:s4] =	dma.local [hbm:s3], $0xF7A  }
0x26: {  	[smem:$0x3F91] =	sst s1;
	(tag) =	ssettag s2;
	_ =	strace s9  }
0x27: {  	s1 =	sld [smem:$0x3FA1]  }
0x28: {  	s2 =	sld [smem:$0x3FA2]  }
0x29: {  	s4 =	sld [smem:$0x3FA4]  }
0x2a: {  	p0 =	seq.s32 s5, $0x0;
	s5 =	sld [smem:$0x3FA5]  }
0x2b: {  	s6 =	sld [smem:$0x3FA6]  }
0x2c: {  	s7 =	sld [smem:$0x3FA7]  }
0x2d: {  	s3 =	simm.s32 $0x108;
	s8 =	sld [smem:$0x3FA8]  }
0x2e: {  	s3 =	simm.s32 @!p0 $0x1082;
	s9 =	sld [smem:$0x3FA9]  }
0x2f: {  	lr =	sadd.s32 s0, s3;
	s0 =	sld [smem:$0x3FA0]  }
0x30: {  	s3 =	sld [smem:$0x3FA3]  }
0x31: {  	[smem:$0x3FAC] =	sst s10  }
0x32: {  	s10 =	sld [smem:$0x3FAA];
	_ =	sdelay $0x3  }
0x33: {  	p0 =	seq.s32 s10, $0x1;
	s10 =	sld [smem:$0x3FAC];
	_ =	sdelay $0x3  }
0x34: {  	[smem:$0x3FAC] =	sst s10  }
0x35: {  	s10 =	sld [smem:$0x3FAB];
	_ =	sdelay $0x3  }
0x36: {  	p1 =	seq.s32 s10, $0x1;
	s10 =	sld [smem:$0x3FAC];
	_ =	sdelay $0x3  }
0x37: {  	[smem:$0x3FAC] =	sst s10  }
0x38: {  	s10 =	sld [smem:$0x3FAD]  }
0x39: {  	_ = 	snop;
	(pc) =	sbr.ind lr, $3  }
0x3a: {  	_ = 	snop  }
0x3b: {  	_ = 	snop  }
0x3c: {  	p2 =	seq.s32 s10, $0x1;
	s10 =	sld [smem:$0x3FAC]  }
0x3d: {  	_ =	shalt  }
0x3e: {  	_ =	shalt  }
0x3f: {  	_ =	shalt  }
0x40: {  	_ =	shalt  }
0x41: {  	_ =	shalt  }
0x42: {  	_ =	shalt  }
0x43: {  	_ =	shalt  }
0x44: {  	_ =	shalt  }
0x45: {  	_ =	shalt  }
0x46: {  	_ =	shalt  }
0x47: {  	_ =	shalt  }
0x48: {  	_ =	shalt  }
0x49: {  	_ =	shalt  }
0x4a: {  	_ =	shalt  }
0x4b: {  	_ =	shalt  }
0x4c: {  	_ =	shalt  }
0x4d: {  	_ =	shalt  }
0x4e: {  	_ =	shalt  }
0x4f: {  	_ =	shalt  }
0x50: {  	_ =	shalt  }
0x51: {  	_ =	shalt  }
0x52: {  	_ =	shalt  }
0x53: {  	_ =	shalt  }
0x54: {  	_ =	shalt  }
0x55: {  	_ =	shalt  }
0x56: {  	_ =	shalt  }
0x57: {  	_ =	shalt  }
0x58: {  	_ =	shalt  }
0x59: {  	_ =	shalt  }
0x5a: {  	_ =	shalt  }
0x5b: {  	_ =	shalt  }
0x5c: {  	_ =	shalt  }
0x5d: {  	_ =	shalt  }
0x5e: {  	_ =	shalt  }
0x5f: {  	_ =	shalt  }
0x60: {  	_ =	shalt  }
0x61: {  	_ =	shalt  }
0x62: {  	_ =	shalt  }
0x63: {  	_ =	shalt  }
0x64: {  	_ =	shalt  }
0x65: {  	_ =	shalt  }
0x66: {  	_ =	shalt  }
0x67: {  	_ =	shalt  }
0x68: {  	_ =	shalt  }
0x69: {  	_ =	shalt  }
0x6a: {  	_ =	shalt  }
0x6b: {  	_ =	shalt  }
0x6c: {  	_ =	shalt  }
0x6d: {  	_ =	shalt  }
0x6e: {  	_ =	shalt  }
0x6f: {  	_ =	shalt  }
0x70: {  	_ =	shalt  }
0x71: {  	_ =	shalt  }
0x72: {  	_ =	shalt  }
0x73: {  	_ =	shalt  }
0x74: {  	_ =	shalt  }
0x75: {  	_ =	shalt  }
0x76: {  	_ =	shalt  }
0x77: {  	_ =	shalt  }
0x78: {  	_ =	shalt  }
0x79: {  	_ =	shalt  }
0x7a: {  	_ =	shalt  }
0x7b: {  	_ =	shalt  }
0x7c: {  	_ =	shalt  }
0x7d: {  	_ =	shalt  }
0x7e: {  	_ =	shalt  }
0x7f: {  	_ =	shalt  }
0x80: {  	_ =	shalt  }
0x81: {  	_ =	shalt  }
0x82: {  	_ =	shalt  }
0x83: {  	_ =	shalt  }
0x84: {  	_ =	shalt  }
0x85: {  	_ =	shalt  }
0x86: {  	_ =	shalt  }
0x87: {  	_ =	shalt  }
.Lfunc_end0:
.L_simem_size_0:
called_computation.6_lowered:
.L_overlay_start_0:
0x88: {  	s2 =	sld [smem:$0x3FD9]  }
0x89: {  	s3 =	sld [smem:$0x3FFE];
	_ =	sdelay $0x1  }
0x8a: {  	s1 =	srdreg.scid  }
0x8b: {  	s0 =	sand.u32 $0x1, s1  }
0x8c: {  	s15 =	sshll.u32 s0, $0xA;
	s2 =	sadd.s32 s3, s2  }
0x8d: {  	s2 =	sadd.s32 s2, s15  }
0x8e: {  	[smem:$0x3FB8] =	sst s2  }
0x8f: {  	_ = 	snop  }
0x90: {  	(tm) =	ssettm $0x1  }
0x91: {  	s16 =	sld [smem:$0x3FFB];
	_ =	sdelay $0x3  }
0x92: {  	_ =	strace s16  }
0x93: {  	s2 =	sld [smem:$0x3FFC];
	_ =	sdelay $0x3  }
0x94: {  	_ =	strace s2  }
0x95: {  	s2 =	sld [smem:$0x3FFD];
	_ =	sdelay $0x3  }
0x96: {  	_ =	strace s2  }
0x97: {  	_ =	strace $0x8FFFFFFF  }
0x98: {  	s17 =	sld [smem:$0x3FDB];
	_ =	sdelay $0x1  }
0x99: {  	s18 =	simm.s32 $_scs_section_size  }
0x9a: {  	s4 =	simm.s32 $_size__tile_overlayer_lowered;
	s5 =	simm.s32 $_tile_overlayer_lowered  }
0x9b: {  	s21 =	simm.s32 $0x1BFF;
	s20 =	sshll.u32 s5, $0x1;
	s2 =	sadd.s32 s18, s17  }
0x9c: {  	s6 =	simm.s32 $0x0;
	s19 =	sshll.u32 s4, $0x1;
	s4 =	sadd.s32 s20, s2  }
0x9d: {  	[timem:s6], [sflag:s21] =	dma.local [hbm:s4], s19  }
0x9e: {  	_ =	swait.ge [sflag:s21], s19  }
0x9f: {  	s3 =	ssub.s32 $0x0, s19;
	[sflag:s21] =	ssyncset.done $0x0  }
0xa0: {  	[sflag:s21] =	ssyncadd.s32 s3;
	_ =	sdelay $0x1  }
0xa1: {  	s22 =	simm.s32 $0x1B8B  }
0xa2: {  	_ =	swait.ge [sflag:s22], $0x1  }
0xa3: {  	[sflag:s22] =	ssyncset.done $0x0  }
0xa4: {  	s23 =	sld [smem:$0x3FFE];
	[sflag:s22] =	ssyncadd.s32 $0xFFFFFFFF  }
0xa5: {  	s25 =	simm.s32 $0x1B8E;
	s24 =	sld [smem:$0x0]  }
0xa6: {  	s26 =	simm.s32 $execute0_lowered;
	[smem:$0x3FD2] =	sst s25  }
0xa7: {  	s5 =	sshll.u32 s26, $0x1;
	_ =	strace $0x80000058;
	[dreg:$0x1] =	wrdreg $0xFFFFFFFF  }
0xa8: {  	s28 =	simm.s32 $_size_execute0_lowered;
	s2 =	sadd.s32 s2, s5;
	[dreg:$0x0] =	wrdreg $0x0  }
0xa9: {  	s5 =	sshll.u32 s28, $0x1;
	[dreg:$0x2] =	wrdreg s2  }
0xaa: {  	[dreg:$0x3] =	wrdreg s5  }
0xab: {  	[dreg:$0x4] =	wrdreg $0xC0  }
0xac: {  	_ =	task [dreg:s6], $0x5FFFF  }
0xad: {  	[dreg:$0x1] =	wrdreg $0xFFFFFFFF  }
0xae: {  	[dreg:$0x0] =	wrdreg $0x60  }
0xaf: {  	[dreg:$0x2] =	wrdreg s23  }
0xb0: {  	[dreg:$0x3] =	wrdreg s1  }
0xb1: {  	[dreg:$0x4] =	wrdreg s24  }
0xb2: {  	[dreg:$0x5] =	wrdreg $0xA  }
0xb3: {  	_ =	task.clear_ibuf [dreg:s6], $0x6FFFF;
	_ =	strace $0x90000058  }
0xb4: {  	s29 =	simm.s32 $0xA;
	_ =	strace $0x8000005A  }
0xb5: {  	_ =	swait.ge [sflag:s29], $0x1  }
0xb6: {  	[sflag:s29] =	ssyncadd.s32 $0xFFFFFFFF  }
0xb7: {  	_ =	strace $0x9000005A  }
0xb8: {  	_ =	sfence  }
0xb9: {  	s30 =	sld [smem:$0x0];
	_ =	sdelay $0x2  }
0xba: {  	s31 =	sshll.u32 s1, $0xD;
	s1 =	sshrl.u32 s1, $0x2  }
0xbb: {  	s3 =	sand.u32 $0x4000, s31;
	s1 =	sadd.s32 s1, s30  }
0xbc: {  	s0 =	sor.u32 s3, s0;
	s1 =	sshll.u32 s1, $0x11  }
0xbd: {  	s0 =	sor.u32 s1, s0  }
0xbe: {  	s0 =	sadd.s32 $0x8F2B, s0  }
0xbf: {  	[sflag:s0] =	ssyncadd.remote.s32 $0x1  }
0xc0: {  	_ =	sfence.sel $0xFFFF  }
0xc1: {  	[dreg:$0x0] =	wrdreg $0xFFFFFFFF;
	(pc) =	sbr.abs _section_cstart, $3  }
0xc2: {  	[dreg:$0x1] =	wrdreg $0xFFFFFFFF  }
0xc3: {  	_ =	task.clear_ibuf [dreg:s6], $0x2FFFF;
	_ =	strace $0x9FFFFFFF  }
0xc4: {  	(tm) =	ssettm $0x7FFFFFFF  }
0xc5: {  	_ =	shalt  }
tec
execute0_lowered:
.L_overlay_start_1:
0x0: {  	(tag) =	ssettag $0x1  }
0x1: {  	s2 =	rddreg [dreg:$0x0]  }
0x2: {  	s4 =	rddreg [dreg:$0x1];
	_ =	strace $0x80000059;
	s0 =	simm.s32 $0x1  }
0x3: {  	s3 =	simm.s32 $0x88;
	v0 =	vimm.s32 $0x0;
	[sflag:s0] =	ssyncpa.u1 $0x0  }
0x4: {  	[tilespmem:s3+$0x30] =	vst v0  }
0x5: {  	s1 =	sadd.s32 $0x47000, s2;
	s0 =	sadd.s32 $0x33400, s2;
	s6 =	sadd.s32 $0x6E200, s2;
	[tilespmem:s3+$0x20] =	vst v0  }
0x6: {  	s2 =	sadd.s32 $0x3D200, s2;
	s7 =	sand.u32 $0x1, s4;
	s4 =	simm.s32 $0x40;
	[tilespmem:s3+$0x10] =	vst v0  }
.LBB2_1:
0x7: {  	s4 =	sadd.s32 $0x40, s4  }
0x8: {  	[tilespmem:s3+$0x0] =	vst v0;
	s3 =	sadd.s32 $0x40, s3;
	p0 =	slt.u32 s4, $0x5040  }
.Ltmp0:
0x9: {  	(pc) =	sbr.rel @p0 .LBB2_1-.Ltmp0, $4  }
0xa: {  	_ = 	snop  }
0xb: {  	[tilespmem:s3+$0x30] =	vst v0  }
0xc: {  	[tilespmem:s3+$0x20] =	vst v0  }
0xd: {  	[tilespmem:s3+$0x10] =	vst v0  }
0xe: {  	s8 =	stileid.u32  }
0xf: {  	s4 =	smul.u32 $0x1F, s8  }
0x10: {  	s5 =	smin.u32 s8, $0x4  }
0x11: {  	s4 =	sadd.s32 s5, s4  }
0x12: {  	p0 =	slt.u32 s8, $0x4;
	s12 =	smul.u32 $0x140, s4;
	s4 =	simm.s32 $0x2800  }
0x13: {  	s4 =	simm.s32 @!p0 $0x26C0  }
0x14: {  	s25 =	simm.s32 $0x2;
	s4 =	sadd.s32 s4, s12  }
0x15: {  	s28 =	simm.s32 $0x9;
	s9 =	simm.s32 $0xA;
	s14 =	smin.u32 s4, $0x27100  }
0x16: {  	s30 =	simm.s32 $0xB;
	[dreg:$0x4] =	wrdreg s7;
	s4 =	ssub.s32 s14, s12  }
0x17: {  	s31 =	smul.u32 $0x4E20, s7;
	s13 =	simm.s32 $0x1;
	p0 =	sgt.s32 s4, $0x0  }
0x18: {  	s19 =	simm.s32 $0x0;
	s20 =	simm.s32 $0xA808;
	s4 =	simm.s32 @!p0 $0x0  }
0x19: {  	s21 =	simm.s32 $0xFFFFFFFF;
	p1 =	por $0x0, $0x0;
	s26 =	smulhi.u32 $0x66666667, s4  }
0x1a: {  	[tilespmem:s3+$0x0] =	vst v0;
	s23 =	simm.s32 $0x0;
	[sflag:s25] =	ssyncpa.u1 $0x0;
	s18 =	sshll.u32 s8, $0x7  }
0x1b: {  	s0 =	sadd.s32 s31, s0;
	[dreg:$0xa] =	wrdreg s18;
	s3 =	sshrl.u32 s26, $0x7  }
0x1c: {  	v0 =	vimm.s32 $0xFFFFFFFF;
	s17 =	sadd.s32 s31, s2;
	[dreg:$0x9] =	wrdreg s0;
	s29 =	smul.u32 $0x140, s3  }
0x1d: {  	s25 =	simm.s32 $0x0;
	[tilespmem:$0xA108] =	vst v0;
	[sflag:s28] =	ssyncpa.u1 $0x0;
	[dreg:$0x8] =	wrdreg s17  }
.Ltmp1:
0x1e: {  	p0 =	sne.s32 s4, s29;
	s4 =	simm.s32 $0x1;
	(pc) =	sbr.rel .LBB2_3-.Ltmp1, $4  }
0x1f: {  	[sflag:s9] =	ssyncpa.u1 $0x0;
	[dreg:$0x5] =	wrdreg s12;
	s4 =	simm.s32 @!p0 $0x0  }
0x20: {  	[sflag:s30] =	ssyncpa.u1 $0x0;
	[dreg:$0x6] =	wrdreg s14;
	s15 =	sadd.s32 s4, s3  }
0x21: {  	s24 =	smov.u32 s12;
	s22 =	sadd.s32 $0x1, s15;
	[dreg:$0x7] =	wrdreg s15  }
0x22: {  	v0 =	vlaneseq.u32;
	s26 =	simm.s32 $0x0;
	p0 =	por $0x1, $0x1;
	[dreg:$0xb] =	wrdreg s22  }
.LBB2_22:
0x23: {  	s0 =	sshrl.u32 s3, $0x2  }
.LBB2_24:
0x24: {  	s3 =	simm.s32 $0xC  }
0x25: {  	_ =	swait.ge [sflag:s3], s0  }
0x26: {  	s31 =	ssub.s32 $0x0, s0;
	v1 =	vmov s4;
	vm0 =	veq.s32 v0, $0x0;
	[sflag:s3] =	ssyncset.done $0x0  }
0x27: {  	vm15 =	veq.s32 v0, $0x2;
	v1 =	vsel vm0, s2, v1;
	[sflag:s3] =	ssyncadd.s32 s31  }
0x28: {  	v1 =	vsel vm15, s26, v1;
	[sflag:s3] =	ssyncpa.u1 $0x1  }
0x29: {  	[tilespmem:$0xA108] =	vst v1  }
.LBB2_25:
0x2a: {  	s0 =	sadd.s32 $0x140, s24  }
0x2b: {  	s2 =	smov.u32 s12;
	p2 =	slt.s32 s0, s14  }
0x2c: {  	s2 =	smov.u32 @p2 s0;
	p2 =	sne.s32 s25, s22  }
.Ltmp2:
0x2d: {  	_ = 	snop;
	(pc) =	sbr.rel @!p2 .LBB2_26-.Ltmp2, $4  }
0x2e: {  	_ = 	snop  }
0x2f: {  	s26 =	smov.u32 s23;
	s31 =	sadd.s32 $0x1, s25;
	p0 =	por !p0, !p0  }
0x30: {  	s23 =	smov.u32 s24;
	s20 =	sadd.s32 $0x140, s20;
	s21 =	sadd.s32 $0x1, s21  }
0x31: {  	p1 =	por !p1, !p1;
	s25 =	smov.u32 s31;
	s24 =	smov.u32 s2  }
.LBB2_3:
0x32: {  	p2 =	sge.u32 s25, s15  }
0x33: {  	s0 =	smulhi.u32 @!p2 $0xAAAAAAAB, s25  }
0x34: {  	s2 =	smov.u32 s24;
	p3 =	sgt.s32 @!p2 s24, $0x26FC0  }
0x35: {  	s3 =	sshra.s32 @!p2 s24, $0x1F;
	p3 =	por !p3, p2;
	s0 =	sshrl.u32 @!p2 s0, $0x1  }
0x36: {  	s3 =	sand.u32 @!p2 s3, s24;
	s2 =	simm.s32 @p3 $0x26FC0;
	s0 =	smul.u32 @!p2 $0x3, s0  }
0x37: {  	s2 =	ssub.s32 @!p2 s2, s3  }
0x38: {  	s2 =	sadd.s32 @!p2 $0xFFFD9040, s2;
	s0 =	ssub.s32 @!p2 s25, s0  }
0x39: {  	s3 =	sshll.u32 @!p2 s2, $0x2;
	p3 =	sgt.s32 @!p2 s2, $0x13F;
	s0 =	smul.u32 @!p2 $0x500, s0  }
0x3a: {  	s4 =	sand.u32 @!p2 $0x7, s24;
	s2 =	ssub.s32 @!p2 $0x500, s3;
	p3 =	por !p3, p2  }
0x3b: {  	s3 =	sshrl.u32 @!p2 s24, $0x3;
	s2 =	sshrl.u32 @!p2 s2, $0x2;
	s0 =	sshrl.u32 @!p2 s0, $0x2  }
0x3c: {  	s3 =	sadd.s32 @!p2 s3, s17;
	s2 =	simm.s32 @!p3 $0x0;
	s0 =	sadd.s32 @!p2 $0xA948, s0  }
0x3d: {  	[tilespmem:s0], [sflag:$0xA] =	stream.linear.gather @!p2 [hbm4b:s3+s4], s2, $0x38;
	[tilespmem:$0x1EF88] =	vst v63  }
0x3e: {  	s0 =	sadd.s32 $0xFFFFFFFF, s25  }
0x3f: {  	p2 =	sge.u32 s0, s15  }
.Ltmp3:
0x40: {  	_ = 	snop;
	(pc) =	sbr.rel @p2 .LBB2_7-.Ltmp3, $1  }
0x41: {  	_ =	sdelay $0x3  }
0x42: {  	p2 =	sgt.s32 s23, $0x26FC0;
	s2 =	smov.u32 s23;
	s3 =	sshra.s32 s23, $0x1F  }
0x43: {  	s2 =	simm.s32 @!p2 $0x26FC0;
	s3 =	sand.u32 s3, s23  }
0x44: {  	s17 =	smulhi.u32 $0xAAAAAAAB, s21;
	s2 =	ssub.s32 s2, s3  }
0x45: {  	s0 =	sand.u32 $0x1, s0;
	s2 =	sadd.s32 $0xFFFD9040, s2  }
0x46: {  	s5 =	simm.s32 $0xA;
	s3 =	sshrl.u32 s17, $0x1;
	s4 =	sshll.u32 s2, $0x2  }
0x47: {  	s7 =	sshrl.u32 s23, $0x3;
	s3 =	smul.u32 $0xFFFFF100, s3;
	s4 =	ssub.s32 $0x500, s4  }
0x48: {  	s18 =	smul.u32 $0x500, s0;
	p2 =	sgt.s32 s2, $0x13F;
	s2 =	sshrl.u32 s4, $0x2  }
0x49: {  	s9 =	sand.u32 $0x7, s23;
	s3 =	sshra.s32 s3, $0x2;
	s2 =	simm.s32 @p2 $0x0  }
0x4a: {  	s0 =	sadd.s32 s3, s20;
	s4 =	sshrl.u32 s18, $0x2;
	_ =	swait.ge [sflag:s5], s2  }
0x4b: {  	s22 =	ssub.s32 $0x0, s2;
	[sflag:s5] =	ssyncset.done $0x0;
	s8 =	rddreg [dreg:$0x9]  }
0x4c: {  	s4 =	sadd.s32 $0xAD08, s4;
	[sflag:s5] =	ssyncadd.s32 s22;
	s3 =	sadd.s32 s7, s8  }
0x4d: {  	[tilespmem:s4], [sflag:$0xB] =	stream.linear.gather [hbm4b:s3+s9], s2, $0x38;
	[tilespmem:$0x1EF88] =	vst v63  }
0x4e: {  	v1 =	vld.msk [tilespmem:s0+$0x0], $0xffff;
	_ =	sdelay $0x4  }
0x4f: {  	v1 =	vshll.u32 v1, $0x4  }
0x50: {  	(v2sf) =	vpush v1, $0x0  }
0x51: {  	(v2sf) =	vpush v1, $0x1  }
0x52: {  	(v2sf) =	vpush v1, $0x2;
	_ =	sdelay $0x3  }
0x53: {  	(v2sf) =	vpush v1, $0x3;
	_ =	sdelay $0x1  }
0x54: {  	(v2sf) =	vpush v1, $0x4  }
0x55: {  	s2 =	simm.s32 $0x1;
	(v2sf) =	vpush v1, $0x5  }
0x56: {  	s2 =	simm.s32 @!p0 $0x0  }
0x57: {  	s2 =	smul.u32 $0x28000, s2;
	(v2sf) =	vpush v1, $0x6;
	_ =	sdelay $0x1  }
0x58: {  	s2 =	sshrl.u32 s2, $0x2  }
0x59: {  	s28 =	sadd.s32 $0xB708, s2  }
0x5a: {  	s12 =	sadd.s32 $0xFFFFF880, s28;
	s17 =	sadd.s32 $0xFFFFF900, s28;
	s10 =	spop (v2sf);
	(v2sf) =	vpush v1, $0x7  }
0x5b: {  	s18 =	sadd.s32 $0xFFFFF980, s28;
	s11 =	sand.u32 $0x1FFFFFF0, s10;
	s14 =	spop (v2sf)  }
0x5c: {  	(v2sf) =	vpush v1, $0x8;
	s2 =	sadd.s32 s6, s11;
	s15 =	sand.u32 $0x1FFFFFF0, s14;
	s16 =	spop (v2sf)  }
0x5d: {  	[tilespmem:s12], [sflag:$0x9] =	stream.linear.gather [hbm4b:s2+s19], $0x40, $0x38;
	[tilespmem:$0x1EF88] =	vst v63  }
0x5e: {  	s5 =	sadd.s32 $0xFFFFFA00, s28;
	s2 =	sadd.s32 s6, s15;
	s3 =	sand.u32 $0x1FFFFFF0, s16  }
0x5f: {  	(v2sf) =	vpush v1, $0x9;
	[tilespmem:s17], [sflag:$0x9] =	stream.linear.gather [hbm4b:s2+s19], $0x40, $0x38;
	[tilespmem:$0x1EF88] =	vst v63  }
0x60: {  	s7 =	sadd.s32 $0xFFFFFA80, s28;
	s22 =	spop (v2sf);
	s3 =	sadd.s32 s6, s3  }
0x61: {  	(v2sf) =	vpush v1, $0xA;
	[tilespmem:s18], [sflag:$0x9] =	stream.linear.gather [hbm4b:s3+s19], $0x40, $0x38;
	[tilespmem:$0x1EF88] =	vst v63  }
0x62: {  	s11 =	sadd.s32 $0xFFFFFB00, s28;
	s4 =	spop (v2sf);
	(v2sf) =	vpush v1, $0xB;
	s3 =	sand.u32 $0x1FFFFFF0, s22  }
0x63: {  	s8 =	spop (v2sf);
	s2 =	sadd.s32 s6, s3;
	s3 =	sand.u32 $0x1FFFFFF0, s4  }
0x64: {  	(v2sf) =	vpush v1, $0xC;
	[tilespmem:s5], [sflag:$0x9] =	stream.linear.gather [hbm4b:s2+s19], $0x40, $0x38;
	[tilespmem:$0x1EF88] =	vst v63  }
0x65: {  	s9 =	sand.u32 $0x1FFFFFF0, s8;
	s10 =	spop (v2sf);
	s3 =	sadd.s32 s6, s3  }
0x66: {  	(v2sf) =	vpush v1, $0xD;
	[tilespmem:s7], [sflag:$0x9] =	stream.linear.gather [hbm4b:s3+s19], $0x40, $0x38;
	[tilespmem:$0x1EF88] =	vst v63  }
0x67: {  	s12 =	sadd.s32 $0xFFFFFB80, s28;
	s2 =	sadd.s32 s6, s9;
	s3 =	sand.u32 $0x1FFFFFF0, s10  }
0x68: {  	[tilespmem:s11], [sflag:$0x9] =	stream.linear.gather [hbm4b:s2+s19], $0x40, $0x38;
	[tilespmem:$0x1EF88] =	vst v63  }
0x69: {  	s17 =	sadd.s32 $0xFFFFFC00, s28;
	s3 =	sadd.s32 s6, s3;
	s14 =	spop (v2sf)  }
0x6a: {  	[tilespmem:s12], [sflag:$0x9] =	stream.linear.gather [hbm4b:s3+s19], $0x40, $0x38;
	(v2sf) =	vpush v1, $0xE;
	[tilespmem:$0x1EF88] =	vst v63  }
0x6b: {  	s18 =	sadd.s32 $0xFFFFFC80, s28;
	s15 =	sand.u32 $0x1FFFFFF0, s14;
	s16 =	spop (v2sf)  }
0x6c: {  	s5 =	sadd.s32 $0xFFFFFD00, s28;
	(v2sf) =	vpush v1, $0xF;
	s2 =	sadd.s32 s6, s15;
	s3 =	sand.u32 $0x1FFFFFF0, s16  }
0x6d: {  	[tilespmem:s17], [sflag:$0x9] =	stream.linear.gather [hbm4b:s2+s19], $0x40, $0x38;
	[tilespmem:$0x1EF88] =	vst v63  }
0x6e: {  	s7 =	sadd.s32 $0xFFFFFD80, s28;
	s22 =	spop (v2sf);
	s3 =	sadd.s32 s6, s3  }
0x6f: {  	[tilespmem:s18], [sflag:$0x9] =	stream.linear.gather [hbm4b:s3+s19], $0x40, $0x38;
	[tilespmem:$0x1EF88] =	vst v63  }
0x70: {  	s11 =	sadd.s32 $0xFFFFFE00, s28;
	s4 =	spop (v2sf);
	s3 =	sand.u32 $0x1FFFFFF0, s22  }
0x71: {  	s8 =	spop (v2sf);
	s2 =	sadd.s32 s6, s3;
	s3 =	sand.u32 $0x1FFFFFF0, s4  }
0x72: {  	[tilespmem:s5], [sflag:$0x9] =	stream.linear.gather [hbm4b:s2+s19], $0x40, $0x38;
	[tilespmem:$0x1EF88] =	vst v63  }
0x73: {  	s9 =	sand.u32 $0x1FFFFFF0, s8;
	s10 =	spop (v2sf);
	s3 =	sadd.s32 s6, s3  }
0x74: {  	[tilespmem:s7], [sflag:$0x9] =	stream.linear.gather [hbm4b:s3+s19], $0x40, $0x38;
	[tilespmem:$0x1EF88] =	vst v63  }
0x75: {  	s14 =	spop (v2sf);
	s2 =	sadd.s32 s6, s9;
	s3 =	sand.u32 $0x1FFFFFF0, s10  }
0x76: {  	[tilespmem:s11], [sflag:$0x9] =	stream.linear.gather [hbm4b:s2+s19], $0x40, $0x38;
	[tilespmem:$0x1EF88] =	vst v63  }
0x77: {  	s12 =	sadd.s32 $0xFFFFFE80, s28;
	s15 =	sand.u32 $0x1FFFFFF0, s14;
	s3 =	sadd.s32 s6, s3  }
0x78: {  	[tilespmem:s12], [sflag:$0x9] =	stream.linear.gather [hbm4b:s3+s19], $0x40, $0x38;
	[tilespmem:$0x1EF88] =	vst v63  }
0x79: {  	s17 =	sadd.s32 $0xFFFFFF00, s28;
	s2 =	sadd.s32 s6, s15;
	s16 =	spop (v2sf)  }
0x7a: {  	[tilespmem:s17], [sflag:$0x9] =	stream.linear.gather [hbm4b:s2+s19], $0x40, $0x38;
	[tilespmem:$0x1EF88] =	vst v63  }
0x7b: {  	s29 =	simm.s32 $0x0;
	s3 =	sand.u32 $0x1FFFFFF0, s16;
	s18 =	spop (v2sf)  }
0x7c: {  	s22 =	sadd.s32 $0xFFFFFF80, s28;
	s3 =	sadd.s32 s6, s3;
	s2 =	sand.u32 $0x1FFFFFF0, s18  }
0x7d: {  	[tilespmem:s22], [sflag:$0x9] =	stream.linear.gather [hbm4b:s3+s19], $0x40, $0x38;
	[tilespmem:$0x1EF88] =	vst v63  }
0x7e: {  	s31 =	sadd.s32 $0x10, s0;
	s30 =	sadd.s32 $0x800, s28;
	s2 =	sadd.s32 s6, s2  }
.LBB2_5:
0x7f: {  	[tilespmem:s28], [sflag:$0x9] =	stream.linear.gather [hbm4b:s2+s19], $0x40, $0x38;
	[tilespmem:$0x1EF88] =	vst v63  }
0x80: {  	s29 =	sadd.s32 $0x10, s29;
	s28 =	smov.u32 s30  }
0x81: {  	p2 =	slt.u32 s29, $0x130;
	v1 =	vld.msk [tilespmem:s31+$0x0], $0xffff;
	_ =	sdelay $0x4  }
0x82: {  	v1 =	vshll.u32 v1, $0x4  }
0x83: {  	(v2sf) =	vpush v1, $0x0  }
0x84: {  	(v2sf) =	vpush v1, $0x1  }
0x85: {  	(v2sf) =	vpush v1, $0x2;
	_ =	sdelay $0x1  }
0x86: {  	(v2sf) =	vpush v1, $0x3;
	_ =	sdelay $0x1  }
0x87: {  	(v2sf) =	vpush v1, $0x4;
	_ =	sdelay $0x1  }
0x88: {  	(v2sf) =	vpush v1, $0x5;
	_ =	sdelay $0x1  }
0x89: {  	(v2sf) =	vpush v1, $0x6  }
0x8a: {  	s4 =	sadd.s32 $0xFFFFFE80, s30;
	s0 =	sadd.s32 $0xFFFFFF00, s30  }
0x8b: {  	s3 =	sadd.s32 $0xFFFFFD00, s30;
	s2 =	sadd.s32 $0xFFFFFD80, s30;
	s5 =	sadd.s32 $0xFFFFFE00, s30;
	(v2sf) =	vpush v1, $0x7  }
0x8c: {  	s10 =	sadd.s32 $0xFFFFFB80, s30;
	s9 =	sadd.s32 $0xFFFFFC00, s30;
	s16 =	sadd.s32 $0xFFFFFC80, s30  }
0x8d: {  	s11 =	sadd.s32 $0xFFFFFA00, s30;
	s12 =	sadd.s32 $0xFFFFFA80, s30;
	s15 =	sadd.s32 $0xFFFFFB00, s30;
	(v2sf) =	vpush v1, $0x8  }
0x8e: {  	s18 =	sadd.s32 $0xFFFFF900, s30;
	s7 =	sadd.s32 $0xFFFFF980, s30;
	s22 =	spop (v2sf)  }
0x8f: {  	s8 =	sadd.s32 $0xFFFFF880, s30;
	s22 =	sand.u32 $0x1FFFFFF0, s22;
	s14 =	spop (v2sf);
	(v2sf) =	vpush v1, $0x9  }
0x90: {  	s22 =	sadd.s32 s6, s22;
	s14 =	sand.u32 $0x1FFFFFF0, s14;
	s17 =	spop (v2sf)  }
0x91: {  	[tilespmem:s8], [sflag:$0x9] =	stream.linear.gather [hbm4b:s22+s19], $0x40, $0x38;
	(v2sf) =	vpush v1, $0xA;
	[tilespmem:$0x1EF88] =	vst v63  }
0x92: {  	s8 =	sadd.s32 s6, s14;
	s14 =	sand.u32 $0x1FFFFFF0, s17;
	s17 =	spop (v2sf)  }
0x93: {  	[tilespmem:s18], [sflag:$0x9] =	stream.linear.gather [hbm4b:s8+s19], $0x40, $0x38;
	(v2sf) =	vpush v1, $0xB;
	[tilespmem:$0x1EF88] =	vst v63  }
0x94: {  	s8 =	sadd.s32 s6, s14;
	s14 =	sand.u32 $0x1FFFFFF0, s17;
	s17 =	spop (v2sf)  }
0x95: {  	[tilespmem:s7], [sflag:$0x9] =	stream.linear.gather [hbm4b:s8+s19], $0x40, $0x38;
	(v2sf) =	vpush v1, $0xC;
	[tilespmem:$0x1EF88] =	vst v63  }
0x96: {  	s7 =	sadd.s32 s6, s14;
	s8 =	sand.u32 $0x1FFFFFF0, s17;
	s14 =	spop (v2sf)  }
0x97: {  	[tilespmem:s11], [sflag:$0x9] =	stream.linear.gather [hbm4b:s7+s19], $0x40, $0x38;
	(v2sf) =	vpush v1, $0xD;
	[tilespmem:$0x1EF88] =	vst v63  }
0x98: {  	s7 =	sadd.s32 s6, s8;
	s8 =	sand.u32 $0x1FFFFFF0, s14;
	s11 =	spop (v2sf)  }
0x99: {  	[tilespmem:s12], [sflag:$0x9] =	stream.linear.gather [hbm4b:s7+s19], $0x40, $0x38;
	(v2sf) =	vpush v1, $0xE;
	[tilespmem:$0x1EF88] =	vst v63  }
0x9a: {  	s7 =	sadd.s32 s6, s8;
	s8 =	sand.u32 $0x1FFFFFF0, s11;
	s11 =	spop (v2sf)  }
0x9b: {  	[tilespmem:s15], [sflag:$0x9] =	stream.linear.gather [hbm4b:s7+s19], $0x40, $0x38;
	(v2sf) =	vpush v1, $0xF;
	[tilespmem:$0x1EF88] =	vst v63  }
0x9c: {  	s7 =	sadd.s32 s6, s8;
	s8 =	sand.u32 $0x1FFFFFF0, s11;
	s11 =	spop (v2sf)  }
0x9d: {  	[tilespmem:s10], [sflag:$0x9] =	stream.linear.gather [hbm4b:s7+s19], $0x40, $0x38;
	[tilespmem:$0x1EF88] =	vst v63  }
0x9e: {  	s7 =	sadd.s32 s6, s8;
	s8 =	sand.u32 $0x1FFFFFF0, s11;
	s10 =	spop (v2sf)  }
0x9f: {  	[tilespmem:s9], [sflag:$0x9] =	stream.linear.gather [hbm4b:s7+s19], $0x40, $0x38;
	[tilespmem:$0x1EF88] =	vst v63  }
0xa0: {  	s7 =	sadd.s32 s6, s8;
	s8 =	sand.u32 $0x1FFFFFF0, s10;
	s9 =	spop (v2sf)  }
0xa1: {  	[tilespmem:s16], [sflag:$0x9] =	stream.linear.gather [hbm4b:s7+s19], $0x40, $0x38;
	[tilespmem:$0x1EF88] =	vst v63  }
0xa2: {  	s7 =	sadd.s32 s6, s8;
	s8 =	sand.u32 $0x1FFFFFF0, s9;
	s9 =	spop (v2sf)  }
0xa3: {  	[tilespmem:s3], [sflag:$0x9] =	stream.linear.gather [hbm4b:s7+s19], $0x40, $0x38;
	[tilespmem:$0x1EF88] =	vst v63  }
0xa4: {  	s3 =	sadd.s32 s6, s8;
	s7 =	sand.u32 $0x1FFFFFF0, s9;
	s8 =	spop (v2sf)  }
0xa5: {  	[tilespmem:s2], [sflag:$0x9] =	stream.linear.gather [hbm4b:s3+s19], $0x40, $0x38;
	[tilespmem:$0x1EF88] =	vst v63  }
0xa6: {  	s2 =	sadd.s32 s6, s7;
	s3 =	sand.u32 $0x1FFFFFF0, s8;
	s7 =	spop (v2sf)  }
0xa7: {  	[tilespmem:s5], [sflag:$0x9] =	stream.linear.gather [hbm4b:s2+s19], $0x40, $0x38;
	[tilespmem:$0x1EF88] =	vst v63  }
0xa8: {  	s2 =	sadd.s32 s6, s3;
	s3 =	sand.u32 $0x1FFFFFF0, s7;
	s5 =	spop (v2sf)  }
0xa9: {  	[tilespmem:s4], [sflag:$0x9] =	stream.linear.gather [hbm4b:s2+s19], $0x40, $0x38;
	[tilespmem:$0x1EF88] =	vst v63  }
0xaa: {  	s2 =	sadd.s32 s6, s3  }
.Ltmp4:
0xab: {  	s3 =	sand.u32 $0x1FFFFFF0, s5;
	s4 =	spop (v2sf);
	(pc) =	sbr.rel @p2 .LBB2_5-.Ltmp4, $4  }
0xac: {  	[tilespmem:s0], [sflag:$0x9] =	stream.linear.gather [hbm4b:s2+s19], $0x40, $0x38;
	[tilespmem:$0x1EF88] =	vst v63  }
0xad: {  	s0 =	sadd.s32 s6, s3;
	s2 =	sadd.s32 $0xFFFFFF80, s30;
	s3 =	sand.u32 $0x1FFFFFF0, s4  }
0xae: {  	[tilespmem:s2], [sflag:$0x9] =	stream.linear.gather [hbm4b:s0+s19], $0x40, $0x38;
	[tilespmem:$0x1EF88] =	vst v63  }
0xaf: {  	s31 =	sadd.s32 $0x10, s31;
	s30 =	sadd.s32 $0x800, s30;
	s2 =	sadd.s32 s6, s3  }
0xb0: {  	[tilespmem:s28], [sflag:$0x9] =	stream.linear.gather [hbm4b:s2+s19], $0x40, $0x38;
	[tilespmem:$0x1EF88] =	vst v63  }
0xb1: {  	s12 =	rddreg [dreg:$0x5]  }
0xb2: {  	s14 =	rddreg [dreg:$0x6]  }
0xb3: {  	s15 =	rddreg [dreg:$0x7]  }
0xb4: {  	s17 =	rddreg [dreg:$0x8]  }
0xb5: {  	s18 =	rddreg [dreg:$0xa]  }
0xb6: {  	s22 =	rddreg [dreg:$0xb]  }
.LBB2_7:
0xb7: {  	p2 =	slt.u32 s25, $0x2  }
.Ltmp5:
0xb8: {  	_ = 	snop;
	(pc) =	sbr.rel @p2 .LBB2_25-.Ltmp5, $1  }
0xb9: {  	_ =	sdelay $0x3  }
0xba: {  	p2 =	sgt.s32 s26, $0x26FC0;
	s0 =	smov.u32 s26;
	s2 =	sshra.s32 s26, $0x1F  }
0xbb: {  	s0 =	simm.s32 @!p2 $0x26FC0;
	s2 =	sand.u32 s2, s26  }
0xbc: {  	s0 =	ssub.s32 s0, s2  }
0xbd: {  	s0 =	sadd.s32 $0xFFFD9040, s0  }
0xbe: {  	s3 =	simm.s32 $0x9;
	s29 =	sshll.u32 s0, $0x2  }
0xbf: {  	_ =	swait.ge [sflag:s3], $0x5000;
	s2 =	ssub.s32 $0x500, s29  }
0xc0: {  	[sflag:s3] =	ssyncset.done $0x0;
	p2 =	sgt.s32 s0, $0x13F;
	s0 =	sshrl.u32 s2, $0x2  }
0xc1: {  	s30 =	simm.s32 $0xB;
	[sflag:s3] =	ssyncadd.s32 $0xFFFFB000;
	s0 =	simm.s32 @p2 $0x0  }
0xc2: {  	_ =	swait.ge [sflag:s30], s0  }
0xc3: {  	s0 =	ssub.s32 $0x0, s0;
	[sflag:s30] =	ssyncset.done $0x0  }
0xc4: {  	[sflag:s30] =	ssyncadd.s32 s0  }
0xc5: {  	v1 =	vld [tilespmem:$0xA108];
	_ =	sdelay $0x4  }
0xc6: {  	(v2sf) =	vpush v1, $0x0  }
0xc7: {  	(v2sf) =	vpush v1, $0x1  }
0xc8: {  	(v2sf) =	vpush v1, $0x2;
	_ =	sdelay $0x3  }
0xc9: {  	s0 =	sadd.s32 $0x140, s26  }
0xca: {  	s4 =	ssub.s32 $0x4E200, s26;
	p2 =	slt.s32 s14, s0  }
0xcb: {  	s0 =	smov.u32 @p2 s14;
	p2 =	sgt.s32 s4, $0x0  }
0xcc: {  	s0 =	ssub.s32 s0, s26;
	s4 =	simm.s32 @!p2 $0x0  }
0xcd: {  	p2 =	slt.s32 s4, s0  }
0xce: {  	s0 =	smov.u32 @p2 s4  }
0xcf: {  	s2 =	simm.s32 $0x1;
	p2 =	slt.s32 s0, $0x1  }
.Ltmp6:
0xd0: {  	s2 =	simm.s32 @!p1 $0x0;
	(pc) =	sbr.rel @p2 .LBB2_12-.Ltmp6, $4  }
0xd1: {  	s7 =	smul.u32 $0x500, s2  }
0xd2: {  	s3 =	spop (v2sf)  }
0xd3: {  	s31 =	sshrl.u32 s7, $0x2;
	s5 =	spop (v2sf)  }
0xd4: {  	s28 =	sadd.s32 $0xAD08, s31;
	s26 =	spop (v2sf)  }
0xd5: {  	s4 =	smin.u32 s0, $0x10  }
0xd6: {  	v1 =	vmov s4  }
0xd7: {  	p3 =	sgt.s32 s0, $0x10;
	vm1 =	vgt.u32 v1, v0  }
.Ltmp7:
0xd8: {  	_ = 	snop;
	(pc) =	sbr.rel @!p3 .LBB2_11-.Ltmp7, $2  }
0xd9: {  	_ =	sdelay $0x2  }
0xda: {  	s9 =	simm.s32 $0x10;
	s10 =	sadd.s32 $0xFFFFFFF0, s0;
	s4 =	smov.u32 s28;
	vm0 =	vmmov vm1  }
.LBB2_10:
0xdb: {  	s7 =	smin.u32 s10, $0x10;
	s9 =	sadd.s32 $0x10, s9;
	v1 =	vld.msk [tilespmem:s4+$0x0 ss:$0x1], vm1  }
0xdc: {  	v2 =	vmov s7;
	p3 =	slt.s32 s9, s0  }
0xdd: {  	vm1 =	vgt.u32 v2, v0  }
.Ltmp8:
0xde: {  	(pc) =	sbr.rel @p3 .LBB2_10-.Ltmp8, $3  }
0xdf: {  	_ =	sdelay $0x1  }
0xe0: {  	v1 =	vshll.u32 v1, $0x4  }
0xe1: {  	s10 =	sadd.s32 $0xFFFFFFF0, s10;
	[tilespmem:s4+$0x0] =	vst.msk vm0, v1;
	s4 =	sadd.s32 $0x10, s4;
	vm0 =	vmmov vm1  }
.LBB2_11:
0xe2: {  	_ =	sdelay $0x4  }
0xe3: {  	v1 =	vld.msk [tilespmem:s4+$0x0 ss:$0x1], vm1;
	_ =	sdelay $0x4  }
0xe4: {  	v1 =	vshll.u32 v1, $0x4  }
0xe5: {  	[tilespmem:s4+$0x0] =	vst.msk vm0, v1  }
.LBB2_12:
0xe6: {  	s4 =	sand.u32 $0x1, s25  }
0xe7: {  	s4 =	smul.u32 $0x140, s4  }
0xe8: {  	p3 =	sne.s32 s5, $0xFFFFFFFF  }
0xe9: {  	v1 =	vld.msk @!p3 [tilespmem:s4+$0xAD08], $0x1;
	_ =	sdelay $0x4  }
0xea: {  	(v2sf) =	vpush @!p3 v1, $0x0;
	_ =	sdelay $0xc  }
.Ltmp9:
0xeb: {  	_ = 	snop;
	(pc) =	sbr.rel @p2 .LBB2_23-.Ltmp9, $4  }
0xec: {  	_ = 	snop  }
0xed: {  	s29 =	spop @!p3 (v2sf)  }
0xee: {  	s31 =	simm.s32 $0xC;
	s26 =	simm.s32 @!p3 $0x0;
	s4 =	smov.u32 s29  }
0xef: {  	[sflag:s31] =	ssyncpa.u1 $0x0;
	s29 =	smov.u32 @p3 s3;
	s4 =	smov.u32 @p3 s5  }
0xf0: {  	v1 =	vld.msk [tilespmem:s28+$0x0], $0x1;
	_ =	sdelay $0x4  }
0xf1: {  	(v2sf) =	vpush v1, $0x0;
	_ =	sdelay $0xe  }
0xf2: {  	s2 =	smul.u32 $0x28000, s2;
	s5 =	spop (v2sf)  }
0xf3: {  	s31 =	ssub.s32 $0x0, s0;
	p2 =	seq.s32 s29, s5  }
0xf4: {  	s3 =	smov.u32 s29;
	s2 =	sshrl.u32 s2, $0x2;
	p3 =	sgt.s32 @!p2 s29, $0x0  }
0xf5: {  	s30 =	sadd.s32 $0xAFA8, s2;
	s2 =	sadd.s32 $0x1, s31;
	p3 =	por !p3, p2  }
0xf6: {  	s3 =	simm.s32 @p3 $0x0;
	p3 =	seq.s32 s2, $0x0  }
.Ltmp10:
0xf7: {  	_ = 	snop;
	(pc) =	sbr.rel @p3 .LBB2_15-.Ltmp10, $4  }
0xf8: {  	_ = 	snop  }
0xf9: {  	s0 =	simm.s32 $0x0;
	s9 =	simm.s32 @!p2 $0x1;
	s3 =	smin.u32 @!p2 s3, $0x270F8  }
0xfa: {  	s10 =	simm.s32 @!p2 $0x50C8;
	s9 =	smov.u32 @p2 s0;
	s7 =	sand.u32 @!p2 $0x3FFF8, s3  }
0xfb: {  	s16 =	sand.u32 @!p2 $0x7, s3;
	s3 =	sadd.s32 $0x1, s28;
	s11 =	sadd.s32 @!p2 s1, s7  }
.LBB2_14:
0xfc: {  	s7 =	smov.u32 s9  }
0xfd: {  	[tilespmem:s10], [sflag:$0x2] =	stream.linear.gather @!p2 [hbm4b:s11+s16], $0x40, $0x38;
	[tilespmem:$0x1EF88] =	vst v63  }
0xfe: {  	s2 =	sadd.s32 $0x1, s2;
	s8 =	smov.u32 s5;
	v1 =	vld.msk [tilespmem:s3+$0x0], $0x1  }
0xff: {  	p3 =	seq.s32 s2, $0x0;
	_ =	sdelay $0x3  }
0x100: {  	(v2sf) =	vpush v1, $0x0;
	_ =	sdelay $0xe  }
0x101: {  	s5 =	spop (v2sf)  }
0x102: {  	p2 =	seq.s32 s8, s5  }
0x103: {  	p4 =	sgt.s32 @!p2 s8, $0x0;
	s10 =	sshll.u32 @!p2 s9, $0x8;
	s9 =	sadd.s32 @!p2 $0x1, s9  }
.Ltmp11:
0x104: {  	p4 =	por !p4, p2;
	s10 =	sshra.s32 @!p2 s10, $0x2;
	(pc) =	sbr.rel @!p3 .LBB2_14-.Ltmp11, $4  }
0x105: {  	s9 =	smov.u32 @p2 s7;
	s8 =	simm.s32 @p4 $0x0;
	s10 =	sadd.s32 @!p2 $0x50C8, s10  }
0x106: {  	s7 =	smin.u32 @!p2 s8, $0x270F8  }
0x107: {  	s8 =	sand.u32 @!p2 $0x3FFF8, s7;
	s16 =	sand.u32 @!p2 $0x7, s7  }
0x108: {  	s3 =	sadd.s32 $0x1, s3;
	s11 =	sadd.s32 @!p2 s1, s8  }
.LBB2_15:
0x109: {  	[tilespmem:s10], [sflag:$0x2] =	stream.linear.gather @!p2 [hbm4b:s11+s16], $0x40, $0x38;
	[tilespmem:$0x1EF88] =	vst v63  }
.Ltmp12:
0x10a: {  	s2 =	sshll.u32 s9, $0x6;
	(pc) =	sbr.rel .LBB2_16-.Ltmp12, $4  }
0x10b: {  	s3 =	simm.s32 $0x2;
	s2 =	sand.u32 $0x3FFFFFC0, s2  }
0x10c: {  	_ =	swait.ge [sflag:s3], s2  }
0x10d: {  	s2 =	ssub.s32 $0x0, s2;
	[sflag:s3] =	ssyncset.done $0x0  }
0x10e: {  	[sflag:s3] =	ssyncadd.s32 s2;
	s3 =	simm.s32 $0x0  }
.LBB2_17:
0x10f: {  	v1 =	vld [tilespmem:s30+$0xFFFFFFE0];
	_ =	sdelay $0x4  }
0x110: {  	[tilespmem:s5+$0x88] =	vst.add.f32.msk $0xffff, v1  }
0x111: {  	v1 =	vld [tilespmem:s30+$0xFFFFFFF0];
	_ =	sdelay $0x4  }
0x112: {  	[tilespmem:s5+$0x98] =	vst.add.f32.msk $0xffff, v1  }
0x113: {  	v1 =	vld [tilespmem:s30+$0x0];
	_ =	sdelay $0x4  }
0x114: {  	[tilespmem:s5+$0xA8] =	vst.add.f32.msk $0xffff, v1  }
0x115: {  	v1 =	vld [tilespmem:s30+$0x10];
	_ =	sdelay $0x4  }
0x116: {  	[tilespmem:s5+$0xB8] =	vst.add.f32.msk $0xffff, v1  }
.LBB2_21:
0x117: {  	s31 =	sadd.s32 $0x1, s31  }
0x118: {  	p2 =	seq.s32 s31, $0x0  }
.Ltmp13:
0x119: {  	_ = 	snop;
	(pc) =	sbr.rel @p2 .LBB2_22-.Ltmp13, $2  }
0x11a: {  	_ =	sdelay $0x2  }
0x11b: {  	s30 =	sadd.s32 $0x80, s30;
	s28 =	sadd.s32 $0x1, s28;
	s29 =	smov.u32 s2  }
.LBB2_16:
0x11c: {  	v1 =	vld.msk [tilespmem:s28+$0x0], $0x1;
	_ =	sdelay $0x4  }
0x11d: {  	(v2sf) =	vpush v1, $0x0;
	_ =	sdelay $0xe  }
0x11e: {  	s2 =	spop (v2sf)  }
0x11f: {  	p2 =	sne.s32 s29, s2  }
.Ltmp14:
0x120: {  	_ = 	snop;
	(pc) =	sbr.rel @!p2 .LBB2_17-.Ltmp14, $3  }
0x121: {  	_ =	sdelay $0x1  }
0x122: {  	s5 =	sshll.u32 s26, $0x8  }
0x123: {  	s5 =	sshra.s32 s5, $0x2  }
0x124: {  	p2 =	seq.s32 s29, s4  }
.Ltmp15:
0x125: {  	_ = 	snop;
	(pc) =	sbr.rel @!p2 .LBB2_19-.Ltmp15, $1  }
0x126: {  	_ =	sdelay $0x3  }
.Ltmp16:
0x127: {  	s5 =	sadd.s32 $0x88, s5;
	(pc) =	sbr.rel .LBB2_20-.Ltmp16, $4  }
0x128: {  	[spmem:s18] =	stream.linear.scatter [tilespmem:s5], [sflag:$0x1], $0x40, $0x38;
	[tilespmem:$0x1EF88] =	vst v63  }
0x129: {  	_ =	swait.ge [sflag:s13], $0x40  }
0x12a: {  	[sflag:s13] =	ssyncset.done $0x0  }
0x12b: {  	[sflag:s13] =	ssyncadd.s32 $0xFFFFFFC0  }
.LBB2_19:
0x12c: {  	s7 =	sshll.u32 s0, $0x8  }
0x12d: {  	s7 =	sshra.s32 s7, $0x2  }
0x12e: {  	v1 =	vld [tilespmem:s7+$0x50C8];
	_ =	sdelay $0x4  }
0x12f: {  	[tilespmem:s5+$0x88] =	vst.add.f32.msk $0xffff, v1  }
0x130: {  	v1 =	vld [tilespmem:s7+$0x50D8];
	_ =	sdelay $0x4  }
0x131: {  	[tilespmem:s5+$0x98] =	vst.add.f32.msk $0xffff, v1  }
0x132: {  	v1 =	vld [tilespmem:s7+$0x50E8];
	_ =	sdelay $0x4  }
0x133: {  	[tilespmem:s5+$0xA8] =	vst.add.f32.msk $0xffff, v1  }
0x134: {  	v1 =	vld [tilespmem:s7+$0x50F8];
	_ =	sdelay $0x2  }
0x135: {  	p2 =	sgt.u32 s29, $0x270F8  }
0x136: {  	s7 =	sand.u32 @!p2 $0x3FFF8, s29  }
0x137: {  	s8 =	sadd.s32 $0x88, s5;
	[tilespmem:s5+$0xB8] =	vst.add.f32.msk $0xffff, v1;
	s5 =	sadd.s32 @!p2 s1, s7;
	s7 =	sand.u32 @!p2 $0x7, s29  }
0x138: {  	[hbm4b:s5+s7] =	stream.linear.scatter @!p2 [tilespmem:s8], [sflag:$0xC], $0x40, $0x38;
	[tilespmem:$0x1EF88] =	vst v63  }
0x139: {  	s5 =	simm.s32 $0x0  }
0x13a: {  	s5 =	simm.s32 @!p2 $0x100  }
0x13b: {  	s3 =	sadd.s32 s5, s3  }
.LBB2_20:
0x13c: {  	s5 =	sadd.s32 $0x1, s26  }
0x13d: {  	s7 =	smulhi.u32 $0xCCCCCCCD, s5;
	_ =	sdelay $0x1  }
0x13e: {  	v1 =	vld [tilespmem:s30+$0xFFFFFFE0];
	s7 =	sshrl.u32 s7, $0x8  }
0x13f: {  	s7 =	smul.u32 $0x140, s7;
	_ =	sdelay $0x1  }
0x140: {  	s26 =	ssub.s32 s5, s7  }
0x141: {  	s5 =	sshll.u32 s26, $0x6  }
0x142: {  	[tilespmem:s5+$0x88] =	vst v1  }
0x143: {  	v1 =	vld [tilespmem:s30+$0xFFFFFFF0];
	_ =	sdelay $0x4  }
0x144: {  	[tilespmem:s5+$0x98] =	vst v1  }
0x145: {  	v1 =	vld [tilespmem:s30+$0x0];
	_ =	sdelay $0x4  }
0x146: {  	[tilespmem:s5+$0xA8] =	vst v1  }
0x147: {  	v1 =	vld [tilespmem:s30+$0x10]  }
.Ltmp17:
0x148: {  	_ = 	snop;
	(pc) =	sbr.rel .LBB2_21-.Ltmp17, $2  }
0x149: {  	_ =	sdelay $0x2  }
0x14a: {  	s0 =	sadd.s32 $0x1, s0;
	[tilespmem:s5+$0xB8] =	vst v1  }
.LBB2_23:
.Ltmp18:
0x14b: {  	(pc) =	sbr.rel .LBB2_24-.Ltmp18, $4  }
0x14c: {  	_ = 	snop  }
0x14d: {  	s0 =	simm.s32 $0x2  }
0x14e: {  	_ =	swait.ge [sflag:s0], $0x0  }
0x14f: {  	s2 =	smov.u32 s29;
	[sflag:s0] =	ssyncset.done $0x0;
	s0 =	simm.s32 $0x0  }
.LBB2_26:
0x150: {  	_ =	sfence.sel $0x180000  }
0x151: {  	s0 =	simm.s32 $0x9;
	[bflag:$0x0] =	sbarrier.arrive $0xFFFF  }
0x152: {  	s24 =	simm.s32 $0xA;
	[sflag:s0] =	ssyncpa.u1 $0x1  }
0x153: {  	s25 =	simm.s32 $0xB;
	[sflag:s24] =	ssyncpa.u1 $0x1  }
0x154: {  	s26 =	simm.s32 $0x2;
	[sflag:s25] =	ssyncpa.u1 $0x1  }
0x155: {  	[sflag:s26] =	ssyncpa.u1 $0x1  }
0x156: {  	v0 =	vld [tilespmem:$0xA108];
	_ =	sdelay $0x4  }
0x157: {  	(v2sf) =	vpush v0, $0x0  }
0x158: {  	(v2sf) =	vpush v0, $0x1;
	_ =	sdelay $0x1  }
0x159: {  	(v2sf) =	vpush v0, $0x2;
	_ =	sdelay $0xb  }
0x15a: {  	s0 =	spop (v2sf)  }
0x15b: {  	s2 =	spop (v2sf)  }
0x15c: {  	s3 =	smov.u32 s0;
	p0 =	sne.s32 s0, s2  }
0x15d: {  	s4 =	spop (v2sf);
	s3 =	simm.s32 @!p0 $0xFFFFFFFF  }
0x15e: {  	v2 =	vimm.s32 $0x1;
	v3 =	vlaneseq.u32;
	p0 =	seq.s32 s4, $0xFFFFFFFF;
	v1 =	vmov s3  }
0x15f: {  	s14 =	stileid.u32;
	v0 =	vperm.xlane v0, v2;
	p1 =	sne.s32 @!p0 s0, s2;
	v1 =	vperm.xlane v1, v3  }
0x160: {  	vm0 =	vcmask $0x3F04;
	s6 =	simm.s32 $0xA108;
	s0 =	simm.s32 @!p0 $0x1;
	p1 =	por !p1, p0  }
0x161: {  	s3 =	sshll.u32 s14, $0x1;
	s2 =	sshll.u32 @!p0 s4, $0x8;
	s0 =	simm.s32 @p1 $0x0;
	v0 =	vsel vm0, v1, v0  }
0x162: {  	s5 =	sor.u32 $0x800, s3;
	s2 =	sshra.s32 @!p0 s2, $0x2;
	s0 =	sor.u32 @!p0 s0, s3;
	[tilespmem:$0xA108] =	vst v0  }
0x163: {  	[spmem:s5] =	stream.linear.scatter [tilespmem:s6], [sflag:$0x1], $0x2, $0x38;
	[tilespmem:$0x1EF88] =	vst v63  }
0x164: {  	s2 =	sadd.s32 @!p0 $0x88, s2;
	s0 =	sshll.u32 @!p0 s0, $0x6  }
0x165: {  	[spmem:s0] =	stream.linear.scatter @!p0 [tilespmem:s2], [sflag:$0x1], $0x40, $0x38;
	[tilespmem:$0x1EF88] =	vst v63  }
0x166: {  	s0 =	simm.s32 @!p0 $0x42  }
0x167: {  	s28 =	simm.s32 $0x1;
	s0 =	simm.s32 @p0 $0x2  }
0x168: {  	_ =	swait.ge [sflag:s28], s0  }
0x169: {  	s0 =	ssub.s32 $0x0, s0;
	[sflag:s28] =	ssyncset.done $0x0  }
0x16a: {  	p0 =	sne.s32 s14, $0x0;
	[sflag:s28] =	ssyncadd.s32 s0  }
.Ltmp19:
0x16b: {  	_ =	sfence.stream.spmem;
	(pc) =	sbr.rel @p0 .LBB2_43-.Ltmp19, $4  }
0x16c: {  	s29 =	simm.s32 $0x3;
	[bflag:$0x0] =	sbarrier.arrive $0xFFFF  }
0x16d: {  	s30 =	simm.s32 $0x4;
	[sflag:s29] =	ssyncpa.u1 $0x1  }
0x16e: {  	s31 =	simm.s32 $0x3C;
	[sflag:s30] =	ssyncpa.u1 $0x1  }
0x16f: {  	s13 =	rddreg [dreg:$0x4];
	[sflag:s31] =	ssyncpa.u1 $0x1  }
0x170: {  	_ =	sfence.stream.spmem;
	s0 =	simm.s32 $0x5  }
0x171: {  	s2 =	simm.s32 $0x800;
	s3 =	simm.s32 $0xA118;
	[sflag:s0] =	ssyncpa.u1 $0x0  }
0x172: {  	[tilespmem:s3], [sflag:$0x5] =	stream.linear.gather [spmem:s2], $0x20, $0x38;
	[tilespmem:$0x1EF88] =	vst v63  }
0x173: {  	s26 =	simm.s32 $0x0;
	s28 =	simm.s32 $0xA138  }
0x174: {  	[tilespmem:s28], [sflag:$0x5] =	stream.linear.gather [spmem:s26], $0x800, $0x38;
	[tilespmem:$0x1EF88] =	vst v63  }
0x175: {  	_ =	swait.ge [sflag:s0], $0x820  }
0x176: {  	[sflag:s0] =	ssyncset.done $0x0  }
0x177: {  	s29 =	simm.s32 $0x0;
	[sflag:s0] =	ssyncadd.s32 $0xFFFFF7E0  }
0x178: {  	v0 =	vld.msk [tilespmem:s29+$0xA118], $0x1;
	_ =	sdelay $0x1  }
0x179: {  	s30 =	simm.s32 $0x1  }
0x17a: {  	v1 =	vld.msk [tilespmem:s30+$0xA118], $0x1;
	_ =	sdelay $0x1  }
0x17b: {  	(v2sf) =	vpush v0, $0x0;
	_ =	sdelay $0x2  }
0x17c: {  	(v2sf) =	vpush v1, $0x0;
	_ =	sdelay $0x2  }
0x17d: {  	s31 =	simm.s32 $0x2  }
0x17e: {  	v0 =	vld.msk [tilespmem:s31+$0xA118], $0x1;
	_ =	sdelay $0x2  }
0x17f: {  	s2 =	simm.s32 $0xFFFFFFFF;
	s3 =	simm.s32 $0xFFFFFFFF;
	s0 =	simm.s32 $0xC  }
.LBB2_28:
0x180: {  	s4 =	smov.u32 s3;
	s5 =	smov.u32 s2  }
0x181: {  	s2 =	sshra.s32 s0, $0x2;
	p1 =	sne.s32 s0, $0x7C;
	s0 =	sadd.s32 $0x4, s0;
	(v2sf) =	vpush v0, $0x0  }
0x182: {  	v0 =	vld.msk [tilespmem:s2+$0xA118], $0x1  }
.Ltmp20:
0x183: {  	(pc) =	sbr.rel @p1 .LBB2_28-.Ltmp20, $4  }
0x184: {  	s3 =	spop (v2sf)  }
0x185: {  	p2 =	sne.s32 s5, $0xFFFFFFFF;
	s2 =	smov.u32 s3  }
0x186: {  	p3 =	seq.s32 s3, $0xFFFFFFFF;
	s2 =	smov.u32 @p2 s5  }
0x187: {  	s3 =	smov.u32 @p3 s4;
	s2 =	smov.u32 @p3 s5  }
0x188: {  	(v2sf) =	vpush v0, $0x0;
	_ =	sdelay $0x8  }
0x189: {  	s0 =	spop (v2sf)  }
0x18a: {  	p1 =	sne.s32 s2, $0xFFFFFFFF;
	s4 =	smov.u32 s0  }
0x18b: {  	s6 =	simm.s32 $0x0;
	p2 =	seq.s32 s0, $0xFFFFFFFF;
	s4 =	smov.u32 @p1 s2  }
0x18c: {  	s9 =	simm.s32 $0xA0C8;
	s4 =	smov.u32 @p2 s2;
	s2 =	spop (v2sf)  }
0x18d: {  	s0 =	smov.u32 @p2 s3;
	p1 =	sne.s32 s4, $0xFFFFFFFF;
	s5 =	smov.u32 s2  }
.Ltmp21:
0x18e: {  	p2 =	seq.s32 s2, $0xFFFFFFFF;
	s5 =	smov.u32 @p1 s4;
	(pc) =	sbr.rel .LBB2_30-.Ltmp21, $4  }
0x18f: {  	s10 =	simm.s32 $0x0;
	s5 =	smov.u32 @p2 s4;
	s7 =	spop (v2sf)  }
0x190: {  	s2 =	smov.u32 @p2 s0;
	p1 =	sne.s32 s5, $0xFFFFFFFF;
	s8 =	smov.u32 s7  }
0x191: {  	s0 =	simm.s32 $0x6;
	p2 =	seq.s32 s7, $0xFFFFFFFF;
	s8 =	smov.u32 @p1 s5  }
0x192: {  	[sflag:s0] =	ssyncpa.u1 $0x0;
	s7 =	smov.u32 @p2 s2;
	s8 =	smov.u32 @p2 s5  }
.LBB2_36:
0x193: {  	p1 =	sgt.u32 s2, $0x270F8  }
0x194: {  	p2 =	seq.s32 @!p1 s2, s8  }
0x195: {  	p1 =	por p1, p2  }
0x196: {  	p2 =	sne.s32 @!p1 s2, s7  }
0x197: {  	p1 =	por p1, !p2  }
0x198: {  	s2 =	sshll.u32 @p1 s10, $0x8  }
0x199: {  	s3 =	sand.u32 @!p1 $0x3FFF8, s2  }
0x19a: {  	s2 =	sand.u32 @!p1 $0x7, s2;
	s3 =	sadd.s32 @!p1 s1, s3  }
0x19b: {  	[tilespmem:s9], [sflag:$0x6] =	stream.linear.gather @!p1 [hbm4b:s3+s2], $0x40, $0x38;
	[tilespmem:$0x1EF88] =	vst v63  }
0x19c: {  	_ =	swait.ge @!p1 [sflag:s0], $0x40  }
0x19d: {  	[sflag:s0] =	ssyncset.done @!p1 $0x0  }
0x19e: {  	[sflag:s0] =	ssyncadd.s32 @!p1 $0xFFFFFFC0  }
0x19f: {  	v1 =	vld @!p1 [tilespmem:$0xA0C8];
	_ =	sdelay $0x2  }
0x1a0: {  	s2 =	sshll.u32 @!p1 s10, $0x8  }
0x1a1: {  	s3 =	sshrl.u32 @!p1 s2, $0x2  }
0x1a2: {  	[tilespmem:s3+$0xA138] =	vst.add.f32.msk @!p1 $0xffff, v1  }
0x1a3: {  	v1 =	vld @!p1 [tilespmem:$0xA0D8];
	_ =	sdelay $0x4  }
0x1a4: {  	[tilespmem:s3+$0xA148] =	vst.add.f32.msk @!p1 $0xffff, v1  }
0x1a5: {  	v1 =	vld @!p1 [tilespmem:$0xA0E8];
	_ =	sdelay $0x4  }
0x1a6: {  	[tilespmem:s3+$0xA158] =	vst.add.f32.msk @!p1 $0xffff, v1  }
0x1a7: {  	v1 =	vld @!p1 [tilespmem:$0xA0F8];
	_ =	sdelay $0x4  }
0x1a8: {  	[tilespmem:s3+$0xA168] =	vst.add.f32.msk @!p1 $0xffff, v1  }
0x1a9: {  	s2 =	sshrl.u32 s2, $0x2;
	[tilespmem:s6+$0xA118] =	vst.msk $0x1, v0  }
0x1aa: {  	v0 =	vld [tilespmem:s2+$0xA138];
	_ =	sdelay $0x2  }
0x1ab: {  	s31 =	sshll.u32 s6, $0x8  }
0x1ac: {  	s3 =	sshra.s32 s31, $0x2  }
0x1ad: {  	[tilespmem:s3+$0xA138] =	vst v0  }
0x1ae: {  	v0 =	vld [tilespmem:s2+$0xA148];
	_ =	sdelay $0x4  }
0x1af: {  	[tilespmem:s3+$0xA148] =	vst v0  }
0x1b0: {  	v0 =	vld [tilespmem:s2+$0xA158];
	_ =	sdelay $0x4  }
0x1b1: {  	[tilespmem:s3+$0xA158] =	vst v0  }
0x1b2: {  	v0 =	vld [tilespmem:s2+$0xA168];
	_ =	sdelay $0x4  }
0x1b3: {  	s6 =	sadd.s32 $0x1, s6;
	[tilespmem:s3+$0xA168] =	vst v0  }
.LBB2_37:
0x1b4: {  	s10 =	sadd.s32 $0x1, s10  }
0x1b5: {  	p1 =	sne.s32 s10, $0x20  }
.Ltmp22:
0x1b6: {  	_ = 	snop;
	(pc) =	sbr.rel @!p1 .LBB2_38-.Ltmp22, $1  }
0x1b7: {  	_ =	sdelay $0x3  }
.LBB2_30:
0x1b8: {  	v0 =	vld.msk [tilespmem:s10+$0xA118], $0x1;
	_ =	sdelay $0x4  }
0x1b9: {  	(v2sf) =	vpush v0, $0x0;
	_ =	sdelay $0xe  }
0x1ba: {  	s2 =	spop (v2sf)  }
0x1bb: {  	p1 =	seq.s32 s2, $0xFFFFFFFF  }
.Ltmp23:
0x1bc: {  	_ = 	snop;
	(pc) =	sbr.rel @p1 .LBB2_37-.Ltmp23, $1  }
0x1bd: {  	_ =	sdelay $0x3  }
0x1be: {  	p1 =	slt.s32 s6, $0x1  }
.Ltmp24:
0x1bf: {  	_ = 	snop;
	(pc) =	sbr.rel @p1 .LBB2_36-.Ltmp24, $1  }
0x1c0: {  	_ =	sdelay $0x3  }
0x1c1: {  	s3 =	simm.s32 $0xA118;
	p1 =	por $0x0, $0x0  }
0x1c2: {  	v1 =	vld.msk @!p1 [tilespmem:s3+$0x0], $0x1;
	_ =	sdelay $0x4  }
0x1c3: {  	(v2sf) =	vpush @!p1 v1, $0x0;
	_ =	sdelay $0xd  }
0x1c4: {  	p3 =	sne.s32 s6, $0x1  }
.Ltmp25:
0x1c5: {  	s4 =	spop @!p1 (v2sf);
	(pc) =	sbr.rel @!p3 .LBB2_34-.Ltmp25, $4  }
0x1c6: {  	p2 =	seq.s32 @!p1 s2, s4  }
0x1c7: {  	s4 =	simm.s32 $0x0;
	p2 =	por !p2, p1  }
0x1c8: {  	s11 =	simm.s32 $0xFFFFFFFF;
	s4 =	simm.s32 @p2 $0xFFFFFFFF  }
0x1c9: {  	s5 =	simm.s32 $0x1;
	s4 =	smov.u32 @p1 s11  }
.LBB2_33:
0x1ca: {  	s11 =	smov.u32 s4;
	p1 =	sne.s32 s4, $0xFFFFFFFF  }
0x1cb: {  	s3 =	sadd.s32 $0x1, s3;
	s4 =	smov.u32 s5;
	s5 =	sadd.s32 $0x1, s5  }
0x1cc: {  	p2 =	sne.s32 s6, s5;
	v1 =	vld.msk @!p1 [tilespmem:s3+$0x0], $0x1;
	_ =	sdelay $0x4  }
0x1cd: {  	(v2sf) =	vpush @!p1 v1, $0x0;
	_ =	sdelay $0xe  }
.Ltmp26:
0x1ce: {  	s12 =	spop @!p1 (v2sf);
	(pc) =	sbr.rel @p2 .LBB2_33-.Ltmp26, $4  }
0x1cf: {  	p3 =	seq.s32 @!p1 s2, s12  }
0x1d0: {  	p3 =	por !p3, p1  }
0x1d1: {  	s4 =	simm.s32 @p3 $0xFFFFFFFF  }
0x1d2: {  	s4 =	smov.u32 @p1 s11  }
.LBB2_34:
0x1d3: {  	p1 =	seq.s32 s4, $0xFFFFFFFF  }
.Ltmp27:
0x1d4: {  	_ = 	snop;
	(pc) =	sbr.rel @p1 .LBB2_36-.Ltmp27, $1  }
0x1d5: {  	_ =	sdelay $0x3  }
0x1d6: {  	s2 =	sshll.u32 s10, $0x6  }
0x1d7: {  	s2 =	sand.u32 $0x3FFFFFC0, s2  }
0x1d8: {  	v0 =	vld [tilespmem:s2+$0xA138];
	_ =	sdelay $0x2  }
0x1d9: {  	s3 =	sshll.u32 s4, $0x8  }
0x1da: {  	s3 =	sshra.s32 s3, $0x2  }
0x1db: {  	[tilespmem:s3+$0xA138] =	vst.add.f32.msk $0xffff, v0  }
0x1dc: {  	v0 =	vld [tilespmem:s2+$0xA148];
	_ =	sdelay $0x4  }
0x1dd: {  	[tilespmem:s3+$0xA148] =	vst.add.f32.msk $0xffff, v0  }
0x1de: {  	v0 =	vld [tilespmem:s2+$0xA158];
	_ =	sdelay $0x4  }
0x1df: {  	[tilespmem:s3+$0xA158] =	vst.add.f32.msk $0xffff, v0  }
0x1e0: {  	v0 =	vld [tilespmem:s2+$0xA168]  }
.Ltmp28:
0x1e1: {  	_ = 	snop;
	(pc) =	sbr.rel .LBB2_37-.Ltmp28, $2  }
0x1e2: {  	_ =	sdelay $0x2  }
0x1e3: {  	[tilespmem:s3+$0xA168] =	vst.add.f32.msk $0xffff, v0  }
.LBB2_38:
0x1e4: {  	s0 =	simm.s32 $0x6;
	p1 =	seq.s32 s6, $0x0  }
0x1e5: {  	[sflag:s0] =	ssyncpa.u1 $0x1;
	v0 =	vimm.s32 @p1 $0xFFFFFFFF  }
0x1e6: {  	s0 =	sadd.s32 $0xFFFFFFFF, s6;
	[tilespmem:$0xA938] =	vst @p1 v0  }
0x1e7: {  	v0 =	vld.msk @!p1 [tilespmem:s0+$0xA118], $0x1;
	_ =	sdelay $0x1  }
0x1e8: {  	v1 =	vld.msk @!p1 [tilespmem:$0xA118], $0x1;
	_ =	sdelay $0x2  }
0x1e9: {  	p2 =	seq.s32 @!p1 s0, $0x0;
	v0 =	vbroadcast @!p1 v0, $0x0  }
0x1ea: {  	vm0 =	vmmov @!p1 $0x1;
	p2 =	por !p2, p1  }
0x1eb: {  	v1 =	vnsel @!p1 vm0, $0xFFFFFFFF, v1;
	vm0 =	vcmask @!p1 $0x308;
	v0 =	vpsel !p2, $0xFFFFFFFF, v0  }
0x1ec: {  	p2 =	sne.s32 @!p1 s8, s7;
	v0 =	vsel @!p1 vm0, v1, v0  }
0x1ed: {  	s2 =	simm.s32 @!p1 $0xA138;
	s3 =	simm.s32 @!p1 $0x0;
	p3 =	por !p2, p1;
	[tilespmem:$0xA938] =	vst @!p1 v0  }
0x1ee: {  	[spmem:s3] =	stream.linear.scatter @!p1 [tilespmem:s2], [sflag:$0x1], $0x40, $0x38;
	[tilespmem:$0x1EF88] =	vst v63  }
0x1ef: {  	s2 =	sshll.u32 @!p3 s0, $0x8  }
0x1f0: {  	s2 =	sshra.s32 @!p3 s2, $0x2  }
0x1f1: {  	s3 =	simm.s32 @!p3 $0x40;
	s2 =	sadd.s32 @!p3 $0xA138, s2  }
0x1f2: {  	[spmem:s3] =	stream.linear.scatter @!p3 [tilespmem:s2], [sflag:$0x1], $0x40, $0x38;
	[tilespmem:$0x1EF88] =	vst v63  }
0x1f3: {  	s2 =	simm.s32 @!p3 $0x1  }
0x1f4: {  	_ =	swait.ge @!p3 [sflag:s2], $0x80  }
0x1f5: {  	p1 =	por p2, p1;
	[sflag:s2] =	ssyncset.done @!p3 $0x0  }
0x1f6: {  	[sflag:s2] =	ssyncadd.s32 @!p3 $0xFFFFFF80;
	s2 =	simm.s32 @!p1 $0x1  }
0x1f7: {  	_ =	swait.ge @!p1 [sflag:s2], $0x40  }
0x1f8: {  	s29 =	simm.s32 $0xA938;
	[sflag:s2] =	ssyncset.done @!p1 $0x0  }
0x1f9: {  	s30 =	simm.s32 $0x800;
	s31 =	simm.s32 $0x1;
	[sflag:s2] =	ssyncadd.s32 @!p1 $0xFFFFFFC0  }
0x1fa: {  	[spmem:s30] =	stream.linear.scatter [tilespmem:s29], [sflag:$0x1], $0x10, $0x38;
	[tilespmem:$0x1EF88] =	vst v63  }
0x1fb: {  	_ =	swait.ge [sflag:s31], $0x10  }
0x1fc: {  	[sflag:s31] =	ssyncset.done $0x0  }
0x1fd: {  	p1 =	seq.s32 s13, $0x0;
	s9 =	rddreg [dreg:$0x1];
	[sflag:s31] =	ssyncadd.s32 $0xFFFFFFF0  }
0x1fe: {  	s3 =	sshll.u32 @p1 s9, $0xE;
	s8 =	rddreg [dreg:$0x2]  }
0x1ff: {  	s2 =	sadd.s32 @p1 $0x15C3C, s3;
	s3 =	sshll.u32 @p1 s8, $0x11  }
0x200: {  	_ =	sfence.stream.spmem;
	s2 =	sor.u32 @p1 s3, s2  }
0x201: {  	[sflag:s2] =	ssyncadd.remote.s32 @p1 $0x1;
	s2 =	simm.s32 @p1 $0x4  }
0x202: {  	s4 =	simm.s32 @!p1 $0x3C;
	s3 =	sand.u32 $0xFFFFFFFE, s9;
	_ =	swait.ge @p1 [sflag:s2], $0x12  }
0x203: {  	s5 =	simm.s32 @!p1 $0x0;
	s3 =	sadd.s32 @!p1 $0x4, s3;
	[sflag:s2] =	ssyncset.done @p1 $0x0  }
0x204: {  	s7 =	simm.s32 @!p1 $0x80;
	[sflag:s2] =	ssyncadd.s32 @p1 $0xFFFFFFEE;
	s2 =	sshll.u32 @!p1 s3, $0x1A  }
0x205: {  	s3 =	sshll.u32 @!p1 s3, $0xD;
	s2 =	sor.u32 @!p1 s2, s8;
	_ =	swait.eq @!p1 [sflag:s4], $0x1  }
0x206: {  	s3 =	sor.u32 @!p1 $0x1C04, s3;
	s4 =	simm.s32 @!p1 $0x1C03;
	s2 =	sor.u32 @!p1 $0x80004000, s2  }
0x207: {  	[spmem:s7], [sflag:s3] =	dma.general @!p1 [spmem:s5], [sflag:s4], length:$0x10, [dreg:$0x0], stride_count:$0x0, ici_dest:s2, dma_misc:DstOpCode:WRITE  }
0x208: {  	p2 =	slt.s32 s0, $0x2;
	s5 =	simm.s32 @!p1 $0x100;
	s7 =	simm.s32 @!p1 $0x102  }
0x209: {  	[spmem:s7], [sflag:s3] =	dma.general @!p1 [spmem:s5], [sflag:s4], length:$0x2, [dreg:$0x0], stride_count:$0x0, ici_dest:s2, dma_misc:DstOpCode:WRITE  }
.Ltmp29:
0x20a: {  	s2 =	simm.s32 @!p1 $0x3;
	(pc) =	sbr.rel @p2 .LBB2_42-.Ltmp29, $4  }
0x20b: {  	s3 =	sshll.u32 @!p1 s9, $0xE;
	_ =	swait.ge @!p1 [sflag:s2], $0x12  }
0x20c: {  	s4 =	sshll.u32 @!p1 s8, $0x11;
	s3 =	sadd.s32 @!p1 $0x11C3C, s3;
	[sflag:s2] =	ssyncset.done @!p1 $0x0  }
0x20d: {  	[sflag:s2] =	ssyncadd.s32 @!p1 $0xFFFFFFEE;
	s2 =	sor.u32 @!p1 s4, s3  }
0x20e: {  	s0 =	simm.s32 $0x0;
	[sflag:s2] =	ssyncadd.remote.s32 @!p1 $0xFFFFFFFF  }
0x20f: {  	s0 =	simm.s32 $0xA119  }
0x210: {  	v0 =	vld.msk [tilespmem:s0+$0x0], $0x1;
	_ =	sdelay $0x4  }
0x211: {  	(v2sf) =	vpush v0, $0x0;
	_ =	sdelay $0xc  }
0x212: {  	s2 =	sadd.s32 $0xFFFFFFFE, s6  }
0x213: {  	s2 =	sadd.s32 $0xFFFFFFFF, s2  }
0x214: {  	p2 =	sne.s32 s2, $0x0;
	s3 =	spop (v2sf)  }
.Ltmp30:
0x215: {  	p1 =	sgt.u32 s3, $0x270F8;
	(pc) =	sbr.rel @!p2 .LBB2_41-.Ltmp30, $4  }
0x216: {  	s5 =	simm.s32 $0x0;
	s4 =	sand.u32 @!p1 $0x3FFF8, s3  }
0x217: {  	s0 =	simm.s32 $0xA178;
	s3 =	sand.u32 @!p1 $0x7, s3;
	s4 =	sadd.s32 @!p1 s1, s4  }
0x218: {  	[hbm4b:s4+s3] =	stream.linear.scatter @!p1 [tilespmem:s0], [sflag:$0x5], $0x40, $0x38;
	[tilespmem:$0x1EF88] =	vst v63  }
0x219: {  	s5 =	simm.s32 @!p1 $0x100;
	s3 =	simm.s32 $0x0;
	s4 =	simm.s32 $0xA11A  }
.LBB2_40:
0x21a: {  	v0 =	vld.msk [tilespmem:s4+$0x0], $0x1;
	s2 =	sadd.s32 $0xFFFFFFFF, s2;
	s3 =	sadd.s32 s3, s5  }
0x21b: {  	p1 =	sne.s32 s2, $0x0;
	_ =	sdelay $0x3  }
0x21c: {  	(v2sf) =	vpush v0, $0x0;
	_ =	sdelay $0xe  }
.Ltmp31:
0x21d: {  	s6 =	spop (v2sf);
	(pc) =	sbr.rel @p1 .LBB2_40-.Ltmp31, $4  }
0x21e: {  	s5 =	simm.s32 $0x0;
	p2 =	sgt.u32 s6, $0x270F8  }
0x21f: {  	s0 =	sadd.s32 $0x40, s0;
	s5 =	simm.s32 @!p2 $0x100;
	s7 =	sand.u32 @!p2 $0x3FFF8, s6  }
0x220: {  	s4 =	sadd.s32 $0x1, s4;
	s6 =	sand.u32 @!p2 $0x7, s6;
	s7 =	sadd.s32 @!p2 s1, s7  }
0x221: {  	[hbm4b:s7+s6] =	stream.linear.scatter @!p2 [tilespmem:s0], [sflag:$0x5], $0x40, $0x38;
	[tilespmem:$0x1EF88] =	vst v63  }
.LBB2_41:
0x222: {  	s0 =	sadd.s32 s3, s5  }
0x223: {  	s0 =	sshrl.u32 s0, $0x2  }
.LBB2_42:
0x224: {  	s2 =	simm.s32 $0x5  }
0x225: {  	_ =	swait.ge [sflag:s2], s0  }
0x226: {  	s31 =	ssub.s32 $0x0, s0;
	[sflag:s2] =	ssyncset.done $0x0  }
0x227: {  	[sflag:s2] =	ssyncadd.s32 s31  }
0x228: {  	[sflag:s2] =	ssyncpa.u1 $0x1  }
.LBB2_43:
0x229: {  	s0 =	sor.u32 s13, s14  }
0x22a: {  	p1 =	sne.s32 s0, $0x0  }
.Ltmp32:
0x22b: {  	_ = 	snop;
	(pc) =	sbr.rel @p1 .LBB2_58-.Ltmp32, $3  }
0x22c: {  	_ =	sdelay $0x1  }
0x22d: {  	[bflag:$0x0] =	sbarrier.arrive $0xFFFF  }
0x22e: {  	_ =	sfence  }
0x22f: {  	s2 =	simm.s32 $0x7  }
0x230: {  	s0 =	simm.s32 $0x800;
	s3 =	simm.s32 $0xA118;
	[sflag:s2] =	ssyncpa.u1 $0x0  }
0x231: {  	[tilespmem:s3], [sflag:$0x7] =	stream.linear.gather [spmem:s0], $0x20, $0x38;
	[tilespmem:$0x1EF88] =	vst v63  }
0x232: {  	s30 =	simm.s32 $0xA138;
	s0 =	simm.s32 $0x0  }
0x233: {  	[tilespmem:s30], [sflag:$0x7] =	stream.linear.gather [spmem:s0], $0x800, $0x38;
	[tilespmem:$0x1EF88] =	vst v63  }
.Ltmp33:
0x234: {  	_ = 	snop;
	(pc) =	sbr.rel .LBB2_45-.Ltmp33, $4  }
0x235: {  	_ =	swait.ge [sflag:s2], $0x820  }
0x236: {  	[sflag:s2] =	ssyncset.done $0x0  }
0x237: {  	s31 =	simm.s32 $0x8;
	[sflag:s2] =	ssyncadd.s32 $0xFFFFF7E0  }
0x238: {  	s2 =	simm.s32 $0x0;
	[sflag:s31] =	ssyncpa.u1 $0x0  }
.LBB2_51:
0x239: {  	p1 =	slt.u32 s3, $0x270F9  }
0x23a: {  	s4 =	sand.u32 @p1 $0x3FFF8, s3  }
0x23b: {  	s3 =	sand.u32 @p1 $0x7, s3;
	s5 =	simm.s32 @p1 $0xA0C8;
	s4 =	sadd.s32 @p1 s1, s4  }
0x23c: {  	[tilespmem:s5], [sflag:$0x8] =	stream.linear.gather @p1 [hbm4b:s4+s3], $0x40, $0x38;
	[tilespmem:$0x1EF88] =	vst v63  }
0x23d: {  	s3 =	simm.s32 @p1 $0x8  }
0x23e: {  	_ =	swait.ge @p1 [sflag:s3], $0x40  }
0x23f: {  	[sflag:s3] =	ssyncset.done @p1 $0x0  }
0x240: {  	[sflag:s3] =	ssyncadd.s32 @p1 $0xFFFFFFC0  }
0x241: {  	v1 =	vld @p1 [tilespmem:$0xA0C8];
	_ =	sdelay $0x2  }
0x242: {  	s3 =	sshll.u32 @p1 s2, $0x8  }
0x243: {  	s4 =	sshrl.u32 @p1 s3, $0x2  }
0x244: {  	[tilespmem:s4+$0xA138] =	vst.add.f32.msk @p1 $0xffff, v1  }
0x245: {  	v1 =	vld @p1 [tilespmem:$0xA0D8];
	_ =	sdelay $0x4  }
0x246: {  	[tilespmem:s4+$0xA148] =	vst.add.f32.msk @p1 $0xffff, v1  }
0x247: {  	v1 =	vld @p1 [tilespmem:$0xA0E8];
	_ =	sdelay $0x4  }
0x248: {  	[tilespmem:s4+$0xA158] =	vst.add.f32.msk @p1 $0xffff, v1  }
0x249: {  	v1 =	vld @p1 [tilespmem:$0xA0F8];
	_ =	sdelay $0x3  }
0x24a: {  	s5 =	sshll.u32 @!p1 s2, $0x8  }
0x24b: {  	s5 =	smov.u32 @p1 s3;
	[tilespmem:s4+$0xA168] =	vst.add.f32.msk @p1 $0xffff, v1  }
0x24c: {  	s3 =	sshrl.u32 s5, $0x2;
	[tilespmem:s0+$0xA118] =	vst.msk $0x1, v0  }
0x24d: {  	v0 =	vld [tilespmem:s3+$0xA138];
	_ =	sdelay $0x2  }
0x24e: {  	s31 =	sshll.u32 s0, $0x8  }
0x24f: {  	s4 =	sshra.s32 s31, $0x2  }
0x250: {  	[tilespmem:s4+$0xA138] =	vst v0  }
0x251: {  	v0 =	vld [tilespmem:s3+$0xA148];
	_ =	sdelay $0x4  }
0x252: {  	[tilespmem:s4+$0xA148] =	vst v0  }
0x253: {  	v0 =	vld [tilespmem:s3+$0xA158];
	_ =	sdelay $0x4  }
0x254: {  	[tilespmem:s4+$0xA158] =	vst v0  }
0x255: {  	v0 =	vld [tilespmem:s3+$0xA168];
	_ =	sdelay $0x4  }
0x256: {  	s0 =	sadd.s32 $0x1, s0;
	[tilespmem:s4+$0xA168] =	vst v0  }
.LBB2_52:
0x257: {  	s2 =	sadd.s32 $0x1, s2  }
0x258: {  	p1 =	sne.s32 s2, $0x20  }
.Ltmp34:
0x259: {  	_ = 	snop;
	(pc) =	sbr.rel @!p1 .LBB2_53-.Ltmp34, $1  }
0x25a: {  	_ =	sdelay $0x3  }
.LBB2_45:
0x25b: {  	v0 =	vld.msk [tilespmem:s2+$0xA118], $0x1;
	_ =	sdelay $0x4  }
0x25c: {  	(v2sf) =	vpush v0, $0x0;
	_ =	sdelay $0xe  }
0x25d: {  	s3 =	spop (v2sf)  }
0x25e: {  	p1 =	seq.s32 s3, $0xFFFFFFFF  }
.Ltmp35:
0x25f: {  	_ = 	snop;
	(pc) =	sbr.rel @p1 .LBB2_52-.Ltmp35, $1  }
0x260: {  	_ =	sdelay $0x3  }
0x261: {  	p1 =	slt.s32 s0, $0x1  }
.Ltmp36:
0x262: {  	_ = 	snop;
	(pc) =	sbr.rel @p1 .LBB2_51-.Ltmp36, $1  }
0x263: {  	_ =	sdelay $0x3  }
0x264: {  	s4 =	simm.s32 $0xA118;
	p1 =	por $0x0, $0x0  }
0x265: {  	v1 =	vld.msk @!p1 [tilespmem:s4+$0x0], $0x1;
	_ =	sdelay $0x4  }
0x266: {  	(v2sf) =	vpush @!p1 v1, $0x0;
	_ =	sdelay $0xd  }
0x267: {  	p3 =	sne.s32 s0, $0x1  }
.Ltmp37:
0x268: {  	s5 =	spop @!p1 (v2sf);
	(pc) =	sbr.rel @!p3 .LBB2_49-.Ltmp37, $4  }
0x269: {  	p2 =	seq.s32 @!p1 s3, s5  }
0x26a: {  	s5 =	simm.s32 $0x0;
	p2 =	por !p2, p1  }
0x26b: {  	s7 =	simm.s32 $0xFFFFFFFF;
	s5 =	simm.s32 @p2 $0xFFFFFFFF  }
0x26c: {  	s6 =	simm.s32 $0x1;
	s5 =	smov.u32 @p1 s7  }
.LBB2_48:
0x26d: {  	s7 =	smov.u32 s5;
	p1 =	sne.s32 s5, $0xFFFFFFFF  }
0x26e: {  	s4 =	sadd.s32 $0x1, s4;
	s5 =	smov.u32 s6;
	s6 =	sadd.s32 $0x1, s6  }
0x26f: {  	p2 =	sne.s32 s0, s6;
	v1 =	vld.msk @!p1 [tilespmem:s4+$0x0], $0x1;
	_ =	sdelay $0x4  }
0x270: {  	(v2sf) =	vpush @!p1 v1, $0x0;
	_ =	sdelay $0xe  }
.Ltmp38:
0x271: {  	s8 =	spop @!p1 (v2sf);
	(pc) =	sbr.rel @p2 .LBB2_48-.Ltmp38, $4  }
0x272: {  	p3 =	seq.s32 @!p1 s3, s8  }
0x273: {  	p3 =	por !p3, p1  }
0x274: {  	s5 =	simm.s32 @p3 $0xFFFFFFFF  }
0x275: {  	s5 =	smov.u32 @p1 s7  }
.LBB2_49:
0x276: {  	p1 =	seq.s32 s5, $0xFFFFFFFF  }
.Ltmp39:
0x277: {  	_ = 	snop;
	(pc) =	sbr.rel @p1 .LBB2_51-.Ltmp39, $1  }
0x278: {  	_ =	sdelay $0x3  }
0x279: {  	s3 =	sshll.u32 s2, $0x6  }
0x27a: {  	s3 =	sand.u32 $0x3FFFFFC0, s3  }
0x27b: {  	v0 =	vld [tilespmem:s3+$0xA138];
	_ =	sdelay $0x2  }
0x27c: {  	s4 =	sshll.u32 s5, $0x8  }
0x27d: {  	s4 =	sshra.s32 s4, $0x2  }
0x27e: {  	[tilespmem:s4+$0xA138] =	vst.add.f32.msk $0xffff, v0  }
0x27f: {  	v0 =	vld [tilespmem:s3+$0xA148];
	_ =	sdelay $0x4  }
0x280: {  	[tilespmem:s4+$0xA148] =	vst.add.f32.msk $0xffff, v0  }
0x281: {  	v0 =	vld [tilespmem:s3+$0xA158];
	_ =	sdelay $0x4  }
0x282: {  	[tilespmem:s4+$0xA158] =	vst.add.f32.msk $0xffff, v0  }
0x283: {  	v0 =	vld [tilespmem:s3+$0xA168]  }
.Ltmp40:
0x284: {  	_ = 	snop;
	(pc) =	sbr.rel .LBB2_52-.Ltmp40, $2  }
0x285: {  	_ =	sdelay $0x2  }
0x286: {  	[tilespmem:s4+$0xA168] =	vst.add.f32.msk $0xffff, v0  }
.LBB2_53:
0x287: {  	p1 =	slt.s32 s0, $0x1  }
.Ltmp41:
0x288: {  	_ = 	snop;
	(pc) =	sbr.rel @p1 .LBB2_57-.Ltmp41, $3  }
0x289: {  	_ =	sdelay $0x1  }
0x28a: {  	s2 =	simm.s32 $0x8  }
0x28b: {  	[sflag:s2] =	ssyncpa.u1 $0x1;
	s2 =	simm.s32 $0x0  }
0x28c: {  	s3 =	simm.s32 $0xA118  }
0x28d: {  	v0 =	vld.msk [tilespmem:s3+$0x0], $0x1;
	_ =	sdelay $0x4  }
0x28e: {  	(v2sf) =	vpush v0, $0x0;
	_ =	sdelay $0xe  }
0x28f: {  	s0 =	sadd.s32 $0xFFFFFFFF, s0;
	s4 =	spop (v2sf)  }
0x290: {  	p2 =	sne.s32 s0, $0x0;
	p1 =	sgt.u32 s4, $0x270F8  }
.Ltmp42:
0x291: {  	s5 =	sand.u32 @!p1 $0x3FFF8, s4;
	(pc) =	sbr.rel @!p2 .LBB2_56-.Ltmp42, $4  }
0x292: {  	s3 =	simm.s32 $0xA138;
	s4 =	sand.u32 @!p1 $0x7, s4;
	s5 =	sadd.s32 @!p1 s1, s5  }
0x293: {  	[hbm4b:s5+s4] =	stream.linear.scatter @!p1 [tilespmem:s3], [sflag:$0x7], $0x40, $0x38;
	[tilespmem:$0x1EF88] =	vst v63  }
0x294: {  	s5 =	simm.s32 $0x0  }
0x295: {  	s4 =	simm.s32 $0xA119;
	s5 =	simm.s32 @!p1 $0x100  }
.LBB2_55:
0x296: {  	v0 =	vld.msk [tilespmem:s4+$0x0], $0x1;
	s0 =	sadd.s32 $0xFFFFFFFF, s0;
	s2 =	sadd.s32 s2, s5  }
0x297: {  	p1 =	sne.s32 s0, $0x0;
	_ =	sdelay $0x3  }
0x298: {  	(v2sf) =	vpush v0, $0x0;
	_ =	sdelay $0xe  }
.Ltmp43:
0x299: {  	s6 =	spop (v2sf);
	(pc) =	sbr.rel @p1 .LBB2_55-.Ltmp43, $4  }
0x29a: {  	s5 =	simm.s32 $0x0;
	p2 =	sgt.u32 s6, $0x270F8  }
0x29b: {  	s3 =	sadd.s32 $0x40, s3;
	s5 =	simm.s32 @!p2 $0x100;
	s7 =	sand.u32 @!p2 $0x3FFF8, s6  }
0x29c: {  	s4 =	sadd.s32 $0x1, s4;
	s6 =	sand.u32 @!p2 $0x7, s6;
	s7 =	sadd.s32 @!p2 s1, s7  }
0x29d: {  	[hbm4b:s7+s6] =	stream.linear.scatter @!p2 [tilespmem:s3], [sflag:$0x7], $0x40, $0x38;
	[tilespmem:$0x1EF88] =	vst v63  }
.LBB2_56:
0x29e: {  	s0 =	sadd.s32 s2, s5  }
0x29f: {  	s2 =	sshrl.u32 s0, $0x2  }
.LBB2_57:
0x2a0: {  	s0 =	simm.s32 $0x7  }
0x2a1: {  	_ =	swait.ge [sflag:s0], s2  }
0x2a2: {  	s1 =	ssub.s32 $0x0, s2;
	[sflag:s0] =	ssyncset.done $0x0  }
0x2a3: {  	[sflag:s0] =	ssyncadd.s32 s1  }
0x2a4: {  	[sflag:s0] =	ssyncpa.u1 $0x1  }
.LBB2_58:
0x2a5: {  	_ =	sfence;
	s0 =	simm.s32 $0x1  }
0x2a6: {  	[sflag:s0] =	ssyncpa.u1 $0x1  }
0x2a7: {  	_ =	strace $0x90000059  }
0x2a8: {  	[bflag:$0x2] =	sbarrier.arrive $0xFFFF  }
0x2a9: {  	s0 =	rddreg [dreg:$0x3]  }
0x2aa: {  	s0 =	sadd.s32 @!p0 $0x100000, s0  }
0x2ab: {  	[sflag:s0] =	ssyncadd.tile.s32 @!p0 $0x1;
	_ =	shalt  }
.Lfunc_end2:
_tile_overlayer_lowered:
.L_overlay_start_2:
0x2ac: {  	(tag) =	ssettag $0x2  }
0x2ad: {  	s0 =	rddreg [dreg:$0x0];
	s2 =	stileid.u32  }
0x2ae: {  	s1 =	rddreg [dreg:$0x1];
	p0 =	sne.s32 s2, $0x0  }
0x2af: {  	s3 =	rddreg [dreg:$0x2];
	[bflag:$0x3] =	sbarrier.arrive $0xFFFF;
	s2 =	simm.s32 @!p0 $0x1C01  }
0x2b0: {  	[timem:s3], [sflag:s2] =	dma.local @!p0 [hbm:s0], s1  }
0x2b1: {  	s0 =	simm.s32 @!p0 $0x1  }
0x2b2: {  	_ =	swait.ge @!p0 [sflag:s0], s1  }
0x2b3: {  	s1 =	ssub.s32 @!p0 $0x0, s1;
	[sflag:s0] =	ssyncset.done @!p0 $0x0  }
0x2b4: {  	[sflag:s0] =	ssyncadd.s32 @!p0 s1  }
0x2b5: {  	[bflag:$0x3] =	sbarrier.arrive $0xFFFF  }
0x2b6: {  	_ =	shalt  }

// kernel: scatter_offload_async_start
scs
__scs_entry_jumppad:
0x0: {  	(pc) =	sbr.rel $0x88, $3  }
0x1: {  	(tag) =	ssettag $0x0;
	lr =	simm.s32 $0x1  }
0x2: {  	[smem:$0x3F91] =	sst lr;
	_ =	strace $0xD0000000  }
0x3: {  	_ = 	snop  }
0x4: {  	_ = 	snop  }
0x5: {  	_ = 	snop  }
0x6: {  	_ = 	snop  }
0x7: {  	_ = 	snop  }
__scs_overlays_trampoline_lowered:
0x8: {  	[smem:$0x3FA0] =	sst s0  }
0x9: {  	[smem:$0x3FA1] =	sst s1  }
0xa: {  	[smem:$0x3FA2] =	sst s2  }
0xb: {  	[smem:$0x3FA3] =	sst s3  }
0xc: {  	[smem:$0x3FA4] =	sst s4  }
0xd: {  	[smem:$0x3FA5] =	sst s5  }
0xe: {  	[smem:$0x3FA6] =	sst s6  }
0xf: {  	[smem:$0x3FA7] =	sst s7  }
0x10: {  	[smem:$0x3FA8] =	sst s8  }
0x11: {  	[smem:$0x3FA9] =	sst s9;
	s0 =	simm.s32 @!p0 $0x0  }
0x12: {  	s1 =	sld [smem:$0x3F8F];
	s0 =	simm.s32 @p0 $0x1  }
0x13: {  	[smem:$0x3FAA] =	sst s0;
	s0 =	simm.s32 @!p1 $0x0  }
0x14: {  	s2 =	sld [smem:$0x3F8E];
	s0 =	simm.s32 @p1 $0x1  }
0x15: {  	[smem:$0x3FAB] =	sst s0;
	s0 =	simm.s32 @!p2 $0x0  }
0x16: {  	s3 =	sld [smem:$0x3FDB];
	s0 =	simm.s32 @p2 $0x1  }
0x17: {  	s4 =	simm.s32 $0x1BF5;
	[smem:$0x3FAD] =	sst s0  }
0x18: {  	s0 =	sld [smem:$0x3F90];
	_ =	swait.ge [sflag:s4], $0x0  }
0x19: {  	s7 =	sld [smem:$0x3F91]  }
0x1a: {  	s8 =	sadd.s32 $0xFFFFE003, lr  }
0x1b: {  	s9 =	sadd.s32 $0xFFFFFEF7, lr;
	s5 =	simm.s32 $0xFFFFFFFF;
	p2 =	slt.u32 s8, $0xFFFFF086  }
0x1c: {  	p1 =	slt.u32 s9, $0xF7A;
	s5 =	simm.s32 @!p2 $0x0  }
0x1d: {  	s5 =	simm.s32 @p1 $0x1;
	p0 =	seq.s32 s7, s2  }
0x1e: {  	s7 =	smul.u32 @!p0 $0xF7A, s2;
	p2 =	seq.s32 @!p0 s5, $0x0  }
0x1f: {  	s9 =	smul.u32 $0xF7A, s1;
	s8 =	simm.s32 @!p0 $0x1BF5;
	p2 =	por !p2, p0  }
0x20: {  	[sflag:s8] =	ssyncset.s32 @!p0 $0xFFFFF086;
	s6 =	sadd.s32 @!p0 s3, s7;
	s7 =	simm.s32 @!p0 $0x108  }
0x21: {  	s3 =	sadd.s32 s3, s9;
	s6 =	sadd.s32 @!p0 $0x88, s6;
	s7 =	simm.s32 @p2 $0x1082  }
0x22: {  	[simem:s7], [sflag:s8] =	dma.local @!p0 [hbm:s6], $0xF7A  }
0x23: {  	s9 =	sor.u32 $0xD0000000, s2;
	s6 =	simm.s32 $0x108;
	_ =	swait.ge @!p0 [sflag:s8], $0x0  }
0x24: {  	s3 =	sadd.s32 $0x88, s3;
	s6 =	simm.s32 @!p1 $0x1082;
	[sflag:s4] =	ssyncset.s32 $0xFFFFF086  }
0x25: {  	[simem:s6], [sflag:s4] =	dma.local [hbm:s3], $0xF7A  }
0x26: {  	[smem:$0x3F91] =	sst s1;
	(tag) =	ssettag s2;
	_ =	strace s9  }
0x27: {  	s1 =	sld [smem:$0x3FA1]  }
0x28: {  	s2 =	sld [smem:$0x3FA2]  }
0x29: {  	s4 =	sld [smem:$0x3FA4]  }
0x2a: {  	p0 =	seq.s32 s5, $0x0;
	s5 =	sld [smem:$0x3FA5]  }
0x2b: {  	s6 =	sld [smem:$0x3FA6]  }
0x2c: {  	s7 =	sld [smem:$0x3FA7]  }
0x2d: {  	s3 =	simm.s32 $0x108;
	s8 =	sld [smem:$0x3FA8]  }
0x2e: {  	s3 =	simm.s32 @!p0 $0x1082;
	s9 =	sld [smem:$0x3FA9]  }
0x2f: {  	lr =	sadd.s32 s0, s3;
	s0 =	sld [smem:$0x3FA0]  }
0x30: {  	s3 =	sld [smem:$0x3FA3]  }
0x31: {  	[smem:$0x3FAC] =	sst s10  }
0x32: {  	s10 =	sld [smem:$0x3FAA];
	_ =	sdelay $0x3  }
0x33: {  	p0 =	seq.s32 s10, $0x1;
	s10 =	sld [smem:$0x3FAC];
	_ =	sdelay $0x3  }
0x34: {  	[smem:$0x3FAC] =	sst s10  }
0x35: {  	s10 =	sld [smem:$0x3FAB];
	_ =	sdelay $0x3  }
0x36: {  	p1 =	seq.s32 s10, $0x1;
	s10 =	sld [smem:$0x3FAC];
	_ =	sdelay $0x3  }
0x37: {  	[smem:$0x3FAC] =	sst s10  }
0x38: {  	s10 =	sld [smem:$0x3FAD]  }
0x39: {  	_ = 	snop;
	(pc) =	sbr.ind lr, $3  }
0x3a: {  	_ = 	snop  }
0x3b: {  	_ = 	snop  }
0x3c: {  	p2 =	seq.s32 s10, $0x1;
	s10 =	sld [smem:$0x3FAC]  }
0x3d: {  	_ =	shalt  }
0x3e: {  	_ =	shalt  }
0x3f: {  	_ =	shalt  }
0x40: {  	_ =	shalt  }
0x41: {  	_ =	shalt  }
0x42: {  	_ =	shalt  }
0x43: {  	_ =	shalt  }
0x44: {  	_ =	shalt  }
0x45: {  	_ =	shalt  }
0x46: {  	_ =	shalt  }
0x47: {  	_ =	shalt  }
0x48: {  	_ =	shalt  }
0x49: {  	_ =	shalt  }
0x4a: {  	_ =	shalt  }
0x4b: {  	_ =	shalt  }
0x4c: {  	_ =	shalt  }
0x4d: {  	_ =	shalt  }
0x4e: {  	_ =	shalt  }
0x4f: {  	_ =	shalt  }
0x50: {  	_ =	shalt  }
0x51: {  	_ =	shalt  }
0x52: {  	_ =	shalt  }
0x53: {  	_ =	shalt  }
0x54: {  	_ =	shalt  }
0x55: {  	_ =	shalt  }
0x56: {  	_ =	shalt  }
0x57: {  	_ =	shalt  }
0x58: {  	_ =	shalt  }
0x59: {  	_ =	shalt  }
0x5a: {  	_ =	shalt  }
0x5b: {  	_ =	shalt  }
0x5c: {  	_ =	shalt  }
0x5d: {  	_ =	shalt  }
0x5e: {  	_ =	shalt  }
0x5f: {  	_ =	shalt  }
0x60: {  	_ =	shalt  }
0x61: {  	_ =	shalt  }
0x62: {  	_ =	shalt  }
0x63: {  	_ =	shalt  }
0x64: {  	_ =	shalt  }
0x65: {  	_ =	shalt  }
0x66: {  	_ =	shalt  }
0x67: {  	_ =	shalt  }
0x68: {  	_ =	shalt  }
0x69: {  	_ =	shalt  }
0x6a: {  	_ =	shalt  }
0x6b: {  	_ =	shalt  }
0x6c: {  	_ =	shalt  }
0x6d: {  	_ =	shalt  }
0x6e: {  	_ =	shalt  }
0x6f: {  	_ =	shalt  }
0x70: {  	_ =	shalt  }
0x71: {  	_ =	shalt  }
0x72: {  	_ =	shalt  }
0x73: {  	_ =	shalt  }
0x74: {  	_ =	shalt  }
0x75: {  	_ =	shalt  }
0x76: {  	_ =	shalt  }
0x77: {  	_ =	shalt  }
0x78: {  	_ =	shalt  }
0x79: {  	_ =	shalt  }
0x7a: {  	_ =	shalt  }
0x7b: {  	_ =	shalt  }
0x7c: {  	_ =	shalt  }
0x7d: {  	_ =	shalt  }
0x7e: {  	_ =	shalt  }
0x7f: {  	_ =	shalt  }
0x80: {  	_ =	shalt  }
0x81: {  	_ =	shalt  }
0x82: {  	_ =	shalt  }
0x83: {  	_ =	shalt  }
0x84: {  	_ =	shalt  }
0x85: {  	_ =	shalt  }
0x86: {  	_ =	shalt  }
0x87: {  	_ =	shalt  }
.Lfunc_end0:
.L_simem_size_0:
called_computation_lowered:
.L_overlay_start_0:
0x88: {  	s0 =	sld [smem:$0x3FD9]  }
0x89: {  	s1 =	sld [smem:$0x3FFE];
	_ =	sdelay $0x3  }
0x8a: {  	s0 =	sadd.s32 s1, s0  }
0x8b: {  	[smem:$0x3FB8] =	sst s0  }
0x8c: {  	_ = 	snop  }
0x8d: {  	s14 =	sld [smem:$0x3FD0];
	(tm) =	ssettm $0x1  }
0x8e: {  	s15 =	sld [smem:$0x3FFB];
	_ =	sdelay $0x3  }
0x8f: {  	_ =	strace s15  }
0x90: {  	s0 =	sld [smem:$0x3FFC];
	_ =	sdelay $0x3  }
0x91: {  	_ =	strace s0  }
0x92: {  	s0 =	sld [smem:$0x3FFD];
	_ =	sdelay $0x3  }
0x93: {  	_ =	strace s0  }
0x94: {  	_ =	strace $0x8FFFFFFF  }
0x95: {  	s16 =	sld [smem:$0x3FDB];
	_ =	sdelay $0x1  }
0x96: {  	s2 =	simm.s32 $_scs_section_size  }
0x97: {  	s3 =	simm.s32 $_size__tile_overlayer_lowered;
	s4 =	simm.s32 $_tile_overlayer_lowered  }
0x98: {  	s5 =	simm.s32 $0x1BFF;
	s17 =	sshll.u32 s4, $0x1;
	s2 =	sadd.s32 s2, s16  }
0x99: {  	s18 =	simm.s32 $0x0;
	s3 =	sshll.u32 s3, $0x1;
	s4 =	sadd.s32 s17, s2  }
0x9a: {  	[timem:s18], [sflag:s5] =	dma.local [hbm:s4], s3  }
0x9b: {  	_ =	swait.ge [sflag:s5], s3  }
0x9c: {  	s3 =	ssub.s32 $0x0, s3;
	[sflag:s5] =	ssyncset.done $0x0  }
0x9d: {  	[sflag:s5] =	ssyncadd.s32 s3;
	_ =	sdelay $0x1  }
0x9e: {  	s19 =	simm.s32 $0x1B8B  }
0x9f: {  	_ =	swait.ge [sflag:s19], $0x1  }
0xa0: {  	[sflag:s19] =	ssyncset.done $0x0  }
0xa1: {  	s21 =	simm.s32 $0x1B8E;
	s20 =	sld [smem:$0x3FFE];
	[sflag:s19] =	ssyncadd.s32 $0xFFFFFFFF  }
0xa2: {  	s22 =	simm.s32 $execute0_lowered;
	[smem:$0x3FD2] =	sst s21  }
0xa3: {  	s4 =	sshll.u32 s22, $0x1;
	_ =	strace $0x80000046;
	[dreg:$0x1] =	wrdreg $0xFFFFFFFF  }
0xa4: {  	s23 =	simm.s32 $_size_execute0_lowered;
	s4 =	sadd.s32 s2, s4;
	[dreg:$0x0] =	wrdreg $0x0  }
0xa5: {  	s5 =	sshll.u32 s23, $0x1;
	[dreg:$0x2] =	wrdreg s4  }
0xa6: {  	[dreg:$0x3] =	wrdreg s5  }
0xa7: {  	[dreg:$0x4] =	wrdreg $0xC0  }
0xa8: {  	s24 =	simm.s32 $execute1_lowered;
	_ =	task [dreg:s18], $0x5FFFF  }
0xa9: {  	s4 =	sshll.u32 s24, $0x1;
	[dreg:$0x1] =	wrdreg $0xFFFFFFFF  }
0xaa: {  	s2 =	sadd.s32 s2, s4;
	[dreg:$0x0] =	wrdreg $0x60  }
0xab: {  	[dreg:$0x2] =	wrdreg s2  }
0xac: {  	[dreg:$0x3] =	wrdreg s20  }
0xad: {  	[dreg:$0x4] =	wrdreg s14  }
0xae: {  	[dreg:$0x5] =	wrdreg $0x9  }
0xaf: {  	_ =	task.clear_ibuf [dreg:s18], $0x6FFFF;
	_ =	strace $0x90000046  }
0xb0: {  	s25 =	simm.s32 $0x9;
	_ =	strace $0x80000048  }
0xb1: {  	_ =	swait.ge [sflag:s25], $0x1  }
0xb2: {  	[sflag:s25] =	ssyncadd.s32 $0xFFFFFFFF  }
0xb3: {  	_ =	strace $0x90000048  }
0xb4: {  	_ =	strace $0x80000049;
	[dreg:$0x1] =	wrdreg $0xFFFFFFFF  }
0xb5: {  	[dreg:$0x0] =	wrdreg $0x2030  }
0xb6: {  	[dreg:$0x2] =	wrdreg s14  }
0xb7: {  	[dreg:$0x3] =	wrdreg s20  }
0xb8: {  	[dreg:$0x4] =	wrdreg $0xA  }
0xb9: {  	_ =	task.clear_ibuf [dreg:s18], $0x5FFFF;
	_ =	strace $0x90000049  }
0xba: {  	s26 =	simm.s32 $0xA;
	_ =	strace $0x8000004B  }
0xbb: {  	_ =	swait.ge [sflag:s26], $0x1  }
0xbc: {  	[sflag:s26] =	ssyncadd.s32 $0xFFFFFFFF  }
0xbd: {  	_ =	strace $0x9000004B  }
0xbe: {  	_ =	sfence  }
0xbf: {  	s28 =	sld [smem:$0x0];
	_ =	sdelay $0x1  }
0xc0: {  	s29 =	srdreg.scid  }
0xc1: {  	s30 =	sshll.u32 s29, $0xD;
	s31 =	sshrl.u32 s29, $0x2  }
0xc2: {  	s3 =	sand.u32 $0x4000, s30;
	s2 =	sand.u32 $0x1, s29;
	s1 =	sadd.s32 s31, s28  }
0xc3: {  	s2 =	sor.u32 s3, s2;
	s1 =	sshll.u32 s1, $0x11  }
0xc4: {  	s1 =	sor.u32 s1, s2  }
0xc5: {  	s1 =	sadd.s32 $0x8F2B, s1  }
0xc6: {  	[sflag:s1] =	ssyncadd.remote.s32 $0x1  }
0xc7: {  	_ =	sfence.sel $0xFFFF  }
0xc8: {  	[dreg:$0x0] =	wrdreg $0xFFFFFFFF;
	(pc) =	sbr.abs _section_cstart, $3  }
0xc9: {  	[dreg:$0x1] =	wrdreg $0xFFFFFFFF  }
0xca: {  	_ =	task.clear_ibuf [dreg:s18], $0x2FFFF;
	_ =	strace $0x9FFFFFFF  }
0xcb: {  	(tm) =	ssettm $0x7FFFFFFF  }
tec
execute0_lowered:
.L_overlay_start_1:
0x0: {  	(tag) =	ssettag $0x1  }
0x1: {  	s3 =	rddreg [dreg:$0x0]  }
0x2: {  	s5 =	rddreg [dreg:$0x1]  }
0x3: {  	s2 =	rddreg [dreg:$0x2]  }
0x4: {  	s0 =	rddreg [dreg:$0x3];
	s4 =	stileid.u32  }
0x5: {  	[bflag:$0x3] =	sbarrier.arrive $0xFFFF;
	s1 =	simm.s32 $_size_execute1_lowered;
	p0 =	sne.s32 s4, $0x0  }
0x6: {  	s1 =	sshll.u32 s1, $0x1;
	s6 =	simm.s32 @!p0 $0x1C3F;
	s7 =	simm.s32 @!p0 $0x4060  }
0x7: {  	[timem:s7], [sflag:s6] =	dma.local @!p0 [hbm:s3], s1  }
0x8: {  	s3 =	smul.u32 $0x280, s4  }
.Ltmp0:
0x9: {  	s31 =	simm.s32 $0x2;
	(pc) =	sbr.rel .LBB2_1-.Ltmp0, $4  }
0xa: {  	s8 =	simm.s32 $0x780;
	s10 =	simm.s32 $0x0;
	s9 =	simm.s32 $0x0  }
0xb: {  	s4 =	simm.s32 $0x1;
	_ =	strace $0x80000047;
	s30 =	sshrl.u32 s3, $0x3  }
0xc: {  	s6 =	simm.s32 $0x0;
	[sflag:s4] =	ssyncpa.u1 $0x0;
	s5 =	sadd.s32 s30, s5  }
0xd: {  	s7 =	simm.s32 $0x280;
	[sflag:s31] =	ssyncpa.u1 $0x0;
	s5 =	sadd.s32 $0x32E00, s5  }
.LBB2_8:
0xe: {  	p1 =	seq.s32 s9, $0x2  }
.Ltmp1:
0xf: {  	_ = 	snop;
	(pc) =	sbr.rel @p1 .LBB2_10-.Ltmp1, $1  }
0x10: {  	_ =	sdelay $0x3  }
.LBB2_9:
0x11: {  	s9 =	sadd.s32 $0x1, s9;
	s10 =	smov.u32 s3  }
.LBB2_1:
0x12: {  	p1 =	sne.s32 s9, $0x0  }
.Ltmp2:
0x13: {  	_ = 	snop;
	(pc) =	sbr.rel @!p1 .LBB2_2-.Ltmp2, $1  }
0x14: {  	_ =	sdelay $0x3  }
0x15: {  	s11 =	sand.u32 $0x1, s9  }
0x16: {  	p1 =	seq.s32 s11, $0x0  }
.Ltmp3:
0x17: {  	_ = 	snop;
	(pc) =	sbr.rel @p1 .LBB2_8-.Ltmp3, $1  }
0x18: {  	_ =	sdelay $0x3  }
0x19: {  	_ =	swait.ge [sflag:s4], $0x280  }
0x1a: {  	[sflag:s4] =	ssyncset.done $0x0  }
0x1b: {  	s11 =	simm.s32 $0x0;
	p1 =	por $0x1, $0x1;
	[sflag:s4] =	ssyncadd.s32 $0xFFFFFD80  }
.LBB2_5:
0x1c: {  	v0 =	vld [tilespmem:s11+$0x280]  }
0x1d: {  	v1 =	vld [tilespmem:s11+$0x290]  }
0x1e: {  	v2 =	vld [tilespmem:s11+$0x2A0]  }
0x1f: {  	v3 =	vld [tilespmem:s11+$0x2B0]  }
0x20: {  	v4 =	vld [tilespmem:s11+$0x2C0]  }
0x21: {  	v53 =	vld [tilespmem:s11+$0x2D0];
	[tilespmem:s11+$0x780] =	vst v0  }
0x22: {  	v54 =	vld [tilespmem:s11+$0x2E0];
	[tilespmem:s11+$0x790] =	vst v1  }
0x23: {  	v55 =	vld [tilespmem:s11+$0x2F0];
	[tilespmem:s11+$0x7A0] =	vst v2  }
0x24: {  	v56 =	vld [tilespmem:s11+$0x300];
	[tilespmem:s11+$0x7B0] =	vst v3  }
0x25: {  	v57 =	vld [tilespmem:s11+$0x310];
	[tilespmem:s11+$0x7C0] =	vst v4  }
0x26: {  	v58 =	vld [tilespmem:s11+$0x320];
	[tilespmem:s11+$0x7D0] =	vst v53  }
0x27: {  	v59 =	vld [tilespmem:s11+$0x330];
	[tilespmem:s11+$0x7E0] =	vst v54  }
0x28: {  	v60 =	vld [tilespmem:s11+$0x340];
	[tilespmem:s11+$0x7F0] =	vst v55  }
0x29: {  	v61 =	vld [tilespmem:s11+$0x350];
	[tilespmem:s11+$0x800] =	vst v56  }
0x2a: {  	v62 =	vld [tilespmem:s11+$0x360];
	[tilespmem:s11+$0x810] =	vst v57  }
0x2b: {  	v63 =	vld [tilespmem:s11+$0x370];
	p2 =	por p1, p1;
	[tilespmem:s11+$0x820] =	vst v58  }
.Ltmp4:
0x2c: {  	[tilespmem:s11+$0x830] =	vst v59;
	(pc) =	sbr.rel @p2 .LBB2_5-.Ltmp4, $4  }
0x2d: {  	[tilespmem:s11+$0x840] =	vst v60  }
0x2e: {  	[tilespmem:s11+$0x850] =	vst v61  }
0x2f: {  	s12 =	simm.s32 $0x1F0;
	s13 =	simm.s32 $0x980;
	[tilespmem:s11+$0x860] =	vst v62  }
0x30: {  	s14 =	simm.s32 $0x480;
	p1 =	por $0x0, $0x0;
	[tilespmem:s11+$0x870] =	vst v63;
	s11 =	simm.s32 $0x100  }
.LBB2_6:
0x31: {  	s12 =	sadd.s32 $0x10, s12  }
0x32: {  	v0 =	vld [tilespmem:s14+$0x0];
	p1 =	slt.u32 s12, $0x270  }
.Ltmp5:
0x33: {  	_ = 	snop;
	(pc) =	sbr.rel @p1 .LBB2_6-.Ltmp5, $2  }
0x34: {  	_ =	sdelay $0x2  }
0x35: {  	s14 =	sadd.s32 $0x10, s14;
	[tilespmem:s13+$0x0] =	vst v0;
	s13 =	sadd.s32 $0x10, s13  }
.Ltmp6:
0x36: {  	(pc) =	sbr.rel .LBB2_8-.Ltmp6, $4  }
0x37: {  	_ = 	snop  }
0x38: {  	s10 =	sshrl.u32 s10, $0x3  }
0x39: {  	s10 =	sadd.s32 s2, s10  }
0x3a: {  	[hbm4b:s10+s6] =	stream.linear.scatter [tilespmem:s8], [sflag:$0x2], $0x280, $0x38;
	[tilespmem:$0xA00] =	vst v63  }
.LBB2_2:
.Ltmp7:
0x3b: {  	(pc) =	sbr.rel .LBB2_9-.Ltmp7, $2  }
0x3c: {  	_ =	sdelay $0x2  }
0x3d: {  	[tilespmem:s7], [sflag:$0x1] =	stream.linear.gather [hbm4b:s5+s6], $0x280, $0x38;
	[tilespmem:$0xA00] =	vst v63  }
.LBB2_10:
0x3e: {  	s2 =	simm.s32 $0x2  }
0x3f: {  	_ =	swait.ge [sflag:s2], $0x280  }
0x40: {  	[sflag:s2] =	ssyncset.done $0x0  }
0x41: {  	[sflag:s2] =	ssyncadd.s32 $0xFFFFFD80  }
0x42: {  	_ =	sfence.sel $0x180000  }
0x43: {  	s3 =	simm.s32 $0x1;
	[bflag:$0x0] =	sbarrier.arrive $0xFFFF  }
0x44: {  	[sflag:s3] =	ssyncpa.u1 $0x1  }
0x45: {  	[sflag:s2] =	ssyncpa.u1 $0x1  }
0x46: {  	_ =	strace $0x90000047  }
0x47: {  	s0 =	sadd.s32 @!p0 $0x100000, s0;
	[bflag:$0x2] =	sbarrier.arrive $0xFFFF  }
0x48: {  	[sflag:s0] =	ssyncadd.tile.s32 @!p0 $0x1;
	s0 =	simm.s32 @!p0 $0x3F  }
0x49: {  	_ =	swait.ge @!p0 [sflag:s0], s1  }
0x4a: {  	s1 =	ssub.s32 @!p0 $0x0, s1;
	[sflag:s0] =	ssyncset.done @!p0 $0x0  }
0x4b: {  	[sflag:s0] =	ssyncadd.s32 @!p0 s1  }
0x4c: {  	[bflag:$0x3] =	sbarrier.arrive $0xFFFF  }
0x4d: {  	_ =	shalt  }
.Lfunc_end2:
execute1_lowered:
.L_overlay_start_2:
0x4e: {  	(tag) =	ssettag $0x2  }
0x4f: {  	s1 =	rddreg [dreg:$0x0]  }
0x50: {  	s0 =	rddreg [dreg:$0x1];
	_ =	strace $0x8000004A;
	s15 =	stileid.u32  }
0x51: {  	s2 =	simm.s32 $0x1;
	s4 =	smin.u32 s15, $0x8;
	s3 =	sshll.u32 s15, $0x1  }
0x52: {  	v1 =	vimm.s32 $0xFFFFFFFF;
	[sflag:s2] =	ssyncpa.u1 $0x0;
	s4 =	sadd.s32 s4, s3  }
0x53: {  	s5 =	simm.s32 $0x5DC0;
	p0 =	slt.u32 s15, $0x8;
	[tilespmem:$0x10] =	vst v1;
	s4 =	smul.u32 $0x1F40, s4  }
0x54: {  	v0 =	vimm.f32 $0.0e+00;
	[tilespmem:$0x20] =	vst v1;
	s5 =	simm.s32 @!p0 $0x3E80  }
0x55: {  	[tilespmem:$0x30] =	vst v0;
	s5 =	sadd.s32 s5, s4  }
0x56: {  	[tilespmem:$0x40] =	vst v0;
	s5 =	smin.u32 s5, $0x4E200  }
0x57: {  	s7 =	simm.s32 $0x2;
	[tilespmem:$0x50] =	vst v0;
	s9 =	ssub.s32 s5, s4  }
0x58: {  	s8 =	simm.s32 $0x8;
	s31 =	simm.s32 $0x9;
	[tilespmem:$0x60] =	vst v1;
	p0 =	sgt.s32 s9, $0x0  }
0x59: {  	s16 =	simm.s32 $0x0;
	s17 =	simm.s32 $0xF0;
	[tilespmem:$0x70] =	vst v1;
	s9 =	simm.s32 @!p0 $0x0  }
0x5a: {  	s18 =	simm.s32 $0xFFFFFFFF;
	s19 =	simm.s32 $0xFFFFC280;
	[tilespmem:$0x80] =	vst v1;
	s6 =	smulhi.u32 $0x10624DD3, s9  }
0x5b: {  	s20 =	simm.s32 $0xFFFFFFFE;
	s21 =	simm.s32 $0xF;
	s25 =	simm.s32 $0x0;
	v1 =	vimm.s32 $0x0;
	[tilespmem:$0xB0] =	vst v0  }
0x5c: {  	s24 =	simm.s32 $0x0;
	s15 =	sshllo.u32 s15, $0x1;
	[tilespmem:$0x90] =	vst v1;
	s10 =	sshrl.u32 s6, $0x9  }
0x5d: {  	[tilespmem:$0xA0] =	vst v1;
	[sflag:s7] =	ssyncpa.u1 $0x0;
	s7 =	simm.s32 $0x7;
	s11 =	smul.u32 $0x1F40, s10  }
.Ltmp8:
0x5e: {  	s13 =	sor.u32 $0x80, s3;
	[sflag:s7] =	ssyncpa.u1 $0x0;
	(pc) =	sbr.rel .LBB3_1-.Ltmp8, $4  }
0x5f: {  	s14 =	sor.u32 $0x81, s3;
	[sflag:s8] =	ssyncpa.u1 $0x0;
	p0 =	sne.s32 s9, s11  }
0x60: {  	s23 =	smov.u32 s4;
	[sflag:s31] =	ssyncpa.u1 $0x0;
	s2 =	simm.s32 @!p0 $0x0  }
0x61: {  	vm0 =	vmmov $0xffff;
	v2 =	vlaneseq.u32;
	s6 =	sadd.s32 $0x1F200, s0;
	s9 =	sadd.s32 $0x29000, s0;
	s10 =	sadd.s32 s2, s10  }
0x62: {  	vm1 =	vmxor vm1, vm1;
	vm2 =	vmmov $0x1;
	vm3 =	vcmask $0x3F3C;
	p0 =	por $0x0, $0x0;
	s11 =	sadd.s32 $0x1, s10;
	s12 =	sadd.s32 $0x2, s10  }
.LBB3_9:
0x63: {  	p1 =	slt.u32 s24, $0x3  }
0x64: {  	s0 =	simm.s32 @!p1 $0x2  }
0x65: {  	_ =	swait.ge @!p1 [sflag:s0], $0x1F40  }
0x66: {  	[sflag:s0] =	ssyncset.done @!p1 $0x0  }
0x67: {  	[sflag:s0] =	ssyncadd.s32 @!p1 $0xFFFFE0C0;
	s0 =	simm.s32 @!p1 $0x9  }
0x68: {  	_ =	swait.ge @!p1 [sflag:s0], $0x10  }
0x69: {  	[sflag:s0] =	ssyncset.done @!p1 $0x0  }
0x6a: {  	[sflag:s0] =	ssyncadd.s32 @!p1 $0xFFFFFFF0;
	p1 =	sne.s32 s24, s12  }
.Ltmp9:
0x6b: {  	s2 =	sadd.s32 $0x1F40, s23;
	(pc) =	sbr.rel @!p1 .LBB3_10-.Ltmp9, $4  }
0x6c: {  	s22 =	smov.u32 s4;
	s31 =	sadd.s32 $0x1, s24;
	s17 =	sadd.s32 $0x1F40, s17  }
0x6d: {  	s18 =	sadd.s32 $0x1, s18;
	s25 =	smov.u32 s23;
	p2 =	slt.s32 s2, s5  }
0x6e: {  	p0 =	por !p0, !p0;
	s19 =	sadd.s32 $0x1F40, s19;
	s22 =	smov.u32 @p2 s2  }
0x6f: {  	s20 =	sadd.s32 $0x1, s20;
	s23 =	smov.u32 s22;
	s24 =	smov.u32 s31  }
.LBB3_1:
0x70: {  	p1 =	sge.u32 s24, s10  }
0x71: {  	s0 =	smulhi.u32 @!p1 $0xAAAAAAAB, s24;
	_ =	sdelay $0x1  }
0x72: {  	s0 =	sshrl.u32 @!p1 s0, $0x1  }
0x73: {  	s0 =	smul.u32 @!p1 $0x3, s0;
	_ =	sdelay $0x1  }
0x74: {  	s0 =	ssub.s32 @!p1 s24, s0  }
0x75: {  	s0 =	smul.u32 @!p1 $0x7D00, s0;
	_ =	sdelay $0x1  }
0x76: {  	s2 =	sshrl.u32 @!p1 s23, $0x3;
	s0 =	sshrl.u32 @!p1 s0, $0x2  }
0x77: {  	s22 =	sand.u32 @!p1 $0x7, s23;
	s2 =	sadd.s32 @!p1 s6, s2;
	s0 =	sadd.s32 @!p1 $0x100, s0  }
0x78: {  	[tilespmem:s0], [sflag:$0x7] =	stream.linear.gather @!p1 [hbm4b:s2+s22], $0x1F40, $0x38;
	[tilespmem:$0x11A60] =	vst v63  }
0x79: {  	s0 =	sadd.s32 $0xFFFFFFFF, s24  }
0x7a: {  	p1 =	sge.u32 s0, s10  }
.Ltmp10:
0x7b: {  	_ = 	snop;
	(pc) =	sbr.rel @p1 .LBB3_5-.Ltmp10, $1  }
0x7c: {  	_ =	sdelay $0x3  }
0x7d: {  	s2 =	smulhi.u32 $0xAAAAAAAB, s0;
	_ =	sdelay $0x1  }
0x7e: {  	s2 =	sshrl.u32 s2, $0x1  }
0x7f: {  	s2 =	smul.u32 $0x3, s2;
	_ =	sdelay $0x1  }
0x80: {  	s2 =	ssub.s32 s0, s2  }
0x81: {  	s2 =	smul.u32 $0x7D00, s2  }
0x82: {  	_ =	swait.ge [sflag:s7], $0x1F40  }
0x83: {  	[sflag:s7] =	ssyncset.done $0x0;
	s2 =	sshrl.u32 s2, $0x2  }
0x84: {  	[sflag:s7] =	ssyncadd.s32 $0xFFFFE0C0;
	(ifvalue) =	ssetifvalue $0xFFFFFFFF;
	v3 =	vld.msk [tilespmem:s2+$0x100 ss:$0x1], $0xffff;
	_ =	sdelay $0x2  }
0x85: {  	s30 =	smulhi.u32 $0xAAAAAAAB, s18;
	p1 =	sne.s32 s24, $0x1  }
0x86: {  	v4 =	vimm.s32 @!p1 $0x0  }
0x87: {  	s2 =	sshrl.u32 s30, $0x1;
	v4 =	vperm.xlane @!p1 v3, v4  }
0x88: {  	s22 =	sshll.u32 s24, $0x4;
	s2 =	smul.u32 $0xFFFE8900, s2;
	vm4 =	vlt.u32 v3, $0x2800  }
0x89: {  	s22 =	sand.u32 $0x10, s22;
	v3 =	vnsel vm4, $0xFFFFFFFE, v3;
	vm4 =	vlt.u32 @!p1 v4, $0x2800  }
0x8a: {  	s2 =	sshra.s32 s2, $0x2;
	[tilespmem:s22+$0x60] =	vst v3;
	v3 =	vnsel @!p1 vm4, $0xFFFFFFFE, v4  }
0x8b: {  	s28 =	sadd.s32 s2, s17;
	[tilespmem:$0x80] =	vst @!p1 v3  }
0x8c: {  	v3 =	vld.msk [tilespmem:s28+$0x0 ss:$0x1], $0xffff;
	_ =	sdelay $0x4  }
0x8d: {  	(xrf1) =	vunique.msk.u32 $0xffff, v3;
	_ =	sdelay $0xd  }
0x8e: {  	v4 =	vimm.s32 $0xFFFFFFFF;
	v5, _, _ =	vpop (xrf1)  }
0x8f: {  	vm5 =	vne.s32 v3, v4;
	vm4 =	veq.s32 v5, v2  }
0x90: {  	vm6 =	vlt.u32 v3, $0x2800;
	vm4 =	vmand vm5, vm4  }
0x91: {  	vm4 =	vmand vm6, vm4  }
0x92: {  	v4 =	vnsel vm4, $0xFFFFFFFF, v3  }
0x93: {  	s31 =	sand.u32 $0x1, s0  }
0x94: {  	s0 =	simm.s32 $0x1F40;
	p1 =	seq.s32 s31, $0x1  }
0x95: {  	s0 =	simm.s32 @!p1 $0x0  }
0x96: {  	s26 =	sadd.s32 $0x7DF0, s0;
	(ifvalue) =	ssetifvalue $0xFFFFFFFF  }
0x97: {  	v3 =	vperm.xlane v3, v1;
	[tilespmem:s26], [sflag:$0x8] =	stream.indirect_vreg.gather [hbm4b:s1+s16], $0x1, v4, vm0, $0x4038;
	v4 =	vnsel vm6, $0xFFFFFFFE, v4;
	[tilespmem:$0x11A60] =	vst v63  }
0x98: {  	s2 =	simm.s32 $0x0;
	s22 =	sadd.s32 $0xFFFFFFF0, s28;
	[tilespmem:s28+$0x0] =	vst v4  }
.LBB3_3:
0x99: {  	v4 =	vld.msk [tilespmem:s22+$0x0 ss:$0x1], $0xffff;
	s2 =	sadd.s32 $0x10, s2;
	v5 =	vmov v3;
	s28 =	smov.u32 s22  }
0x9a: {  	p1 =	slt.u32 s2, $0x1F30;
	_ =	sdelay $0x4  }
0x9b: {  	v3 =	vperm.xlane v4, v1;
	(xrf1) =	vunique.msk.u32 $0xffff, v4;
	_ =	sdelay $0xd  }
0x9c: {  	v6, _, _ =	vpop (xrf1)  }
0x9d: {  	vm5 =	vne.s32 v4, v5;
	vm4 =	veq.s32 v6, v2  }
0x9e: {  	vm6 =	vlt.u32 v4, $0x2800;
	vm4 =	vmand vm5, vm4  }
0x9f: {  	vm4 =	vmand vm6, vm4  }
0xa0: {  	v4 =	vnsel vm4, $0xFFFFFFFF, v4  }
.Ltmp11:
0xa1: {  	v5 =	vnsel vm6, $0xFFFFFFFE, v4;
	(pc) =	sbr.rel @p1 .LBB3_3-.Ltmp11, $3  }
0xa2: {  	_ =	sdelay $0x1  }
0xa3: {  	s22 =	sadd.s32 $0xFFFFFFF0, s22;
	s26 =	sadd.s32 $0xFFFFFFF0, s26;
	(ifvalue) =	ssetifvalue $0xFFFFFFFF  }
0xa4: {  	[tilespmem:s26], [sflag:$0x8] =	stream.indirect_vreg.gather [hbm4b:s1+s16], $0x1, v4, vm0, $0x4038;
	[tilespmem:s28+$0x0] =	vst v5  }
0xa5: {  	s2 =	sshrl.u32 s25, $0x3  }
0xa6: {  	s0 =	sadd.s32 $0x9D40, s0;
	s2 =	sadd.s32 s9, s2  }
0xa7: {  	[tilespmem:s0], [sflag:$0x8] =	stream.linear.gather [hbm:s2], $0x1F40, $0x38;
	[tilespmem:$0x11A60] =	vst v63  }
.LBB3_5:
0xa8: {  	p1 =	slt.u32 s24, $0x2  }
0xa9: {  	p2 =	sge.u32 @!p1 s24, s12  }
0xaa: {  	p1 =	por p1, p2  }
.Ltmp12:
0xab: {  	_ = 	snop;
	(pc) =	sbr.rel @p1 .LBB3_9-.Ltmp12, $1  }
0xac: {  	_ =	sdelay $0x3  }
0xad: {  	s0 =	sadd.s32 $0xFFFFFFFE, s24  }
0xae: {  	s2 =	smulhi.u32 $0xAAAAAAAB, s0;
	_ =	sdelay $0x1  }
0xaf: {  	s2 =	sshrl.u32 s2, $0x1  }
0xb0: {  	s2 =	smul.u32 $0x3, s2;
	_ =	sdelay $0x1  }
0xb1: {  	s0 =	ssub.s32 s0, s2  }
0xb2: {  	_ =	swait.ge [sflag:s8], $0x3E80;
	s0 =	smul.u32 $0x1F40, s0  }
0xb3: {  	p1 =	sne.s32 s24, s11;
	[sflag:s8] =	ssyncset.done $0x0  }
0xb4: {  	[sflag:s8] =	ssyncadd.s32 $0xFFFFC180;
	s2 =	sadd.s32 @!p1 $0x203F, s0  }
0xb5: {  	[spmem:s14] =	stream.linear.scatter @!p1 [tilespmem:s2], [sflag:$0x1], $0x1, $0x38;
	[tilespmem:$0x11A60] =	vst v63  }
0xb6: {  	s2 =	simm.s32 @!p1 $0x1  }
0xb7: {  	_ =	swait.ge @!p1 [sflag:s2], $0x1  }
0xb8: {  	s22 =	sshll.u32 s24, $0x4;
	[sflag:s2] =	ssyncset.done @!p1 $0x0  }
0xb9: {  	s25 =	sand.u32 $0x10, s22;
	[sflag:s2] =	ssyncadd.s32 @!p1 $0xFFFFFFFF  }
0xba: {  	s2 =	sxor.u32 $0x10, s25;
	v4 =	vld [tilespmem:s25+$0x10]  }
0xbb: {  	v5 =	vld [tilespmem:s2+$0x60]  }
0xbc: {  	v3 =	vld [tilespmem:$0x80];
	_ =	sdelay $0x2  }
0xbd: {  	(v2sf) =	vpush v4, $0x0  }
0xbe: {  	(v2sf) =	vpush v5, $0x0  }
0xbf: {  	(v2sf) =	vpush v3, $0x0;
	_ =	sdelay $0xc  }
0xc0: {  	s22 =	spop (v2sf)  }
0xc1: {  	s26 =	spop (v2sf)  }
0xc2: {  	s28 =	spop (v2sf)  }
0xc3: {  	p2 =	seq.s32 s22, s26;
	p3 =	seq.s32 s28, s22  }
0xc4: {  	p3 =	por p2, p3  }
0xc5: {  	s26 =	sand.u32 $0x1, s24;
	v4 =	vpsel p3, $0xFFFFFFFF, v4  }
0xc6: {  	s29 =	smul.u32 $0x1F40, s26;
	[tilespmem:s25+$0x10] =	vst.msk $0x1, v4  }
0xc7: {  	v4 =	vld [tilespmem:$0x30]  }
0xc8: {  	v5 =	vld [tilespmem:s29+$0x9D40]  }
0xc9: {  	v6 =	vld [tilespmem:s25+$0x40];
	_ =	sdelay $0x3  }
0xca: {  	vm4 =	vmmov vm1;
	v5 =	vadd.f32 v5, v4  }
0xcb: {  	vm5 =	vmmov vm2;
	vm4 =	vmmov @p2 vm2;
	s22 =	sshll.u32 s26, $0x4;
	v4 =	vadd.f32 v6, v4  }
0xcc: {  	s26 =	sor.u32 $0x11A40, s22;
	vm5 =	vmmov @p3 vm1;
	[tilespmem:s29+$0x9D40] =	vst.msk vm4, v5  }
0xcd: {  	[tilespmem:s26+$0x0] =	vst.msk vm5, v4  }
0xce: {  	v4 =	vld [tilespmem:s29+$0x7DF0];
	_ =	sdelay $0x3  }
0xcf: {  	v5 =	vimm.f32 $0.0e+00  }
0xd0: {  	v4 =	vshift.insert v4, v5, s21  }
0xd1: {  	s22 =	sor.u32 $0x40, s2  }
0xd2: {  	[tilespmem:s22+$0x0] =	vst.msk $0x1, v4  }
0xd3: {  	[tilespmem:s29+$0x7DFF] =	vst.msk $0x1, v5  }
0xd4: {  	v4 =	vld [tilespmem:s0+$0x2030];
	_ =	sdelay $0x1  }
0xd5: {  	s22 =	smulhi.u32 $0xAAAAAAAB, s20;
	s0 =	simm.s32 $0x1  }
0xd6: {  	s0 =	simm.s32 @!p0 $0x0  }
0xd7: {  	s22 =	sshrl.u32 s22, $0x1;
	s0 =	smul.u32 $0x7D00, s0  }
0xd8: {  	s22 =	smul.u32 $0xFFFE8900, s22;
	v4 =	vshift.insert v4, v1, s21  }
0xd9: {  	s0 =	sshrl.u32 s0, $0x2  }
0xda: {  	s22 =	sshra.s32 s22, $0x2;
	s30 =	sadd.s32 $0x9D40, s0;
	[tilespmem:s2+$0x10] =	vst.msk $0x1, v4  }
0xdb: {  	s22 =	sadd.s32 s22, s19;
	v6 =	vld [tilespmem:s30+$0x0]  }
0xdc: {  	v7 =	vld [tilespmem:s22+$0x0];
	_ =	sdelay $0x3  }
0xdd: {  	v5 =	vadd.f32 v6, v5  }
0xde: {  	vm4 =	vne.s32 v7, $0xFFFFFFFF  }
0xdf: {  	(xrf2) =	vadd.seg.scan.f32 vm4, v5;
	_ =	sdelay $0x3  }
0xe0: {  	s31 =	sadd.s32 $0x5EC0, s0;
	v5 =	vperm.xlane v4, v1  }
0xe1: {  	v6 =	vld [tilespmem:s31+$0x0]  }
0xe2: {  	vm5 =	veq.s32 v7, v3;
	vm6 =	veq.s32 v7, v5  }
0xe3: {  	vm7 =	vgt.u32 v7, $0xFFFFFFFD;
	vm6 =	vmor vm6, vm5  }
0xe4: {  	vm6 =	vmor vm6, vm7  }
0xe5: {  	v9 =	vld [tilespmem:$0xA0];
	v7 =	vsel vm6, $0xFFFFFFFF, v7  }
0xe6: {  	v10 =	vld [tilespmem:$0x90];
	v6 =	vsel vm5, $0x0, v6;
	v8, _, _ =	vpop (xrf2)  }
0xe7: {  	v6 =	vadd.f32 v8, v6  }
0xe8: {  	s0 =	sadd.s32 $0xDBC0, s0  }
0xe9: {  	vm4 =	vmand vm4, vm3;
	[tilespmem:s0+$0x0] =	vst v6;
	(ifvalue) =	ssetifvalue $0xFFFFFFFF  }
0xea: {  	vm6 =	veq.s32 v9, $0x1;
	[hbm4b:s1+s16] =	stream.indirect_vreg.scatter [tilespmem:s0], [sflag:$0x2], $0x1, v7, vm0, $0x4038;
	v7 =	vsel vm4, $0x0, v8;
	[tilespmem:$0x11A60] =	vst v63  }
0xeb: {  	s2 =	simm.s32 $0x0;
	s22 =	sadd.s32 $0x10, s22;
	vm4 =	vmor vm6, vm5;
	v6 =	vsel vm5, v8, v10;
	v7 =	vshift.insert v7, v0, s21  }
.LBB3_7:
0xec: {  	v8 =	vld [tilespmem:s22+$0x0];
	s30 =	sadd.s32 $0x10, s30  }
0xed: {  	s31 =	sadd.s32 $0x10, s31;
	v9 =	vld [tilespmem:s30+$0x0]  }
0xee: {  	s2 =	sadd.s32 $0x10, s2;
	v10 =	vld [tilespmem:s31+$0x0]  }
0xef: {  	p2 =	slt.u32 s2, $0x1F30;
	_ =	sdelay $0x2  }
0xf0: {  	v7 =	vadd.f32 v9, v7  }
0xf1: {  	vm5 =	vne.s32 v8, $0xFFFFFFFF  }
0xf2: {  	vm6 =	vmand vm5, vm3;
	(xrf2) =	vadd.seg.scan.f32 vm5, v7;
	_ =	sdelay $0x5  }
0xf3: {  	vm7 =	veq.s32 v8, v5;
	vm5 =	veq.s32 v8, v3  }
0xf4: {  	vm8 =	vgt.u32 v8, $0xFFFFFFFD;
	vm4 =	vmor vm4, vm5;
	vm7 =	vmor vm7, vm5  }
0xf5: {  	vm7 =	vmor vm7, vm8  }
0xf6: {  	v8 =	vsel vm7, $0xFFFFFFFF, v8  }
.Ltmp13:
0xf7: {  	v7 =	vsel vm5, $0x0, v10;
	v9, _, _ =	vpop (xrf2);
	(pc) =	sbr.rel @p2 .LBB3_7-.Ltmp13, $4  }
0xf8: {  	v6 =	vsel vm5, v9, v6;
	v10 =	vadd.f32 v9, v7;
	v7 =	vsel vm6, $0x0, v9  }
0xf9: {  	s0 =	sadd.s32 $0x10, s0;
	v7 =	vshift.insert v7, v0, s21  }
0xfa: {  	s22 =	sadd.s32 $0x10, s22;
	[tilespmem:s0+$0x0] =	vst v10;
	(ifvalue) =	ssetifvalue $0xFFFFFFFF  }
0xfb: {  	[hbm4b:s1+s16] =	stream.indirect_vreg.scatter [tilespmem:s0], [sflag:$0x2], $0x1, v8, vm0, $0x4038;
	[tilespmem:$0x11A60] =	vst v63  }
0xfc: {  	v3 =	vld [tilespmem:s29+$0xFAF0];
	_ =	sdelay $0x4  }
0xfd: {  	v3 =	vshift.insert v3, v0, s21  }
0xfe: {  	s0 =	simm.s32 $0x30  }
0xff: {  	[tilespmem:s0+$0x0] =	vst.msk $0x1, v3  }
0x100: {  	v3 =	vsel vm4, $0x1, v1;
	[tilespmem:$0x90] =	vst v6  }
0x101: {  	s0 =	sadd.s32 @!p1 $0xFAFF, s29;
	[tilespmem:$0xA0] =	vst v3  }
0x102: {  	[spmem:s15] =	stream.linear.scatter @!p1 [tilespmem:s0], [sflag:$0x1], $0x1, $0x38;
	[tilespmem:$0x11A60] =	vst v63  }
0x103: {  	s0 =	simm.s32 @!p1 $0x1  }
0x104: {  	v3 =	vmctz.xlane @!p1 vm4;
	_ =	swait.ge @!p1 [sflag:s0], $0x1  }
0x105: {  	(v2sf) =	vpush @!p1 v4, $0x0  }
0x106: {  	(v2sf) =	vpush @!p1 v3, $0x0;
	_ =	sdelay $0xd  }
0x107: {  	s2 =	spop @!p1 (v2sf)  }
0x108: {  	s22 =	spop @!p1 (v2sf)  }
0x109: {  	p2 =	sne.s32 @!p1 s28, s2;
	p3 =	slt.s32 @!p1 s22, $0xF  }
0x10a: {  	[sflag:s0] =	ssyncset.done @!p1 $0x0;
	p2 =	por p2, p1;
	p3 =	por !p3, p1  }
0x10b: {  	[sflag:s0] =	ssyncadd.s32 @!p1 $0xFFFFFFFF;
	v3 =	vimm.s32 @!p2 $0xFFFFFFFF;
	s22 =	simm.s32 @p3 $0xF  }
0x10c: {  	[tilespmem:$0x80] =	vst @!p2 v3;
	s2 =	sadd.s32 @!p1 $0x90, s22  }
0x10d: {  	[spmem:s3] =	stream.linear.scatter @!p1 [tilespmem:s2], [sflag:$0x1], $0x1, $0x38;
	[tilespmem:$0x11A60] =	vst v63  }
0x10e: {  	_ =	swait.ge @!p1 [sflag:s0], $0x1  }
0x10f: {  	[sflag:s0] =	ssyncset.done @!p1 $0x0  }
0x110: {  	s2 =	simm.s32 @!p1 $0x80;
	[sflag:s0] =	ssyncadd.s32 @!p1 $0xFFFFFFFF  }
0x111: {  	[spmem:s13] =	stream.linear.scatter @!p1 [tilespmem:s2], [sflag:$0x1], $0x1, $0x38;
	[tilespmem:$0x11A60] =	vst v63  }
0x112: {  	_ =	swait.ge @!p1 [sflag:s0], $0x1  }
0x113: {  	[sflag:s0] =	ssyncset.done @!p1 $0x0  }
0x114: {  	[sflag:s0] =	ssyncadd.s32 @!p1 $0xFFFFFFFF;
	(ifvalue) =	ssetifvalue $0xFFFFFFFF;
	v3 =	vld [tilespmem:s25+$0x10];
	_ =	sdelay $0x3  }
.Ltmp14:
0x115: {  	_ = 	snop;
	(pc) =	sbr.rel .LBB3_9-.Ltmp14, $3  }
0x116: {  	_ =	sdelay $0x1  }
0x117: {  	(ifvalue) =	ssetifvalue $0xFFFFFFFF  }
0x118: {  	[hbm4b:s1+s16] =	stream.indirect_vreg.scatter [tilespmem:s26], [sflag:$0x9], $0x1, v3, vm0, $0x4038;
	[tilespmem:$0x11A60] =	vst v63  }
.LBB3_10:
0x119: {  	_ =	sfence.sel $0x180000  }
0x11a: {  	s0 =	simm.s32 $0x7;
	[bflag:$0x0] =	sbarrier.arrive $0xFFFF  }
0x11b: {  	s26 =	simm.s32 $0x8;
	[sflag:s0] =	ssyncpa.u1 $0x1  }
0x11c: {  	s28 =	simm.s32 $0x9;
	[sflag:s26] =	ssyncpa.u1 $0x1  }
0x11d: {  	[sflag:s28] =	ssyncpa.u1 $0x1  }
0x11e: {  	_ =	sfence.stream.spmem  }
0x11f: {  	s29 =	simm.s32 $0x3;
	[bflag:$0x0] =	sbarrier.arrive $0xFFFF  }
0x120: {  	s30 =	simm.s32 $0x4;
	[sflag:s29] =	ssyncpa.u1 $0x1  }
0x121: {  	s31 =	simm.s32 $0x3C;
	s2 =	stileid.u32;
	[sflag:s30] =	ssyncpa.u1 $0x1  }
0x122: {  	p0 =	sne.s32 s2, $0x0;
	[sflag:s31] =	ssyncpa.u1 $0x1  }
0x123: {  	s0 =	simm.s32 @p0 $0x1;
	_ =	sfence @p0  }
0x124: {  	[sflag:s0] =	ssyncpa.u1 @p0 $0x1;
	s0 =	simm.s32 @p0 $0x2  }
0x125: {  	[sflag:s0] =	ssyncpa.u1 @p0 $0x1  }
0x126: {  	_ =	strace @p0 $0x9000004A  }
0x127: {  	[bflag:$0x2] =	sbarrier.arrive @p0 $0xFFFF  }
0x128: {  	_ =	shalt @p0  }
.LBB3_11:
0x129: {  	_ =	sfence.stream.spmem;
	s0 =	simm.s32 $0x5  }
0x12a: {  	s2 =	simm.s32 $0x80;
	s3 =	simm.s32 $0xC0;
	[sflag:s0] =	ssyncpa.u1 $0x0  }
0x12b: {  	[tilespmem:s3], [sflag:$0x5] =	stream.linear.gather [spmem:s2], $0x20, $0x38;
	[tilespmem:$0x11A60] =	vst v63  }
0x12c: {  	s2 =	simm.s32 $0x0;
	s3 =	simm.s32 $0xE0  }
0x12d: {  	[tilespmem:s3], [sflag:$0x5] =	stream.linear.gather [spmem:s2], $0x20, $0x38;
	[tilespmem:$0x11A60] =	vst v63  }
.Ltmp15:
0x12e: {  	_ = 	snop;
	(pc) =	sbr.rel .LBB3_12-.Ltmp15, $4  }
0x12f: {  	_ =	swait.ge [sflag:s0], $0x40  }
0x130: {  	[sflag:s0] =	ssyncset.done $0x0  }
0x131: {  	s31 =	simm.s32 $0x6;
	[sflag:s0] =	ssyncadd.s32 $0xFFFFFFC0  }
0x132: {  	s4 =	simm.s32 $0x0;
	[sflag:s31] =	ssyncpa.u1 $0x0  }
.LBB3_17:
0x133: {  	p0 =	sgt.u32 s5, $0x27FF  }
0x134: {  	s0 =	sshrl.u32 @!p0 s5, $0x3  }
0x135: {  	s5 =	sand.u32 @!p0 $0x7, s5;
	s6 =	simm.s32 @!p0 $0xB0;
	s0 =	sadd.s32 @!p0 s1, s0  }
0x136: {  	[tilespmem:s6], [sflag:$0x6] =	stream.linear.gather @!p0 [hbm4b:s0+s5], $0x1, $0x38;
	[tilespmem:$0x11A60] =	vst v63  }
0x137: {  	s0 =	simm.s32 @!p0 $0x6  }
0x138: {  	_ =	swait.ge @!p0 [sflag:s0], $0x1  }
0x139: {  	[sflag:s0] =	ssyncset.done @!p0 $0x0  }
0x13a: {  	[sflag:s0] =	ssyncadd.s32 @!p0 $0xFFFFFFFF  }
0x13b: {  	v2 =	vmov @!p0 s4;
	v1 =	vld.msk @!p0 [tilespmem:$0xB0], $0x1;
	_ =	sdelay $0x3  }
0x13c: {  	s0 =	simm.s32 @!p0 $0xE0  }
0x13d: {  	[tilespmem:v2+s0+$0x0], v1 =	vst.idx.ret.add.f32.msk @!p0 $0x1, v1  }
0x13e: {  	[tilespmem:s2+$0xC0] =	vst.msk $0x1, v0  }
0x13f: {  	v0 =	vld.msk [tilespmem:s4+$0xE0], $0x1;
	_ =	sdelay $0x4  }
0x140: {  	[tilespmem:s2+$0xE0] =	vst.msk $0x1, v0;
	s2 =	sadd.s32 $0x1, s2  }
.LBB3_19:
0x141: {  	s4 =	sadd.s32 $0x1, s4  }
0x142: {  	p0 =	sne.s32 s4, $0x20  }
.Ltmp16:
0x143: {  	_ = 	snop;
	(pc) =	sbr.rel @!p0 .LBB3_20-.Ltmp16, $1  }
0x144: {  	_ =	sdelay $0x3  }
.LBB3_12:
0x145: {  	v0 =	vld.msk [tilespmem:s4+$0xC0], $0x1;
	_ =	sdelay $0x4  }
0x146: {  	(v2sf) =	vpush v0, $0x0;
	_ =	sdelay $0xe  }
0x147: {  	s5 =	spop (v2sf)  }
0x148: {  	p0 =	seq.s32 s5, $0xFFFFFFFF  }
.Ltmp17:
0x149: {  	_ = 	snop;
	(pc) =	sbr.rel @p0 .LBB3_19-.Ltmp17, $1  }
0x14a: {  	_ =	sdelay $0x3  }
0x14b: {  	p0 =	slt.s32 s2, $0x1  }
.Ltmp18:
0x14c: {  	_ = 	snop;
	(pc) =	sbr.rel @p0 .LBB3_17-.Ltmp18, $1  }
0x14d: {  	_ =	sdelay $0x3  }
0x14e: {  	s0 =	simm.s32 $0xC0;
	p0 =	por $0x0, $0x0  }
0x14f: {  	v1 =	vld.msk @!p0 [tilespmem:s0+$0x0], $0x1;
	_ =	sdelay $0x4  }
0x150: {  	(v2sf) =	vpush @!p0 v1, $0x0;
	_ =	sdelay $0xd  }
0x151: {  	p2 =	sne.s32 s2, $0x1  }
.Ltmp19:
0x152: {  	s6 =	spop @!p0 (v2sf);
	(pc) =	sbr.rel @!p2 .LBB3_16-.Ltmp19, $4  }
0x153: {  	p1 =	seq.s32 @!p0 s5, s6  }
0x154: {  	s6 =	simm.s32 $0x0;
	p1 =	por !p1, p0  }
0x155: {  	s8 =	simm.s32 $0xFFFFFFFF;
	s6 =	simm.s32 @p1 $0xFFFFFFFF  }
0x156: {  	s7 =	simm.s32 $0x1;
	s6 =	smov.u32 @p0 s8  }
.LBB3_15:
0x157: {  	s8 =	smov.u32 s6;
	p0 =	sne.s32 s6, $0xFFFFFFFF  }
0x158: {  	s0 =	sadd.s32 $0x1, s0;
	s6 =	smov.u32 s7;
	s7 =	sadd.s32 $0x1, s7  }
0x159: {  	p1 =	sne.s32 s2, s7;
	v1 =	vld.msk @!p0 [tilespmem:s0+$0x0], $0x1;
	_ =	sdelay $0x4  }
0x15a: {  	(v2sf) =	vpush @!p0 v1, $0x0;
	_ =	sdelay $0xe  }
.Ltmp20:
0x15b: {  	s9 =	spop @!p0 (v2sf);
	(pc) =	sbr.rel @p1 .LBB3_15-.Ltmp20, $4  }
0x15c: {  	p2 =	seq.s32 @!p0 s5, s9  }
0x15d: {  	p2 =	por !p2, p0  }
0x15e: {  	s6 =	simm.s32 @p2 $0xFFFFFFFF  }
0x15f: {  	s6 =	smov.u32 @p0 s8  }
.LBB3_16:
0x160: {  	p0 =	sne.s32 s6, $0xFFFFFFFF  }
.Ltmp21:
0x161: {  	_ = 	snop;
	(pc) =	sbr.rel @!p0 .LBB3_17-.Ltmp21, $1  }
0x162: {  	_ =	sdelay $0x3  }
0x163: {  	v0 =	vld.msk [tilespmem:s4+$0xE0], $0x1;
	v1 =	vmov s6  }
.Ltmp22:
0x164: {  	_ = 	snop;
	(pc) =	sbr.rel .LBB3_19-.Ltmp22, $2  }
0x165: {  	_ =	sdelay $0x2  }
0x166: {  	[tilespmem:v1+s3+$0x0], v0 =	vst.idx.ret.add.f32.msk $0x1, v0  }
.LBB3_20:
0x167: {  	p0 =	slt.s32 s2, $0x1  }
.Ltmp23:
0x168: {  	_ = 	snop;
	(pc) =	sbr.rel @p0 .LBB3_24-.Ltmp23, $3  }
0x169: {  	_ =	sdelay $0x1  }
0x16a: {  	s0 =	simm.s32 $0x6  }
0x16b: {  	s3 =	simm.s32 $0x0;
	[sflag:s0] =	ssyncpa.u1 $0x1  }
0x16c: {  	s0 =	simm.s32 $0xC0  }
0x16d: {  	v0 =	vld.msk [tilespmem:s0+$0x0], $0x1;
	_ =	sdelay $0x4  }
0x16e: {  	(v2sf) =	vpush v0, $0x0;
	_ =	sdelay $0xe  }
0x16f: {  	s2 =	sadd.s32 $0xFFFFFFFF, s2;
	s4 =	spop (v2sf)  }
0x170: {  	p1 =	sne.s32 s2, $0x0;
	p0 =	sgt.u32 s4, $0x27FF  }
.Ltmp24:
0x171: {  	s5 =	sshrl.u32 @!p0 s4, $0x3;
	(pc) =	sbr.rel @!p1 .LBB3_23-.Ltmp24, $4  }
0x172: {  	s0 =	simm.s32 $0xE0;
	s4 =	sand.u32 @!p0 $0x7, s4;
	s5 =	sadd.s32 @!p0 s1, s5  }
0x173: {  	[hbm4b:s5+s4] =	stream.linear.scatter @!p0 [tilespmem:s0], [sflag:$0x5], $0x1, $0x38;
	[tilespmem:$0x11A60] =	vst v63  }
0x174: {  	s5 =	simm.s32 $0x0  }
0x175: {  	s4 =	simm.s32 $0xC1;
	s5 =	simm.s32 @!p0 $0x4  }
.LBB3_22:
0x176: {  	v0 =	vld.msk [tilespmem:s4+$0x0], $0x1;
	s2 =	sadd.s32 $0xFFFFFFFF, s2;
	s3 =	sadd.s32 s3, s5  }
0x177: {  	p0 =	sne.s32 s2, $0x0;
	_ =	sdelay $0x3  }
0x178: {  	(v2sf) =	vpush v0, $0x0;
	_ =	sdelay $0xe  }
.Ltmp25:
0x179: {  	s6 =	spop (v2sf);
	(pc) =	sbr.rel @p0 .LBB3_22-.Ltmp25, $4  }
0x17a: {  	s5 =	simm.s32 $0x0;
	p1 =	sgt.u32 s6, $0x27FF  }
0x17b: {  	s0 =	sadd.s32 $0x1, s0;
	s5 =	simm.s32 @!p1 $0x4;
	s7 =	sshrl.u32 @!p1 s6, $0x3  }
0x17c: {  	s4 =	sadd.s32 $0x1, s4;
	s6 =	sand.u32 @!p1 $0x7, s6;
	s7 =	sadd.s32 @!p1 s1, s7  }
0x17d: {  	[hbm4b:s7+s6] =	stream.linear.scatter @!p1 [tilespmem:s0], [sflag:$0x5], $0x1, $0x38;
	[tilespmem:$0x11A60] =	vst v63  }
.LBB3_23:
0x17e: {  	s0 =	sadd.s32 s3, s5  }
0x17f: {  	s3 =	sshrl.u32 s0, $0x2  }
.LBB3_24:
0x180: {  	s0 =	simm.s32 $0x5  }
0x181: {  	_ =	swait.ge [sflag:s0], s3  }
0x182: {  	s1 =	ssub.s32 $0x0, s3;
	[sflag:s0] =	ssyncset.done $0x0  }
0x183: {  	[sflag:s0] =	ssyncadd.s32 s1  }
0x184: {  	[sflag:s0] =	ssyncpa.u1 $0x1  }
0x185: {  	s29 =	simm.s32 $0x1;
	_ =	sfence  }
0x186: {  	s30 =	simm.s32 $0x2;
	[sflag:s29] =	ssyncpa.u1 $0x1  }
0x187: {  	[sflag:s30] =	ssyncpa.u1 $0x1  }
0x188: {  	_ =	strace $0x9000004A  }
0x189: {  	[bflag:$0x2] =	sbarrier.arrive $0xFFFF  }
0x18a: {  	s31 =	rddreg [dreg:$0x2]  }
0x18b: {  	s0 =	sadd.s32 $0x100000, s31  }
0x18c: {  	[sflag:s0] =	ssyncadd.tile.s32 $0x1;
	_ =	shalt  }
.Lfunc_end3:
_tile_overlayer_lowered:
.L_overlay_start_3:
0x18d: {  	(tag) =	ssettag $0x3  }
0x18e: {  	s0 =	rddreg [dreg:$0x0];
	s2 =	stileid.u32  }
0x18f: {  	s1 =	rddreg [dreg:$0x1];
	p0 =	sne.s32 s2, $0x0  }
0x190: {  	s3 =	rddreg [dreg:$0x2];
	[bflag:$0x3] =	sbarrier.arrive $0xFFFF;
	s2 =	simm.s32 @!p0 $0x1C01  }
0x191: {  	[timem:s3], [sflag:s2] =	dma.local @!p0 [hbm:s0], s1  }
0x192: {  	s0 =	simm.s32 @!p0 $0x1  }
0x193: {  	_ =	swait.ge @!p0 [sflag:s0], s1  }
0x194: {  	s1 =	ssub.s32 @!p0 $0x0, s1;
	[sflag:s0] =	ssyncset.done @!p0 $0x0  }
0x195: {  	[sflag:s0] =	ssyncadd.s32 @!p0 s1  }
0x196: {  	[bflag:$0x3] =	sbarrier.arrive $0xFFFF  }
0x197: {  	_ =	shalt  }

</sc_bundles>
